<compile_context>
chip_gen: v7x
topology: tpu7x:2x2x1
jax: 0.10.2.dev20260603
libtpu: 0.0.44.dev20260713+nightly
codegen_flags: <defaults>
</compile_context>

<pallas_src>
import functools

import jax
import jax.numpy as jnp
from jax import lax
from jax.experimental import pallas as pl
from jax.experimental.pallas import tpu as pltpu
from jax.experimental.pallas import tpu_sc as plsc

_NC = 2
_NS = 16
_LANES = 128
_BATCH = 128



@functools.partial(jax.jit, static_argnames=("n", "nchunks", "nb"))
def _segsum(h2, src_all, dstr, zeros, *, n, nchunks, nb):
  cpc = nchunks // _NC
  npad = -(-n // (_NS * 8)) * (_NS * 8)
  rpt = npad // _NS

  nbh = nb // 2

  mesh = plsc.VectorSubcoreMesh(core_axis_name="c", subcore_axis_name="s")

  @functools.partial(
      pl.kernel,
      out_type=jax.ShapeDtypeStruct((nchunks * npad, _LANES), jnp.float32),
      mesh=mesh,
      scratch_types=[
          pltpu.VMEM((nbh, _BATCH), jnp.int32),
          pltpu.VMEM((nbh, _BATCH), jnp.int32),
          pltpu.VMEM((_BATCH, _LANES), jnp.float32),
          pltpu.VMEM((_BATCH, _LANES), jnp.float32),
          pltpu.VMEM_SHARED((npad, _LANES), jnp.float32),
          pltpu.SemaphoreType.DMA,
          pltpu.SemaphoreType.DMA,
      ],
  )
  def seg_kernel(h_hbm, src_hbm, dst_hbm, zero_hbm, out_hbm,
                 src_v, dst_v, raw0, raw1, acc, sem0, sem1):
    c = lax.axis_index("c")
    s = lax.axis_index("s")
    raws = (raw0, raw1)
    sems = (sem0, sem1)

    def chunk_body(ci, carry):
      chunk = c + _NC * ci
      acc_off = pl.multiple_of(s * rpt, 8)
      pltpu.sync_copy(zero_hbm, acc.at[pl.ds(acc_off, rpt)])
      plsc.subcore_barrier()

      for half in range(2):
        pltpu.sync_copy(
            src_hbm.at[chunk * _NS + s, pl.ds(half * nbh, nbh)], src_v)
        pltpu.sync_copy(dst_hbm.at[s, pl.ds(half * nbh, nbh)], dst_v)
        desc = [None, None]
        desc[0] = pltpu.async_copy(h_hbm.at[src_v.at[0]], raw0, sem0)
        for b in range(nbh):
          cur = b % 2
          nxt = 1 - cur
          if b + 1 < nbh:
            desc[nxt] = pltpu.async_copy(h_hbm.at[src_v.at[b + 1]],
                                         raws[nxt], sems[nxt])
          desc[cur].wait()
          pltpu.sync_copy(raws[cur], acc.at[dst_v.at[b]], add=True)

      plsc.subcore_barrier()
      out_off = pl.multiple_of(chunk * npad + s * rpt, 8)
      pltpu.sync_copy(acc.at[pl.ds(acc_off, rpt)],
                      out_hbm.at[pl.ds(out_off, rpt)])
      return carry

    lax.fori_loop(0, cpc, chunk_body, 0)

  return seg_kernel(h2, src_all, dstr, zeros)



_BN = 2000


def _mm_bias(x, w, b):
  n, k = x.shape
  _, m = w.shape
  r = n // _BN

  def kern(x_ref, w_ref, b_ref, o_ref):
    o_ref[...] = jnp.dot(x_ref[...], w_ref[...],
                         preferred_element_type=jnp.float32) + b_ref[...]

  return pl.pallas_call(
      kern,
      grid=(r,),
      in_specs=[
          pl.BlockSpec((_BN, k), lambda i: (i, 0)),
          pl.BlockSpec((k, m), lambda i: (0, 0)),
          pl.BlockSpec((1, m), lambda i: (0, 0)),
      ],
      out_specs=pl.BlockSpec((_BN, m), lambda i: (i, 0)),
      out_shape=jax.ShapeDtypeStruct((n, m), jnp.float32),
  )(x, w, b)


def _mm1_stats(h, aggc, eps, w, b):
  n, din = h.shape
  _, m = w.shape
  kc = din // _LANES
  r = n // _BN

  def kern(h_ref, a_ref, e_ref, w_ref, b_ref, y_ref, s1_ref, s2_ref):
    i = pl.program_id(0)
    k = pl.program_id(1)
    z = (1.0 + e_ref[0, 0]) * h_ref[...] + a_ref[0]
    part = jnp.dot(z, w_ref[...], preferred_element_type=jnp.float32)

    @pl.when(k == 0)
    def _():
      y_ref[...] = part + b_ref[...]

    @pl.when(k > 0)
    def _():
      y_ref[...] += part

    @pl.when(k == kc - 1)
    def _():
      y = y_ref[...]
      cs = jnp.sum(y, axis=0, keepdims=True)
      cq = jnp.sum(y * y, axis=0, keepdims=True)

      @pl.when(i == 0)
      def _():
        s1_ref[...] = cs
        s2_ref[...] = cq

      @pl.when(i > 0)
      def _():
        s1_ref[...] += cs
        s2_ref[...] += cq

  return pl.pallas_call(
      kern,
      grid=(r, kc),
      in_specs=[
          pl.BlockSpec((_BN, _LANES), lambda i, k: (i, k)),
          pl.BlockSpec((1, _BN, _LANES), lambda i, k: (k, i, 0)),
          pl.BlockSpec((1, 1), lambda i, k: (0, 0)),
          pl.BlockSpec((_LANES, m), lambda i, k: (k, 0)),
          pl.BlockSpec((1, m), lambda i, k: (0, 0)),
      ],
      out_specs=[
          pl.BlockSpec((_BN, m), lambda i, k: (i, 0)),
          pl.BlockSpec((1, m), lambda i, k: (0, 0)),
          pl.BlockSpec((1, m), lambda i, k: (0, 0)),
      ],
      out_shape=[
          jax.ShapeDtypeStruct((n, m), jnp.float32),
          jax.ShapeDtypeStruct((1, m), jnp.float32),
          jax.ShapeDtypeStruct((1, m), jnp.float32),
      ],
  )(h, aggc, eps, w, b)


def _bn_mm_stats(y, s1, s2, g, bb, w, b):
  n, _ = y.shape
  k, m = w.shape
  r = n // _BN

  def kern(y_ref, s1_ref, s2_ref, g_ref, bb_ref, w_ref, b_ref,
           q_ref, q1_ref, q2_ref):
    i = pl.program_id(0)
    mean = s1_ref[...] / n
    var = s2_ref[...] / n - mean * mean
    inv = lax.rsqrt(var + 1e-5)
    t = jnp.maximum((y_ref[...] - mean) * (inv * g_ref[...]) + bb_ref[...],
                    0.0)
    q = jnp.dot(t, w_ref[...], preferred_element_type=jnp.float32) + b_ref[...]
    q_ref[...] = q
    cs = jnp.sum(q, axis=0, keepdims=True)
    cq = jnp.sum(q * q, axis=0, keepdims=True)

    @pl.when(i == 0)
    def _():
      q1_ref[...] = cs
      q2_ref[...] = cq

    @pl.when(i > 0)
    def _():
      q1_ref[...] += cs
      q2_ref[...] += cq

  return pl.pallas_call(
      kern,
      grid=(r,),
      in_specs=[
          pl.BlockSpec((_BN, k), lambda i: (i, 0)),
          pl.BlockSpec((1, k), lambda i: (0, 0)),
          pl.BlockSpec((1, k), lambda i: (0, 0)),
          pl.BlockSpec((1, k), lambda i: (0, 0)),
          pl.BlockSpec((1, k), lambda i: (0, 0)),
          pl.BlockSpec((k, m), lambda i: (0, 0)),
          pl.BlockSpec((1, m), lambda i: (0, 0)),
      ],
      out_specs=[
          pl.BlockSpec((_BN, m), lambda i: (i, 0)),
          pl.BlockSpec((1, m), lambda i: (0, 0)),
          pl.BlockSpec((1, m), lambda i: (0, 0)),
      ],
      out_shape=[
          jax.ShapeDtypeStruct((n, m), jnp.float32),
          jax.ShapeDtypeStruct((1, m), jnp.float32),
          jax.ShapeDtypeStruct((1, m), jnp.float32),
      ],
  )(y, s1, s2, g, bb, w, b)


def _bn_stats(q, s1, s2, g, bb):
  n, m = q.shape
  r = n // _BN

  def kern(q_ref, s1_ref, s2_ref, g_ref, bb_ref, t_ref, t1_ref, t2_ref):
    i = pl.program_id(0)
    mean = s1_ref[...] / n
    var = s2_ref[...] / n - mean * mean
    inv = lax.rsqrt(var + 1e-5)
    t = jnp.maximum((q_ref[...] - mean) * (inv * g_ref[...]) + bb_ref[...],
                    0.0)
    t_ref[...] = t
    cs = jnp.sum(t, axis=0, keepdims=True)
    cq = jnp.sum(t * t, axis=0, keepdims=True)

    @pl.when(i == 0)
    def _():
      t1_ref[...] = cs
      t2_ref[...] = cq

    @pl.when(i > 0)
    def _():
      t1_ref[...] += cs
      t2_ref[...] += cq

  return pl.pallas_call(
      kern,
      grid=(r,),
      in_specs=[
          pl.BlockSpec((_BN, m), lambda i: (i, 0)),
          pl.BlockSpec((1, m), lambda i: (0, 0)),
          pl.BlockSpec((1, m), lambda i: (0, 0)),
          pl.BlockSpec((1, m), lambda i: (0, 0)),
          pl.BlockSpec((1, m), lambda i: (0, 0)),
      ],
      out_specs=[
          pl.BlockSpec((_BN, m), lambda i: (i, 0)),
          pl.BlockSpec((1, m), lambda i: (0, 0)),
          pl.BlockSpec((1, m), lambda i: (0, 0)),
      ],
      out_shape=[
          jax.ShapeDtypeStruct((n, m), jnp.float32),
          jax.ShapeDtypeStruct((1, m), jnp.float32),
          jax.ShapeDtypeStruct((1, m), jnp.float32),
      ],
  )(q, s1, s2, g, bb)


def _bn_pred(t, s1, s2, g, bb, pw, score_in):
  n, m = t.shape
  _, mo = pw.shape
  r = n // _BN

  def kern(t_ref, s1_ref, s2_ref, g_ref, bb_ref, pw_ref, sc_ref,
           h_ref, so_ref):
    mean = s1_ref[...] / n
    var = s2_ref[...] / n - mean * mean
    inv = lax.rsqrt(var + 1e-5)
    h = jnp.maximum((t_ref[...] - mean) * (inv * g_ref[...]) + bb_ref[...],
                    0.0)
    h_ref[...] = h
    so_ref[...] = sc_ref[...] + jnp.dot(h, pw_ref[...],
                                        preferred_element_type=jnp.float32)

  return pl.pallas_call(
      kern,
      grid=(r,),
      in_specs=[
          pl.BlockSpec((_BN, m), lambda i: (i, 0)),
          pl.BlockSpec((1, m), lambda i: (0, 0)),
          pl.BlockSpec((1, m), lambda i: (0, 0)),
          pl.BlockSpec((1, m), lambda i: (0, 0)),
          pl.BlockSpec((1, m), lambda i: (0, 0)),
          pl.BlockSpec((m, mo), lambda i: (0, 0)),
          pl.BlockSpec((_BN, mo), lambda i: (i, 0)),
      ],
      out_specs=[
          pl.BlockSpec((_BN, m), lambda i: (i, 0)),
          pl.BlockSpec((_BN, mo), lambda i: (i, 0)),
      ],
      out_shape=[
          jax.ShapeDtypeStruct((n, m), jnp.float32),
          jax.ShapeDtypeStruct((n, mo), jnp.float32),
      ],
      input_output_aliases={6: 1},
  )(t, s1, s2, g, bb, pw, score_in)



def kernel(h, edge_index, params):
  n, din0 = h.shape
  e = edge_index.shape[1]

  nb = -(-e // (_NS * _BATCH * 16)) * 16
  ep = _NS * nb * _BATCH
  npad = -(-n // (_NS * 8)) * (_NS * 8)
  pad_ids = jnp.arange(ep - e, dtype=jnp.int32)
  src = jnp.concatenate(
      [edge_index[0], pad_ids % n]).reshape(_NS, nb, _BATCH)
  dst = jnp.concatenate(
      [edge_index[1], n + pad_ids % (npad - n)]).reshape(_NS, nb, _BATCH)
  zeros = jnp.zeros((npad // _NS, _LANES), jnp.float32)

  def offset_src(nchunks):
    off = (jnp.arange(nchunks, dtype=jnp.int32) * n)[:, None, None, None]
    return (src[None] + off).reshape(nchunks * _NS, nb, _BATCH)

  src_by_nc = {}
  for i in range(3):
    nch = (din0 if i == 0 else 512) // _LANES
    if nch not in src_by_nc:
      src_by_nc[nch] = offset_src(nch)


  b_total = (params["pred0_b"] + params["pred1_b"] + params["pred2_b"]
             + params["pred3_b"]).reshape(1, -1)
  score = _mm_bias(h, params["pred0_W"], b_total)

  hcur = h
  for i in range(3):
    d = hcur.shape[1]
    nch = d // _LANES
    h2 = jnp.moveaxis(hcur.reshape(n, nch, _LANES), 1, 0).reshape(
        nch * n, _LANES)
    aggf = _segsum(h2, src_by_nc[nch], dst, zeros,
                   n=n, nchunks=nch, nb=nb)
    aggc = aggf.reshape(nch, npad, _LANES)

    eps = params[f"eps{i}"].reshape(1, 1)
    y, s1, s2 = _mm1_stats(hcur, aggc, eps,
                           params[f"mlp{i}_W1"],
                           params[f"mlp{i}_b1"].reshape(1, -1))
    q, q1, q2 = _bn_mm_stats(y, s1, s2,
                             params[f"mlp{i}_bng"].reshape(1, -1),
                             params[f"mlp{i}_bnb"].reshape(1, -1),
                             params[f"mlp{i}_W2"],
                             params[f"mlp{i}_b2"].reshape(1, -1))
    t, t1, t2 = _bn_stats(q, q1, q2,
                          params[f"apply{i}_bng"].reshape(1, -1),
                          params[f"apply{i}_bnb"].reshape(1, -1))
    hcur, score = _bn_pred(t, t1, t2,
                           params[f"out{i}_bng"].reshape(1, -1),
                           params[f"out{i}_bnb"].reshape(1, -1),
                           params[f"pred{i + 1}_W"], score)

  return score

# --- scband reference (transcript-rebuilt; emitter-appended) ---
"""Pipeline reference for scband-gin-7078106104550 (READ-ONLY COPY).

The authoritative reference and input builder live on the scoring server;
editing this copy changes nothing except your own understanding.
"""

import jax, jax.numpy as jnp
import numpy as np

N = 10000
E = 160000
IN = 256
H = 512
OUT = 256

def setup_inputs(seed: int = 0) -> dict:
    key = jax.random.key(seed)
    ks = jax.random.split(key, 64)
    ki = iter(range(64))
    h = jax.random.normal(ks[next(ki)], (N, IN), dtype=jnp.float32)
    edge_index = jax.random.randint(ks[next(ki)], (2, E), 0, N, dtype=jnp.int32)
    params = {}
    dims = [(IN, H), (H, H), (H, H)]
    for i, (din, dh) in enumerate(dims):
        params[f"mlp{i}_W1"] = jax.random.normal(ks[next(ki)], (din, dh), dtype=jnp.float32) / np.sqrt(din)
        params[f"mlp{i}_b1"] = jnp.zeros((dh,), dtype=jnp.float32)
        params[f"mlp{i}_bng"] = jnp.ones((dh,), dtype=jnp.float32)
        params[f"mlp{i}_bnb"] = jnp.zeros((dh,), dtype=jnp.float32)
        params[f"mlp{i}_W2"] = jax.random.normal(ks[next(ki)], (dh, dh), dtype=jnp.float32) / np.sqrt(dh)
        params[f"mlp{i}_b2"] = jnp.zeros((dh,), dtype=jnp.float32)
        params[f"apply{i}_bng"] = jnp.ones((dh,), dtype=jnp.float32)
        params[f"apply{i}_bnb"] = jnp.zeros((dh,), dtype=jnp.float32)
        params[f"out{i}_bng"] = jnp.ones((dh,), dtype=jnp.float32)
        params[f"out{i}_bnb"] = jnp.zeros((dh,), dtype=jnp.float32)
        params[f"eps{i}"] = jnp.zeros((), dtype=jnp.float32)
    pdims = [IN, H, H, H]
    for j, d in enumerate(pdims):
        params[f"pred{j}_W"] = jax.random.normal(ks[next(ki)], (d, OUT), dtype=jnp.float32) / np.sqrt(d)
        params[f"pred{j}_b"] = jnp.zeros((OUT,), dtype=jnp.float32)
    return {"h": h, "edge_index": edge_index, "params": params}

def _bn(x, g, b):
    m = jnp.mean(x, axis=0)
    v = jnp.var(x, axis=0)
    return (x - m) / jnp.sqrt(v + 1e-5) * g + b

def _forward(h, edge_index, params):
    src = edge_index[0]
    dst = edge_index[1]
    hidden_rep = [h]
    for i in range(3):
        # GINConv with sum aggregation: (1+eps)*h + sum_{j in N(i)} h_j
        msg = jnp.take(h, src, axis=0)
        agg = jax.ops.segment_sum(msg, dst, num_segments=N)
        z = (1.0 + params[f"eps{i}"]) * h + agg
        # ApplyNodeFunc: MLP(2 layers) -> BN -> ReLU
        t = z @ params[f"mlp{i}_W1"] + params[f"mlp{i}_b1"]
        t = jax.nn.relu(_bn(t, params[f"mlp{i}_bng"], params[f"mlp{i}_bnb"]))
        t = t @ params[f"mlp{i}_W2"] + params[f"mlp{i}_b2"]
        t = jax.nn.relu(_bn(t, params[f"apply{i}_bng"], params[f"apply{i}_bnb"]))
        # outer batch norm + relu
        h = jax.nn.relu(_bn(t, params[f"out{i}_bng"], params[f"out{i}_bnb"]))
        hidden_rep.append(h)
    score = jnp.zeros((N, OUT), dtype=jnp.float32)
    for j, hr in enumerate(hidden_rep):
        # dropout is identity in eval / deterministic reference
        score = score + (hr @ params[f"pred{j}_W"] + params[f"pred{j}_b"])
    return score

def reference(h, edge_index, params):
    return _forward(h, edge_index, params)

if __name__ == "__main__":
    import jax
    _d = setup_inputs()
    print(jax.jit(kernel)(*tuple(_d.values())))

</pallas_src>

<mosaic_0001>
#map = affine_map<(d0, d1) -> (0, 0)>
#map1 = affine_map<(d0, d1) -> (0, 0, 0)>
module attributes {stable_mosaic.version = 14 : i64} {
  func.func @seg_kernel(%arg0: i32, %arg1: i32, %arg2: memref<20000x128xf32, #tpu.memory_space<hbm>>, %arg3: memref<32x80x128xi32, #tpu.memory_space<hbm>>, %arg4: memref<16x80x128xi32, #tpu.memory_space<hbm>>, %arg5: memref<632x128xf32, #tpu.memory_space<hbm>>, %arg6: memref<20224x128xf32, #tpu.memory_space<hbm>>, %arg7: memref<40x128xi32, #tpu.memory_space<vmem>>, %arg8: memref<40x128xi32, #tpu.memory_space<vmem>>, %arg9: memref<128x128xf32, #tpu.memory_space<vmem>>, %arg10: memref<128x128xf32, #tpu.memory_space<vmem>>, %arg11: memref<10112x128xf32, #tpu.memory_space<vmem_shared>>, %arg12: memref<!tpu.dma_semaphore, #tpu.memory_space<semaphore_mem>>, %arg13: memref<!tpu.dma_semaphore, #tpu.memory_space<semaphore_mem>>) attributes {dimension_semantics = [#tpu.dimension_semantics<core_parallel>, #tpu.dimension_semantics<subcore_parallel>], iteration_bounds = array<i64: 2, 16>, scalar_prefetch = 0 : i64, scratch_operands = 7 : i64, tpu.core_type = #tpu.core_type<sc_vector_subcore>, window_params = [{transform_indices = #map}, {transform_indices = #map1}, {transform_indices = #map1}, {transform_indices = #map}, {transform_indices = #map}]} {
    %scan3A = arith.constant 0 : i32
    %scan3A_0 = arith.constant 0 : i32
    %mul3A = arith.constant 2 : i32
    %mul3A_1 = arith.muli %mul3A, %scan3A_0 : i32
    %add3A = arith.addi %arg0, %mul3A_1 : i32
    %mul3A_2 = arith.constant 632 : i32
    %mul3A_3 = arith.muli %arg1, %mul3A_2 : i32
    %multiple_of3A = tpu.assume_multiple %mul3A_3, 8 : i32
    "tpu.region"() ({
      %run_scoped3A_1215 = tpu.sem_alloc : memref<!tpu.dma_semaphore, #tpu.memory_space<semaphore_mem>>
      %dma_start3A_1216 = arith.constant 0 : i32
      %dma_start3A_1217 = tpu.memref_slice %arg11[%multiple_of3A, %dma_start3A_1216] : memref<10112x128xf32, #tpu.memory_space<vmem_shared>> -> memref<632x128xf32, #tpu.memory_space<vmem_shared>>
      tpu.enqueue_dma source(%arg5 : memref<632x128xf32, #tpu.memory_space<hbm>>) target(%dma_start3A_1217 : memref<632x128xf32, #tpu.memory_space<vmem_shared>>) target_semaphore(%run_scoped3A_1215 : memref<!tpu.dma_semaphore, #tpu.memory_space<semaphore_mem>>)
      %dma_wait3A_1218 = arith.constant 0 : i32
      %dma_wait3A_1219 = tpu.memref_slice %arg11[%multiple_of3A, %dma_wait3A_1218] : memref<10112x128xf32, #tpu.memory_space<vmem_shared>> -> memref<632x128xf32, #tpu.memory_space<vmem_shared>>
      tpu.wait_dma2 semaphore(%run_scoped3A_1215 : memref<!tpu.dma_semaphore, #tpu.memory_space<semaphore_mem>>) src(%arg5 : memref<632x128xf32, #tpu.memory_space<hbm>>) dst(%dma_wait3A_1219 : memref<632x128xf32, #tpu.memory_space<vmem_shared>>)
      tpu.yield
    }) : () -> ()
    %barrier3A = arith.constant 0 : index
    tpu.barrier barrier_id(%barrier3A)
    %mul3A_4 = arith.constant 16 : i32
    %mul3A_5 = arith.muli %add3A, %mul3A_4 : i32
    %add3A_6 = arith.addi %mul3A_5, %arg1 : i32
    "tpu.region"() ({
      %run_scoped3A_1215 = tpu.sem_alloc : memref<!tpu.dma_semaphore, #tpu.memory_space<semaphore_mem>>
      %dma_start3A_1216 = arith.constant 0 : i32
      %dma_start3A_1217 = arith.constant 0 : i32
      %dma_start3A_1218 = tpu.memref_slice %arg3[%add3A_6, %dma_start3A_1216, %dma_start3A_1217] : memref<32x80x128xi32, #tpu.memory_space<hbm>> -> memref<1x40x128xi32, #tpu.memory_space<hbm>>
      %dma_start3A_1219 = tpu.memref_squeeze %dma_start3A_1218 : memref<1x40x128xi32, #tpu.memory_space<hbm>> -> memref<40x128xi32, #tpu.memory_space<hbm>>
      %dma_start3A_1220 = arith.constant 0 : i32
      %dma_start3A_1221 = arith.constant 0 : i32
      %dma_start3A_1222 = tpu.memref_slice %arg3[%add3A_6, %dma_start3A_1220, %dma_start3A_1221] : memref<32x80x128xi32, #tpu.memory_space<hbm>> -> memref<1x40x128xi32, #tpu.memory_space<hbm>>
      %dma_start3A_1223 = tpu.memref_squeeze %dma_start3A_1222 : memref<1x40x128xi32, #tpu.memory_space<hbm>> -> memref<40x128xi32, #tpu.memory_space<hbm>>
      tpu.enqueue_dma source(%dma_start3A_1223 : memref<40x128xi32, #tpu.memory_space<hbm>>) target(%arg7 : memref<40x128xi32, #tpu.memory_space<vmem>>) target_semaphore(%run_scoped3A_1215 : memref<!tpu.dma_semaphore, #tpu.memory_space<semaphore_mem>>)
      %dma_wait3A_1224 = arith.constant 0 : i32
      %dma_wait3A_1225 = arith.constant 0 : i32
      %dma_wait3A_1226 = tpu.memref_slice %arg3[%add3A_6, %dma_wait3A_1224, %dma_wait3A_1225] : memref<32x80x128xi32, #tpu.memory_space<hbm>> -> memref<1x40x128xi32, #tpu.memory_space<hbm>>
      %dma_wait3A_1227 = tpu.memref_squeeze %dma_wait3A_1226 : memref<1x40x128xi32, #tpu.memory_space<hbm>> -> memref<40x128xi32, #tpu.memory_space<hbm>>
      %dma_wait3A_1228 = arith.constant 0 : i32
      %dma_wait3A_1229 = arith.constant 0 : i32
      %dma_wait3A_1230 = tpu.memref_slice %arg3[%add3A_6, %dma_wait3A_1228, %dma_wait3A_1229] : memref<32x80x128xi32, #tpu.memory_space<hbm>> -> memref<1x40x128xi32, #tpu.memory_space<hbm>>
      %dma_wait3A_1231 = tpu.memref_squeeze %dma_wait3A_1230 : memref<1x40x128xi32, #tpu.memory_space<hbm>> -> memref<40x128xi32, #tpu.memory_space<hbm>>
      tpu.wait_dma2 semaphore(%run_scoped3A_1215 : memref<!tpu.dma_semaphore, #tpu.memory_space<semaphore_mem>>) src(%dma_wait3A_1231 : memref<40x128xi32, #tpu.memory_space<hbm>>) dst(%arg7 : memref<40x128xi32, #tpu.memory_space<vmem>>)
      tpu.yield
    }) : () -> ()
    "tpu.region"() ({
      %run_scoped3A_1215 = tpu.sem_alloc : memref<!tpu.dma_semaphore, #tpu.memory_space<semaphore_mem>>
      %dma_start3A_1216 = arith.constant 0 : i32
      %dma_start3A_1217 = arith.constant 0 : i32
      %dma_start3A_1218 = tpu.memref_slice %arg4[%arg1, %dma_start3A_1216, %dma_start3A_1217] : memref<16x80x128xi32, #tpu.memory_space<hbm>> -> memref<1x40x128xi32, #tpu.memory_space<hbm>>
      %dma_start3A_1219 = tpu.memref_squeeze %dma_start3A_1218 : memref<1x40x128xi32, #tpu.memory_space<hbm>> -> memref<40x128xi32, #tpu.memory_space<hbm>>
      %dma_start3A_1220 = arith.constant 0 : i32
      %dma_start3A_1221 = arith.constant 0 : i32
      %dma_start3A_1222 = tpu.memref_slice %arg4[%arg1, %dma_start3A_1220, %dma_start3A_1221] : memref<16x80x128xi32, #tpu.memory_space<hbm>> -> memref<1x40x128xi32, #tpu.memory_space<hbm>>
      %dma_start3A_1223 = tpu.memref_squeeze %dma_start3A_1222 : memref<1x40x128xi32, #tpu.memory_space<hbm>> -> memref<40x128xi32, #tpu.memory_space<hbm>>
      tpu.enqueue_dma source(%dma_start3A_1223 : memref<40x128xi32, #tpu.memory_space<hbm>>) target(%arg8 : memref<40x128xi32, #tpu.memory_space<vmem>>) target_semaphore(%run_scoped3A_1215 : memref<!tpu.dma_semaphore, #tpu.memory_space<semaphore_mem>>)
      %dma_wait3A_1224 = arith.constant 0 : i32
      %dma_wait3A_1225 = arith.constant 0 : i32
      %dma_wait3A_1226 = tpu.memref_slice %arg4[%arg1, %dma_wait3A_1224, %dma_wait3A_1225] : memref<16x80x128xi32, #tpu.memory_space<hbm>> -> memref<1x40x128xi32, #tpu.memory_space<hbm>>
      %dma_wait3A_1227 = tpu.memref_squeeze %dma_wait3A_1226 : memref<1x40x128xi32, #tpu.memory_space<hbm>> -> memref<40x128xi32, #tpu.memory_space<hbm>>
      %dma_wait3A_1228 = arith.constant 0 : i32
      %dma_wait3A_1229 = arith.constant 0 : i32
      %dma_wait3A_1230 = tpu.memref_slice %arg4[%arg1, %dma_wait3A_1228, %dma_wait3A_1229] : memref<16x80x128xi32, #tpu.memory_space<hbm>> -> memref<1x40x128xi32, #tpu.memory_space<hbm>>
      %dma_wait3A_1231 = tpu.memref_squeeze %dma_wait3A_1230 : memref<1x40x128xi32, #tpu.memory_space<hbm>> -> memref<40x128xi32, #tpu.memory_space<hbm>>
      tpu.wait_dma2 semaphore(%run_scoped3A_1215 : memref<!tpu.dma_semaphore, #tpu.memory_space<semaphore_mem>>) src(%dma_wait3A_1231 : memref<40x128xi32, #tpu.memory_space<hbm>>) dst(%arg8 : memref<40x128xi32, #tpu.memory_space<vmem>>)
      tpu.yield
    }) : () -> ()
    %dma_start3A = arith.constant 0 : i32
    %dma_start3A_7 = arith.constant 0 : i32
    %dma_start3A_8 = tpu.memref_slice %arg7[%dma_start3A, %dma_start3A_7] : memref<40x128xi32, #tpu.memory_space<vmem>> -> memref<1x128xi32, #tpu.memory_space<vmem>>
    %dma_start3A_9 = tpu.memref_squeeze %dma_start3A_8 : memref<1x128xi32, #tpu.memory_space<vmem>> -> memref<128xi32, #tpu.memory_space<vmem>>
    %dma_start3A_10 = arith.constant 0 : i32
    %dma_start3A_11 = arith.constant 0 : i32
    %dma_start3A_12 = tpu.memref_slice %arg2[%dma_start3A_10, %dma_start3A_11] : memref<20000x128xf32, #tpu.memory_space<hbm>> -> memref<20000x128xf32, #tpu.memory_space<hbm>>
    tpu.enqueue_indirect_dma source(%dma_start3A_12 : memref<20000x128xf32, #tpu.memory_space<hbm>>) target(%arg9 : memref<128x128xf32, #tpu.memory_space<vmem>>) offsets(%dma_start3A_9 : memref<128xi32, #tpu.memory_space<vmem>>) semaphore(%arg12 : memref<!tpu.dma_semaphore, #tpu.memory_space<semaphore_mem>>)
    %dma_start3A_13 = arith.constant 1 : i32
    %dma_start3A_14 = arith.constant 0 : i32
    %dma_start3A_15 = tpu.memref_slice %arg7[%dma_start3A_13, %dma_start3A_14] : memref<40x128xi32, #tpu.memory_space<vmem>> -> memref<1x128xi32, #tpu.memory_space<vmem>>
    %dma_start3A_16 = tpu.memref_squeeze %dma_start3A_15 : memref<1x128xi32, #tpu.memory_space<vmem>> -> memref<128xi32, #tpu.memory_space<vmem>>
    %dma_start3A_17 = arith.constant 0 : i32
    %dma_start3A_18 = arith.constant 0 : i32
    %dma_start3A_19 = tpu.memref_slice %arg2[%dma_start3A_17, %dma_start3A_18] : memref<20000x128xf32, #tpu.memory_space<hbm>> -> memref<20000x128xf32, #tpu.memory_space<hbm>>
    tpu.enqueue_indirect_dma source(%dma_start3A_19 : memref<20000x128xf32, #tpu.memory_space<hbm>>) target(%arg10 : memref<128x128xf32, #tpu.memory_space<vmem>>) offsets(%dma_start3A_16 : memref<128xi32, #tpu.memory_space<vmem>>) semaphore(%arg13 : memref<!tpu.dma_semaphore, #tpu.memory_space<semaphore_mem>>)
    %dma_wait3A = arith.constant 0 : i32
    %dma_wait3A_20 = arith.constant 0 : i32
    %dma_wait3A_21 = tpu.memref_slice %arg7[%dma_wait3A, %dma_wait3A_20] : memref<40x128xi32, #tpu.memory_space<vmem>> -> memref<1x128xi32, #tpu.memory_space<vmem>>
    %dma_wait3A_22 = tpu.memref_squeeze %dma_wait3A_21 : memref<1x128xi32, #tpu.memory_space<vmem>> -> memref<128xi32, #tpu.memory_space<vmem>>
    %dma_wait3A_23 = arith.constant 0 : i32
    %dma_wait3A_24 = arith.constant 0 : i32
    %dma_wait3A_25 = tpu.memref_slice %arg2[%dma_wait3A_23, %dma_wait3A_24] : memref<20000x128xf32, #tpu.memory_space<hbm>> -> memref<20000x128xf32, #tpu.memory_space<hbm>>
    tpu.wait_indirect_dma semaphore(%arg12 : memref<!tpu.dma_semaphore, #tpu.memory_space<semaphore_mem>>) src(%dma_wait3A_25 : memref<20000x128xf32, #tpu.memory_space<hbm>>) dst(%arg9 : memref<128x128xf32, #tpu.memory_space<vmem>>)
    %run_scoped3A = arith.constant 0 : i32
    "tpu.region"() ({
      %run_scoped3A_1215 = tpu.sem_alloc : memref<!tpu.dma_semaphore, #tpu.memory_space<semaphore_mem>>
      %dma_start3A_1216 = arith.constant 0 : i32
      %dma_start3A_1217 = tpu.memref_slice %arg8[%run_scoped3A, %dma_start3A_1216] : memref<40x128xi32, #tpu.memory_space<vmem>> -> memref<1x128xi32, #tpu.memory_space<vmem>>
      %dma_start3A_1218 = tpu.memref_squeeze %dma_start3A_1217 : memref<1x128xi32, #tpu.memory_space<vmem>> -> memref<128xi32, #tpu.memory_space<vmem>>
      %dma_start3A_1219 = arith.constant 0 : i32
      %dma_start3A_1220 = arith.constant 0 : i32
      %dma_start3A_1221 = tpu.memref_slice %arg11[%dma_start3A_1219, %dma_start3A_1220] : memref<10112x128xf32, #tpu.memory_space<vmem_shared>> -> memref<10112x128xf32, #tpu.memory_space<vmem_shared>>
      tpu.enqueue_indirect_dma source(%arg9 : memref<128x128xf32, #tpu.memory_space<vmem>>) target(%dma_start3A_1221 : memref<10112x128xf32, #tpu.memory_space<vmem_shared>>) offsets(%dma_start3A_1218 : memref<128xi32, #tpu.memory_space<vmem>>) semaphore(%run_scoped3A_1215 : memref<!tpu.dma_semaphore, #tpu.memory_space<semaphore_mem>>) {add = true}
      %dma_wait3A_1222 = arith.constant 0 : i32
      %dma_wait3A_1223 = tpu.memref_slice %arg8[%run_scoped3A, %dma_wait3A_1222] : memref<40x128xi32, #tpu.memory_space<vmem>> -> memref<1x128xi32, #tpu.memory_space<vmem>>
      %dma_wait3A_1224 = tpu.memref_squeeze %dma_wait3A_1223 : memref<1x128xi32, #tpu.memory_space<vmem>> -> memref<128xi32, #tpu.memory_space<vmem>>
      %dma_wait3A_1225 = arith.constant 0 : i32
      %dma_wait3A_1226 = arith.constant 0 : i32
      %dma_wait3A_1227 = tpu.memref_slice %arg11[%dma_wait3A_1225, %dma_wait3A_1226] : memref<10112x128xf32, #tpu.memory_space<vmem_shared>> -> memref<10112x128xf32, #tpu.memory_space<vmem_shared>>
      tpu.wait_indirect_dma semaphore(%run_scoped3A_1215 : memref<!tpu.dma_semaphore, #tpu.memory_space<semaphore_mem>>) src(%arg9 : memref<128x128xf32, #tpu.memory_space<vmem>>) dst(%dma_wait3A_1227 : memref<10112x128xf32, #tpu.memory_space<vmem_shared>>)
      tpu.yield
    }) : () -> ()
    %dma_start3A_26 = arith.constant 2 : i32
    %dma_start3A_27 = arith.constant 0 : i32
    %dma_start3A_28 = tpu.memref_slice %arg7[%dma_start3A_26, %dma_start3A_27] : memref<40x128xi32, #tpu.memory_space<vmem>> -> memref<1x128xi32, #tpu.memory_space<vmem>>
    %dma_start3A_29 = tpu.memref_squeeze %dma_start3A_28 : memref<1x128xi32, #tpu.memory_space<vmem>> -> memref<128xi32, #tpu.memory_space<vmem>>
    %dma_start3A_30 = arith.constant 0 : i32
    %dma_start3A_31 = arith.constant 0 : i32
    %dma_start3A_32 = tpu.memref_slice %arg2[%dma_start3A_30, %dma_start3A_31] : memref<20000x128xf32, #tpu.memory_space<hbm>> -> memref<20000x128xf32, #tpu.memory_space<hbm>>
    tpu.enqueue_indirect_dma source(%dma_start3A_32 : memref<20000x128xf32, #tpu.memory_space<hbm>>) target(%arg9 : memref<128x128xf32, #tpu.memory_space<vmem>>) offsets(%dma_start3A_29 : memref<128xi32, #tpu.memory_space<vmem>>) semaphore(%arg12 : memref<!tpu.dma_semaphore, #tpu.memory_space<semaphore_mem>>)
    %dma_wait3A_33 = arith.constant 1 : i32
    %dma_wait3A_34 = arith.constant 0 : i32
    %dma_wait3A_35 = tpu.memref_slice %arg7[%dma_wait3A_33, %dma_wait3A_34] : memref<40x128xi32, #tpu.memory_space<vmem>> -> memref<1x128xi32, #tpu.memory_space<vmem>>
    %dma_wait3A_36 = tpu.memref_squeeze %dma_wait3A_35 : memref<1x128xi32, #tpu.memory_space<vmem>> -> memref<128xi32, #tpu.memory_space<vmem>>
    %dma_wait3A_37 = arith.constant 0 : i32
    %dma_wait3A_38 = arith.constant 0 : i32
    %dma_wait3A_39 = tpu.memref_slice %arg2[%dma_wait3A_37, %dma_wait3A_38] : memref<20000x128xf32, #tpu.memory_space<hbm>> -> memref<20000x128xf32, #tpu.memory_space<hbm>>
    tpu.wait_indirect_dma semaphore(%arg13 : memref<!tpu.dma_semaphore, #tpu.memory_space<semaphore_mem>>) src(%dma_wait3A_39 : memref<20000x128xf32, #tpu.memory_space<hbm>>) dst(%arg10 : memref<128x128xf32, #tpu.memory_space<vmem>>)
    %run_scoped3A_40 = arith.constant 1 : i32
    "tpu.region"() ({
      %run_scoped3A_1215 = tpu.sem_alloc : memref<!tpu.dma_semaphore, #tpu.memory_space<semaphore_mem>>
      %dma_start3A_1216 = arith.constant 0 : i32
      %dma_start3A_1217 = tpu.memref_slice %arg8[%run_scoped3A_40, %dma_start3A_1216] : memref<40x128xi32, #tpu.memory_space<vmem>> -> memref<1x128xi32, #tpu.memory_space<vmem>>
      %dma_start3A_1218 = tpu.memref_squeeze %dma_start3A_1217 : memref<1x128xi32, #tpu.memory_space<vmem>> -> memref<128xi32, #tpu.memory_space<vmem>>
      %dma_start3A_1219 = arith.constant 0 : i32
      %dma_start3A_1220 = arith.constant 0 : i32
      %dma_start3A_1221 = tpu.memref_slice %arg11[%dma_start3A_1219, %dma_start3A_1220] : memref<10112x128xf32, #tpu.memory_space<vmem_shared>> -> memref<10112x128xf32, #tpu.memory_space<vmem_shared>>
      tpu.enqueue_indirect_dma source(%arg10 : memref<128x128xf32, #tpu.memory_space<vmem>>) target(%dma_start3A_1221 : memref<10112x128xf32, #tpu.memory_space<vmem_shared>>) offsets(%dma_start3A_1218 : memref<128xi32, #tpu.memory_space<vmem>>) semaphore(%run_scoped3A_1215 : memref<!tpu.dma_semaphore, #tpu.memory_space<semaphore_mem>>) {add = true}
      %dma_wait3A_1222 = arith.constant 0 : i32
      %dma_wait3A_1223 = tpu.memref_slice %arg8[%run_scoped3A_40, %dma_wait3A_1222] : memref<40x128xi32, #tpu.memory_space<vmem>> -> memref<1x128xi32, #tpu.memory_space<vmem>>
      %dma_wait3A_1224 = tpu.memref_squeeze %dma_wait3A_1223 : memref<1x128xi32, #tpu.memory_space<vmem>> -> memref<128xi32, #tpu.memory_space<vmem>>
      %dma_wait3A_1225 = arith.constant 0 : i32
      %dma_wait3A_1226 = arith.constant 0 : i32
      %dma_wait3A_1227 = tpu.memref_slice %arg11[%dma_wait3A_1225, %dma_wait3A_1226] : memref<10112x128xf32, #tpu.memory_space<vmem_shared>> -> memref<10112x128xf32, #tpu.memory_space<vmem_shared>>
      tpu.wait_indirect_dma semaphore(%run_scoped3A_1215 : memref<!tpu.dma_semaphore, #tpu.memory_space<semaphore_mem>>) src(%arg10 : memref<128x128xf32, #tpu.memory_space<vmem>>) dst(%dma_wait3A_1227 : memref<10112x128xf32, #tpu.memory_space<vmem_shared>>)
      tpu.yield
    }) : () -> ()
    %dma_start3A_41 = arith.constant 3 : i32
    %dma_start3A_42 = arith.constant 0 : i32
    %dma_start3A_43 = tpu.memref_slice %arg7[%dma_start3A_41, %dma_start3A_42] : memref<40x128xi32, #tpu.memory_space<vmem>> -> memref<1x128xi32, #tpu.memory_space<vmem>>
    %dma_start3A_44 = tpu.memref_squeeze %dma_start3A_43 : memref<1x128xi32, #tpu.memory_space<vmem>> -> memref<128xi32, #tpu.memory_space<vmem>>
    %dma_start3A_45 = arith.constant 0 : i32
    %dma_start3A_46 = arith.constant 0 : i32
    %dma_start3A_47 = tpu.memref_slice %arg2[%dma_start3A_45, %dma_start3A_46] : memref<20000x128xf32, #tpu.memory_space<hbm>> -> memref<20000x128xf32, #tpu.memory_space<hbm>>
    tpu.enqueue_indirect_dma source(%dma_start3A_47 : memref<20000x128xf32, #tpu.memory_space<hbm>>) target(%arg10 : memref<128x128xf32, #tpu.memory_space<vmem>>) offsets(%dma_start3A_44 : memref<128xi32, #tpu.memory_space<vmem>>) semaphore(%arg13 : memref<!tpu.dma_semaphore, #tpu.memory_space<semaphore_mem>>)
    %dma_wait3A_48 = arith.constant 2 : i32
    %dma_wait3A_49 = arith.constant 0 : i32
    %dma_wait3A_50 = tpu.memref_slice %arg7[%dma_wait3A_48, %dma_wait3A_49] : memref<40x128xi32, #tpu.memory_space<vmem>> -> memref<1x128xi32, #tpu.memory_space<vmem>>
    %dma_wait3A_51 = tpu.memref_squeeze %dma_wait3A_50 : memref<1x128xi32, #tpu.memory_space<vmem>> -> memref<128xi32, #tpu.memory_space<vmem>>
    %dma_wait3A_52 = arith.constant 0 : i32
    %dma_wait3A_53 = arith.constant 0 : i32
    %dma_wait3A_54 = tpu.memref_slice %arg2[%dma_wait3A_52, %dma_wait3A_53] : memref<20000x128xf32, #tpu.memory_space<hbm>> -> memref<20000x128xf32, #tpu.memory_space<hbm>>
    tpu.wait_indirect_dma semaphore(%arg12 : memref<!tpu.dma_semaphore, #tpu.memory_space<semaphore_mem>>) src(%dma_wait3A_54 : memref<20000x128xf32, #tpu.memory_space<hbm>>) dst(%arg9 : memref<128x128xf32, #tpu.memory_space<vmem>>)
    %run_scoped3A_55 = arith.constant 2 : i32
    "tpu.region"() ({
      %run_scoped3A_1215 = tpu.sem_alloc : memref<!tpu.dma_semaphore, #tpu.memory_space<semaphore_mem>>
      %dma_start3A_1216 = arith.constant 0 : i32
      %dma_start3A_1217 = tpu.memref_slice %arg8[%run_scoped3A_55, %dma_start3A_1216] : memref<40x128xi32, #tpu.memory_space<vmem>> -> memref<1x128xi32, #tpu.memory_space<vmem>>
      %dma_start3A_1218 = tpu.memref_squeeze %dma_start3A_1217 : memref<1x128xi32, #tpu.memory_space<vmem>> -> memref<128xi32, #tpu.memory_space<vmem>>
      %dma_start3A_1219 = arith.constant 0 : i32
      %dma_start3A_1220 = arith.constant 0 : i32
      %dma_start3A_1221 = tpu.memref_slice %arg11[%dma_start3A_1219, %dma_start3A_1220] : memref<10112x128xf32, #tpu.memory_space<vmem_shared>> -> memref<10112x128xf32, #tpu.memory_space<vmem_shared>>
      tpu.enqueue_indirect_dma source(%arg9 : memref<128x128xf32, #tpu.memory_space<vmem>>) target(%dma_start3A_1221 : memref<10112x128xf32, #tpu.memory_space<vmem_shared>>) offsets(%dma_start3A_1218 : memref<128xi32, #tpu.memory_space<vmem>>) semaphore(%run_scoped3A_1215 : memref<!tpu.dma_semaphore, #tpu.memory_space<semaphore_mem>>) {add = true}
      %dma_wait3A_1222 = arith.constant 0 : i32
      %dma_wait3A_1223 = tpu.memref_slice %arg8[%run_scoped3A_55, %dma_wait3A_1222] : memref<40x128xi32, #tpu.memory_space<vmem>> -> memref<1x128xi32, #tpu.memory_space<vmem>>
      %dma_wait3A_1224 = tpu.memref_squeeze %dma_wait3A_1223 : memref<1x128xi32, #tpu.memory_space<vmem>> -> memref<128xi32, #tpu.memory_space<vmem>>
      %dma_wait3A_1225 = arith.constant 0 : i32
      %dma_wait3A_1226 = arith.constant 0 : i32
      %dma_wait3A_1227 = tpu.memref_slice %arg11[%dma_wait3A_1225, %dma_wait3A_1226] : memref<10112x128xf32, #tpu.memory_space<vmem_shared>> -> memref<10112x128xf32, #tpu.memory_space<vmem_shared>>
      tpu.wait_indirect_dma semaphore(%run_scoped3A_1215 : memref<!tpu.dma_semaphore, #tpu.memory_space<semaphore_mem>>) src(%arg9 : memref<128x128xf32, #tpu.memory_space<vmem>>) dst(%dma_wait3A_1227 : memref<10112x128xf32, #tpu.memory_space<vmem_shared>>)
      tpu.yield
    }) : () -> ()
    %dma_start3A_56 = arith.constant 4 : i32
    %dma_start3A_57 = arith.constant 0 : i32
    %dma_start3A_58 = tpu.memref_slice %arg7[%dma_start3A_56, %dma_start3A_57] : memref<40x128xi32, #tpu.memory_space<vmem>> -> memref<1x128xi32, #tpu.memory_space<vmem>>
    %dma_start3A_59 = tpu.memref_squeeze %dma_start3A_58 : memref<1x128xi32, #tpu.memory_space<vmem>> -> memref<128xi32, #tpu.memory_space<vmem>>
    %dma_start3A_60 = arith.constant 0 : i32
    %dma_start3A_61 = arith.constant 0 : i32
    %dma_start3A_62 = tpu.memref_slice %arg2[%dma_start3A_60, %dma_start3A_61] : memref<20000x128xf32, #tpu.memory_space<hbm>> -> memref<20000x128xf32, #tpu.memory_space<hbm>>
    tpu.enqueue_indirect_dma source(%dma_start3A_62 : memref<20000x128xf32, #tpu.memory_space<hbm>>) target(%arg9 : memref<128x128xf32, #tpu.memory_space<vmem>>) offsets(%dma_start3A_59 : memref<128xi32, #tpu.memory_space<vmem>>) semaphore(%arg12 : memref<!tpu.dma_semaphore, #tpu.memory_space<semaphore_mem>>)
    %dma_wait3A_63 = arith.constant 3 : i32
    %dma_wait3A_64 = arith.constant 0 : i32
    %dma_wait3A_65 = tpu.memref_slice %arg7[%dma_wait3A_63, %dma_wait3A_64] : memref<40x128xi32, #tpu.memory_space<vmem>> -> memref<1x128xi32, #tpu.memory_space<vmem>>
    %dma_wait3A_66 = tpu.memref_squeeze %dma_wait3A_65 : memref<1x128xi32, #tpu.memory_space<vmem>> -> memref<128xi32, #tpu.memory_space<vmem>>
    %dma_wait3A_67 = arith.constant 0 : i32
    %dma_wait3A_68 = arith.constant 0 : i32
    %dma_wait3A_69 = tpu.memref_slice %arg2[%dma_wait3A_67, %dma_wait3A_68] : memref<20000x128xf32, #tpu.memory_space<hbm>> -> memref<20000x128xf32, #tpu.memory_space<hbm>>
    tpu.wait_indirect_dma semaphore(%arg13 : memref<!tpu.dma_semaphore, #tpu.memory_space<semaphore_mem>>) src(%dma_wait3A_69 : memref<20000x128xf32, #tpu.memory_space<hbm>>) dst(%arg10 : memref<128x128xf32, #tpu.memory_space<vmem>>)
    %run_scoped3A_70 = arith.constant 3 : i32
    "tpu.region"() ({
      %run_scoped3A_1215 = tpu.sem_alloc : memref<!tpu.dma_semaphore, #tpu.memory_space<semaphore_mem>>
      %dma_start3A_1216 = arith.constant 0 : i32
      %dma_start3A_1217 = tpu.memref_slice %arg8[%run_scoped3A_70, %dma_start3A_1216] : memref<40x128xi32, #tpu.memory_space<vmem>> -> memref<1x128xi32, #tpu.memory_space<vmem>>
      %dma_start3A_1218 = tpu.memref_squeeze %dma_start3A_1217 : memref<1x128xi32, #tpu.memory_space<vmem>> -> memref<128xi32, #tpu.memory_space<vmem>>
      %dma_start3A_1219 = arith.constant 0 : i32
      %dma_start3A_1220 = arith.constant 0 : i32
      %dma_start3A_1221 = tpu.memref_slice %arg11[%dma_start3A_1219, %dma_start3A_1220] : memref<10112x128xf32, #tpu.memory_space<vmem_shared>> -> memref<10112x128xf32, #tpu.memory_space<vmem_shared>>
      tpu.enqueue_indirect_dma source(%arg10 : memref<128x128xf32, #tpu.memory_space<vmem>>) target(%dma_start3A_1221 : memref<10112x128xf32, #tpu.memory_space<vmem_shared>>) offsets(%dma_start3A_1218 : memref<128xi32, #tpu.memory_space<vmem>>) semaphore(%run_scoped3A_1215 : memref<!tpu.dma_semaphore, #tpu.memory_space<semaphore_mem>>) {add = true}
      %dma_wait3A_1222 = arith.constant 0 : i32
      %dma_wait3A_1223 = tpu.memref_slice %arg8[%run_scoped3A_70, %dma_wait3A_1222] : memref<40x128xi32, #tpu.memory_space<vmem>> -> memref<1x128xi32, #tpu.memory_space<vmem>>
      %dma_wait3A_1224 = tpu.memref_squeeze %dma_wait3A_1223 : memref<1x128xi32, #tpu.memory_space<vmem>> -> memref<128xi32, #tpu.memory_space<vmem>>
      %dma_wait3A_1225 = arith.constant 0 : i32
      %dma_wait3A_1226 = arith.constant 0 : i32
      %dma_wait3A_1227 = tpu.memref_slice %arg11[%dma_wait3A_1225, %dma_wait3A_1226] : memref<10112x128xf32, #tpu.memory_space<vmem_shared>> -> memref<10112x128xf32, #tpu.memory_space<vmem_shared>>
      tpu.wait_indirect_dma semaphore(%run_scoped3A_1215 : memref<!tpu.dma_semaphore, #tpu.memory_space<semaphore_mem>>) src(%arg10 : memref<128x128xf32, #tpu.memory_space<vmem>>) dst(%dma_wait3A_1227 : memref<10112x128xf32, #tpu.memory_space<vmem_shared>>)
      tpu.yield
    }) : () -> ()
    %dma_start3A_71 = arith.constant 5 : i32
    %dma_start3A_72 = arith.constant 0 : i32
    %dma_start3A_73 = tpu.memref_slice %arg7[%dma_start3A_71, %dma_start3A_72] : memref<40x128xi32, #tpu.memory_space<vmem>> -> memref<1x128xi32, #tpu.memory_space<vmem>>
    %dma_start3A_74 = tpu.memref_squeeze %dma_start3A_73 : memref<1x128xi32, #tpu.memory_space<vmem>> -> memref<128xi32, #tpu.memory_space<vmem>>
    %dma_start3A_75 = arith.constant 0 : i32
    %dma_start3A_76 = arith.constant 0 : i32
    %dma_start3A_77 = tpu.memref_slice %arg2[%dma_start3A_75, %dma_start3A_76] : memref<20000x128xf32, #tpu.memory_space<hbm>> -> memref<20000x128xf32, #tpu.memory_space<hbm>>
    tpu.enqueue_indirect_dma source(%dma_start3A_77 : memref<20000x128xf32, #tpu.memory_space<hbm>>) target(%arg10 : memref<128x128xf32, #tpu.memory_space<vmem>>) offsets(%dma_start3A_74 : memref<128xi32, #tpu.memory_space<vmem>>) semaphore(%arg13 : memref<!tpu.dma_semaphore, #tpu.memory_space<semaphore_mem>>)
    %dma_wait3A_78 = arith.constant 4 : i32
    %dma_wait3A_79 = arith.constant 0 : i32
    %dma_wait3A_80 = tpu.memref_slice %arg7[%dma_wait3A_78, %dma_wait3A_79] : memref<40x128xi32, #tpu.memory_space<vmem>> -> memref<1x128xi32, #tpu.memory_space<vmem>>
    %dma_wait3A_81 = tpu.memref_squeeze %dma_wait3A_80 : memref<1x128xi32, #tpu.memory_space<vmem>> -> memref<128xi32, #tpu.memory_space<vmem>>
    %dma_wait3A_82 = arith.constant 0 : i32
    %dma_wait3A_83 = arith.constant 0 : i32
    %dma_wait3A_84 = tpu.memref_slice %arg2[%dma_wait3A_82, %dma_wait3A_83] : memref<20000x128xf32, #tpu.memory_space<hbm>> -> memref<20000x128xf32, #tpu.memory_space<hbm>>
    tpu.wait_indirect_dma semaphore(%arg12 : memref<!tpu.dma_semaphore, #tpu.memory_space<semaphore_mem>>) src(%dma_wait3A_84 : memref<20000x128xf32, #tpu.memory_space<hbm>>) dst(%arg9 : memref<128x128xf32, #tpu.memory_space<vmem>>)
    %run_scoped3A_85 = arith.constant 4 : i32
    "tpu.region"() ({
      %run_scoped3A_1215 = tpu.sem_alloc : memref<!tpu.dma_semaphore, #tpu.memory_space<semaphore_mem>>
      %dma_start3A_1216 = arith.constant 0 : i32
      %dma_start3A_1217 = tpu.memref_slice %arg8[%run_scoped3A_85, %dma_start3A_1216] : memref<40x128xi32, #tpu.memory_space<vmem>> -> memref<1x128xi32, #tpu.memory_space<vmem>>
      %dma_start3A_1218 = tpu.memref_squeeze %dma_start3A_1217 : memref<1x128xi32, #tpu.memory_space<vmem>> -> memref<128xi32, #tpu.memory_space<vmem>>
      %dma_start3A_1219 = arith.constant 0 : i32
      %dma_start3A_1220 = arith.constant 0 : i32
      %dma_start3A_1221 = tpu.memref_slice %arg11[%dma_start3A_1219, %dma_start3A_1220] : memref<10112x128xf32, #tpu.memory_space<vmem_shared>> -> memref<10112x128xf32, #tpu.memory_space<vmem_shared>>
      tpu.enqueue_indirect_dma source(%arg9 : memref<128x128xf32, #tpu.memory_space<vmem>>) target(%dma_start3A_1221 : memref<10112x128xf32, #tpu.memory_space<vmem_shared>>) offsets(%dma_start3A_1218 : memref<128xi32, #tpu.memory_space<vmem>>) semaphore(%run_scoped3A_1215 : memref<!tpu.dma_semaphore, #tpu.memory_space<semaphore_mem>>) {add = true}
      %dma_wait3A_1222 = arith.constant 0 : i32
      %dma_wait3A_1223 = tpu.memref_slice %arg8[%run_scoped3A_85, %dma_wait3A_1222] : memref<40x128xi32, #tpu.memory_space<vmem>> -> memref<1x128xi32, #tpu.memory_space<vmem>>
      %dma_wait3A_1224 = tpu.memref_squeeze %dma_wait3A_1223 : memref<1x128xi32, #tpu.memory_space<vmem>> -> memref<128xi32, #tpu.memory_space<vmem>>
      %dma_wait3A_1225 = arith.constant 0 : i32
      %dma_wait3A_1226 = arith.constant 0 : i32
      %dma_wait3A_1227 = tpu.memref_slice %arg11[%dma_wait3A_1225, %dma_wait3A_1226] : memref<10112x128xf32, #tpu.memory_space<vmem_shared>> -> memref<10112x128xf32, #tpu.memory_space<vmem_shared>>
      tpu.wait_indirect_dma semaphore(%run_scoped3A_1215 : memref<!tpu.dma_semaphore, #tpu.memory_space<semaphore_mem>>) src(%arg9 : memref<128x128xf32, #tpu.memory_space<vmem>>) dst(%dma_wait3A_1227 : memref<10112x128xf32, #tpu.memory_space<vmem_shared>>)
      tpu.yield
    }) : () -> ()
    %dma_start3A_86 = arith.constant 6 : i32
    %dma_start3A_87 = arith.constant 0 : i32
    %dma_start3A_88 = tpu.memref_slice %arg7[%dma_start3A_86, %dma_start3A_87] : memref<40x128xi32, #tpu.memory_space<vmem>> -> memref<1x128xi32, #tpu.memory_space<vmem>>
    %dma_start3A_89 = tpu.memref_squeeze %dma_start3A_88 : memref<1x128xi32, #tpu.memory_space<vmem>> -> memref<128xi32, #tpu.memory_space<vmem>>
    %dma_start3A_90 = arith.constant 0 : i32
    %dma_start3A_91 = arith.constant 0 : i32
    %dma_start3A_92 = tpu.memref_slice %arg2[%dma_start3A_90, %dma_start3A_91] : memref<20000x128xf32, #tpu.memory_space<hbm>> -> memref<20000x128xf32, #tpu.memory_space<hbm>>
    tpu.enqueue_indirect_dma source(%dma_start3A_92 : memref<20000x128xf32, #tpu.memory_space<hbm>>) target(%arg9 : memref<128x128xf32, #tpu.memory_space<vmem>>) offsets(%dma_start3A_89 : memref<128xi32, #tpu.memory_space<vmem>>) semaphore(%arg12 : memref<!tpu.dma_semaphore, #tpu.memory_space<semaphore_mem>>)
    %dma_wait3A_93 = arith.constant 5 : i32
    %dma_wait3A_94 = arith.constant 0 : i32
    %dma_wait3A_95 = tpu.memref_slice %arg7[%dma_wait3A_93, %dma_wait3A_94] : memref<40x128xi32, #tpu.memory_space<vmem>> -> memref<1x128xi32, #tpu.memory_space<vmem>>
    %dma_wait3A_96 = tpu.memref_squeeze %dma_wait3A_95 : memref<1x128xi32, #tpu.memory_space<vmem>> -> memref<128xi32, #tpu.memory_space<vmem>>
    %dma_wait3A_97 = arith.constant 0 : i32
    %dma_wait3A_98 = arith.constant 0 : i32
    %dma_wait3A_99 = tpu.memref_slice %arg2[%dma_wait3A_97, %dma_wait3A_98] : memref<20000x128xf32, #tpu.memory_space<hbm>> -> memref<20000x128xf32, #tpu.memory_space<hbm>>
    tpu.wait_indirect_dma semaphore(%arg13 : memref<!tpu.dma_semaphore, #tpu.memory_space<semaphore_mem>>) src(%dma_wait3A_99 : memref<20000x128xf32, #tpu.memory_space<hbm>>) dst(%arg10 : memref<128x128xf32, #tpu.memory_space<vmem>>)
    %run_scoped3A_100 = arith.constant 5 : i32
    "tpu.region"() ({
      %run_scoped3A_1215 = tpu.sem_alloc : memref<!tpu.dma_semaphore, #tpu.memory_space<semaphore_mem>>
      %dma_start3A_1216 = arith.constant 0 : i32
      %dma_start3A_1217 = tpu.memref_slice %arg8[%run_scoped3A_100, %dma_start3A_1216] : memref<40x128xi32, #tpu.memory_space<vmem>> -> memref<1x128xi32, #tpu.memory_space<vmem>>
      %dma_start3A_1218 = tpu.memref_squeeze %dma_start3A_1217 : memref<1x128xi32, #tpu.memory_space<vmem>> -> memref<128xi32, #tpu.memory_space<vmem>>
      %dma_start3A_1219 = arith.constant 0 : i32
      %dma_start3A_1220 = arith.constant 0 : i32
      %dma_start3A_1221 = tpu.memref_slice %arg11[%dma_start3A_1219, %dma_start3A_1220] : memref<10112x128xf32, #tpu.memory_space<vmem_shared>> -> memref<10112x128xf32, #tpu.memory_space<vmem_shared>>
      tpu.enqueue_indirect_dma source(%arg10 : memref<128x128xf32, #tpu.memory_space<vmem>>) target(%dma_start3A_1221 : memref<10112x128xf32, #tpu.memory_space<vmem_shared>>) offsets(%dma_start3A_1218 : memref<128xi32, #tpu.memory_space<vmem>>) semaphore(%run_scoped3A_1215 : memref<!tpu.dma_semaphore, #tpu.memory_space<semaphore_mem>>) {add = true}
      %dma_wait3A_1222 = arith.constant 0 : i32
      %dma_wait3A_1223 = tpu.memref_slice %arg8[%run_scoped3A_100, %dma_wait3A_1222] : memref<40x128xi32, #tpu.memory_space<vmem>> -> memref<1x128xi32, #tpu.memory_space<vmem>>
      %dma_wait3A_1224 = tpu.memref_squeeze %dma_wait3A_1223 : memref<1x128xi32, #tpu.memory_space<vmem>> -> memref<128xi32, #tpu.memory_space<vmem>>
      %dma_wait3A_1225 = arith.constant 0 : i32
      %dma_wait3A_1226 = arith.constant 0 : i32
      %dma_wait3A_1227 = tpu.memref_slice %arg11[%dma_wait3A_1225, %dma_wait3A_1226] : memref<10112x128xf32, #tpu.memory_space<vmem_shared>> -> memref<10112x128xf32, #tpu.memory_space<vmem_shared>>
      tpu.wait_indirect_dma semaphore(%run_scoped3A_1215 : memref<!tpu.dma_semaphore, #tpu.memory_space<semaphore_mem>>) src(%arg10 : memref<128x128xf32, #tpu.memory_space<vmem>>) dst(%dma_wait3A_1227 : memref<10112x128xf32, #tpu.memory_space<vmem_shared>>)
      tpu.yield
    }) : () -> ()
    %dma_start3A_101 = arith.constant 7 : i32
    %dma_start3A_102 = arith.constant 0 : i32
    %dma_start3A_103 = tpu.memref_slice %arg7[%dma_start3A_101, %dma_start3A_102] : memref<40x128xi32, #tpu.memory_space<vmem>> -> memref<1x128xi32, #tpu.memory_space<vmem>>
    %dma_start3A_104 = tpu.memref_squeeze %dma_start3A_103 : memref<1x128xi32, #tpu.memory_space<vmem>> -> memref<128xi32, #tpu.memory_space<vmem>>
    %dma_start3A_105 = arith.constant 0 : i32
    %dma_start3A_106 = arith.constant 0 : i32
    %dma_start3A_107 = tpu.memref_slice %arg2[%dma_start3A_105, %dma_start3A_106] : memref<20000x128xf32, #tpu.memory_space<hbm>> -> memref<20000x128xf32, #tpu.memory_space<hbm>>
    tpu.enqueue_indirect_dma source(%dma_start3A_107 : memref<20000x128xf32, #tpu.memory_space<hbm>>) target(%arg10 : memref<128x128xf32, #tpu.memory_space<vmem>>) offsets(%dma_start3A_104 : memref<128xi32, #tpu.memory_space<vmem>>) semaphore(%arg13 : memref<!tpu.dma_semaphore, #tpu.memory_space<semaphore_mem>>)
    %dma_wait3A_108 = arith.constant 6 : i32
    %dma_wait3A_109 = arith.constant 0 : i32
    %dma_wait3A_110 = tpu.memref_slice %arg7[%dma_wait3A_108, %dma_wait3A_109] : memref<40x128xi32, #tpu.memory_space<vmem>> -> memref<1x128xi32, #tpu.memory_space<vmem>>
    %dma_wait3A_111 = tpu.memref_squeeze %dma_wait3A_110 : memref<1x128xi32, #tpu.memory_space<vmem>> -> memref<128xi32, #tpu.memory_space<vmem>>
    %dma_wait3A_112 = arith.constant 0 : i32
    %dma_wait3A_113 = arith.constant 0 : i32
    %dma_wait3A_114 = tpu.memref_slice %arg2[%dma_wait3A_112, %dma_wait3A_113] : memref<20000x128xf32, #tpu.memory_space<hbm>> -> memref<20000x128xf32, #tpu.memory_space<hbm>>
    tpu.wait_indirect_dma semaphore(%arg12 : memref<!tpu.dma_semaphore, #tpu.memory_space<semaphore_mem>>) src(%dma_wait3A_114 : memref<20000x128xf32, #tpu.memory_space<hbm>>) dst(%arg9 : memref<128x128xf32, #tpu.memory_space<vmem>>)
    %run_scoped3A_115 = arith.constant 6 : i32
    "tpu.region"() ({
      %run_scoped3A_1215 = tpu.sem_alloc : memref<!tpu.dma_semaphore, #tpu.memory_space<semaphore_mem>>
      %dma_start3A_1216 = arith.constant 0 : i32
      %dma_start3A_1217 = tpu.memref_slice %arg8[%run_scoped3A_115, %dma_start3A_1216] : memref<40x128xi32, #tpu.memory_space<vmem>> -> memref<1x128xi32, #tpu.memory_space<vmem>>
      %dma_start3A_1218 = tpu.memref_squeeze %dma_start3A_1217 : memref<1x128xi32, #tpu.memory_space<vmem>> -> memref<128xi32, #tpu.memory_space<vmem>>
      %dma_start3A_1219 = arith.constant 0 : i32
      %dma_start3A_1220 = arith.constant 0 : i32
      %dma_start3A_1221 = tpu.memref_slice %arg11[%dma_start3A_1219, %dma_start3A_1220] : memref<10112x128xf32, #tpu.memory_space<vmem_shared>> -> memref<10112x128xf32, #tpu.memory_space<vmem_shared>>
      tpu.enqueue_indirect_dma source(%arg9 : memref<128x128xf32, #tpu.memory_space<vmem>>) target(%dma_start3A_1221 : memref<10112x128xf32, #tpu.memory_space<vmem_shared>>) offsets(%dma_start3A_1218 : memref<128xi32, #tpu.memory_space<vmem>>) semaphore(%run_scoped3A_1215 : memref<!tpu.dma_semaphore, #tpu.memory_space<semaphore_mem>>) {add = true}
      %dma_wait3A_1222 = arith.constant 0 : i32
      %dma_wait3A_1223 = tpu.memref_slice %arg8[%run_scoped3A_115, %dma_wait3A_1222] : memref<40x128xi32, #tpu.memory_space<vmem>> -> memref<1x128xi32, #tpu.memory_space<vmem>>
      %dma_wait3A_1224 = tpu.memref_squeeze %dma_wait3A_1223 : memref<1x128xi32, #tpu.memory_space<vmem>> -> memref<128xi32, #tpu.memory_space<vmem>>
      %dma_wait3A_1225 = arith.constant 0 : i32
      %dma_wait3A_1226 = arith.constant 0 : i32
      %dma_wait3A_1227 = tpu.memref_slice %arg11[%dma_wait3A_1225, %dma_wait3A_1226] : memref<10112x128xf32, #tpu.memory_space<vmem_shared>> -> memref<10112x128xf32, #tpu.memory_space<vmem_shared>>
      tpu.wait_indirect_dma semaphore(%run_scoped3A_1215 : memref<!tpu.dma_semaphore, #tpu.memory_space<semaphore_mem>>) src(%arg9 : memref<128x128xf32, #tpu.memory_space<vmem>>) dst(%dma_wait3A_1227 : memref<10112x128xf32, #tpu.memory_space<vmem_shared>>)
      tpu.yield
    }) : () -> ()
    %dma_start3A_116 = arith.constant 8 : i32
    %dma_start3A_117 = arith.constant 0 : i32
    %dma_start3A_118 = tpu.memref_slice %arg7[%dma_start3A_116, %dma_start3A_117] : memref<40x128xi32, #tpu.memory_space<vmem>> -> memref<1x128xi32, #tpu.memory_space<vmem>>
    %dma_start3A_119 = tpu.memref_squeeze %dma_start3A_118 : memref<1x128xi32, #tpu.memory_space<vmem>> -> memref<128xi32, #tpu.memory_space<vmem>>
    %dma_start3A_120 = arith.constant 0 : i32
    %dma_start3A_121 = arith.constant 0 : i32
    %dma_start3A_122 = tpu.memref_slice %arg2[%dma_start3A_120, %dma_start3A_121] : memref<20000x128xf32, #tpu.memory_space<hbm>> -> memref<20000x128xf32, #tpu.memory_space<hbm>>
    tpu.enqueue_indirect_dma source(%dma_start3A_122 : memref<20000x128xf32, #tpu.memory_space<hbm>>) target(%arg9 : memref<128x128xf32, #tpu.memory_space<vmem>>) offsets(%dma_start3A_119 : memref<128xi32, #tpu.memory_space<vmem>>) semaphore(%arg12 : memref<!tpu.dma_semaphore, #tpu.memory_space<semaphore_mem>>)
    %dma_wait3A_123 = arith.constant 7 : i32
    %dma_wait3A_124 = arith.constant 0 : i32
    %dma_wait3A_125 = tpu.memref_slice %arg7[%dma_wait3A_123, %dma_wait3A_124] : memref<40x128xi32, #tpu.memory_space<vmem>> -> memref<1x128xi32, #tpu.memory_space<vmem>>
    %dma_wait3A_126 = tpu.memref_squeeze %dma_wait3A_125 : memref<1x128xi32, #tpu.memory_space<vmem>> -> memref<128xi32, #tpu.memory_space<vmem>>
    %dma_wait3A_127 = arith.constant 0 : i32
    %dma_wait3A_128 = arith.constant 0 : i32
    %dma_wait3A_129 = tpu.memref_slice %arg2[%dma_wait3A_127, %dma_wait3A_128] : memref<20000x128xf32, #tpu.memory_space<hbm>> -> memref<20000x128xf32, #tpu.memory_space<hbm>>
    tpu.wait_indirect_dma semaphore(%arg13 : memref<!tpu.dma_semaphore, #tpu.memory_space<semaphore_mem>>) src(%dma_wait3A_129 : memref<20000x128xf32, #tpu.memory_space<hbm>>) dst(%arg10 : memref<128x128xf32, #tpu.memory_space<vmem>>)
    %run_scoped3A_130 = arith.constant 7 : i32
    "tpu.region"() ({
      %run_scoped3A_1215 = tpu.sem_alloc : memref<!tpu.dma_semaphore, #tpu.memory_space<semaphore_mem>>
      %dma_start3A_1216 = arith.constant 0 : i32
      %dma_start3A_1217 = tpu.memref_slice %arg8[%run_scoped3A_130, %dma_start3A_1216] : memref<40x128xi32, #tpu.memory_space<vmem>> -> memref<1x128xi32, #tpu.memory_space<vmem>>
      %dma_start3A_1218 = tpu.memref_squeeze %dma_start3A_1217 : memref<1x128xi32, #tpu.memory_space<vmem>> -> memref<128xi32, #tpu.memory_space<vmem>>
      %dma_start3A_1219 = arith.constant 0 : i32
      %dma_start3A_1220 = arith.constant 0 : i32
      %dma_start3A_1221 = tpu.memref_slice %arg11[%dma_start3A_1219, %dma_start3A_1220] : memref<10112x128xf32, #tpu.memory_space<vmem_shared>> -> memref<10112x128xf32, #tpu.memory_space<vmem_shared>>
      tpu.enqueue_indirect_dma source(%arg10 : memref<128x128xf32, #tpu.memory_space<vmem>>) target(%dma_start3A_1221 : memref<10112x128xf32, #tpu.memory_space<vmem_shared>>) offsets(%dma_start3A_1218 : memref<128xi32, #tpu.memory_space<vmem>>) semaphore(%run_scoped3A_1215 : memref<!tpu.dma_semaphore, #tpu.memory_space<semaphore_mem>>) {add = true}
      %dma_wait3A_1222 = arith.constant 0 : i32
      %dma_wait3A_1223 = tpu.memref_slice %arg8[%run_scoped3A_130, %dma_wait3A_1222] : memref<40x128xi32, #tpu.memory_space<vmem>> -> memref<1x128xi32, #tpu.memory_space<vmem>>
      %dma_wait3A_1224 = tpu.memref_squeeze %dma_wait3A_1223 : memref<1x128xi32, #tpu.memory_space<vmem>> -> memref<128xi32, #tpu.memory_space<vmem>>
      %dma_wait3A_1225 = arith.constant 0 : i32
      %dma_wait3A_1226 = arith.constant 0 : i32
      %dma_wait3A_1227 = tpu.memref_slice %arg11[%dma_wait3A_1225, %dma_wait3A_1226] : memref<10112x128xf32, #tpu.memory_space<vmem_shared>> -> memref<10112x128xf32, #tpu.memory_space<vmem_shared>>
      tpu.wait_indirect_dma semaphore(%run_scoped3A_1215 : memref<!tpu.dma_semaphore, #tpu.memory_space<semaphore_mem>>) src(%arg10 : memref<128x128xf32, #tpu.memory_space<vmem>>) dst(%dma_wait3A_1227 : memref<10112x128xf32, #tpu.memory_space<vmem_shared>>)
      tpu.yield
    }) : () -> ()
    %dma_start3A_131 = arith.constant 9 : i32
    %dma_start3A_132 = arith.constant 0 : i32
    %dma_start3A_133 = tpu.memref_slice %arg7[%dma_start3A_131, %dma_start3A_132] : memref<40x128xi32, #tpu.memory_space<vmem>> -> memref<1x128xi32, #tpu.memory_space<vmem>>
    %dma_start3A_134 = tpu.memref_squeeze %dma_start3A_133 : memref<1x128xi32, #tpu.memory_space<vmem>> -> memref<128xi32, #tpu.memory_space<vmem>>
    %dma_start3A_135 = arith.constant 0 : i32
    %dma_start3A_136 = arith.constant 0 : i32
    %dma_start3A_137 = tpu.memref_slice %arg2[%dma_start3A_135, %dma_start3A_136] : memref<20000x128xf32, #tpu.memory_space<hbm>> -> memref<20000x128xf32, #tpu.memory_space<hbm>>
    tpu.enqueue_indirect_dma source(%dma_start3A_137 : memref<20000x128xf32, #tpu.memory_space<hbm>>) target(%arg10 : memref<128x128xf32, #tpu.memory_space<vmem>>) offsets(%dma_start3A_134 : memref<128xi32, #tpu.memory_space<vmem>>) semaphore(%arg13 : memref<!tpu.dma_semaphore, #tpu.memory_space<semaphore_mem>>)
    %dma_wait3A_138 = arith.constant 8 : i32
    %dma_wait3A_139 = arith.constant 0 : i32
    %dma_wait3A_140 = tpu.memref_slice %arg7[%dma_wait3A_138, %dma_wait3A_139] : memref<40x128xi32, #tpu.memory_space<vmem>> -> memref<1x128xi32, #tpu.memory_space<vmem>>
    %dma_wait3A_141 = tpu.memref_squeeze %dma_wait3A_140 : memref<1x128xi32, #tpu.memory_space<vmem>> -> memref<128xi32, #tpu.memory_space<vmem>>
    %dma_wait3A_142 = arith.constant 0 : i32
    %dma_wait3A_143 = arith.constant 0 : i32
    %dma_wait3A_144 = tpu.memref_slice %arg2[%dma_wait3A_142, %dma_wait3A_143] : memref<20000x128xf32, #tpu.memory_space<hbm>> -> memref<20000x128xf32, #tpu.memory_space<hbm>>
    tpu.wait_indirect_dma semaphore(%arg12 : memref<!tpu.dma_semaphore, #tpu.memory_space<semaphore_mem>>) src(%dma_wait3A_144 : memref<20000x128xf32, #tpu.memory_space<hbm>>) dst(%arg9 : memref<128x128xf32, #tpu.memory_space<vmem>>)
    %run_scoped3A_145 = arith.constant 8 : i32
    "tpu.region"() ({
      %run_scoped3A_1215 = tpu.sem_alloc : memref<!tpu.dma_semaphore, #tpu.memory_space<semaphore_mem>>
      %dma_start3A_1216 = arith.constant 0 : i32
      %dma_start3A_1217 = tpu.memref_slice %arg8[%run_scoped3A_145, %dma_start3A_1216] : memref<40x128xi32, #tpu.memory_space<vmem>> -> memref<1x128xi32, #tpu.memory_space<vmem>>
      %dma_start3A_1218 = tpu.memref_squeeze %dma_start3A_1217 : memref<1x128xi32, #tpu.memory_space<vmem>> -> memref<128xi32, #tpu.memory_space<vmem>>
      %dma_start3A_1219 = arith.constant 0 : i32
      %dma_start3A_1220 = arith.constant 0 : i32
      %dma_start3A_1221 = tpu.memref_slice %arg11[%dma_start3A_1219, %dma_start3A_1220] : memref<10112x128xf32, #tpu.memory_space<vmem_shared>> -> memref<10112x128xf32, #tpu.memory_space<vmem_shared>>
      tpu.enqueue_indirect_dma source(%arg9 : memref<128x128xf32, #tpu.memory_space<vmem>>) target(%dma_start3A_1221 : memref<10112x128xf32, #tpu.memory_space<vmem_shared>>) offsets(%dma_start3A_1218 : memref<128xi32, #tpu.memory_space<vmem>>) semaphore(%run_scoped3A_1215 : memref<!tpu.dma_semaphore, #tpu.memory_space<semaphore_mem>>) {add = true}
      %dma_wait3A_1222 = arith.constant 0 : i32
      %dma_wait3A_1223 = tpu.memref_slice %arg8[%run_scoped3A_145, %dma_wait3A_1222] : memref<40x128xi32, #tpu.memory_space<vmem>> -> memref<1x128xi32, #tpu.memory_space<vmem>>
      %dma_wait3A_1224 = tpu.memref_squeeze %dma_wait3A_1223 : memref<1x128xi32, #tpu.memory_space<vmem>> -> memref<128xi32, #tpu.memory_space<vmem>>
      %dma_wait3A_1225 = arith.constant 0 : i32
      %dma_wait3A_1226 = arith.constant 0 : i32
      %dma_wait3A_1227 = tpu.memref_slice %arg11[%dma_wait3A_1225, %dma_wait3A_1226] : memref<10112x128xf32, #tpu.memory_space<vmem_shared>> -> memref<10112x128xf32, #tpu.memory_space<vmem_shared>>
      tpu.wait_indirect_dma semaphore(%run_scoped3A_1215 : memref<!tpu.dma_semaphore, #tpu.memory_space<semaphore_mem>>) src(%arg9 : memref<128x128xf32, #tpu.memory_space<vmem>>) dst(%dma_wait3A_1227 : memref<10112x128xf32, #tpu.memory_space<vmem_shared>>)
      tpu.yield
    }) : () -> ()
    %dma_start3A_146 = arith.constant 10 : i32
    %dma_start3A_147 = arith.constant 0 : i32
    %dma_start3A_148 = tpu.memref_slice %arg7[%dma_start3A_146, %dma_start3A_147] : memref<40x128xi32, #tpu.memory_space<vmem>> -> memref<1x128xi32, #tpu.memory_space<vmem>>
    %dma_start3A_149 = tpu.memref_squeeze %dma_start3A_148 : memref<1x128xi32, #tpu.memory_space<vmem>> -> memref<128xi32, #tpu.memory_space<vmem>>
    %dma_start3A_150 = arith.constant 0 : i32
    %dma_start3A_151 = arith.constant 0 : i32
    %dma_start3A_152 = tpu.memref_slice %arg2[%dma_start3A_150, %dma_start3A_151] : memref<20000x128xf32, #tpu.memory_space<hbm>> -> memref<20000x128xf32, #tpu.memory_space<hbm>>
    tpu.enqueue_indirect_dma source(%dma_start3A_152 : memref<20000x128xf32, #tpu.memory_space<hbm>>) target(%arg9 : memref<128x128xf32, #tpu.memory_space<vmem>>) offsets(%dma_start3A_149 : memref<128xi32, #tpu.memory_space<vmem>>) semaphore(%arg12 : memref<!tpu.dma_semaphore, #tpu.memory_space<semaphore_mem>>)
    %dma_wait3A_153 = arith.constant 9 : i32
    %dma_wait3A_154 = arith.constant 0 : i32
    %dma_wait3A_155 = tpu.memref_slice %arg7[%dma_wait3A_153, %dma_wait3A_154] : memref<40x128xi32, #tpu.memory_space<vmem>> -> memref<1x128xi32, #tpu.memory_space<vmem>>
    %dma_wait3A_156 = tpu.memref_squeeze %dma_wait3A_155 : memref<1x128xi32, #tpu.memory_space<vmem>> -> memref<128xi32, #tpu.memory_space<vmem>>
    %dma_wait3A_157 = arith.constant 0 : i32
    %dma_wait3A_158 = arith.constant 0 : i32
    %dma_wait3A_159 = tpu.memref_slice %arg2[%dma_wait3A_157, %dma_wait3A_158] : memref<20000x128xf32, #tpu.memory_space<hbm>> -> memref<20000x128xf32, #tpu.memory_space<hbm>>
    tpu.wait_indirect_dma semaphore(%arg13 : memref<!tpu.dma_semaphore, #tpu.memory_space<semaphore_mem>>) src(%dma_wait3A_159 : memref<20000x128xf32, #tpu.memory_space<hbm>>) dst(%arg10 : memref<128x128xf32, #tpu.memory_space<vmem>>)
    %run_scoped3A_160 = arith.constant 9 : i32
    "tpu.region"() ({
      %run_scoped3A_1215 = tpu.sem_alloc : memref<!tpu.dma_semaphore, #tpu.memory_space<semaphore_mem>>
      %dma_start3A_1216 = arith.constant 0 : i32
      %dma_start3A_1217 = tpu.memref_slice %arg8[%run_scoped3A_160, %dma_start3A_1216] : memref<40x128xi32, #tpu.memory_space<vmem>> -> memref<1x128xi32, #tpu.memory_space<vmem>>
      %dma_start3A_1218 = tpu.memref_squeeze %dma_start3A_1217 : memref<1x128xi32, #tpu.memory_space<vmem>> -> memref<128xi32, #tpu.memory_space<vmem>>
      %dma_start3A_1219 = arith.constant 0 : i32
      %dma_start3A_1220 = arith.constant 0 : i32
      %dma_start3A_1221 = tpu.memref_slice %arg11[%dma_start3A_1219, %dma_start3A_1220] : memref<10112x128xf32, #tpu.memory_space<vmem_shared>> -> memref<10112x128xf32, #tpu.memory_space<vmem_shared>>
      tpu.enqueue_indirect_dma source(%arg10 : memref<128x128xf32, #tpu.memory_space<vmem>>) target(%dma_start3A_1221 : memref<10112x128xf32, #tpu.memory_space<vmem_shared>>) offsets(%dma_start3A_1218 : memref<128xi32, #tpu.memory_space<vmem>>) semaphore(%run_scoped3A_1215 : memref<!tpu.dma_semaphore, #tpu.memory_space<semaphore_mem>>) {add = true}
      %dma_wait3A_1222 = arith.constant 0 : i32
      %dma_wait3A_1223 = tpu.memref_slice %arg8[%run_scoped3A_160, %dma_wait3A_1222] : memref<40x128xi32, #tpu.memory_space<vmem>> -> memref<1x128xi32, #tpu.memory_space<vmem>>
      %dma_wait3A_1224 = tpu.memref_squeeze %dma_wait3A_1223 : memref<1x128xi32, #tpu.memory_space<vmem>> -> memref<128xi32, #tpu.memory_space<vmem>>
      %dma_wait3A_1225 = arith.constant 0 : i32
      %dma_wait3A_1226 = arith.constant 0 : i32
      %dma_wait3A_1227 = tpu.memref_slice %arg11[%dma_wait3A_1225, %dma_wait3A_1226] : memref<10112x128xf32, #tpu.memory_space<vmem_shared>> -> memref<10112x128xf32, #tpu.memory_space<vmem_shared>>
      tpu.wait_indirect_dma semaphore(%run_scoped3A_1215 : memref<!tpu.dma_semaphore, #tpu.memory_space<semaphore_mem>>) src(%arg10 : memref<128x128xf32, #tpu.memory_space<vmem>>) dst(%dma_wait3A_1227 : memref<10112x128xf32, #tpu.memory_space<vmem_shared>>)
      tpu.yield
    }) : () -> ()
    %dma_start3A_161 = arith.constant 11 : i32
    %dma_start3A_162 = arith.constant 0 : i32
    %dma_start3A_163 = tpu.memref_slice %arg7[%dma_start3A_161, %dma_start3A_162] : memref<40x128xi32, #tpu.memory_space<vmem>> -> memref<1x128xi32, #tpu.memory_space<vmem>>
    %dma_start3A_164 = tpu.memref_squeeze %dma_start3A_163 : memref<1x128xi32, #tpu.memory_space<vmem>> -> memref<128xi32, #tpu.memory_space<vmem>>
    %dma_start3A_165 = arith.constant 0 : i32
    %dma_start3A_166 = arith.constant 0 : i32
    %dma_start3A_167 = tpu.memref_slice %arg2[%dma_start3A_165, %dma_start3A_166] : memref<20000x128xf32, #tpu.memory_space<hbm>> -> memref<20000x128xf32, #tpu.memory_space<hbm>>
    tpu.enqueue_indirect_dma source(%dma_start3A_167 : memref<20000x128xf32, #tpu.memory_space<hbm>>) target(%arg10 : memref<128x128xf32, #tpu.memory_space<vmem>>) offsets(%dma_start3A_164 : memref<128xi32, #tpu.memory_space<vmem>>) semaphore(%arg13 : memref<!tpu.dma_semaphore, #tpu.memory_space<semaphore_mem>>)
    %dma_wait3A_168 = arith.constant 10 : i32
    %dma_wait3A_169 = arith.constant 0 : i32
    %dma_wait3A_170 = tpu.memref_slice %arg7[%dma_wait3A_168, %dma_wait3A_169] : memref<40x128xi32, #tpu.memory_space<vmem>> -> memref<1x128xi32, #tpu.memory_space<vmem>>
    %dma_wait3A_171 = tpu.memref_squeeze %dma_wait3A_170 : memref<1x128xi32, #tpu.memory_space<vmem>> -> memref<128xi32, #tpu.memory_space<vmem>>
    %dma_wait3A_172 = arith.constant 0 : i32
    %dma_wait3A_173 = arith.constant 0 : i32
    %dma_wait3A_174 = tpu.memref_slice %arg2[%dma_wait3A_172, %dma_wait3A_173] : memref<20000x128xf32, #tpu.memory_space<hbm>> -> memref<20000x128xf32, #tpu.memory_space<hbm>>
    tpu.wait_indirect_dma semaphore(%arg12 : memref<!tpu.dma_semaphore, #tpu.memory_space<semaphore_mem>>) src(%dma_wait3A_174 : memref<20000x128xf32, #tpu.memory_space<hbm>>) dst(%arg9 : memref<128x128xf32, #tpu.memory_space<vmem>>)
    %run_scoped3A_175 = arith.constant 10 : i32
    "tpu.region"() ({
      %run_scoped3A_1215 = tpu.sem_alloc : memref<!tpu.dma_semaphore, #tpu.memory_space<semaphore_mem>>
      %dma_start3A_1216 = arith.constant 0 : i32
      %dma_start3A_1217 = tpu.memref_slice %arg8[%run_scoped3A_175, %dma_start3A_1216] : memref<40x128xi32, #tpu.memory_space<vmem>> -> memref<1x128xi32, #tpu.memory_space<vmem>>
      %dma_start3A_1218 = tpu.memref_squeeze %dma_start3A_1217 : memref<1x128xi32, #tpu.memory_space<vmem>> -> memref<128xi32, #tpu.memory_space<vmem>>
      %dma_start3A_1219 = arith.constant 0 : i32
      %dma_start3A_1220 = arith.constant 0 : i32
      %dma_start3A_1221 = tpu.memref_slice %arg11[%dma_start3A_1219, %dma_start3A_1220] : memref<10112x128xf32, #tpu.memory_space<vmem_shared>> -> memref<10112x128xf32, #tpu.memory_space<vmem_shared>>
      tpu.enqueue_indirect_dma source(%arg9 : memref<128x128xf32, #tpu.memory_space<vmem>>) target(%dma_start3A_1221 : memref<10112x128xf32, #tpu.memory_space<vmem_shared>>) offsets(%dma_start3A_1218 : memref<128xi32, #tpu.memory_space<vmem>>) semaphore(%run_scoped3A_1215 : memref<!tpu.dma_semaphore, #tpu.memory_space<semaphore_mem>>) {add = true}
      %dma_wait3A_1222 = arith.constant 0 : i32
      %dma_wait3A_1223 = tpu.memref_slice %arg8[%run_scoped3A_175, %dma_wait3A_1222] : memref<40x128xi32, #tpu.memory_space<vmem>> -> memref<1x128xi32, #tpu.memory_space<vmem>>
      %dma_wait3A_1224 = tpu.memref_squeeze %dma_wait3A_1223 : memref<1x128xi32, #tpu.memory_space<vmem>> -> memref<128xi32, #tpu.memory_space<vmem>>
      %dma_wait3A_1225 = arith.constant 0 : i32
      %dma_wait3A_1226 = arith.constant 0 : i32
      %dma_wait3A_1227 = tpu.memref_slice %arg11[%dma_wait3A_1225, %dma_wait3A_1226] : memref<10112x128xf32, #tpu.memory_space<vmem_shared>> -> memref<10112x128xf32, #tpu.memory_space<vmem_shared>>
      tpu.wait_indirect_dma semaphore(%run_scoped3A_1215 : memref<!tpu.dma_semaphore, #tpu.memory_space<semaphore_mem>>) src(%arg9 : memref<128x128xf32, #tpu.memory_space<vmem>>) dst(%dma_wait3A_1227 : memref<10112x128xf32, #tpu.memory_space<vmem_shared>>)
      tpu.yield
    }) : () -> ()
    %dma_start3A_176 = arith.constant 12 : i32
    %dma_start3A_177 = arith.constant 0 : i32
    %dma_start3A_178 = tpu.memref_slice %arg7[%dma_start3A_176, %dma_start3A_177] : memref<40x128xi32, #tpu.memory_space<vmem>> -> memref<1x128xi32, #tpu.memory_space<vmem>>
    %dma_start3A_179 = tpu.memref_squeeze %dma_start3A_178 : memref<1x128xi32, #tpu.memory_space<vmem>> -> memref<128xi32, #tpu.memory_space<vmem>>
    %dma_start3A_180 = arith.constant 0 : i32
    %dma_start3A_181 = arith.constant 0 : i32
    %dma_start3A_182 = tpu.memref_slice %arg2[%dma_start3A_180, %dma_start3A_181] : memref<20000x128xf32, #tpu.memory_space<hbm>> -> memref<20000x128xf32, #tpu.memory_space<hbm>>
    tpu.enqueue_indirect_dma source(%dma_start3A_182 : memref<20000x128xf32, #tpu.memory_space<hbm>>) target(%arg9 : memref<128x128xf32, #tpu.memory_space<vmem>>) offsets(%dma_start3A_179 : memref<128xi32, #tpu.memory_space<vmem>>) semaphore(%arg12 : memref<!tpu.dma_semaphore, #tpu.memory_space<semaphore_mem>>)
    %dma_wait3A_183 = arith.constant 11 : i32
    %dma_wait3A_184 = arith.constant 0 : i32
    %dma_wait3A_185 = tpu.memref_slice %arg7[%dma_wait3A_183, %dma_wait3A_184] : memref<40x128xi32, #tpu.memory_space<vmem>> -> memref<1x128xi32, #tpu.memory_space<vmem>>
    %dma_wait3A_186 = tpu.memref_squeeze %dma_wait3A_185 : memref<1x128xi32, #tpu.memory_space<vmem>> -> memref<128xi32, #tpu.memory_space<vmem>>
    %dma_wait3A_187 = arith.constant 0 : i32
    %dma_wait3A_188 = arith.constant 0 : i32
    %dma_wait3A_189 = tpu.memref_slice %arg2[%dma_wait3A_187, %dma_wait3A_188] : memref<20000x128xf32, #tpu.memory_space<hbm>> -> memref<20000x128xf32, #tpu.memory_space<hbm>>
    tpu.wait_indirect_dma semaphore(%arg13 : memref<!tpu.dma_semaphore, #tpu.memory_space<semaphore_mem>>) src(%dma_wait3A_189 : memref<20000x128xf32, #tpu.memory_space<hbm>>) dst(%arg10 : memref<128x128xf32, #tpu.memory_space<vmem>>)
    %run_scoped3A_190 = arith.constant 11 : i32
    "tpu.region"() ({
      %run_scoped3A_1215 = tpu.sem_alloc : memref<!tpu.dma_semaphore, #tpu.memory_space<semaphore_mem>>
      %dma_start3A_1216 = arith.constant 0 : i32
      %dma_start3A_1217 = tpu.memref_slice %arg8[%run_scoped3A_190, %dma_start3A_1216] : memref<40x128xi32, #tpu.memory_space<vmem>> -> memref<1x128xi32, #tpu.memory_space<vmem>>
      %dma_start3A_1218 = tpu.memref_squeeze %dma_start3A_1217 : memref<1x128xi32, #tpu.memory_space<vmem>> -> memref<128xi32, #tpu.memory_space<vmem>>
      %dma_start3A_1219 = arith.constant 0 : i32
      %dma_start3A_1220 = arith.constant 0 : i32
      %dma_start3A_1221 = tpu.memref_slice %arg11[%dma_start3A_1219, %dma_start3A_1220] : memref<10112x128xf32, #tpu.memory_space<vmem_shared>> -> memref<10112x128xf32, #tpu.memory_space<vmem_shared>>
      tpu.enqueue_indirect_dma source(%arg10 : memref<128x128xf32, #tpu.memory_space<vmem>>) target(%dma_start3A_1221 : memref<10112x128xf32, #tpu.memory_space<vmem_shared>>) offsets(%dma_start3A_1218 : memref<128xi32, #tpu.memory_space<vmem>>) semaphore(%run_scoped3A_1215 : memref<!tpu.dma_semaphore, #tpu.memory_space<semaphore_mem>>) {add = true}
      %dma_wait3A_1222 = arith.constant 0 : i32
      %dma_wait3A_1223 = tpu.memref_slice %arg8[%run_scoped3A_190, %dma_wait3A_1222] : memref<40x128xi32, #tpu.memory_space<vmem>> -> memref<1x128xi32, #tpu.memory_space<vmem>>
      %dma_wait3A_1224 = tpu.memref_squeeze %dma_wait3A_1223 : memref<1x128xi32, #tpu.memory_space<vmem>> -> memref<128xi32, #tpu.memory_space<vmem>>
      %dma_wait3A_1225 = arith.constant 0 : i32
      %dma_wait3A_1226 = arith.constant 0 : i32
      %dma_wait3A_1227 = tpu.memref_slice %arg11[%dma_wait3A_1225, %dma_wait3A_1226] : memref<10112x128xf32, #tpu.memory_space<vmem_shared>> -> memref<10112x128xf32, #tpu.memory_space<vmem_shared>>
      tpu.wait_indirect_dma semaphore(%run_scoped3A_1215 : memref<!tpu.dma_semaphore, #tpu.memory_space<semaphore_mem>>) src(%arg10 : memref<128x128xf32, #tpu.memory_space<vmem>>) dst(%dma_wait3A_1227 : memref<10112x128xf32, #tpu.memory_space<vmem_shared>>)
      tpu.yield
    }) : () -> ()
    %dma_start3A_191 = arith.constant 13 : i32
    %dma_start3A_192 = arith.constant 0 : i32
    %dma_start3A_193 = tpu.memref_slice %arg7[%dma_start3A_191, %dma_start3A_192] : memref<40x128xi32, #tpu.memory_space<vmem>> -> memref<1x128xi32, #tpu.memory_space<vmem>>
    %dma_start3A_194 = tpu.memref_squeeze %dma_start3A_193 : memref<1x128xi32, #tpu.memory_space<vmem>> -> memref<128xi32, #tpu.memory_space<vmem>>
    %dma_start3A_195 = arith.constant 0 : i32
    %dma_start3A_196 = arith.constant 0 : i32
    %dma_start3A_197 = tpu.memref_slice %arg2[%dma_start3A_195, %dma_start3A_196] : memref<20000x128xf32, #tpu.memory_space<hbm>> -> memref<20000x128xf32, #tpu.memory_space<hbm>>
    tpu.enqueue_indirect_dma source(%dma_start3A_197 : memref<20000x128xf32, #tpu.memory_space<hbm>>) target(%arg10 : memref<128x128xf32, #tpu.memory_space<vmem>>) offsets(%dma_start3A_194 : memref<128xi32, #tpu.memory_space<vmem>>) semaphore(%arg13 : memref<!tpu.dma_semaphore, #tpu.memory_space<semaphore_mem>>)
    %dma_wait3A_198 = arith.constant 12 : i32
    %dma_wait3A_199 = arith.constant 0 : i32
    %dma_wait3A_200 = tpu.memref_slice %arg7[%dma_wait3A_198, %dma_wait3A_199] : memref<40x128xi32, #tpu.memory_space<vmem>> -> memref<1x128xi32, #tpu.memory_space<vmem>>
    %dma_wait3A_201 = tpu.memref_squeeze %dma_wait3A_200 : memref<1x128xi32, #tpu.memory_space<vmem>> -> memref<128xi32, #tpu.memory_space<vmem>>
    %dma_wait3A_202 = arith.constant 0 : i32
    %dma_wait3A_203 = arith.constant 0 : i32
    %dma_wait3A_204 = tpu.memref_slice %arg2[%dma_wait3A_202, %dma_wait3A_203] : memref<20000x128xf32, #tpu.memory_space<hbm>> -> memref<20000x128xf32, #tpu.memory_space<hbm>>
    tpu.wait_indirect_dma semaphore(%arg12 : memref<!tpu.dma_semaphore, #tpu.memory_space<semaphore_mem>>) src(%dma_wait3A_204 : memref<20000x128xf32, #tpu.memory_space<hbm>>) dst(%arg9 : memref<128x128xf32, #tpu.memory_space<vmem>>)
    %run_scoped3A_205 = arith.constant 12 : i32
    "tpu.region"() ({
      %run_scoped3A_1215 = tpu.sem_alloc : memref<!tpu.dma_semaphore, #tpu.memory_space<semaphore_mem>>
      %dma_start3A_1216 = arith.constant 0 : i32
      %dma_start3A_1217 = tpu.memref_slice %arg8[%run_scoped3A_205, %dma_start3A_1216] : memref<40x128xi32, #tpu.memory_space<vmem>> -> memref<1x128xi32, #tpu.memory_space<vmem>>
      %dma_start3A_1218 = tpu.memref_squeeze %dma_start3A_1217 : memref<1x128xi32, #tpu.memory_space<vmem>> -> memref<128xi32, #tpu.memory_space<vmem>>
      %dma_start3A_1219 = arith.constant 0 : i32
      %dma_start3A_1220 = arith.constant 0 : i32
      %dma_start3A_1221 = tpu.memref_slice %arg11[%dma_start3A_1219, %dma_start3A_1220] : memref<10112x128xf32, #tpu.memory_space<vmem_shared>> -> memref<10112x128xf32, #tpu.memory_space<vmem_shared>>
      tpu.enqueue_indirect_dma source(%arg9 : memref<128x128xf32, #tpu.memory_space<vmem>>) target(%dma_start3A_1221 : memref<10112x128xf32, #tpu.memory_space<vmem_shared>>) offsets(%dma_start3A_1218 : memref<128xi32, #tpu.memory_space<vmem>>) semaphore(%run_scoped3A_1215 : memref<!tpu.dma_semaphore, #tpu.memory_space<semaphore_mem>>) {add = true}
      %dma_wait3A_1222 = arith.constant 0 : i32
      %dma_wait3A_1223 = tpu.memref_slice %arg8[%run_scoped3A_205, %dma_wait3A_1222] : memref<40x128xi32, #tpu.memory_space<vmem>> -> memref<1x128xi32, #tpu.memory_space<vmem>>
      %dma_wait3A_1224 = tpu.memref_squeeze %dma_wait3A_1223 : memref<1x128xi32, #tpu.memory_space<vmem>> -> memref<128xi32, #tpu.memory_space<vmem>>
      %dma_wait3A_1225 = arith.constant 0 : i32
      %dma_wait3A_1226 = arith.constant 0 : i32
      %dma_wait3A_1227 = tpu.memref_slice %arg11[%dma_wait3A_1225, %dma_wait3A_1226] : memref<10112x128xf32, #tpu.memory_space<vmem_shared>> -> memref<10112x128xf32, #tpu.memory_space<vmem_shared>>
      tpu.wait_indirect_dma semaphore(%run_scoped3A_1215 : memref<!tpu.dma_semaphore, #tpu.memory_space<semaphore_mem>>) src(%arg9 : memref<128x128xf32, #tpu.memory_space<vmem>>) dst(%dma_wait3A_1227 : memref<10112x128xf32, #tpu.memory_space<vmem_shared>>)
      tpu.yield
    }) : () -> ()
    %dma_start3A_206 = arith.constant 14 : i32
    %dma_start3A_207 = arith.constant 0 : i32
    %dma_start3A_208 = tpu.memref_slice %arg7[%dma_start3A_206, %dma_start3A_207] : memref<40x128xi32, #tpu.memory_space<vmem>> -> memref<1x128xi32, #tpu.memory_space<vmem>>
    %dma_start3A_209 = tpu.memref_squeeze %dma_start3A_208 : memref<1x128xi32, #tpu.memory_space<vmem>> -> memref<128xi32, #tpu.memory_space<vmem>>
    %dma_start3A_210 = arith.constant 0 : i32
    %dma_start3A_211 = arith.constant 0 : i32
    %dma_start3A_212 = tpu.memref_slice %arg2[%dma_start3A_210, %dma_start3A_211] : memref<20000x128xf32, #tpu.memory_space<hbm>> -> memref<20000x128xf32, #tpu.memory_space<hbm>>
    tpu.enqueue_indirect_dma source(%dma_start3A_212 : memref<20000x128xf32, #tpu.memory_space<hbm>>) target(%arg9 : memref<128x128xf32, #tpu.memory_space<vmem>>) offsets(%dma_start3A_209 : memref<128xi32, #tpu.memory_space<vmem>>) semaphore(%arg12 : memref<!tpu.dma_semaphore, #tpu.memory_space<semaphore_mem>>)
    %dma_wait3A_213 = arith.constant 13 : i32
    %dma_wait3A_214 = arith.constant 0 : i32
    %dma_wait3A_215 = tpu.memref_slice %arg7[%dma_wait3A_213, %dma_wait3A_214] : memref<40x128xi32, #tpu.memory_space<vmem>> -> memref<1x128xi32, #tpu.memory_space<vmem>>
    %dma_wait3A_216 = tpu.memref_squeeze %dma_wait3A_215 : memref<1x128xi32, #tpu.memory_space<vmem>> -> memref<128xi32, #tpu.memory_space<vmem>>
    %dma_wait3A_217 = arith.constant 0 : i32
    %dma_wait3A_218 = arith.constant 0 : i32
    %dma_wait3A_219 = tpu.memref_slice %arg2[%dma_wait3A_217, %dma_wait3A_218] : memref<20000x128xf32, #tpu.memory_space<hbm>> -> memref<20000x128xf32, #tpu.memory_space<hbm>>
    tpu.wait_indirect_dma semaphore(%arg13 : memref<!tpu.dma_semaphore, #tpu.memory_space<semaphore_mem>>) src(%dma_wait3A_219 : memref<20000x128xf32, #tpu.memory_space<hbm>>) dst(%arg10 : memref<128x128xf32, #tpu.memory_space<vmem>>)
    %run_scoped3A_220 = arith.constant 13 : i32
    "tpu.region"() ({
      %run_scoped3A_1215 = tpu.sem_alloc : memref<!tpu.dma_semaphore, #tpu.memory_space<semaphore_mem>>
      %dma_start3A_1216 = arith.constant 0 : i32
      %dma_start3A_1217 = tpu.memref_slice %arg8[%run_scoped3A_220, %dma_start3A_1216] : memref<40x128xi32, #tpu.memory_space<vmem>> -> memref<1x128xi32, #tpu.memory_space<vmem>>
      %dma_start3A_1218 = tpu.memref_squeeze %dma_start3A_1217 : memref<1x128xi32, #tpu.memory_space<vmem>> -> memref<128xi32, #tpu.memory_space<vmem>>
      %dma_start3A_1219 = arith.constant 0 : i32
      %dma_start3A_1220 = arith.constant 0 : i32
      %dma_start3A_1221 = tpu.memref_slice %arg11[%dma_start3A_1219, %dma_start3A_1220] : memref<10112x128xf32, #tpu.memory_space<vmem_shared>> -> memref<10112x128xf32, #tpu.memory_space<vmem_shared>>
      tpu.enqueue_indirect_dma source(%arg10 : memref<128x128xf32, #tpu.memory_space<vmem>>) target(%dma_start3A_1221 : memref<10112x128xf32, #tpu.memory_space<vmem_shared>>) offsets(%dma_start3A_1218 : memref<128xi32, #tpu.memory_space<vmem>>) semaphore(%run_scoped3A_1215 : memref<!tpu.dma_semaphore, #tpu.memory_space<semaphore_mem>>) {add = true}
      %dma_wait3A_1222 = arith.constant 0 : i32
      %dma_wait3A_1223 = tpu.memref_slice %arg8[%run_scoped3A_220, %dma_wait3A_1222] : memref<40x128xi32, #tpu.memory_space<vmem>> -> memref<1x128xi32, #tpu.memory_space<vmem>>
      %dma_wait3A_1224 = tpu.memref_squeeze %dma_wait3A_1223 : memref<1x128xi32, #tpu.memory_space<vmem>> -> memref<128xi32, #tpu.memory_space<vmem>>
      %dma_wait3A_1225 = arith.constant 0 : i32
      %dma_wait3A_1226 = arith.constant 0 : i32
      %dma_wait3A_1227 = tpu.memref_slice %arg11[%dma_wait3A_1225, %dma_wait3A_1226] : memref<10112x128xf32, #tpu.memory_space<vmem_shared>> -> memref<10112x128xf32, #tpu.memory_space<vmem_shared>>
      tpu.wait_indirect_dma semaphore(%run_scoped3A_1215 : memref<!tpu.dma_semaphore, #tpu.memory_space<semaphore_mem>>) src(%arg10 : memref<128x128xf32, #tpu.memory_space<vmem>>) dst(%dma_wait3A_1227 : memref<10112x128xf32, #tpu.memory_space<vmem_shared>>)
      tpu.yield
    }) : () -> ()
    %dma_start3A_221 = arith.constant 15 : i32
    %dma_start3A_222 = arith.constant 0 : i32
    %dma_start3A_223 = tpu.memref_slice %arg7[%dma_start3A_221, %dma_start3A_222] : memref<40x128xi32, #tpu.memory_space<vmem>> -> memref<1x128xi32, #tpu.memory_space<vmem>>
    %dma_start3A_224 = tpu.memref_squeeze %dma_start3A_223 : memref<1x128xi32, #tpu.memory_space<vmem>> -> memref<128xi32, #tpu.memory_space<vmem>>
    %dma_start3A_225 = arith.constant 0 : i32
    %dma_start3A_226 = arith.constant 0 : i32
    %dma_start3A_227 = tpu.memref_slice %arg2[%dma_start3A_225, %dma_start3A_226] : memref<20000x128xf32, #tpu.memory_space<hbm>> -> memref<20000x128xf32, #tpu.memory_space<hbm>>
    tpu.enqueue_indirect_dma source(%dma_start3A_227 : memref<20000x128xf32, #tpu.memory_space<hbm>>) target(%arg10 : memref<128x128xf32, #tpu.memory_space<vmem>>) offsets(%dma_start3A_224 : memref<128xi32, #tpu.memory_space<vmem>>) semaphore(%arg13 : memref<!tpu.dma_semaphore, #tpu.memory_space<semaphore_mem>>)
    %dma_wait3A_228 = arith.constant 14 : i32
    %dma_wait3A_229 = arith.constant 0 : i32
    %dma_wait3A_230 = tpu.memref_slice %arg7[%dma_wait3A_228, %dma_wait3A_229] : memref<40x128xi32, #tpu.memory_space<vmem>> -> memref<1x128xi32, #tpu.memory_space<vmem>>
    %dma_wait3A_231 = tpu.memref_squeeze %dma_wait3A_230 : memref<1x128xi32, #tpu.memory_space<vmem>> -> memref<128xi32, #tpu.memory_space<vmem>>
    %dma_wait3A_232 = arith.constant 0 : i32
    %dma_wait3A_233 = arith.constant 0 : i32
    %dma_wait3A_234 = tpu.memref_slice %arg2[%dma_wait3A_232, %dma_wait3A_233] : memref<20000x128xf32, #tpu.memory_space<hbm>> -> memref<20000x128xf32, #tpu.memory_space<hbm>>
    tpu.wait_indirect_dma semaphore(%arg12 : memref<!tpu.dma_semaphore, #tpu.memory_space<semaphore_mem>>) src(%dma_wait3A_234 : memref<20000x128xf32, #tpu.memory_space<hbm>>) dst(%arg9 : memref<128x128xf32, #tpu.memory_space<vmem>>)
    %run_scoped3A_235 = arith.constant 14 : i32
    "tpu.region"() ({
      %run_scoped3A_1215 = tpu.sem_alloc : memref<!tpu.dma_semaphore, #tpu.memory_space<semaphore_mem>>
      %dma_start3A_1216 = arith.constant 0 : i32
      %dma_start3A_1217 = tpu.memref_slice %arg8[%run_scoped3A_235, %dma_start3A_1216] : memref<40x128xi32, #tpu.memory_space<vmem>> -> memref<1x128xi32, #tpu.memory_space<vmem>>
      %dma_start3A_1218 = tpu.memref_squeeze %dma_start3A_1217 : memref<1x128xi32, #tpu.memory_space<vmem>> -> memref<128xi32, #tpu.memory_space<vmem>>
      %dma_start3A_1219 = arith.constant 0 : i32
      %dma_start3A_1220 = arith.constant 0 : i32
      %dma_start3A_1221 = tpu.memref_slice %arg11[%dma_start3A_1219, %dma_start3A_1220] : memref<10112x128xf32, #tpu.memory_space<vmem_shared>> -> memref<10112x128xf32, #tpu.memory_space<vmem_shared>>
      tpu.enqueue_indirect_dma source(%arg9 : memref<128x128xf32, #tpu.memory_space<vmem>>) target(%dma_start3A_1221 : memref<10112x128xf32, #tpu.memory_space<vmem_shared>>) offsets(%dma_start3A_1218 : memref<128xi32, #tpu.memory_space<vmem>>) semaphore(%run_scoped3A_1215 : memref<!tpu.dma_semaphore, #tpu.memory_space<semaphore_mem>>) {add = true}
      %dma_wait3A_1222 = arith.constant 0 : i32
      %dma_wait3A_1223 = tpu.memref_slice %arg8[%run_scoped3A_235, %dma_wait3A_1222] : memref<40x128xi32, #tpu.memory_space<vmem>> -> memref<1x128xi32, #tpu.memory_space<vmem>>
      %dma_wait3A_1224 = tpu.memref_squeeze %dma_wait3A_1223 : memref<1x128xi32, #tpu.memory_space<vmem>> -> memref<128xi32, #tpu.memory_space<vmem>>
      %dma_wait3A_1225 = arith.constant 0 : i32
      %dma_wait3A_1226 = arith.constant 0 : i32
      %dma_wait3A_1227 = tpu.memref_slice %arg11[%dma_wait3A_1225, %dma_wait3A_1226] : memref<10112x128xf32, #tpu.memory_space<vmem_shared>> -> memref<10112x128xf32, #tpu.memory_space<vmem_shared>>
      tpu.wait_indirect_dma semaphore(%run_scoped3A_1215 : memref<!tpu.dma_semaphore, #tpu.memory_space<semaphore_mem>>) src(%arg9 : memref<128x128xf32, #tpu.memory_space<vmem>>) dst(%dma_wait3A_1227 : memref<10112x128xf32, #tpu.memory_space<vmem_shared>>)
      tpu.yield
    }) : () -> ()
    %dma_start3A_236 = arith.constant 16 : i32
    %dma_start3A_237 = arith.constant 0 : i32
    %dma_start3A_238 = tpu.memref_slice %arg7[%dma_start3A_236, %dma_start3A_237] : memref<40x128xi32, #tpu.memory_space<vmem>> -> memref<1x128xi32, #tpu.memory_space<vmem>>
    %dma_start3A_239 = tpu.memref_squeeze %dma_start3A_238 : memref<1x128xi32, #tpu.memory_space<vmem>> -> memref<128xi32, #tpu.memory_space<vmem>>
    %dma_start3A_240 = arith.constant 0 : i32
    %dma_start3A_241 = arith.constant 0 : i32
    %dma_start3A_242 = tpu.memref_slice %arg2[%dma_start3A_240, %dma_start3A_241] : memref<20000x128xf32, #tpu.memory_space<hbm>> -> memref<20000x128xf32, #tpu.memory_space<hbm>>
    tpu.enqueue_indirect_dma source(%dma_start3A_242 : memref<20000x128xf32, #tpu.memory_space<hbm>>) target(%arg9 : memref<128x128xf32, #tpu.memory_space<vmem>>) offsets(%dma_start3A_239 : memref<128xi32, #tpu.memory_space<vmem>>) semaphore(%arg12 : memref<!tpu.dma_semaphore, #tpu.memory_space<semaphore_mem>>)
    %dma_wait3A_243 = arith.constant 15 : i32
    %dma_wait3A_244 = arith.constant 0 : i32
    %dma_wait3A_245 = tpu.memref_slice %arg7[%dma_wait3A_243, %dma_wait3A_244] : memref<40x128xi32, #tpu.memory_space<vmem>> -> memref<1x128xi32, #tpu.memory_space<vmem>>
    %dma_wait3A_246 = tpu.memref_squeeze %dma_wait3A_245 : memref<1x128xi32, #tpu.memory_space<vmem>> -> memref<128xi32, #tpu.memory_space<vmem>>
    %dma_wait3A_247 = arith.constant 0 : i32
    %dma_wait3A_248 = arith.constant 0 : i32
    %dma_wait3A_249 = tpu.memref_slice %arg2[%dma_wait3A_247, %dma_wait3A_248] : memref<20000x128xf32, #tpu.memory_space<hbm>> -> memref<20000x128xf32, #tpu.memory_space<hbm>>
    tpu.wait_indirect_dma semaphore(%arg13 : memref<!tpu.dma_semaphore, #tpu.memory_space<semaphore_mem>>) src(%dma_wait3A_249 : memref<20000x128xf32, #tpu.memory_space<hbm>>) dst(%arg10 : memref<128x128xf32, #tpu.memory_space<vmem>>)
    %run_scoped3A_250 = arith.constant 15 : i32
    "tpu.region"() ({
      %run_scoped3A_1215 = tpu.sem_alloc : memref<!tpu.dma_semaphore, #tpu.memory_space<semaphore_mem>>
      %dma_start3A_1216 = arith.constant 0 : i32
      %dma_start3A_1217 = tpu.memref_slice %arg8[%run_scoped3A_250, %dma_start3A_1216] : memref<40x128xi32, #tpu.memory_space<vmem>> -> memref<1x128xi32, #tpu.memory_space<vmem>>
      %dma_start3A_1218 = tpu.memref_squeeze %dma_start3A_1217 : memref<1x128xi32, #tpu.memory_space<vmem>> -> memref<128xi32, #tpu.memory_space<vmem>>
      %dma_start3A_1219 = arith.constant 0 : i32
      %dma_start3A_1220 = arith.constant 0 : i32
      %dma_start3A_1221 = tpu.memref_slice %arg11[%dma_start3A_1219, %dma_start3A_1220] : memref<10112x128xf32, #tpu.memory_space<vmem_shared>> -> memref<10112x128xf32, #tpu.memory_space<vmem_shared>>
      tpu.enqueue_indirect_dma source(%arg10 : memref<128x128xf32, #tpu.memory_space<vmem>>) target(%dma_start3A_1221 : memref<10112x128xf32, #tpu.memory_space<vmem_shared>>) offsets(%dma_start3A_1218 : memref<128xi32, #tpu.memory_space<vmem>>) semaphore(%run_scoped3A_1215 : memref<!tpu.dma_semaphore, #tpu.memory_space<semaphore_mem>>) {add = true}
      %dma_wait3A_1222 = arith.constant 0 : i32
      %dma_wait3A_1223 = tpu.memref_slice %arg8[%run_scoped3A_250, %dma_wait3A_1222] : memref<40x128xi32, #tpu.memory_space<vmem>> -> memref<1x128xi32, #tpu.memory_space<vmem>>
      %dma_wait3A_1224 = tpu.memref_squeeze %dma_wait3A_1223 : memref<1x128xi32, #tpu.memory_space<vmem>> -> memref<128xi32, #tpu.memory_space<vmem>>
      %dma_wait3A_1225 = arith.constant 0 : i32
      %dma_wait3A_1226 = arith.constant 0 : i32
      %dma_wait3A_1227 = tpu.memref_slice %arg11[%dma_wait3A_1225, %dma_wait3A_1226] : memref<10112x128xf32, #tpu.memory_space<vmem_shared>> -> memref<10112x128xf32, #tpu.memory_space<vmem_shared>>
      tpu.wait_indirect_dma semaphore(%run_scoped3A_1215 : memref<!tpu.dma_semaphore, #tpu.memory_space<semaphore_mem>>) src(%arg10 : memref<128x128xf32, #tpu.memory_space<vmem>>) dst(%dma_wait3A_1227 : memref<10112x128xf32, #tpu.memory_space<vmem_shared>>)
      tpu.yield
    }) : () -> ()
    %dma_start3A_251 = arith.constant 17 : i32
    %dma_start3A_252 = arith.constant 0 : i32
    %dma_start3A_253 = tpu.memref_slice %arg7[%dma_start3A_251, %dma_start3A_252] : memref<40x128xi32, #tpu.memory_space<vmem>> -> memref<1x128xi32, #tpu.memory_space<vmem>>
    %dma_start3A_254 = tpu.memref_squeeze %dma_start3A_253 : memref<1x128xi32, #tpu.memory_space<vmem>> -> memref<128xi32, #tpu.memory_space<vmem>>
    %dma_start3A_255 = arith.constant 0 : i32
    %dma_start3A_256 = arith.constant 0 : i32
    %dma_start3A_257 = tpu.memref_slice %arg2[%dma_start3A_255, %dma_start3A_256] : memref<20000x128xf32, #tpu.memory_space<hbm>> -> memref<20000x128xf32, #tpu.memory_space<hbm>>
    tpu.enqueue_indirect_dma source(%dma_start3A_257 : memref<20000x128xf32, #tpu.memory_space<hbm>>) target(%arg10 : memref<128x128xf32, #tpu.memory_space<vmem>>) offsets(%dma_start3A_254 : memref<128xi32, #tpu.memory_space<vmem>>) semaphore(%arg13 : memref<!tpu.dma_semaphore, #tpu.memory_space<semaphore_mem>>)
    %dma_wait3A_258 = arith.constant 16 : i32
    %dma_wait3A_259 = arith.constant 0 : i32
    %dma_wait3A_260 = tpu.memref_slice %arg7[%dma_wait3A_258, %dma_wait3A_259] : memref<40x128xi32, #tpu.memory_space<vmem>> -> memref<1x128xi32, #tpu.memory_space<vmem>>
    %dma_wait3A_261 = tpu.memref_squeeze %dma_wait3A_260 : memref<1x128xi32, #tpu.memory_space<vmem>> -> memref<128xi32, #tpu.memory_space<vmem>>
    %dma_wait3A_262 = arith.constant 0 : i32
    %dma_wait3A_263 = arith.constant 0 : i32
    %dma_wait3A_264 = tpu.memref_slice %arg2[%dma_wait3A_262, %dma_wait3A_263] : memref<20000x128xf32, #tpu.memory_space<hbm>> -> memref<20000x128xf32, #tpu.memory_space<hbm>>
    tpu.wait_indirect_dma semaphore(%arg12 : memref<!tpu.dma_semaphore, #tpu.memory_space<semaphore_mem>>) src(%dma_wait3A_264 : memref<20000x128xf32, #tpu.memory_space<hbm>>) dst(%arg9 : memref<128x128xf32, #tpu.memory_space<vmem>>)
    %run_scoped3A_265 = arith.constant 16 : i32
    "tpu.region"() ({
      %run_scoped3A_1215 = tpu.sem_alloc : memref<!tpu.dma_semaphore, #tpu.memory_space<semaphore_mem>>
      %dma_start3A_1216 = arith.constant 0 : i32
      %dma_start3A_1217 = tpu.memref_slice %arg8[%run_scoped3A_265, %dma_start3A_1216] : memref<40x128xi32, #tpu.memory_space<vmem>> -> memref<1x128xi32, #tpu.memory_space<vmem>>
      %dma_start3A_1218 = tpu.memref_squeeze %dma_start3A_1217 : memref<1x128xi32, #tpu.memory_space<vmem>> -> memref<128xi32, #tpu.memory_space<vmem>>
      %dma_start3A_1219 = arith.constant 0 : i32
      %dma_start3A_1220 = arith.constant 0 : i32
      %dma_start3A_1221 = tpu.memref_slice %arg11[%dma_start3A_1219, %dma_start3A_1220] : memref<10112x128xf32, #tpu.memory_space<vmem_shared>> -> memref<10112x128xf32, #tpu.memory_space<vmem_shared>>
      tpu.enqueue_indirect_dma source(%arg9 : memref<128x128xf32, #tpu.memory_space<vmem>>) target(%dma_start3A_1221 : memref<10112x128xf32, #tpu.memory_space<vmem_shared>>) offsets(%dma_start3A_1218 : memref<128xi32, #tpu.memory_space<vmem>>) semaphore(%run_scoped3A_1215 : memref<!tpu.dma_semaphore, #tpu.memory_space<semaphore_mem>>) {add = true}
      %dma_wait3A_1222 = arith.constant 0 : i32
      %dma_wait3A_1223 = tpu.memref_slice %arg8[%run_scoped3A_265, %dma_wait3A_1222] : memref<40x128xi32, #tpu.memory_space<vmem>> -> memref<1x128xi32, #tpu.memory_space<vmem>>
      %dma_wait3A_1224 = tpu.memref_squeeze %dma_wait3A_1223 : memref<1x128xi32, #tpu.memory_space<vmem>> -> memref<128xi32, #tpu.memory_space<vmem>>
      %dma_wait3A_1225 = arith.constant 0 : i32
      %dma_wait3A_1226 = arith.constant 0 : i32
      %dma_wait3A_1227 = tpu.memref_slice %arg11[%dma_wait3A_1225, %dma_wait3A_1226] : memref<10112x128xf32, #tpu.memory_space<vmem_shared>> -> memref<10112x128xf32, #tpu.memory_space<vmem_shared>>
      tpu.wait_indirect_dma semaphore(%run_scoped3A_1215 : memref<!tpu.dma_semaphore, #tpu.memory_space<semaphore_mem>>) src(%arg9 : memref<128x128xf32, #tpu.memory_space<vmem>>) dst(%dma_wait3A_1227 : memref<10112x128xf32, #tpu.memory_space<vmem_shared>>)
      tpu.yield
    }) : () -> ()
    %dma_start3A_266 = arith.constant 18 : i32
    %dma_start3A_267 = arith.constant 0 : i32
    %dma_start3A_268 = tpu.memref_slice %arg7[%dma_start3A_266, %dma_start3A_267] : memref<40x128xi32, #tpu.memory_space<vmem>> -> memref<1x128xi32, #tpu.memory_space<vmem>>
    %dma_start3A_269 = tpu.memref_squeeze %dma_start3A_268 : memref<1x128xi32, #tpu.memory_space<vmem>> -> memref<128xi32, #tpu.memory_space<vmem>>
    %dma_start3A_270 = arith.constant 0 : i32
    %dma_start3A_271 = arith.constant 0 : i32
    %dma_start3A_272 = tpu.memref_slice %arg2[%dma_start3A_270, %dma_start3A_271] : memref<20000x128xf32, #tpu.memory_space<hbm>> -> memref<20000x128xf32, #tpu.memory_space<hbm>>
    tpu.enqueue_indirect_dma source(%dma_start3A_272 : memref<20000x128xf32, #tpu.memory_space<hbm>>) target(%arg9 : memref<128x128xf32, #tpu.memory_space<vmem>>) offsets(%dma_start3A_269 : memref<128xi32, #tpu.memory_space<vmem>>) semaphore(%arg12 : memref<!tpu.dma_semaphore, #tpu.memory_space<semaphore_mem>>)
    %dma_wait3A_273 = arith.constant 17 : i32
    %dma_wait3A_274 = arith.constant 0 : i32
    %dma_wait3A_275 = tpu.memref_slice %arg7[%dma_wait3A_273, %dma_wait3A_274] : memref<40x128xi32, #tpu.memory_space<vmem>> -> memref<1x128xi32, #tpu.memory_space<vmem>>
    %dma_wait3A_276 = tpu.memref_squeeze %dma_wait3A_275 : memref<1x128xi32, #tpu.memory_space<vmem>> -> memref<128xi32, #tpu.memory_space<vmem>>
    %dma_wait3A_277 = arith.constant 0 : i32
    %dma_wait3A_278 = arith.constant 0 : i32
    %dma_wait3A_279 = tpu.memref_slice %arg2[%dma_wait3A_277, %dma_wait3A_278] : memref<20000x128xf32, #tpu.memory_space<hbm>> -> memref<20000x128xf32, #tpu.memory_space<hbm>>
    tpu.wait_indirect_dma semaphore(%arg13 : memref<!tpu.dma_semaphore, #tpu.memory_space<semaphore_mem>>) src(%dma_wait3A_279 : memref<20000x128xf32, #tpu.memory_space<hbm>>) dst(%arg10 : memref<128x128xf32, #tpu.memory_space<vmem>>)
    %run_scoped3A_280 = arith.constant 17 : i32
    "tpu.region"() ({
      %run_scoped3A_1215 = tpu.sem_alloc : memref<!tpu.dma_semaphore, #tpu.memory_space<semaphore_mem>>
      %dma_start3A_1216 = arith.constant 0 : i32
      %dma_start3A_1217 = tpu.memref_slice %arg8[%run_scoped3A_280, %dma_start3A_1216] : memref<40x128xi32, #tpu.memory_space<vmem>> -> memref<1x128xi32, #tpu.memory_space<vmem>>
      %dma_start3A_1218 = tpu.memref_squeeze %dma_start3A_1217 : memref<1x128xi32, #tpu.memory_space<vmem>> -> memref<128xi32, #tpu.memory_space<vmem>>
      %dma_start3A_1219 = arith.constant 0 : i32
      %dma_start3A_1220 = arith.constant 0 : i32
      %dma_start3A_1221 = tpu.memref_slice %arg11[%dma_start3A_1219, %dma_start3A_1220] : memref<10112x128xf32, #tpu.memory_space<vmem_shared>> -> memref<10112x128xf32, #tpu.memory_space<vmem_shared>>
      tpu.enqueue_indirect_dma source(%arg10 : memref<128x128xf32, #tpu.memory_space<vmem>>) target(%dma_start3A_1221 : memref<10112x128xf32, #tpu.memory_space<vmem_shared>>) offsets(%dma_start3A_1218 : memref<128xi32, #tpu.memory_space<vmem>>) semaphore(%run_scoped3A_1215 : memref<!tpu.dma_semaphore, #tpu.memory_space<semaphore_mem>>) {add = true}
      %dma_wait3A_1222 = arith.constant 0 : i32
      %dma_wait3A_1223 = tpu.memref_slice %arg8[%run_scoped3A_280, %dma_wait3A_1222] : memref<40x128xi32, #tpu.memory_space<vmem>> -> memref<1x128xi32, #tpu.memory_space<vmem>>
      %dma_wait3A_1224 = tpu.memref_squeeze %dma_wait3A_1223 : memref<1x128xi32, #tpu.memory_space<vmem>> -> memref<128xi32, #tpu.memory_space<vmem>>
      %dma_wait3A_1225 = arith.constant 0 : i32
      %dma_wait3A_1226 = arith.constant 0 : i32
      %dma_wait3A_1227 = tpu.memref_slice %arg11[%dma_wait3A_1225, %dma_wait3A_1226] : memref<10112x128xf32, #tpu.memory_space<vmem_shared>> -> memref<10112x128xf32, #tpu.memory_space<vmem_shared>>
      tpu.wait_indirect_dma semaphore(%run_scoped3A_1215 : memref<!tpu.dma_semaphore, #tpu.memory_space<semaphore_mem>>) src(%arg10 : memref<128x128xf32, #tpu.memory_space<vmem>>) dst(%dma_wait3A_1227 : memref<10112x128xf32, #tpu.memory_space<vmem_shared>>)
      tpu.yield
    }) : () -> ()
    %dma_start3A_281 = arith.constant 19 : i32
    %dma_start3A_282 = arith.constant 0 : i32
    %dma_start3A_283 = tpu.memref_slice %arg7[%dma_start3A_281, %dma_start3A_282] : memref<40x128xi32, #tpu.memory_space<vmem>> -> memref<1x128xi32, #tpu.memory_space<vmem>>
    %dma_start3A_284 = tpu.memref_squeeze %dma_start3A_283 : memref<1x128xi32, #tpu.memory_space<vmem>> -> memref<128xi32, #tpu.memory_space<vmem>>
    %dma_start3A_285 = arith.constant 0 : i32
    %dma_start3A_286 = arith.constant 0 : i32
    %dma_start3A_287 = tpu.memref_slice %arg2[%dma_start3A_285, %dma_start3A_286] : memref<20000x128xf32, #tpu.memory_space<hbm>> -> memref<20000x128xf32, #tpu.memory_space<hbm>>
    tpu.enqueue_indirect_dma source(%dma_start3A_287 : memref<20000x128xf32, #tpu.memory_space<hbm>>) target(%arg10 : memref<128x128xf32, #tpu.memory_space<vmem>>) offsets(%dma_start3A_284 : memref<128xi32, #tpu.memory_space<vmem>>) semaphore(%arg13 : memref<!tpu.dma_semaphore, #tpu.memory_space<semaphore_mem>>)
    %dma_wait3A_288 = arith.constant 18 : i32
    %dma_wait3A_289 = arith.constant 0 : i32
    %dma_wait3A_290 = tpu.memref_slice %arg7[%dma_wait3A_288, %dma_wait3A_289] : memref<40x128xi32, #tpu.memory_space<vmem>> -> memref<1x128xi32, #tpu.memory_space<vmem>>
    %dma_wait3A_291 = tpu.memref_squeeze %dma_wait3A_290 : memref<1x128xi32, #tpu.memory_space<vmem>> -> memref<128xi32, #tpu.memory_space<vmem>>
    %dma_wait3A_292 = arith.constant 0 : i32
    %dma_wait3A_293 = arith.constant 0 : i32
    %dma_wait3A_294 = tpu.memref_slice %arg2[%dma_wait3A_292, %dma_wait3A_293] : memref<20000x128xf32, #tpu.memory_space<hbm>> -> memref<20000x128xf32, #tpu.memory_space<hbm>>
    tpu.wait_indirect_dma semaphore(%arg12 : memref<!tpu.dma_semaphore, #tpu.memory_space<semaphore_mem>>) src(%dma_wait3A_294 : memref<20000x128xf32, #tpu.memory_space<hbm>>) dst(%arg9 : memref<128x128xf32, #tpu.memory_space<vmem>>)
    %run_scoped3A_295 = arith.constant 18 : i32
    "tpu.region"() ({
      %run_scoped3A_1215 = tpu.sem_alloc : memref<!tpu.dma_semaphore, #tpu.memory_space<semaphore_mem>>
      %dma_start3A_1216 = arith.constant 0 : i32
      %dma_start3A_1217 = tpu.memref_slice %arg8[%run_scoped3A_295, %dma_start3A_1216] : memref<40x128xi32, #tpu.memory_space<vmem>> -> memref<1x128xi32, #tpu.memory_space<vmem>>
      %dma_start3A_1218 = tpu.memref_squeeze %dma_start3A_1217 : memref<1x128xi32, #tpu.memory_space<vmem>> -> memref<128xi32, #tpu.memory_space<vmem>>
      %dma_start3A_1219 = arith.constant 0 : i32
      %dma_start3A_1220 = arith.constant 0 : i32
      %dma_start3A_1221 = tpu.memref_slice %arg11[%dma_start3A_1219, %dma_start3A_1220] : memref<10112x128xf32, #tpu.memory_space<vmem_shared>> -> memref<10112x128xf32, #tpu.memory_space<vmem_shared>>
      tpu.enqueue_indirect_dma source(%arg9 : memref<128x128xf32, #tpu.memory_space<vmem>>) target(%dma_start3A_1221 : memref<10112x128xf32, #tpu.memory_space<vmem_shared>>) offsets(%dma_start3A_1218 : memref<128xi32, #tpu.memory_space<vmem>>) semaphore(%run_scoped3A_1215 : memref<!tpu.dma_semaphore, #tpu.memory_space<semaphore_mem>>) {add = true}
      %dma_wait3A_1222 = arith.constant 0 : i32
      %dma_wait3A_1223 = tpu.memref_slice %arg8[%run_scoped3A_295, %dma_wait3A_1222] : memref<40x128xi32, #tpu.memory_space<vmem>> -> memref<1x128xi32, #tpu.memory_space<vmem>>
      %dma_wait3A_1224 = tpu.memref_squeeze %dma_wait3A_1223 : memref<1x128xi32, #tpu.memory_space<vmem>> -> memref<128xi32, #tpu.memory_space<vmem>>
      %dma_wait3A_1225 = arith.constant 0 : i32
      %dma_wait3A_1226 = arith.constant 0 : i32
      %dma_wait3A_1227 = tpu.memref_slice %arg11[%dma_wait3A_1225, %dma_wait3A_1226] : memref<10112x128xf32, #tpu.memory_space<vmem_shared>> -> memref<10112x128xf32, #tpu.memory_space<vmem_shared>>
      tpu.wait_indirect_dma semaphore(%run_scoped3A_1215 : memref<!tpu.dma_semaphore, #tpu.memory_space<semaphore_mem>>) src(%arg9 : memref<128x128xf32, #tpu.memory_space<vmem>>) dst(%dma_wait3A_1227 : memref<10112x128xf32, #tpu.memory_space<vmem_shared>>)
      tpu.yield
    }) : () -> ()
    %dma_start3A_296 = arith.constant 20 : i32
    %dma_start3A_297 = arith.constant 0 : i32
    %dma_start3A_298 = tpu.memref_slice %arg7[%dma_start3A_296, %dma_start3A_297] : memref<40x128xi32, #tpu.memory_space<vmem>> -> memref<1x128xi32, #tpu.memory_space<vmem>>
    %dma_start3A_299 = tpu.memref_squeeze %dma_start3A_298 : memref<1x128xi32, #tpu.memory_space<vmem>> -> memref<128xi32, #tpu.memory_space<vmem>>
    %dma_start3A_300 = arith.constant 0 : i32
    %dma_start3A_301 = arith.constant 0 : i32
    %dma_start3A_302 = tpu.memref_slice %arg2[%dma_start3A_300, %dma_start3A_301] : memref<20000x128xf32, #tpu.memory_space<hbm>> -> memref<20000x128xf32, #tpu.memory_space<hbm>>
    tpu.enqueue_indirect_dma source(%dma_start3A_302 : memref<20000x128xf32, #tpu.memory_space<hbm>>) target(%arg9 : memref<128x128xf32, #tpu.memory_space<vmem>>) offsets(%dma_start3A_299 : memref<128xi32, #tpu.memory_space<vmem>>) semaphore(%arg12 : memref<!tpu.dma_semaphore, #tpu.memory_space<semaphore_mem>>)
    %dma_wait3A_303 = arith.constant 19 : i32
    %dma_wait3A_304 = arith.constant 0 : i32
    %dma_wait3A_305 = tpu.memref_slice %arg7[%dma_wait3A_303, %dma_wait3A_304] : memref<40x128xi32, #tpu.memory_space<vmem>> -> memref<1x128xi32, #tpu.memory_space<vmem>>
    %dma_wait3A_306 = tpu.memref_squeeze %dma_wait3A_305 : memref<1x128xi32, #tpu.memory_space<vmem>> -> memref<128xi32, #tpu.memory_space<vmem>>
    %dma_wait3A_307 = arith.constant 0 : i32
    %dma_wait3A_308 = arith.constant 0 : i32
    %dma_wait3A_309 = tpu.memref_slice %arg2[%dma_wait3A_307, %dma_wait3A_308] : memref<20000x128xf32, #tpu.memory_space<hbm>> -> memref<20000x128xf32, #tpu.memory_space<hbm>>
    tpu.wait_indirect_dma semaphore(%arg13 : memref<!tpu.dma_semaphore, #tpu.memory_space<semaphore_mem>>) src(%dma_wait3A_309 : memref<20000x128xf32, #tpu.memory_space<hbm>>) dst(%arg10 : memref<128x128xf32, #tpu.memory_space<vmem>>)
    %run_scoped3A_310 = arith.constant 19 : i32
    "tpu.region"() ({
      %run_scoped3A_1215 = tpu.sem_alloc : memref<!tpu.dma_semaphore, #tpu.memory_space<semaphore_mem>>
      %dma_start3A_1216 = arith.constant 0 : i32
      %dma_start3A_1217 = tpu.memref_slice %arg8[%run_scoped3A_310, %dma_start3A_1216] : memref<40x128xi32, #tpu.memory_space<vmem>> -> memref<1x128xi32, #tpu.memory_space<vmem>>
      %dma_start3A_1218 = tpu.memref_squeeze %dma_start3A_1217 : memref<1x128xi32, #tpu.memory_space<vmem>> -> memref<128xi32, #tpu.memory_space<vmem>>
      %dma_start3A_1219 = arith.constant 0 : i32
      %dma_start3A_1220 = arith.constant 0 : i32
      %dma_start3A_1221 = tpu.memref_slice %arg11[%dma_start3A_1219, %dma_start3A_1220] : memref<10112x128xf32, #tpu.memory_space<vmem_shared>> -> memref<10112x128xf32, #tpu.memory_space<vmem_shared>>
      tpu.enqueue_indirect_dma source(%arg10 : memref<128x128xf32, #tpu.memory_space<vmem>>) target(%dma_start3A_1221 : memref<10112x128xf32, #tpu.memory_space<vmem_shared>>) offsets(%dma_start3A_1218 : memref<128xi32, #tpu.memory_space<vmem>>) semaphore(%run_scoped3A_1215 : memref<!tpu.dma_semaphore, #tpu.memory_space<semaphore_mem>>) {add = true}
      %dma_wait3A_1222 = arith.constant 0 : i32
      %dma_wait3A_1223 = tpu.memref_slice %arg8[%run_scoped3A_310, %dma_wait3A_1222] : memref<40x128xi32, #tpu.memory_space<vmem>> -> memref<1x128xi32, #tpu.memory_space<vmem>>
      %dma_wait3A_1224 = tpu.memref_squeeze %dma_wait3A_1223 : memref<1x128xi32, #tpu.memory_space<vmem>> -> memref<128xi32, #tpu.memory_space<vmem>>
      %dma_wait3A_1225 = arith.constant 0 : i32
      %dma_wait3A_1226 = arith.constant 0 : i32
      %dma_wait3A_1227 = tpu.memref_slice %arg11[%dma_wait3A_1225, %dma_wait3A_1226] : memref<10112x128xf32, #tpu.memory_space<vmem_shared>> -> memref<10112x128xf32, #tpu.memory_space<vmem_shared>>
      tpu.wait_indirect_dma semaphore(%run_scoped3A_1215 : memref<!tpu.dma_semaphore, #tpu.memory_space<semaphore_mem>>) src(%arg10 : memref<128x128xf32, #tpu.memory_space<vmem>>) dst(%dma_wait3A_1227 : memref<10112x128xf32, #tpu.memory_space<vmem_shared>>)
      tpu.yield
    }) : () -> ()
    %dma_start3A_311 = arith.constant 21 : i32
    %dma_start3A_312 = arith.constant 0 : i32
    %dma_start3A_313 = tpu.memref_slice %arg7[%dma_start3A_311, %dma_start3A_312] : memref<40x128xi32, #tpu.memory_space<vmem>> -> memref<1x128xi32, #tpu.memory_space<vmem>>
    %dma_start3A_314 = tpu.memref_squeeze %dma_start3A_313 : memref<1x128xi32, #tpu.memory_space<vmem>> -> memref<128xi32, #tpu.memory_space<vmem>>
    %dma_start3A_315 = arith.constant 0 : i32
    %dma_start3A_316 = arith.constant 0 : i32
    %dma_start3A_317 = tpu.memref_slice %arg2[%dma_start3A_315, %dma_start3A_316] : memref<20000x128xf32, #tpu.memory_space<hbm>> -> memref<20000x128xf32, #tpu.memory_space<hbm>>
    tpu.enqueue_indirect_dma source(%dma_start3A_317 : memref<20000x128xf32, #tpu.memory_space<hbm>>) target(%arg10 : memref<128x128xf32, #tpu.memory_space<vmem>>) offsets(%dma_start3A_314 : memref<128xi32, #tpu.memory_space<vmem>>) semaphore(%arg13 : memref<!tpu.dma_semaphore, #tpu.memory_space<semaphore_mem>>)
    %dma_wait3A_318 = arith.constant 20 : i32
    %dma_wait3A_319 = arith.constant 0 : i32
    %dma_wait3A_320 = tpu.memref_slice %arg7[%dma_wait3A_318, %dma_wait3A_319] : memref<40x128xi32, #tpu.memory_space<vmem>> -> memref<1x128xi32, #tpu.memory_space<vmem>>
    %dma_wait3A_321 = tpu.memref_squeeze %dma_wait3A_320 : memref<1x128xi32, #tpu.memory_space<vmem>> -> memref<128xi32, #tpu.memory_space<vmem>>
    %dma_wait3A_322 = arith.constant 0 : i32
    %dma_wait3A_323 = arith.constant 0 : i32
    %dma_wait3A_324 = tpu.memref_slice %arg2[%dma_wait3A_322, %dma_wait3A_323] : memref<20000x128xf32, #tpu.memory_space<hbm>> -> memref<20000x128xf32, #tpu.memory_space<hbm>>
    tpu.wait_indirect_dma semaphore(%arg12 : memref<!tpu.dma_semaphore, #tpu.memory_space<semaphore_mem>>) src(%dma_wait3A_324 : memref<20000x128xf32, #tpu.memory_space<hbm>>) dst(%arg9 : memref<128x128xf32, #tpu.memory_space<vmem>>)
    %run_scoped3A_325 = arith.constant 20 : i32
    "tpu.region"() ({
      %run_scoped3A_1215 = tpu.sem_alloc : memref<!tpu.dma_semaphore, #tpu.memory_space<semaphore_mem>>
      %dma_start3A_1216 = arith.constant 0 : i32
      %dma_start3A_1217 = tpu.memref_slice %arg8[%run_scoped3A_325, %dma_start3A_1216] : memref<40x128xi32, #tpu.memory_space<vmem>> -> memref<1x128xi32, #tpu.memory_space<vmem>>
      %dma_start3A_1218 = tpu.memref_squeeze %dma_start3A_1217 : memref<1x128xi32, #tpu.memory_space<vmem>> -> memref<128xi32, #tpu.memory_space<vmem>>
      %dma_start3A_1219 = arith.constant 0 : i32
      %dma_start3A_1220 = arith.constant 0 : i32
      %dma_start3A_1221 = tpu.memref_slice %arg11[%dma_start3A_1219, %dma_start3A_1220] : memref<10112x128xf32, #tpu.memory_space<vmem_shared>> -> memref<10112x128xf32, #tpu.memory_space<vmem_shared>>
      tpu.enqueue_indirect_dma source(%arg9 : memref<128x128xf32, #tpu.memory_space<vmem>>) target(%dma_start3A_1221 : memref<10112x128xf32, #tpu.memory_space<vmem_shared>>) offsets(%dma_start3A_1218 : memref<128xi32, #tpu.memory_space<vmem>>) semaphore(%run_scoped3A_1215 : memref<!tpu.dma_semaphore, #tpu.memory_space<semaphore_mem>>) {add = true}
      %dma_wait3A_1222 = arith.constant 0 : i32
      %dma_wait3A_1223 = tpu.memref_slice %arg8[%run_scoped3A_325, %dma_wait3A_1222] : memref<40x128xi32, #tpu.memory_space<vmem>> -> memref<1x128xi32, #tpu.memory_space<vmem>>
      %dma_wait3A_1224 = tpu.memref_squeeze %dma_wait3A_1223 : memref<1x128xi32, #tpu.memory_space<vmem>> -> memref<128xi32, #tpu.memory_space<vmem>>
      %dma_wait3A_1225 = arith.constant 0 : i32
      %dma_wait3A_1226 = arith.constant 0 : i32
      %dma_wait3A_1227 = tpu.memref_slice %arg11[%dma_wait3A_1225, %dma_wait3A_1226] : memref<10112x128xf32, #tpu.memory_space<vmem_shared>> -> memref<10112x128xf32, #tpu.memory_space<vmem_shared>>
      tpu.wait_indirect_dma semaphore(%run_scoped3A_1215 : memref<!tpu.dma_semaphore, #tpu.memory_space<semaphore_mem>>) src(%arg9 : memref<128x128xf32, #tpu.memory_space<vmem>>) dst(%dma_wait3A_1227 : memref<10112x128xf32, #tpu.memory_space<vmem_shared>>)
      tpu.yield
    }) : () -> ()
    %dma_start3A_326 = arith.constant 22 : i32
    %dma_start3A_327 = arith.constant 0 : i32
    %dma_start3A_328 = tpu.memref_slice %arg7[%dma_start3A_326, %dma_start3A_327] : memref<40x128xi32, #tpu.memory_space<vmem>> -> memref<1x128xi32, #tpu.memory_space<vmem>>
    %dma_start3A_329 = tpu.memref_squeeze %dma_start3A_328 : memref<1x128xi32, #tpu.memory_space<vmem>> -> memref<128xi32, #tpu.memory_space<vmem>>
    %dma_start3A_330 = arith.constant 0 : i32
    %dma_start3A_331 = arith.constant 0 : i32
    %dma_start3A_332 = tpu.memref_slice %arg2[%dma_start3A_330, %dma_start3A_331] : memref<20000x128xf32, #tpu.memory_space<hbm>> -> memref<20000x128xf32, #tpu.memory_space<hbm>>
    tpu.enqueue_indirect_dma source(%dma_start3A_332 : memref<20000x128xf32, #tpu.memory_space<hbm>>) target(%arg9 : memref<128x128xf32, #tpu.memory_space<vmem>>) offsets(%dma_start3A_329 : memref<128xi32, #tpu.memory_space<vmem>>) semaphore(%arg12 : memref<!tpu.dma_semaphore, #tpu.memory_space<semaphore_mem>>)
    %dma_wait3A_333 = arith.constant 21 : i32
    %dma_wait3A_334 = arith.constant 0 : i32
    %dma_wait3A_335 = tpu.memref_slice %arg7[%dma_wait3A_333, %dma_wait3A_334] : memref<40x128xi32, #tpu.memory_space<vmem>> -> memref<1x128xi32, #tpu.memory_space<vmem>>
    %dma_wait3A_336 = tpu.memref_squeeze %dma_wait3A_335 : memref<1x128xi32, #tpu.memory_space<vmem>> -> memref<128xi32, #tpu.memory_space<vmem>>
    %dma_wait3A_337 = arith.constant 0 : i32
    %dma_wait3A_338 = arith.constant 0 : i32
    %dma_wait3A_339 = tpu.memref_slice %arg2[%dma_wait3A_337, %dma_wait3A_338] : memref<20000x128xf32, #tpu.memory_space<hbm>> -> memref<20000x128xf32, #tpu.memory_space<hbm>>
    tpu.wait_indirect_dma semaphore(%arg13 : memref<!tpu.dma_semaphore, #tpu.memory_space<semaphore_mem>>) src(%dma_wait3A_339 : memref<20000x128xf32, #tpu.memory_space<hbm>>) dst(%arg10 : memref<128x128xf32, #tpu.memory_space<vmem>>)
    %run_scoped3A_340 = arith.constant 21 : i32
    "tpu.region"() ({
      %run_scoped3A_1215 = tpu.sem_alloc : memref<!tpu.dma_semaphore, #tpu.memory_space<semaphore_mem>>
      %dma_start3A_1216 = arith.constant 0 : i32
      %dma_start3A_1217 = tpu.memref_slice %arg8[%run_scoped3A_340, %dma_start3A_1216] : memref<40x128xi32, #tpu.memory_space<vmem>> -> memref<1x128xi32, #tpu.memory_space<vmem>>
      %dma_start3A_1218 = tpu.memref_squeeze %dma_start3A_1217 : memref<1x128xi32, #tpu.memory_space<vmem>> -> memref<128xi32, #tpu.memory_space<vmem>>
      %dma_start3A_1219 = arith.constant 0 : i32
      %dma_start3A_1220 = arith.constant 0 : i32
      %dma_start3A_1221 = tpu.memref_slice %arg11[%dma_start3A_1219, %dma_start3A_1220] : memref<10112x128xf32, #tpu.memory_space<vmem_shared>> -> memref<10112x128xf32, #tpu.memory_space<vmem_shared>>
      tpu.enqueue_indirect_dma source(%arg10 : memref<128x128xf32, #tpu.memory_space<vmem>>) target(%dma_start3A_1221 : memref<10112x128xf32, #tpu.memory_space<vmem_shared>>) offsets(%dma_start3A_1218 : memref<128xi32, #tpu.memory_space<vmem>>) semaphore(%run_scoped3A_1215 : memref<!tpu.dma_semaphore, #tpu.memory_space<semaphore_mem>>) {add = true}
      %dma_wait3A_1222 = arith.constant 0 : i32
      %dma_wait3A_1223 = tpu.memref_slice %arg8[%run_scoped3A_340, %dma_wait3A_1222] : memref<40x128xi32, #tpu.memory_space<vmem>> -> memref<1x128xi32, #tpu.memory_space<vmem>>
      %dma_wait3A_1224 = tpu.memref_squeeze %dma_wait3A_1223 : memref<1x128xi32, #tpu.memory_space<vmem>> -> memref<128xi32, #tpu.memory_space<vmem>>
      %dma_wait3A_1225 = arith.constant 0 : i32
      %dma_wait3A_1226 = arith.constant 0 : i32
      %dma_wait3A_1227 = tpu.memref_slice %arg11[%dma_wait3A_1225, %dma_wait3A_1226] : memref<10112x128xf32, #tpu.memory_space<vmem_shared>> -> memref<10112x128xf32, #tpu.memory_space<vmem_shared>>
      tpu.wait_indirect_dma semaphore(%run_scoped3A_1215 : memref<!tpu.dma_semaphore, #tpu.memory_space<semaphore_mem>>) src(%arg10 : memref<128x128xf32, #tpu.memory_space<vmem>>) dst(%dma_wait3A_1227 : memref<10112x128xf32, #tpu.memory_space<vmem_shared>>)
      tpu.yield
    }) : () -> ()
    %dma_start3A_341 = arith.constant 23 : i32
    %dma_start3A_342 = arith.constant 0 : i32
    %dma_start3A_343 = tpu.memref_slice %arg7[%dma_start3A_341, %dma_start3A_342] : memref<40x128xi32, #tpu.memory_space<vmem>> -> memref<1x128xi32, #tpu.memory_space<vmem>>
    %dma_start3A_344 = tpu.memref_squeeze %dma_start3A_343 : memref<1x128xi32, #tpu.memory_space<vmem>> -> memref<128xi32, #tpu.memory_space<vmem>>
    %dma_start3A_345 = arith.constant 0 : i32
    %dma_start3A_346 = arith.constant 0 : i32
    %dma_start3A_347 = tpu.memref_slice %arg2[%dma_start3A_345, %dma_start3A_346] : memref<20000x128xf32, #tpu.memory_space<hbm>> -> memref<20000x128xf32, #tpu.memory_space<hbm>>
    tpu.enqueue_indirect_dma source(%dma_start3A_347 : memref<20000x128xf32, #tpu.memory_space<hbm>>) target(%arg10 : memref<128x128xf32, #tpu.memory_space<vmem>>) offsets(%dma_start3A_344 : memref<128xi32, #tpu.memory_space<vmem>>) semaphore(%arg13 : memref<!tpu.dma_semaphore, #tpu.memory_space<semaphore_mem>>)
    %dma_wait3A_348 = arith.constant 22 : i32
    %dma_wait3A_349 = arith.constant 0 : i32
    %dma_wait3A_350 = tpu.memref_slice %arg7[%dma_wait3A_348, %dma_wait3A_349] : memref<40x128xi32, #tpu.memory_space<vmem>> -> memref<1x128xi32, #tpu.memory_space<vmem>>
    %dma_wait3A_351 = tpu.memref_squeeze %dma_wait3A_350 : memref<1x128xi32, #tpu.memory_space<vmem>> -> memref<128xi32, #tpu.memory_space<vmem>>
    %dma_wait3A_352 = arith.constant 0 : i32
    %dma_wait3A_353 = arith.constant 0 : i32
    %dma_wait3A_354 = tpu.memref_slice %arg2[%dma_wait3A_352, %dma_wait3A_353] : memref<20000x128xf32, #tpu.memory_space<hbm>> -> memref<20000x128xf32, #tpu.memory_space<hbm>>
    tpu.wait_indirect_dma semaphore(%arg12 : memref<!tpu.dma_semaphore, #tpu.memory_space<semaphore_mem>>) src(%dma_wait3A_354 : memref<20000x128xf32, #tpu.memory_space<hbm>>) dst(%arg9 : memref<128x128xf32, #tpu.memory_space<vmem>>)
    %run_scoped3A_355 = arith.constant 22 : i32
    "tpu.region"() ({
      %run_scoped3A_1215 = tpu.sem_alloc : memref<!tpu.dma_semaphore, #tpu.memory_space<semaphore_mem>>
      %dma_start3A_1216 = arith.constant 0 : i32
      %dma_start3A_1217 = tpu.memref_slice %arg8[%run_scoped3A_355, %dma_start3A_1216] : memref<40x128xi32, #tpu.memory_space<vmem>> -> memref<1x128xi32, #tpu.memory_space<vmem>>
      %dma_start3A_1218 = tpu.memref_squeeze %dma_start3A_1217 : memref<1x128xi32, #tpu.memory_space<vmem>> -> memref<128xi32, #tpu.memory_space<vmem>>
      %dma_start3A_1219 = arith.constant 0 : i32
      %dma_start3A_1220 = arith.constant 0 : i32
      %dma_start3A_1221 = tpu.memref_slice %arg11[%dma_start3A_1219, %dma_start3A_1220] : memref<10112x128xf32, #tpu.memory_space<vmem_shared>> -> memref<10112x128xf32, #tpu.memory_space<vmem_shared>>
      tpu.enqueue_indirect_dma source(%arg9 : memref<128x128xf32, #tpu.memory_space<vmem>>) target(%dma_start3A_1221 : memref<10112x128xf32, #tpu.memory_space<vmem_shared>>) offsets(%dma_start3A_1218 : memref<128xi32, #tpu.memory_space<vmem>>) semaphore(%run_scoped3A_1215 : memref<!tpu.dma_semaphore, #tpu.memory_space<semaphore_mem>>) {add = true}
      %dma_wait3A_1222 = arith.constant 0 : i32
      %dma_wait3A_1223 = tpu.memref_slice %arg8[%run_scoped3A_355, %dma_wait3A_1222] : memref<40x128xi32, #tpu.memory_space<vmem>> -> memref<1x128xi32, #tpu.memory_space<vmem>>
      %dma_wait3A_1224 = tpu.memref_squeeze %dma_wait3A_1223 : memref<1x128xi32, #tpu.memory_space<vmem>> -> memref<128xi32, #tpu.memory_space<vmem>>
      %dma_wait3A_1225 = arith.constant 0 : i32
      %dma_wait3A_1226 = arith.constant 0 : i32
      %dma_wait3A_1227 = tpu.memref_slice %arg11[%dma_wait3A_1225, %dma_wait3A_1226] : memref<10112x128xf32, #tpu.memory_space<vmem_shared>> -> memref<10112x128xf32, #tpu.memory_space<vmem_shared>>
      tpu.wait_indirect_dma semaphore(%run_scoped3A_1215 : memref<!tpu.dma_semaphore, #tpu.memory_space<semaphore_mem>>) src(%arg9 : memref<128x128xf32, #tpu.memory_space<vmem>>) dst(%dma_wait3A_1227 : memref<10112x128xf32, #tpu.memory_space<vmem_shared>>)
      tpu.yield
    }) : () -> ()
    %dma_start3A_356 = arith.constant 24 : i32
    %dma_start3A_357 = arith.constant 0 : i32
    %dma_start3A_358 = tpu.memref_slice %arg7[%dma_start3A_356, %dma_start3A_357] : memref<40x128xi32, #tpu.memory_space<vmem>> -> memref<1x128xi32, #tpu.memory_space<vmem>>
    %dma_start3A_359 = tpu.memref_squeeze %dma_start3A_358 : memref<1x128xi32, #tpu.memory_space<vmem>> -> memref<128xi32, #tpu.memory_space<vmem>>
    %dma_start3A_360 = arith.constant 0 : i32
    %dma_start3A_361 = arith.constant 0 : i32
    %dma_start3A_362 = tpu.memref_slice %arg2[%dma_start3A_360, %dma_start3A_361] : memref<20000x128xf32, #tpu.memory_space<hbm>> -> memref<20000x128xf32, #tpu.memory_space<hbm>>
    tpu.enqueue_indirect_dma source(%dma_start3A_362 : memref<20000x128xf32, #tpu.memory_space<hbm>>) target(%arg9 : memref<128x128xf32, #tpu.memory_space<vmem>>) offsets(%dma_start3A_359 : memref<128xi32, #tpu.memory_space<vmem>>) semaphore(%arg12 : memref<!tpu.dma_semaphore, #tpu.memory_space<semaphore_mem>>)
    %dma_wait3A_363 = arith.constant 23 : i32
    %dma_wait3A_364 = arith.constant 0 : i32
    %dma_wait3A_365 = tpu.memref_slice %arg7[%dma_wait3A_363, %dma_wait3A_364] : memref<40x128xi32, #tpu.memory_space<vmem>> -> memref<1x128xi32, #tpu.memory_space<vmem>>
    %dma_wait3A_366 = tpu.memref_squeeze %dma_wait3A_365 : memref<1x128xi32, #tpu.memory_space<vmem>> -> memref<128xi32, #tpu.memory_space<vmem>>
    %dma_wait3A_367 = arith.constant 0 : i32
    %dma_wait3A_368 = arith.constant 0 : i32
    %dma_wait3A_369 = tpu.memref_slice %arg2[%dma_wait3A_367, %dma_wait3A_368] : memref<20000x128xf32, #tpu.memory_space<hbm>> -> memref<20000x128xf32, #tpu.memory_space<hbm>>
    tpu.wait_indirect_dma semaphore(%arg13 : memref<!tpu.dma_semaphore, #tpu.memory_space<semaphore_mem>>) src(%dma_wait3A_369 : memref<20000x128xf32, #tpu.memory_space<hbm>>) dst(%arg10 : memref<128x128xf32, #tpu.memory_space<vmem>>)
    %run_scoped3A_370 = arith.constant 23 : i32
    "tpu.region"() ({
      %run_scoped3A_1215 = tpu.sem_alloc : memref<!tpu.dma_semaphore, #tpu.memory_space<semaphore_mem>>
      %dma_start3A_1216 = arith.constant 0 : i32
      %dma_start3A_1217 = tpu.memref_slice %arg8[%run_scoped3A_370, %dma_start3A_1216] : memref<40x128xi32, #tpu.memory_space<vmem>> -> memref<1x128xi32, #tpu.memory_space<vmem>>
      %dma_start3A_1218 = tpu.memref_squeeze %dma_start3A_1217 : memref<1x128xi32, #tpu.memory_space<vmem>> -> memref<128xi32, #tpu.memory_space<vmem>>
      %dma_start3A_1219 = arith.constant 0 : i32
      %dma_start3A_1220 = arith.constant 0 : i32
      %dma_start3A_1221 = tpu.memref_slice %arg11[%dma_start3A_1219, %dma_start3A_1220] : memref<10112x128xf32, #tpu.memory_space<vmem_shared>> -> memref<10112x128xf32, #tpu.memory_space<vmem_shared>>
      tpu.enqueue_indirect_dma source(%arg10 : memref<128x128xf32, #tpu.memory_space<vmem>>) target(%dma_start3A_1221 : memref<10112x128xf32, #tpu.memory_space<vmem_shared>>) offsets(%dma_start3A_1218 : memref<128xi32, #tpu.memory_space<vmem>>) semaphore(%run_scoped3A_1215 : memref<!tpu.dma_semaphore, #tpu.memory_space<semaphore_mem>>) {add = true}
      %dma_wait3A_1222 = arith.constant 0 : i32
      %dma_wait3A_1223 = tpu.memref_slice %arg8[%run_scoped3A_370, %dma_wait3A_1222] : memref<40x128xi32, #tpu.memory_space<vmem>> -> memref<1x128xi32, #tpu.memory_space<vmem>>
      %dma_wait3A_1224 = tpu.memref_squeeze %dma_wait3A_1223 : memref<1x128xi32, #tpu.memory_space<vmem>> -> memref<128xi32, #tpu.memory_space<vmem>>
      %dma_wait3A_1225 = arith.constant 0 : i32
      %dma_wait3A_1226 = arith.constant 0 : i32
      %dma_wait3A_1227 = tpu.memref_slice %arg11[%dma_wait3A_1225, %dma_wait3A_1226] : memref<10112x128xf32, #tpu.memory_space<vmem_shared>> -> memref<10112x128xf32, #tpu.memory_space<vmem_shared>>
      tpu.wait_indirect_dma semaphore(%run_scoped3A_1215 : memref<!tpu.dma_semaphore, #tpu.memory_space<semaphore_mem>>) src(%arg10 : memref<128x128xf32, #tpu.memory_space<vmem>>) dst(%dma_wait3A_1227 : memref<10112x128xf32, #tpu.memory_space<vmem_shared>>)
      tpu.yield
    }) : () -> ()
    %dma_start3A_371 = arith.constant 25 : i32
    %dma_start3A_372 = arith.constant 0 : i32
    %dma_start3A_373 = tpu.memref_slice %arg7[%dma_start3A_371, %dma_start3A_372] : memref<40x128xi32, #tpu.memory_space<vmem>> -> memref<1x128xi32, #tpu.memory_space<vmem>>
    %dma_start3A_374 = tpu.memref_squeeze %dma_start3A_373 : memref<1x128xi32, #tpu.memory_space<vmem>> -> memref<128xi32, #tpu.memory_space<vmem>>
    %dma_start3A_375 = arith.constant 0 : i32
    %dma_start3A_376 = arith.constant 0 : i32
    %dma_start3A_377 = tpu.memref_slice %arg2[%dma_start3A_375, %dma_start3A_376] : memref<20000x128xf32, #tpu.memory_space<hbm>> -> memref<20000x128xf32, #tpu.memory_space<hbm>>
    tpu.enqueue_indirect_dma source(%dma_start3A_377 : memref<20000x128xf32, #tpu.memory_space<hbm>>) target(%arg10 : memref<128x128xf32, #tpu.memory_space<vmem>>) offsets(%dma_start3A_374 : memref<128xi32, #tpu.memory_space<vmem>>) semaphore(%arg13 : memref<!tpu.dma_semaphore, #tpu.memory_space<semaphore_mem>>)
    %dma_wait3A_378 = arith.constant 24 : i32
    %dma_wait3A_379 = arith.constant 0 : i32
    %dma_wait3A_380 = tpu.memref_slice %arg7[%dma_wait3A_378, %dma_wait3A_379] : memref<40x128xi32, #tpu.memory_space<vmem>> -> memref<1x128xi32, #tpu.memory_space<vmem>>
    %dma_wait3A_381 = tpu.memref_squeeze %dma_wait3A_380 : memref<1x128xi32, #tpu.memory_space<vmem>> -> memref<128xi32, #tpu.memory_space<vmem>>
    %dma_wait3A_382 = arith.constant 0 : i32
    %dma_wait3A_383 = arith.constant 0 : i32
    %dma_wait3A_384 = tpu.memref_slice %arg2[%dma_wait3A_382, %dma_wait3A_383] : memref<20000x128xf32, #tpu.memory_space<hbm>> -> memref<20000x128xf32, #tpu.memory_space<hbm>>
    tpu.wait_indirect_dma semaphore(%arg12 : memref<!tpu.dma_semaphore, #tpu.memory_space<semaphore_mem>>) src(%dma_wait3A_384 : memref<20000x128xf32, #tpu.memory_space<hbm>>) dst(%arg9 : memref<128x128xf32, #tpu.memory_space<vmem>>)
    %run_scoped3A_385 = arith.constant 24 : i32
    "tpu.region"() ({
      %run_scoped3A_1215 = tpu.sem_alloc : memref<!tpu.dma_semaphore, #tpu.memory_space<semaphore_mem>>
      %dma_start3A_1216 = arith.constant 0 : i32
      %dma_start3A_1217 = tpu.memref_slice %arg8[%run_scoped3A_385, %dma_start3A_1216] : memref<40x128xi32, #tpu.memory_space<vmem>> -> memref<1x128xi32, #tpu.memory_space<vmem>>
      %dma_start3A_1218 = tpu.memref_squeeze %dma_start3A_1217 : memref<1x128xi32, #tpu.memory_space<vmem>> -> memref<128xi32, #tpu.memory_space<vmem>>
      %dma_start3A_1219 = arith.constant 0 : i32
      %dma_start3A_1220 = arith.constant 0 : i32
      %dma_start3A_1221 = tpu.memref_slice %arg11[%dma_start3A_1219, %dma_start3A_1220] : memref<10112x128xf32, #tpu.memory_space<vmem_shared>> -> memref<10112x128xf32, #tpu.memory_space<vmem_shared>>
      tpu.enqueue_indirect_dma source(%arg9 : memref<128x128xf32, #tpu.memory_space<vmem>>) target(%dma_start3A_1221 : memref<10112x128xf32, #tpu.memory_space<vmem_shared>>) offsets(%dma_start3A_1218 : memref<128xi32, #tpu.memory_space<vmem>>) semaphore(%run_scoped3A_1215 : memref<!tpu.dma_semaphore, #tpu.memory_space<semaphore_mem>>) {add = true}
      %dma_wait3A_1222 = arith.constant 0 : i32
      %dma_wait3A_1223 = tpu.memref_slice %arg8[%run_scoped3A_385, %dma_wait3A_1222] : memref<40x128xi32, #tpu.memory_space<vmem>> -> memref<1x128xi32, #tpu.memory_space<vmem>>
      %dma_wait3A_1224 = tpu.memref_squeeze %dma_wait3A_1223 : memref<1x128xi32, #tpu.memory_space<vmem>> -> memref<128xi32, #tpu.memory_space<vmem>>
      %dma_wait3A_1225 = arith.constant 0 : i32
      %dma_wait3A_1226 = arith.constant 0 : i32
      %dma_wait3A_1227 = tpu.memref_slice %arg11[%dma_wait3A_1225, %dma_wait3A_1226] : memref<10112x128xf32, #tpu.memory_space<vmem_shared>> -> memref<10112x128xf32, #tpu.memory_space<vmem_shared>>
      tpu.wait_indirect_dma semaphore(%run_scoped3A_1215 : memref<!tpu.dma_semaphore, #tpu.memory_space<semaphore_mem>>) src(%arg9 : memref<128x128xf32, #tpu.memory_space<vmem>>) dst(%dma_wait3A_1227 : memref<10112x128xf32, #tpu.memory_space<vmem_shared>>)
      tpu.yield
    }) : () -> ()
    %dma_start3A_386 = arith.constant 26 : i32
    %dma_start3A_387 = arith.constant 0 : i32
    %dma_start3A_388 = tpu.memref_slice %arg7[%dma_start3A_386, %dma_start3A_387] : memref<40x128xi32, #tpu.memory_space<vmem>> -> memref<1x128xi32, #tpu.memory_space<vmem>>
    %dma_start3A_389 = tpu.memref_squeeze %dma_start3A_388 : memref<1x128xi32, #tpu.memory_space<vmem>> -> memref<128xi32, #tpu.memory_space<vmem>>
    %dma_start3A_390 = arith.constant 0 : i32
    %dma_start3A_391 = arith.constant 0 : i32
    %dma_start3A_392 = tpu.memref_slice %arg2[%dma_start3A_390, %dma_start3A_391] : memref<20000x128xf32, #tpu.memory_space<hbm>> -> memref<20000x128xf32, #tpu.memory_space<hbm>>
    tpu.enqueue_indirect_dma source(%dma_start3A_392 : memref<20000x128xf32, #tpu.memory_space<hbm>>) target(%arg9 : memref<128x128xf32, #tpu.memory_space<vmem>>) offsets(%dma_start3A_389 : memref<128xi32, #tpu.memory_space<vmem>>) semaphore(%arg12 : memref<!tpu.dma_semaphore, #tpu.memory_space<semaphore_mem>>)
    %dma_wait3A_393 = arith.constant 25 : i32
    %dma_wait3A_394 = arith.constant 0 : i32
    %dma_wait3A_395 = tpu.memref_slice %arg7[%dma_wait3A_393, %dma_wait3A_394] : memref<40x128xi32, #tpu.memory_space<vmem>> -> memref<1x128xi32, #tpu.memory_space<vmem>>
    %dma_wait3A_396 = tpu.memref_squeeze %dma_wait3A_395 : memref<1x128xi32, #tpu.memory_space<vmem>> -> memref<128xi32, #tpu.memory_space<vmem>>
    %dma_wait3A_397 = arith.constant 0 : i32
    %dma_wait3A_398 = arith.constant 0 : i32
    %dma_wait3A_399 = tpu.memref_slice %arg2[%dma_wait3A_397, %dma_wait3A_398] : memref<20000x128xf32, #tpu.memory_space<hbm>> -> memref<20000x128xf32, #tpu.memory_space<hbm>>
    tpu.wait_indirect_dma semaphore(%arg13 : memref<!tpu.dma_semaphore, #tpu.memory_space<semaphore_mem>>) src(%dma_wait3A_399 : memref<20000x128xf32, #tpu.memory_space<hbm>>) dst(%arg10 : memref<128x128xf32, #tpu.memory_space<vmem>>)
    %run_scoped3A_400 = arith.constant 25 : i32
    "tpu.region"() ({
      %run_scoped3A_1215 = tpu.sem_alloc : memref<!tpu.dma_semaphore, #tpu.memory_space<semaphore_mem>>
      %dma_start3A_1216 = arith.constant 0 : i32
      %dma_start3A_1217 = tpu.memref_slice %arg8[%run_scoped3A_400, %dma_start3A_1216] : memref<40x128xi32, #tpu.memory_space<vmem>> -> memref<1x128xi32, #tpu.memory_space<vmem>>
      %dma_start3A_1218 = tpu.memref_squeeze %dma_start3A_1217 : memref<1x128xi32, #tpu.memory_space<vmem>> -> memref<128xi32, #tpu.memory_space<vmem>>
      %dma_start3A_1219 = arith.constant 0 : i32
      %dma_start3A_1220 = arith.constant 0 : i32
      %dma_start3A_1221 = tpu.memref_slice %arg11[%dma_start3A_1219, %dma_start3A_1220] : memref<10112x128xf32, #tpu.memory_space<vmem_shared>> -> memref<10112x128xf32, #tpu.memory_space<vmem_shared>>
      tpu.enqueue_indirect_dma source(%arg10 : memref<128x128xf32, #tpu.memory_space<vmem>>) target(%dma_start3A_1221 : memref<10112x128xf32, #tpu.memory_space<vmem_shared>>) offsets(%dma_start3A_1218 : memref<128xi32, #tpu.memory_space<vmem>>) semaphore(%run_scoped3A_1215 : memref<!tpu.dma_semaphore, #tpu.memory_space<semaphore_mem>>) {add = true}
      %dma_wait3A_1222 = arith.constant 0 : i32
      %dma_wait3A_1223 = tpu.memref_slice %arg8[%run_scoped3A_400, %dma_wait3A_1222] : memref<40x128xi32, #tpu.memory_space<vmem>> -> memref<1x128xi32, #tpu.memory_space<vmem>>
      %dma_wait3A_1224 = tpu.memref_squeeze %dma_wait3A_1223 : memref<1x128xi32, #tpu.memory_space<vmem>> -> memref<128xi32, #tpu.memory_space<vmem>>
      %dma_wait3A_1225 = arith.constant 0 : i32
      %dma_wait3A_1226 = arith.constant 0 : i32
      %dma_wait3A_1227 = tpu.memref_slice %arg11[%dma_wait3A_1225, %dma_wait3A_1226] : memref<10112x128xf32, #tpu.memory_space<vmem_shared>> -> memref<10112x128xf32, #tpu.memory_space<vmem_shared>>
      tpu.wait_indirect_dma semaphore(%run_scoped3A_1215 : memref<!tpu.dma_semaphore, #tpu.memory_space<semaphore_mem>>) src(%arg10 : memref<128x128xf32, #tpu.memory_space<vmem>>) dst(%dma_wait3A_1227 : memref<10112x128xf32, #tpu.memory_space<vmem_shared>>)
      tpu.yield
    }) : () -> ()
    %dma_start3A_401 = arith.constant 27 : i32
    %dma_start3A_402 = arith.constant 0 : i32
    %dma_start3A_403 = tpu.memref_slice %arg7[%dma_start3A_401, %dma_start3A_402] : memref<40x128xi32, #tpu.memory_space<vmem>> -> memref<1x128xi32, #tpu.memory_space<vmem>>
    %dma_start3A_404 = tpu.memref_squeeze %dma_start3A_403 : memref<1x128xi32, #tpu.memory_space<vmem>> -> memref<128xi32, #tpu.memory_space<vmem>>
    %dma_start3A_405 = arith.constant 0 : i32
    %dma_start3A_406 = arith.constant 0 : i32
    %dma_start3A_407 = tpu.memref_slice %arg2[%dma_start3A_405, %dma_start3A_406] : memref<20000x128xf32, #tpu.memory_space<hbm>> -> memref<20000x128xf32, #tpu.memory_space<hbm>>
    tpu.enqueue_indirect_dma source(%dma_start3A_407 : memref<20000x128xf32, #tpu.memory_space<hbm>>) target(%arg10 : memref<128x128xf32, #tpu.memory_space<vmem>>) offsets(%dma_start3A_404 : memref<128xi32, #tpu.memory_space<vmem>>) semaphore(%arg13 : memref<!tpu.dma_semaphore, #tpu.memory_space<semaphore_mem>>)
    %dma_wait3A_408 = arith.constant 26 : i32
    %dma_wait3A_409 = arith.constant 0 : i32
    %dma_wait3A_410 = tpu.memref_slice %arg7[%dma_wait3A_408, %dma_wait3A_409] : memref<40x128xi32, #tpu.memory_space<vmem>> -> memref<1x128xi32, #tpu.memory_space<vmem>>
    %dma_wait3A_411 = tpu.memref_squeeze %dma_wait3A_410 : memref<1x128xi32, #tpu.memory_space<vmem>> -> memref<128xi32, #tpu.memory_space<vmem>>
    %dma_wait3A_412 = arith.constant 0 : i32
    %dma_wait3A_413 = arith.constant 0 : i32
    %dma_wait3A_414 = tpu.memref_slice %arg2[%dma_wait3A_412, %dma_wait3A_413] : memref<20000x128xf32, #tpu.memory_space<hbm>> -> memref<20000x128xf32, #tpu.memory_space<hbm>>
    tpu.wait_indirect_dma semaphore(%arg12 : memref<!tpu.dma_semaphore, #tpu.memory_space<semaphore_mem>>) src(%dma_wait3A_414 : memref<20000x128xf32, #tpu.memory_space<hbm>>) dst(%arg9 : memref<128x128xf32, #tpu.memory_space<vmem>>)
    %run_scoped3A_415 = arith.constant 26 : i32
    "tpu.region"() ({
      %run_scoped3A_1215 = tpu.sem_alloc : memref<!tpu.dma_semaphore, #tpu.memory_space<semaphore_mem>>
      %dma_start3A_1216 = arith.constant 0 : i32
      %dma_start3A_1217 = tpu.memref_slice %arg8[%run_scoped3A_415, %dma_start3A_1216] : memref<40x128xi32, #tpu.memory_space<vmem>> -> memref<1x128xi32, #tpu.memory_space<vmem>>
      %dma_start3A_1218 = tpu.memref_squeeze %dma_start3A_1217 : memref<1x128xi32, #tpu.memory_space<vmem>> -> memref<128xi32, #tpu.memory_space<vmem>>
      %dma_start3A_1219 = arith.constant 0 : i32
      %dma_start3A_1220 = arith.constant 0 : i32
      %dma_start3A_1221 = tpu.memref_slice %arg11[%dma_start3A_1219, %dma_start3A_1220] : memref<10112x128xf32, #tpu.memory_space<vmem_shared>> -> memref<10112x128xf32, #tpu.memory_space<vmem_shared>>
      tpu.enqueue_indirect_dma source(%arg9 : memref<128x128xf32, #tpu.memory_space<vmem>>) target(%dma_start3A_1221 : memref<10112x128xf32, #tpu.memory_space<vmem_shared>>) offsets(%dma_start3A_1218 : memref<128xi32, #tpu.memory_space<vmem>>) semaphore(%run_scoped3A_1215 : memref<!tpu.dma_semaphore, #tpu.memory_space<semaphore_mem>>) {add = true}
      %dma_wait3A_1222 = arith.constant 0 : i32
      %dma_wait3A_1223 = tpu.memref_slice %arg8[%run_scoped3A_415, %dma_wait3A_1222] : memref<40x128xi32, #tpu.memory_space<vmem>> -> memref<1x128xi32, #tpu.memory_space<vmem>>
      %dma_wait3A_1224 = tpu.memref_squeeze %dma_wait3A_1223 : memref<1x128xi32, #tpu.memory_space<vmem>> -> memref<128xi32, #tpu.memory_space<vmem>>
      %dma_wait3A_1225 = arith.constant 0 : i32
      %dma_wait3A_1226 = arith.constant 0 : i32
      %dma_wait3A_1227 = tpu.memref_slice %arg11[%dma_wait3A_1225, %dma_wait3A_1226] : memref<10112x128xf32, #tpu.memory_space<vmem_shared>> -> memref<10112x128xf32, #tpu.memory_space<vmem_shared>>
      tpu.wait_indirect_dma semaphore(%run_scoped3A_1215 : memref<!tpu.dma_semaphore, #tpu.memory_space<semaphore_mem>>) src(%arg9 : memref<128x128xf32, #tpu.memory_space<vmem>>) dst(%dma_wait3A_1227 : memref<10112x128xf32, #tpu.memory_space<vmem_shared>>)
      tpu.yield
    }) : () -> ()
    %dma_start3A_416 = arith.constant 28 : i32
    %dma_start3A_417 = arith.constant 0 : i32
    %dma_start3A_418 = tpu.memref_slice %arg7[%dma_start3A_416, %dma_start3A_417] : memref<40x128xi32, #tpu.memory_space<vmem>> -> memref<1x128xi32, #tpu.memory_space<vmem>>
    %dma_start3A_419 = tpu.memref_squeeze %dma_start3A_418 : memref<1x128xi32, #tpu.memory_space<vmem>> -> memref<128xi32, #tpu.memory_space<vmem>>
    %dma_start3A_420 = arith.constant 0 : i32
    %dma_start3A_421 = arith.constant 0 : i32
    %dma_start3A_422 = tpu.memref_slice %arg2[%dma_start3A_420, %dma_start3A_421] : memref<20000x128xf32, #tpu.memory_space<hbm>> -> memref<20000x128xf32, #tpu.memory_space<hbm>>
    tpu.enqueue_indirect_dma source(%dma_start3A_422 : memref<20000x128xf32, #tpu.memory_space<hbm>>) target(%arg9 : memref<128x128xf32, #tpu.memory_space<vmem>>) offsets(%dma_start3A_419 : memref<128xi32, #tpu.memory_space<vmem>>) semaphore(%arg12 : memref<!tpu.dma_semaphore, #tpu.memory_space<semaphore_mem>>)
    %dma_wait3A_423 = arith.constant 27 : i32
    %dma_wait3A_424 = arith.constant 0 : i32
    %dma_wait3A_425 = tpu.memref_slice %arg7[%dma_wait3A_423, %dma_wait3A_424] : memref<40x128xi32, #tpu.memory_space<vmem>> -> memref<1x128xi32, #tpu.memory_space<vmem>>
    %dma_wait3A_426 = tpu.memref_squeeze %dma_wait3A_425 : memref<1x128xi32, #tpu.memory_space<vmem>> -> memref<128xi32, #tpu.memory_space<vmem>>
    %dma_wait3A_427 = arith.constant 0 : i32
    %dma_wait3A_428 = arith.constant 0 : i32
    %dma_wait3A_429 = tpu.memref_slice %arg2[%dma_wait3A_427, %dma_wait3A_428] : memref<20000x128xf32, #tpu.memory_space<hbm>> -> memref<20000x128xf32, #tpu.memory_space<hbm>>
    tpu.wait_indirect_dma semaphore(%arg13 : memref<!tpu.dma_semaphore, #tpu.memory_space<semaphore_mem>>) src(%dma_wait3A_429 : memref<20000x128xf32, #tpu.memory_space<hbm>>) dst(%arg10 : memref<128x128xf32, #tpu.memory_space<vmem>>)
    %run_scoped3A_430 = arith.constant 27 : i32
    "tpu.region"() ({
      %run_scoped3A_1215 = tpu.sem_alloc : memref<!tpu.dma_semaphore, #tpu.memory_space<semaphore_mem>>
      %dma_start3A_1216 = arith.constant 0 : i32
      %dma_start3A_1217 = tpu.memref_slice %arg8[%run_scoped3A_430, %dma_start3A_1216] : memref<40x128xi32, #tpu.memory_space<vmem>> -> memref<1x128xi32, #tpu.memory_space<vmem>>
      %dma_start3A_1218 = tpu.memref_squeeze %dma_start3A_1217 : memref<1x128xi32, #tpu.memory_space<vmem>> -> memref<128xi32, #tpu.memory_space<vmem>>
      %dma_start3A_1219 = arith.constant 0 : i32
      %dma_start3A_1220 = arith.constant 0 : i32
      %dma_start3A_1221 = tpu.memref_slice %arg11[%dma_start3A_1219, %dma_start3A_1220] : memref<10112x128xf32, #tpu.memory_space<vmem_shared>> -> memref<10112x128xf32, #tpu.memory_space<vmem_shared>>
      tpu.enqueue_indirect_dma source(%arg10 : memref<128x128xf32, #tpu.memory_space<vmem>>) target(%dma_start3A_1221 : memref<10112x128xf32, #tpu.memory_space<vmem_shared>>) offsets(%dma_start3A_1218 : memref<128xi32, #tpu.memory_space<vmem>>) semaphore(%run_scoped3A_1215 : memref<!tpu.dma_semaphore, #tpu.memory_space<semaphore_mem>>) {add = true}
      %dma_wait3A_1222 = arith.constant 0 : i32
      %dma_wait3A_1223 = tpu.memref_slice %arg8[%run_scoped3A_430, %dma_wait3A_1222] : memref<40x128xi32, #tpu.memory_space<vmem>> -> memref<1x128xi32, #tpu.memory_space<vmem>>
      %dma_wait3A_1224 = tpu.memref_squeeze %dma_wait3A_1223 : memref<1x128xi32, #tpu.memory_space<vmem>> -> memref<128xi32, #tpu.memory_space<vmem>>
      %dma_wait3A_1225 = arith.constant 0 : i32
      %dma_wait3A_1226 = arith.constant 0 : i32
      %dma_wait3A_1227 = tpu.memref_slice %arg11[%dma_wait3A_1225, %dma_wait3A_1226] : memref<10112x128xf32, #tpu.memory_space<vmem_shared>> -> memref<10112x128xf32, #tpu.memory_space<vmem_shared>>
      tpu.wait_indirect_dma semaphore(%run_scoped3A_1215 : memref<!tpu.dma_semaphore, #tpu.memory_space<semaphore_mem>>) src(%arg10 : memref<128x128xf32, #tpu.memory_space<vmem>>) dst(%dma_wait3A_1227 : memref<10112x128xf32, #tpu.memory_space<vmem_shared>>)
      tpu.yield
    }) : () -> ()
    %dma_start3A_431 = arith.constant 29 : i32
    %dma_start3A_432 = arith.constant 0 : i32
    %dma_start3A_433 = tpu.memref_slice %arg7[%dma_start3A_431, %dma_start3A_432] : memref<40x128xi32, #tpu.memory_space<vmem>> -> memref<1x128xi32, #tpu.memory_space<vmem>>
    %dma_start3A_434 = tpu.memref_squeeze %dma_start3A_433 : memref<1x128xi32, #tpu.memory_space<vmem>> -> memref<128xi32, #tpu.memory_space<vmem>>
    %dma_start3A_435 = arith.constant 0 : i32
    %dma_start3A_436 = arith.constant 0 : i32
    %dma_start3A_437 = tpu.memref_slice %arg2[%dma_start3A_435, %dma_start3A_436] : memref<20000x128xf32, #tpu.memory_space<hbm>> -> memref<20000x128xf32, #tpu.memory_space<hbm>>
    tpu.enqueue_indirect_dma source(%dma_start3A_437 : memref<20000x128xf32, #tpu.memory_space<hbm>>) target(%arg10 : memref<128x128xf32, #tpu.memory_space<vmem>>) offsets(%dma_start3A_434 : memref<128xi32, #tpu.memory_space<vmem>>) semaphore(%arg13 : memref<!tpu.dma_semaphore, #tpu.memory_space<semaphore_mem>>)
    %dma_wait3A_438 = arith.constant 28 : i32
    %dma_wait3A_439 = arith.constant 0 : i32
    %dma_wait3A_440 = tpu.memref_slice %arg7[%dma_wait3A_438, %dma_wait3A_439] : memref<40x128xi32, #tpu.memory_space<vmem>> -> memref<1x128xi32, #tpu.memory_space<vmem>>
    %dma_wait3A_441 = tpu.memref_squeeze %dma_wait3A_440 : memref<1x128xi32, #tpu.memory_space<vmem>> -> memref<128xi32, #tpu.memory_space<vmem>>
    %dma_wait3A_442 = arith.constant 0 : i32
    %dma_wait3A_443 = arith.constant 0 : i32
    %dma_wait3A_444 = tpu.memref_slice %arg2[%dma_wait3A_442, %dma_wait3A_443] : memref<20000x128xf32, #tpu.memory_space<hbm>> -> memref<20000x128xf32, #tpu.memory_space<hbm>>
    tpu.wait_indirect_dma semaphore(%arg12 : memref<!tpu.dma_semaphore, #tpu.memory_space<semaphore_mem>>) src(%dma_wait3A_444 : memref<20000x128xf32, #tpu.memory_space<hbm>>) dst(%arg9 : memref<128x128xf32, #tpu.memory_space<vmem>>)
    %run_scoped3A_445 = arith.constant 28 : i32
    "tpu.region"() ({
      %run_scoped3A_1215 = tpu.sem_alloc : memref<!tpu.dma_semaphore, #tpu.memory_space<semaphore_mem>>
      %dma_start3A_1216 = arith.constant 0 : i32
      %dma_start3A_1217 = tpu.memref_slice %arg8[%run_scoped3A_445, %dma_start3A_1216] : memref<40x128xi32, #tpu.memory_space<vmem>> -> memref<1x128xi32, #tpu.memory_space<vmem>>
      %dma_start3A_1218 = tpu.memref_squeeze %dma_start3A_1217 : memref<1x128xi32, #tpu.memory_space<vmem>> -> memref<128xi32, #tpu.memory_space<vmem>>
      %dma_start3A_1219 = arith.constant 0 : i32
      %dma_start3A_1220 = arith.constant 0 : i32
      %dma_start3A_1221 = tpu.memref_slice %arg11[%dma_start3A_1219, %dma_start3A_1220] : memref<10112x128xf32, #tpu.memory_space<vmem_shared>> -> memref<10112x128xf32, #tpu.memory_space<vmem_shared>>
      tpu.enqueue_indirect_dma source(%arg9 : memref<128x128xf32, #tpu.memory_space<vmem>>) target(%dma_start3A_1221 : memref<10112x128xf32, #tpu.memory_space<vmem_shared>>) offsets(%dma_start3A_1218 : memref<128xi32, #tpu.memory_space<vmem>>) semaphore(%run_scoped3A_1215 : memref<!tpu.dma_semaphore, #tpu.memory_space<semaphore_mem>>) {add = true}
      %dma_wait3A_1222 = arith.constant 0 : i32
      %dma_wait3A_1223 = tpu.memref_slice %arg8[%run_scoped3A_445, %dma_wait3A_1222] : memref<40x128xi32, #tpu.memory_space<vmem>> -> memref<1x128xi32, #tpu.memory_space<vmem>>
      %dma_wait3A_1224 = tpu.memref_squeeze %dma_wait3A_1223 : memref<1x128xi32, #tpu.memory_space<vmem>> -> memref<128xi32, #tpu.memory_space<vmem>>
      %dma_wait3A_1225 = arith.constant 0 : i32
      %dma_wait3A_1226 = arith.constant 0 : i32
      %dma_wait3A_1227 = tpu.memref_slice %arg11[%dma_wait3A_1225, %dma_wait3A_1226] : memref<10112x128xf32, #tpu.memory_space<vmem_shared>> -> memref<10112x128xf32, #tpu.memory_space<vmem_shared>>
      tpu.wait_indirect_dma semaphore(%run_scoped3A_1215 : memref<!tpu.dma_semaphore, #tpu.memory_space<semaphore_mem>>) src(%arg9 : memref<128x128xf32, #tpu.memory_space<vmem>>) dst(%dma_wait3A_1227 : memref<10112x128xf32, #tpu.memory_space<vmem_shared>>)
      tpu.yield
    }) : () -> ()
    %dma_start3A_446 = arith.constant 30 : i32
    %dma_start3A_447 = arith.constant 0 : i32
    %dma_start3A_448 = tpu.memref_slice %arg7[%dma_start3A_446, %dma_start3A_447] : memref<40x128xi32, #tpu.memory_space<vmem>> -> memref<1x128xi32, #tpu.memory_space<vmem>>
    %dma_start3A_449 = tpu.memref_squeeze %dma_start3A_448 : memref<1x128xi32, #tpu.memory_space<vmem>> -> memref<128xi32, #tpu.memory_space<vmem>>
    %dma_start3A_450 = arith.constant 0 : i32
    %dma_start3A_451 = arith.constant 0 : i32
    %dma_start3A_452 = tpu.memref_slice %arg2[%dma_start3A_450, %dma_start3A_451] : memref<20000x128xf32, #tpu.memory_space<hbm>> -> memref<20000x128xf32, #tpu.memory_space<hbm>>
    tpu.enqueue_indirect_dma source(%dma_start3A_452 : memref<20000x128xf32, #tpu.memory_space<hbm>>) target(%arg9 : memref<128x128xf32, #tpu.memory_space<vmem>>) offsets(%dma_start3A_449 : memref<128xi32, #tpu.memory_space<vmem>>) semaphore(%arg12 : memref<!tpu.dma_semaphore, #tpu.memory_space<semaphore_mem>>)
    %dma_wait3A_453 = arith.constant 29 : i32
    %dma_wait3A_454 = arith.constant 0 : i32
    %dma_wait3A_455 = tpu.memref_slice %arg7[%dma_wait3A_453, %dma_wait3A_454] : memref<40x128xi32, #tpu.memory_space<vmem>> -> memref<1x128xi32, #tpu.memory_space<vmem>>
    %dma_wait3A_456 = tpu.memref_squeeze %dma_wait3A_455 : memref<1x128xi32, #tpu.memory_space<vmem>> -> memref<128xi32, #tpu.memory_space<vmem>>
    %dma_wait3A_457 = arith.constant 0 : i32
    %dma_wait3A_458 = arith.constant 0 : i32
    %dma_wait3A_459 = tpu.memref_slice %arg2[%dma_wait3A_457, %dma_wait3A_458] : memref<20000x128xf32, #tpu.memory_space<hbm>> -> memref<20000x128xf32, #tpu.memory_space<hbm>>
    tpu.wait_indirect_dma semaphore(%arg13 : memref<!tpu.dma_semaphore, #tpu.memory_space<semaphore_mem>>) src(%dma_wait3A_459 : memref<20000x128xf32, #tpu.memory_space<hbm>>) dst(%arg10 : memref<128x128xf32, #tpu.memory_space<vmem>>)
    %run_scoped3A_460 = arith.constant 29 : i32
    "tpu.region"() ({
      %run_scoped3A_1215 = tpu.sem_alloc : memref<!tpu.dma_semaphore, #tpu.memory_space<semaphore_mem>>
      %dma_start3A_1216 = arith.constant 0 : i32
      %dma_start3A_1217 = tpu.memref_slice %arg8[%run_scoped3A_460, %dma_start3A_1216] : memref<40x128xi32, #tpu.memory_space<vmem>> -> memref<1x128xi32, #tpu.memory_space<vmem>>
      %dma_start3A_1218 = tpu.memref_squeeze %dma_start3A_1217 : memref<1x128xi32, #tpu.memory_space<vmem>> -> memref<128xi32, #tpu.memory_space<vmem>>
      %dma_start3A_1219 = arith.constant 0 : i32
      %dma_start3A_1220 = arith.constant 0 : i32
      %dma_start3A_1221 = tpu.memref_slice %arg11[%dma_start3A_1219, %dma_start3A_1220] : memref<10112x128xf32, #tpu.memory_space<vmem_shared>> -> memref<10112x128xf32, #tpu.memory_space<vmem_shared>>
      tpu.enqueue_indirect_dma source(%arg10 : memref<128x128xf32, #tpu.memory_space<vmem>>) target(%dma_start3A_1221 : memref<10112x128xf32, #tpu.memory_space<vmem_shared>>) offsets(%dma_start3A_1218 : memref<128xi32, #tpu.memory_space<vmem>>) semaphore(%run_scoped3A_1215 : memref<!tpu.dma_semaphore, #tpu.memory_space<semaphore_mem>>) {add = true}
      %dma_wait3A_1222 = arith.constant 0 : i32
      %dma_wait3A_1223 = tpu.memref_slice %arg8[%run_scoped3A_460, %dma_wait3A_1222] : memref<40x128xi32, #tpu.memory_space<vmem>> -> memref<1x128xi32, #tpu.memory_space<vmem>>
      %dma_wait3A_1224 = tpu.memref_squeeze %dma_wait3A_1223 : memref<1x128xi32, #tpu.memory_space<vmem>> -> memref<128xi32, #tpu.memory_space<vmem>>
      %dma_wait3A_1225 = arith.constant 0 : i32
      %dma_wait3A_1226 = arith.constant 0 : i32
      %dma_wait3A_1227 = tpu.memref_slice %arg11[%dma_wait3A_1225, %dma_wait3A_1226] : memref<10112x128xf32, #tpu.memory_space<vmem_shared>> -> memref<10112x128xf32, #tpu.memory_space<vmem_shared>>
      tpu.wait_indirect_dma semaphore(%run_scoped3A_1215 : memref<!tpu.dma_semaphore, #tpu.memory_space<semaphore_mem>>) src(%arg10 : memref<128x128xf32, #tpu.memory_space<vmem>>) dst(%dma_wait3A_1227 : memref<10112x128xf32, #tpu.memory_space<vmem_shared>>)
      tpu.yield
    }) : () -> ()
    %dma_start3A_461 = arith.constant 31 : i32
    %dma_start3A_462 = arith.constant 0 : i32
    %dma_start3A_463 = tpu.memref_slice %arg7[%dma_start3A_461, %dma_start3A_462] : memref<40x128xi32, #tpu.memory_space<vmem>> -> memref<1x128xi32, #tpu.memory_space<vmem>>
    %dma_start3A_464 = tpu.memref_squeeze %dma_start3A_463 : memref<1x128xi32, #tpu.memory_space<vmem>> -> memref<128xi32, #tpu.memory_space<vmem>>
    %dma_start3A_465 = arith.constant 0 : i32
    %dma_start3A_466 = arith.constant 0 : i32
    %dma_start3A_467 = tpu.memref_slice %arg2[%dma_start3A_465, %dma_start3A_466] : memref<20000x128xf32, #tpu.memory_space<hbm>> -> memref<20000x128xf32, #tpu.memory_space<hbm>>
    tpu.enqueue_indirect_dma source(%dma_start3A_467 : memref<20000x128xf32, #tpu.memory_space<hbm>>) target(%arg10 : memref<128x128xf32, #tpu.memory_space<vmem>>) offsets(%dma_start3A_464 : memref<128xi32, #tpu.memory_space<vmem>>) semaphore(%arg13 : memref<!tpu.dma_semaphore, #tpu.memory_space<semaphore_mem>>)
    %dma_wait3A_468 = arith.constant 30 : i32
    %dma_wait3A_469 = arith.constant 0 : i32
    %dma_wait3A_470 = tpu.memref_slice %arg7[%dma_wait3A_468, %dma_wait3A_469] : memref<40x128xi32, #tpu.memory_space<vmem>> -> memref<1x128xi32, #tpu.memory_space<vmem>>
    %dma_wait3A_471 = tpu.memref_squeeze %dma_wait3A_470 : memref<1x128xi32, #tpu.memory_space<vmem>> -> memref<128xi32, #tpu.memory_space<vmem>>
    %dma_wait3A_472 = arith.constant 0 : i32
    %dma_wait3A_473 = arith.constant 0 : i32
    %dma_wait3A_474 = tpu.memref_slice %arg2[%dma_wait3A_472, %dma_wait3A_473] : memref<20000x128xf32, #tpu.memory_space<hbm>> -> memref<20000x128xf32, #tpu.memory_space<hbm>>
    tpu.wait_indirect_dma semaphore(%arg12 : memref<!tpu.dma_semaphore, #tpu.memory_space<semaphore_mem>>) src(%dma_wait3A_474 : memref<20000x128xf32, #tpu.memory_space<hbm>>) dst(%arg9 : memref<128x128xf32, #tpu.memory_space<vmem>>)
    %run_scoped3A_475 = arith.constant 30 : i32
    "tpu.region"() ({
      %run_scoped3A_1215 = tpu.sem_alloc : memref<!tpu.dma_semaphore, #tpu.memory_space<semaphore_mem>>
      %dma_start3A_1216 = arith.constant 0 : i32
      %dma_start3A_1217 = tpu.memref_slice %arg8[%run_scoped3A_475, %dma_start3A_1216] : memref<40x128xi32, #tpu.memory_space<vmem>> -> memref<1x128xi32, #tpu.memory_space<vmem>>
      %dma_start3A_1218 = tpu.memref_squeeze %dma_start3A_1217 : memref<1x128xi32, #tpu.memory_space<vmem>> -> memref<128xi32, #tpu.memory_space<vmem>>
      %dma_start3A_1219 = arith.constant 0 : i32
      %dma_start3A_1220 = arith.constant 0 : i32
      %dma_start3A_1221 = tpu.memref_slice %arg11[%dma_start3A_1219, %dma_start3A_1220] : memref<10112x128xf32, #tpu.memory_space<vmem_shared>> -> memref<10112x128xf32, #tpu.memory_space<vmem_shared>>
      tpu.enqueue_indirect_dma source(%arg9 : memref<128x128xf32, #tpu.memory_space<vmem>>) target(%dma_start3A_1221 : memref<10112x128xf32, #tpu.memory_space<vmem_shared>>) offsets(%dma_start3A_1218 : memref<128xi32, #tpu.memory_space<vmem>>) semaphore(%run_scoped3A_1215 : memref<!tpu.dma_semaphore, #tpu.memory_space<semaphore_mem>>) {add = true}
      %dma_wait3A_1222 = arith.constant 0 : i32
      %dma_wait3A_1223 = tpu.memref_slice %arg8[%run_scoped3A_475, %dma_wait3A_1222] : memref<40x128xi32, #tpu.memory_space<vmem>> -> memref<1x128xi32, #tpu.memory_space<vmem>>
      %dma_wait3A_1224 = tpu.memref_squeeze %dma_wait3A_1223 : memref<1x128xi32, #tpu.memory_space<vmem>> -> memref<128xi32, #tpu.memory_space<vmem>>
      %dma_wait3A_1225 = arith.constant 0 : i32
      %dma_wait3A_1226 = arith.constant 0 : i32
      %dma_wait3A_1227 = tpu.memref_slice %arg11[%dma_wait3A_1225, %dma_wait3A_1226] : memref<10112x128xf32, #tpu.memory_space<vmem_shared>> -> memref<10112x128xf32, #tpu.memory_space<vmem_shared>>
      tpu.wait_indirect_dma semaphore(%run_scoped3A_1215 : memref<!tpu.dma_semaphore, #tpu.memory_space<semaphore_mem>>) src(%arg9 : memref<128x128xf32, #tpu.memory_space<vmem>>) dst(%dma_wait3A_1227 : memref<10112x128xf32, #tpu.memory_space<vmem_shared>>)
      tpu.yield
    }) : () -> ()
    %dma_start3A_476 = arith.constant 32 : i32
    %dma_start3A_477 = arith.constant 0 : i32
    %dma_start3A_478 = tpu.memref_slice %arg7[%dma_start3A_476, %dma_start3A_477] : memref<40x128xi32, #tpu.memory_space<vmem>> -> memref<1x128xi32, #tpu.memory_space<vmem>>
    %dma_start3A_479 = tpu.memref_squeeze %dma_start3A_478 : memref<1x128xi32, #tpu.memory_space<vmem>> -> memref<128xi32, #tpu.memory_space<vmem>>
    %dma_start3A_480 = arith.constant 0 : i32
    %dma_start3A_481 = arith.constant 0 : i32
    %dma_start3A_482 = tpu.memref_slice %arg2[%dma_start3A_480, %dma_start3A_481] : memref<20000x128xf32, #tpu.memory_space<hbm>> -> memref<20000x128xf32, #tpu.memory_space<hbm>>
    tpu.enqueue_indirect_dma source(%dma_start3A_482 : memref<20000x128xf32, #tpu.memory_space<hbm>>) target(%arg9 : memref<128x128xf32, #tpu.memory_space<vmem>>) offsets(%dma_start3A_479 : memref<128xi32, #tpu.memory_space<vmem>>) semaphore(%arg12 : memref<!tpu.dma_semaphore, #tpu.memory_space<semaphore_mem>>)
    %dma_wait3A_483 = arith.constant 31 : i32
    %dma_wait3A_484 = arith.constant 0 : i32
    %dma_wait3A_485 = tpu.memref_slice %arg7[%dma_wait3A_483, %dma_wait3A_484] : memref<40x128xi32, #tpu.memory_space<vmem>> -> memref<1x128xi32, #tpu.memory_space<vmem>>
    %dma_wait3A_486 = tpu.memref_squeeze %dma_wait3A_485 : memref<1x128xi32, #tpu.memory_space<vmem>> -> memref<128xi32, #tpu.memory_space<vmem>>
    %dma_wait3A_487 = arith.constant 0 : i32
    %dma_wait3A_488 = arith.constant 0 : i32
    %dma_wait3A_489 = tpu.memref_slice %arg2[%dma_wait3A_487, %dma_wait3A_488] : memref<20000x128xf32, #tpu.memory_space<hbm>> -> memref<20000x128xf32, #tpu.memory_space<hbm>>
    tpu.wait_indirect_dma semaphore(%arg13 : memref<!tpu.dma_semaphore, #tpu.memory_space<semaphore_mem>>) src(%dma_wait3A_489 : memref<20000x128xf32, #tpu.memory_space<hbm>>) dst(%arg10 : memref<128x128xf32, #tpu.memory_space<vmem>>)
    %run_scoped3A_490 = arith.constant 31 : i32
    "tpu.region"() ({
      %run_scoped3A_1215 = tpu.sem_alloc : memref<!tpu.dma_semaphore, #tpu.memory_space<semaphore_mem>>
      %dma_start3A_1216 = arith.constant 0 : i32
      %dma_start3A_1217 = tpu.memref_slice %arg8[%run_scoped3A_490, %dma_start3A_1216] : memref<40x128xi32, #tpu.memory_space<vmem>> -> memref<1x128xi32, #tpu.memory_space<vmem>>
      %dma_start3A_1218 = tpu.memref_squeeze %dma_start3A_1217 : memref<1x128xi32, #tpu.memory_space<vmem>> -> memref<128xi32, #tpu.memory_space<vmem>>
      %dma_start3A_1219 = arith.constant 0 : i32
      %dma_start3A_1220 = arith.constant 0 : i32
      %dma_start3A_1221 = tpu.memref_slice %arg11[%dma_start3A_1219, %dma_start3A_1220] : memref<10112x128xf32, #tpu.memory_space<vmem_shared>> -> memref<10112x128xf32, #tpu.memory_space<vmem_shared>>
      tpu.enqueue_indirect_dma source(%arg10 : memref<128x128xf32, #tpu.memory_space<vmem>>) target(%dma_start3A_1221 : memref<10112x128xf32, #tpu.memory_space<vmem_shared>>) offsets(%dma_start3A_1218 : memref<128xi32, #tpu.memory_space<vmem>>) semaphore(%run_scoped3A_1215 : memref<!tpu.dma_semaphore, #tpu.memory_space<semaphore_mem>>) {add = true}
      %dma_wait3A_1222 = arith.constant 0 : i32
      %dma_wait3A_1223 = tpu.memref_slice %arg8[%run_scoped3A_490, %dma_wait3A_1222] : memref<40x128xi32, #tpu.memory_space<vmem>> -> memref<1x128xi32, #tpu.memory_space<vmem>>
      %dma_wait3A_1224 = tpu.memref_squeeze %dma_wait3A_1223 : memref<1x128xi32, #tpu.memory_space<vmem>> -> memref<128xi32, #tpu.memory_space<vmem>>
      %dma_wait3A_1225 = arith.constant 0 : i32
      %dma_wait3A_1226 = arith.constant 0 : i32
      %dma_wait3A_1227 = tpu.memref_slice %arg11[%dma_wait3A_1225, %dma_wait3A_1226] : memref<10112x128xf32, #tpu.memory_space<vmem_shared>> -> memref<10112x128xf32, #tpu.memory_space<vmem_shared>>
      tpu.wait_indirect_dma semaphore(%run_scoped3A_1215 : memref<!tpu.dma_semaphore, #tpu.memory_space<semaphore_mem>>) src(%arg10 : memref<128x128xf32, #tpu.memory_space<vmem>>) dst(%dma_wait3A_1227 : memref<10112x128xf32, #tpu.memory_space<vmem_shared>>)
      tpu.yield
    }) : () -> ()
    %dma_start3A_491 = arith.constant 33 : i32
    %dma_start3A_492 = arith.constant 0 : i32
    %dma_start3A_493 = tpu.memref_slice %arg7[%dma_start3A_491, %dma_start3A_492] : memref<40x128xi32, #tpu.memory_space<vmem>> -> memref<1x128xi32, #tpu.memory_space<vmem>>
    %dma_start3A_494 = tpu.memref_squeeze %dma_start3A_493 : memref<1x128xi32, #tpu.memory_space<vmem>> -> memref<128xi32, #tpu.memory_space<vmem>>
    %dma_start3A_495 = arith.constant 0 : i32
    %dma_start3A_496 = arith.constant 0 : i32
    %dma_start3A_497 = tpu.memref_slice %arg2[%dma_start3A_495, %dma_start3A_496] : memref<20000x128xf32, #tpu.memory_space<hbm>> -> memref<20000x128xf32, #tpu.memory_space<hbm>>
    tpu.enqueue_indirect_dma source(%dma_start3A_497 : memref<20000x128xf32, #tpu.memory_space<hbm>>) target(%arg10 : memref<128x128xf32, #tpu.memory_space<vmem>>) offsets(%dma_start3A_494 : memref<128xi32, #tpu.memory_space<vmem>>) semaphore(%arg13 : memref<!tpu.dma_semaphore, #tpu.memory_space<semaphore_mem>>)
    %dma_wait3A_498 = arith.constant 32 : i32
    %dma_wait3A_499 = arith.constant 0 : i32
    %dma_wait3A_500 = tpu.memref_slice %arg7[%dma_wait3A_498, %dma_wait3A_499] : memref<40x128xi32, #tpu.memory_space<vmem>> -> memref<1x128xi32, #tpu.memory_space<vmem>>
    %dma_wait3A_501 = tpu.memref_squeeze %dma_wait3A_500 : memref<1x128xi32, #tpu.memory_space<vmem>> -> memref<128xi32, #tpu.memory_space<vmem>>
    %dma_wait3A_502 = arith.constant 0 : i32
    %dma_wait3A_503 = arith.constant 0 : i32
    %dma_wait3A_504 = tpu.memref_slice %arg2[%dma_wait3A_502, %dma_wait3A_503] : memref<20000x128xf32, #tpu.memory_space<hbm>> -> memref<20000x128xf32, #tpu.memory_space<hbm>>
    tpu.wait_indirect_dma semaphore(%arg12 : memref<!tpu.dma_semaphore, #tpu.memory_space<semaphore_mem>>) src(%dma_wait3A_504 : memref<20000x128xf32, #tpu.memory_space<hbm>>) dst(%arg9 : memref<128x128xf32, #tpu.memory_space<vmem>>)
    %run_scoped3A_505 = arith.constant 32 : i32
    "tpu.region"() ({
      %run_scoped3A_1215 = tpu.sem_alloc : memref<!tpu.dma_semaphore, #tpu.memory_space<semaphore_mem>>
      %dma_start3A_1216 = arith.constant 0 : i32
      %dma_start3A_1217 = tpu.memref_slice %arg8[%run_scoped3A_505, %dma_start3A_1216] : memref<40x128xi32, #tpu.memory_space<vmem>> -> memref<1x128xi32, #tpu.memory_space<vmem>>
      %dma_start3A_1218 = tpu.memref_squeeze %dma_start3A_1217 : memref<1x128xi32, #tpu.memory_space<vmem>> -> memref<128xi32, #tpu.memory_space<vmem>>
      %dma_start3A_1219 = arith.constant 0 : i32
      %dma_start3A_1220 = arith.constant 0 : i32
      %dma_start3A_1221 = tpu.memref_slice %arg11[%dma_start3A_1219, %dma_start3A_1220] : memref<10112x128xf32, #tpu.memory_space<vmem_shared>> -> memref<10112x128xf32, #tpu.memory_space<vmem_shared>>
      tpu.enqueue_indirect_dma source(%arg9 : memref<128x128xf32, #tpu.memory_space<vmem>>) target(%dma_start3A_1221 : memref<10112x128xf32, #tpu.memory_space<vmem_shared>>) offsets(%dma_start3A_1218 : memref<128xi32, #tpu.memory_space<vmem>>) semaphore(%run_scoped3A_1215 : memref<!tpu.dma_semaphore, #tpu.memory_space<semaphore_mem>>) {add = true}
      %dma_wait3A_1222 = arith.constant 0 : i32
      %dma_wait3A_1223 = tpu.memref_slice %arg8[%run_scoped3A_505, %dma_wait3A_1222] : memref<40x128xi32, #tpu.memory_space<vmem>> -> memref<1x128xi32, #tpu.memory_space<vmem>>
      %dma_wait3A_1224 = tpu.memref_squeeze %dma_wait3A_1223 : memref<1x128xi32, #tpu.memory_space<vmem>> -> memref<128xi32, #tpu.memory_space<vmem>>
      %dma_wait3A_1225 = arith.constant 0 : i32
      %dma_wait3A_1226 = arith.constant 0 : i32
      %dma_wait3A_1227 = tpu.memref_slice %arg11[%dma_wait3A_1225, %dma_wait3A_1226] : memref<10112x128xf32, #tpu.memory_space<vmem_shared>> -> memref<10112x128xf32, #tpu.memory_space<vmem_shared>>
      tpu.wait_indirect_dma semaphore(%run_scoped3A_1215 : memref<!tpu.dma_semaphore, #tpu.memory_space<semaphore_mem>>) src(%arg9 : memref<128x128xf32, #tpu.memory_space<vmem>>) dst(%dma_wait3A_1227 : memref<10112x128xf32, #tpu.memory_space<vmem_shared>>)
      tpu.yield
    }) : () -> ()
    %dma_start3A_506 = arith.constant 34 : i32
    %dma_start3A_507 = arith.constant 0 : i32
    %dma_start3A_508 = tpu.memref_slice %arg7[%dma_start3A_506, %dma_start3A_507] : memref<40x128xi32, #tpu.memory_space<vmem>> -> memref<1x128xi32, #tpu.memory_space<vmem>>
    %dma_start3A_509 = tpu.memref_squeeze %dma_start3A_508 : memref<1x128xi32, #tpu.memory_space<vmem>> -> memref<128xi32, #tpu.memory_space<vmem>>
    %dma_start3A_510 = arith.constant 0 : i32
    %dma_start3A_511 = arith.constant 0 : i32
    %dma_start3A_512 = tpu.memref_slice %arg2[%dma_start3A_510, %dma_start3A_511] : memref<20000x128xf32, #tpu.memory_space<hbm>> -> memref<20000x128xf32, #tpu.memory_space<hbm>>
    tpu.enqueue_indirect_dma source(%dma_start3A_512 : memref<20000x128xf32, #tpu.memory_space<hbm>>) target(%arg9 : memref<128x128xf32, #tpu.memory_space<vmem>>) offsets(%dma_start3A_509 : memref<128xi32, #tpu.memory_space<vmem>>) semaphore(%arg12 : memref<!tpu.dma_semaphore, #tpu.memory_space<semaphore_mem>>)
    %dma_wait3A_513 = arith.constant 33 : i32
    %dma_wait3A_514 = arith.constant 0 : i32
    %dma_wait3A_515 = tpu.memref_slice %arg7[%dma_wait3A_513, %dma_wait3A_514] : memref<40x128xi32, #tpu.memory_space<vmem>> -> memref<1x128xi32, #tpu.memory_space<vmem>>
    %dma_wait3A_516 = tpu.memref_squeeze %dma_wait3A_515 : memref<1x128xi32, #tpu.memory_space<vmem>> -> memref<128xi32, #tpu.memory_space<vmem>>
    %dma_wait3A_517 = arith.constant 0 : i32
    %dma_wait3A_518 = arith.constant 0 : i32
    %dma_wait3A_519 = tpu.memref_slice %arg2[%dma_wait3A_517, %dma_wait3A_518] : memref<20000x128xf32, #tpu.memory_space<hbm>> -> memref<20000x128xf32, #tpu.memory_space<hbm>>
    tpu.wait_indirect_dma semaphore(%arg13 : memref<!tpu.dma_semaphore, #tpu.memory_space<semaphore_mem>>) src(%dma_wait3A_519 : memref<20000x128xf32, #tpu.memory_space<hbm>>) dst(%arg10 : memref<128x128xf32, #tpu.memory_space<vmem>>)
    %run_scoped3A_520 = arith.constant 33 : i32
    "tpu.region"() ({
      %run_scoped3A_1215 = tpu.sem_alloc : memref<!tpu.dma_semaphore, #tpu.memory_space<semaphore_mem>>
      %dma_start3A_1216 = arith.constant 0 : i32
      %dma_start3A_1217 = tpu.memref_slice %arg8[%run_scoped3A_520, %dma_start3A_1216] : memref<40x128xi32, #tpu.memory_space<vmem>> -> memref<1x128xi32, #tpu.memory_space<vmem>>
      %dma_start3A_1218 = tpu.memref_squeeze %dma_start3A_1217 : memref<1x128xi32, #tpu.memory_space<vmem>> -> memref<128xi32, #tpu.memory_space<vmem>>
      %dma_start3A_1219 = arith.constant 0 : i32
      %dma_start3A_1220 = arith.constant 0 : i32
      %dma_start3A_1221 = tpu.memref_slice %arg11[%dma_start3A_1219, %dma_start3A_1220] : memref<10112x128xf32, #tpu.memory_space<vmem_shared>> -> memref<10112x128xf32, #tpu.memory_space<vmem_shared>>
      tpu.enqueue_indirect_dma source(%arg10 : memref<128x128xf32, #tpu.memory_space<vmem>>) target(%dma_start3A_1221 : memref<10112x128xf32, #tpu.memory_space<vmem_shared>>) offsets(%dma_start3A_1218 : memref<128xi32, #tpu.memory_space<vmem>>) semaphore(%run_scoped3A_1215 : memref<!tpu.dma_semaphore, #tpu.memory_space<semaphore_mem>>) {add = true}
      %dma_wait3A_1222 = arith.constant 0 : i32
      %dma_wait3A_1223 = tpu.memref_slice %arg8[%run_scoped3A_520, %dma_wait3A_1222] : memref<40x128xi32, #tpu.memory_space<vmem>> -> memref<1x128xi32, #tpu.memory_space<vmem>>
      %dma_wait3A_1224 = tpu.memref_squeeze %dma_wait3A_1223 : memref<1x128xi32, #tpu.memory_space<vmem>> -> memref<128xi32, #tpu.memory_space<vmem>>
      %dma_wait3A_1225 = arith.constant 0 : i32
      %dma_wait3A_1226 = arith.constant 0 : i32
      %dma_wait3A_1227 = tpu.memref_slice %arg11[%dma_wait3A_1225, %dma_wait3A_1226] : memref<10112x128xf32, #tpu.memory_space<vmem_shared>> -> memref<10112x128xf32, #tpu.memory_space<vmem_shared>>
      tpu.wait_indirect_dma semaphore(%run_scoped3A_1215 : memref<!tpu.dma_semaphore, #tpu.memory_space<semaphore_mem>>) src(%arg10 : memref<128x128xf32, #tpu.memory_space<vmem>>) dst(%dma_wait3A_1227 : memref<10112x128xf32, #tpu.memory_space<vmem_shared>>)
      tpu.yield
    }) : () -> ()
    %dma_start3A_521 = arith.constant 35 : i32
    %dma_start3A_522 = arith.constant 0 : i32
    %dma_start3A_523 = tpu.memref_slice %arg7[%dma_start3A_521, %dma_start3A_522] : memref<40x128xi32, #tpu.memory_space<vmem>> -> memref<1x128xi32, #tpu.memory_space<vmem>>
    %dma_start3A_524 = tpu.memref_squeeze %dma_start3A_523 : memref<1x128xi32, #tpu.memory_space<vmem>> -> memref<128xi32, #tpu.memory_space<vmem>>
    %dma_start3A_525 = arith.constant 0 : i32
    %dma_start3A_526 = arith.constant 0 : i32
    %dma_start3A_527 = tpu.memref_slice %arg2[%dma_start3A_525, %dma_start3A_526] : memref<20000x128xf32, #tpu.memory_space<hbm>> -> memref<20000x128xf32, #tpu.memory_space<hbm>>
    tpu.enqueue_indirect_dma source(%dma_start3A_527 : memref<20000x128xf32, #tpu.memory_space<hbm>>) target(%arg10 : memref<128x128xf32, #tpu.memory_space<vmem>>) offsets(%dma_start3A_524 : memref<128xi32, #tpu.memory_space<vmem>>) semaphore(%arg13 : memref<!tpu.dma_semaphore, #tpu.memory_space<semaphore_mem>>)
    %dma_wait3A_528 = arith.constant 34 : i32
    %dma_wait3A_529 = arith.constant 0 : i32
    %dma_wait3A_530 = tpu.memref_slice %arg7[%dma_wait3A_528, %dma_wait3A_529] : memref<40x128xi32, #tpu.memory_space<vmem>> -> memref<1x128xi32, #tpu.memory_space<vmem>>
    %dma_wait3A_531 = tpu.memref_squeeze %dma_wait3A_530 : memref<1x128xi32, #tpu.memory_space<vmem>> -> memref<128xi32, #tpu.memory_space<vmem>>
    %dma_wait3A_532 = arith.constant 0 : i32
    %dma_wait3A_533 = arith.constant 0 : i32
    %dma_wait3A_534 = tpu.memref_slice %arg2[%dma_wait3A_532, %dma_wait3A_533] : memref<20000x128xf32, #tpu.memory_space<hbm>> -> memref<20000x128xf32, #tpu.memory_space<hbm>>
    tpu.wait_indirect_dma semaphore(%arg12 : memref<!tpu.dma_semaphore, #tpu.memory_space<semaphore_mem>>) src(%dma_wait3A_534 : memref<20000x128xf32, #tpu.memory_space<hbm>>) dst(%arg9 : memref<128x128xf32, #tpu.memory_space<vmem>>)
    %run_scoped3A_535 = arith.constant 34 : i32
    "tpu.region"() ({
      %run_scoped3A_1215 = tpu.sem_alloc : memref<!tpu.dma_semaphore, #tpu.memory_space<semaphore_mem>>
      %dma_start3A_1216 = arith.constant 0 : i32
      %dma_start3A_1217 = tpu.memref_slice %arg8[%run_scoped3A_535, %dma_start3A_1216] : memref<40x128xi32, #tpu.memory_space<vmem>> -> memref<1x128xi32, #tpu.memory_space<vmem>>
      %dma_start3A_1218 = tpu.memref_squeeze %dma_start3A_1217 : memref<1x128xi32, #tpu.memory_space<vmem>> -> memref<128xi32, #tpu.memory_space<vmem>>
      %dma_start3A_1219 = arith.constant 0 : i32
      %dma_start3A_1220 = arith.constant 0 : i32
      %dma_start3A_1221 = tpu.memref_slice %arg11[%dma_start3A_1219, %dma_start3A_1220] : memref<10112x128xf32, #tpu.memory_space<vmem_shared>> -> memref<10112x128xf32, #tpu.memory_space<vmem_shared>>
      tpu.enqueue_indirect_dma source(%arg9 : memref<128x128xf32, #tpu.memory_space<vmem>>) target(%dma_start3A_1221 : memref<10112x128xf32, #tpu.memory_space<vmem_shared>>) offsets(%dma_start3A_1218 : memref<128xi32, #tpu.memory_space<vmem>>) semaphore(%run_scoped3A_1215 : memref<!tpu.dma_semaphore, #tpu.memory_space<semaphore_mem>>) {add = true}
      %dma_wait3A_1222 = arith.constant 0 : i32
      %dma_wait3A_1223 = tpu.memref_slice %arg8[%run_scoped3A_535, %dma_wait3A_1222] : memref<40x128xi32, #tpu.memory_space<vmem>> -> memref<1x128xi32, #tpu.memory_space<vmem>>
      %dma_wait3A_1224 = tpu.memref_squeeze %dma_wait3A_1223 : memref<1x128xi32, #tpu.memory_space<vmem>> -> memref<128xi32, #tpu.memory_space<vmem>>
      %dma_wait3A_1225 = arith.constant 0 : i32
      %dma_wait3A_1226 = arith.constant 0 : i32
      %dma_wait3A_1227 = tpu.memref_slice %arg11[%dma_wait3A_1225, %dma_wait3A_1226] : memref<10112x128xf32, #tpu.memory_space<vmem_shared>> -> memref<10112x128xf32, #tpu.memory_space<vmem_shared>>
      tpu.wait_indirect_dma semaphore(%run_scoped3A_1215 : memref<!tpu.dma_semaphore, #tpu.memory_space<semaphore_mem>>) src(%arg9 : memref<128x128xf32, #tpu.memory_space<vmem>>) dst(%dma_wait3A_1227 : memref<10112x128xf32, #tpu.memory_space<vmem_shared>>)
      tpu.yield
    }) : () -> ()
    %dma_start3A_536 = arith.constant 36 : i32
    %dma_start3A_537 = arith.constant 0 : i32
    %dma_start3A_538 = tpu.memref_slice %arg7[%dma_start3A_536, %dma_start3A_537] : memref<40x128xi32, #tpu.memory_space<vmem>> -> memref<1x128xi32, #tpu.memory_space<vmem>>
    %dma_start3A_539 = tpu.memref_squeeze %dma_start3A_538 : memref<1x128xi32, #tpu.memory_space<vmem>> -> memref<128xi32, #tpu.memory_space<vmem>>
    %dma_start3A_540 = arith.constant 0 : i32
    %dma_start3A_541 = arith.constant 0 : i32
    %dma_start3A_542 = tpu.memref_slice %arg2[%dma_start3A_540, %dma_start3A_541] : memref<20000x128xf32, #tpu.memory_space<hbm>> -> memref<20000x128xf32, #tpu.memory_space<hbm>>
    tpu.enqueue_indirect_dma source(%dma_start3A_542 : memref<20000x128xf32, #tpu.memory_space<hbm>>) target(%arg9 : memref<128x128xf32, #tpu.memory_space<vmem>>) offsets(%dma_start3A_539 : memref<128xi32, #tpu.memory_space<vmem>>) semaphore(%arg12 : memref<!tpu.dma_semaphore, #tpu.memory_space<semaphore_mem>>)
    %dma_wait3A_543 = arith.constant 35 : i32
    %dma_wait3A_544 = arith.constant 0 : i32
    %dma_wait3A_545 = tpu.memref_slice %arg7[%dma_wait3A_543, %dma_wait3A_544] : memref<40x128xi32, #tpu.memory_space<vmem>> -> memref<1x128xi32, #tpu.memory_space<vmem>>
    %dma_wait3A_546 = tpu.memref_squeeze %dma_wait3A_545 : memref<1x128xi32, #tpu.memory_space<vmem>> -> memref<128xi32, #tpu.memory_space<vmem>>
    %dma_wait3A_547 = arith.constant 0 : i32
    %dma_wait3A_548 = arith.constant 0 : i32
    %dma_wait3A_549 = tpu.memref_slice %arg2[%dma_wait3A_547, %dma_wait3A_548] : memref<20000x128xf32, #tpu.memory_space<hbm>> -> memref<20000x128xf32, #tpu.memory_space<hbm>>
    tpu.wait_indirect_dma semaphore(%arg13 : memref<!tpu.dma_semaphore, #tpu.memory_space<semaphore_mem>>) src(%dma_wait3A_549 : memref<20000x128xf32, #tpu.memory_space<hbm>>) dst(%arg10 : memref<128x128xf32, #tpu.memory_space<vmem>>)
    %run_scoped3A_550 = arith.constant 35 : i32
    "tpu.region"() ({
      %run_scoped3A_1215 = tpu.sem_alloc : memref<!tpu.dma_semaphore, #tpu.memory_space<semaphore_mem>>
      %dma_start3A_1216 = arith.constant 0 : i32
      %dma_start3A_1217 = tpu.memref_slice %arg8[%run_scoped3A_550, %dma_start3A_1216] : memref<40x128xi32, #tpu.memory_space<vmem>> -> memref<1x128xi32, #tpu.memory_space<vmem>>
      %dma_start3A_1218 = tpu.memref_squeeze %dma_start3A_1217 : memref<1x128xi32, #tpu.memory_space<vmem>> -> memref<128xi32, #tpu.memory_space<vmem>>
      %dma_start3A_1219 = arith.constant 0 : i32
      %dma_start3A_1220 = arith.constant 0 : i32
      %dma_start3A_1221 = tpu.memref_slice %arg11[%dma_start3A_1219, %dma_start3A_1220] : memref<10112x128xf32, #tpu.memory_space<vmem_shared>> -> memref<10112x128xf32, #tpu.memory_space<vmem_shared>>
      tpu.enqueue_indirect_dma source(%arg10 : memref<128x128xf32, #tpu.memory_space<vmem>>) target(%dma_start3A_1221 : memref<10112x128xf32, #tpu.memory_space<vmem_shared>>) offsets(%dma_start3A_1218 : memref<128xi32, #tpu.memory_space<vmem>>) semaphore(%run_scoped3A_1215 : memref<!tpu.dma_semaphore, #tpu.memory_space<semaphore_mem>>) {add = true}
      %dma_wait3A_1222 = arith.constant 0 : i32
      %dma_wait3A_1223 = tpu.memref_slice %arg8[%run_scoped3A_550, %dma_wait3A_1222] : memref<40x128xi32, #tpu.memory_space<vmem>> -> memref<1x128xi32, #tpu.memory_space<vmem>>
      %dma_wait3A_1224 = tpu.memref_squeeze %dma_wait3A_1223 : memref<1x128xi32, #tpu.memory_space<vmem>> -> memref<128xi32, #tpu.memory_space<vmem>>
      %dma_wait3A_1225 = arith.constant 0 : i32
      %dma_wait3A_1226 = arith.constant 0 : i32
      %dma_wait3A_1227 = tpu.memref_slice %arg11[%dma_wait3A_1225, %dma_wait3A_1226] : memref<10112x128xf32, #tpu.memory_space<vmem_shared>> -> memref<10112x128xf32, #tpu.memory_space<vmem_shared>>
      tpu.wait_indirect_dma semaphore(%run_scoped3A_1215 : memref<!tpu.dma_semaphore, #tpu.memory_space<semaphore_mem>>) src(%arg10 : memref<128x128xf32, #tpu.memory_space<vmem>>) dst(%dma_wait3A_1227 : memref<10112x128xf32, #tpu.memory_space<vmem_shared>>)
      tpu.yield
    }) : () -> ()
    %dma_start3A_551 = arith.constant 37 : i32
    %dma_start3A_552 = arith.constant 0 : i32
    %dma_start3A_553 = tpu.memref_slice %arg7[%dma_start3A_551, %dma_start3A_552] : memref<40x128xi32, #tpu.memory_space<vmem>> -> memref<1x128xi32, #tpu.memory_space<vmem>>
    %dma_start3A_554 = tpu.memref_squeeze %dma_start3A_553 : memref<1x128xi32, #tpu.memory_space<vmem>> -> memref<128xi32, #tpu.memory_space<vmem>>
    %dma_start3A_555 = arith.constant 0 : i32
    %dma_start3A_556 = arith.constant 0 : i32
    %dma_start3A_557 = tpu.memref_slice %arg2[%dma_start3A_555, %dma_start3A_556] : memref<20000x128xf32, #tpu.memory_space<hbm>> -> memref<20000x128xf32, #tpu.memory_space<hbm>>
    tpu.enqueue_indirect_dma source(%dma_start3A_557 : memref<20000x128xf32, #tpu.memory_space<hbm>>) target(%arg10 : memref<128x128xf32, #tpu.memory_space<vmem>>) offsets(%dma_start3A_554 : memref<128xi32, #tpu.memory_space<vmem>>) semaphore(%arg13 : memref<!tpu.dma_semaphore, #tpu.memory_space<semaphore_mem>>)
    %dma_wait3A_558 = arith.constant 36 : i32
    %dma_wait3A_559 = arith.constant 0 : i32
    %dma_wait3A_560 = tpu.memref_slice %arg7[%dma_wait3A_558, %dma_wait3A_559] : memref<40x128xi32, #tpu.memory_space<vmem>> -> memref<1x128xi32, #tpu.memory_space<vmem>>
    %dma_wait3A_561 = tpu.memref_squeeze %dma_wait3A_560 : memref<1x128xi32, #tpu.memory_space<vmem>> -> memref<128xi32, #tpu.memory_space<vmem>>
    %dma_wait3A_562 = arith.constant 0 : i32
    %dma_wait3A_563 = arith.constant 0 : i32
    %dma_wait3A_564 = tpu.memref_slice %arg2[%dma_wait3A_562, %dma_wait3A_563] : memref<20000x128xf32, #tpu.memory_space<hbm>> -> memref<20000x128xf32, #tpu.memory_space<hbm>>
    tpu.wait_indirect_dma semaphore(%arg12 : memref<!tpu.dma_semaphore, #tpu.memory_space<semaphore_mem>>) src(%dma_wait3A_564 : memref<20000x128xf32, #tpu.memory_space<hbm>>) dst(%arg9 : memref<128x128xf32, #tpu.memory_space<vmem>>)
    %run_scoped3A_565 = arith.constant 36 : i32
    "tpu.region"() ({
      %run_scoped3A_1215 = tpu.sem_alloc : memref<!tpu.dma_semaphore, #tpu.memory_space<semaphore_mem>>
      %dma_start3A_1216 = arith.constant 0 : i32
      %dma_start3A_1217 = tpu.memref_slice %arg8[%run_scoped3A_565, %dma_start3A_1216] : memref<40x128xi32, #tpu.memory_space<vmem>> -> memref<1x128xi32, #tpu.memory_space<vmem>>
      %dma_start3A_1218 = tpu.memref_squeeze %dma_start3A_1217 : memref<1x128xi32, #tpu.memory_space<vmem>> -> memref<128xi32, #tpu.memory_space<vmem>>
      %dma_start3A_1219 = arith.constant 0 : i32
      %dma_start3A_1220 = arith.constant 0 : i32
      %dma_start3A_1221 = tpu.memref_slice %arg11[%dma_start3A_1219, %dma_start3A_1220] : memref<10112x128xf32, #tpu.memory_space<vmem_shared>> -> memref<10112x128xf32, #tpu.memory_space<vmem_shared>>
      tpu.enqueue_indirect_dma source(%arg9 : memref<128x128xf32, #tpu.memory_space<vmem>>) target(%dma_start3A_1221 : memref<10112x128xf32, #tpu.memory_space<vmem_shared>>) offsets(%dma_start3A_1218 : memref<128xi32, #tpu.memory_space<vmem>>) semaphore(%run_scoped3A_1215 : memref<!tpu.dma_semaphore, #tpu.memory_space<semaphore_mem>>) {add = true}
      %dma_wait3A_1222 = arith.constant 0 : i32
      %dma_wait3A_1223 = tpu.memref_slice %arg8[%run_scoped3A_565, %dma_wait3A_1222] : memref<40x128xi32, #tpu.memory_space<vmem>> -> memref<1x128xi32, #tpu.memory_space<vmem>>
      %dma_wait3A_1224 = tpu.memref_squeeze %dma_wait3A_1223 : memref<1x128xi32, #tpu.memory_space<vmem>> -> memref<128xi32, #tpu.memory_space<vmem>>
      %dma_wait3A_1225 = arith.constant 0 : i32
      %dma_wait3A_1226 = arith.constant 0 : i32
      %dma_wait3A_1227 = tpu.memref_slice %arg11[%dma_wait3A_1225, %dma_wait3A_1226] : memref<10112x128xf32, #tpu.memory_space<vmem_shared>> -> memref<10112x128xf32, #tpu.memory_space<vmem_shared>>
      tpu.wait_indirect_dma semaphore(%run_scoped3A_1215 : memref<!tpu.dma_semaphore, #tpu.memory_space<semaphore_mem>>) src(%arg9 : memref<128x128xf32, #tpu.memory_space<vmem>>) dst(%dma_wait3A_1227 : memref<10112x128xf32, #tpu.memory_space<vmem_shared>>)
      tpu.yield
    }) : () -> ()
    %dma_start3A_566 = arith.constant 38 : i32
    %dma_start3A_567 = arith.constant 0 : i32
    %dma_start3A_568 = tpu.memref_slice %arg7[%dma_start3A_566, %dma_start3A_567] : memref<40x128xi32, #tpu.memory_space<vmem>> -> memref<1x128xi32, #tpu.memory_space<vmem>>
    %dma_start3A_569 = tpu.memref_squeeze %dma_start3A_568 : memref<1x128xi32, #tpu.memory_space<vmem>> -> memref<128xi32, #tpu.memory_space<vmem>>
    %dma_start3A_570 = arith.constant 0 : i32
    %dma_start3A_571 = arith.constant 0 : i32
    %dma_start3A_572 = tpu.memref_slice %arg2[%dma_start3A_570, %dma_start3A_571] : memref<20000x128xf32, #tpu.memory_space<hbm>> -> memref<20000x128xf32, #tpu.memory_space<hbm>>
    tpu.enqueue_indirect_dma source(%dma_start3A_572 : memref<20000x128xf32, #tpu.memory_space<hbm>>) target(%arg9 : memref<128x128xf32, #tpu.memory_space<vmem>>) offsets(%dma_start3A_569 : memref<128xi32, #tpu.memory_space<vmem>>) semaphore(%arg12 : memref<!tpu.dma_semaphore, #tpu.memory_space<semaphore_mem>>)
    %dma_wait3A_573 = arith.constant 37 : i32
    %dma_wait3A_574 = arith.constant 0 : i32
    %dma_wait3A_575 = tpu.memref_slice %arg7[%dma_wait3A_573, %dma_wait3A_574] : memref<40x128xi32, #tpu.memory_space<vmem>> -> memref<1x128xi32, #tpu.memory_space<vmem>>
    %dma_wait3A_576 = tpu.memref_squeeze %dma_wait3A_575 : memref<1x128xi32, #tpu.memory_space<vmem>> -> memref<128xi32, #tpu.memory_space<vmem>>
    %dma_wait3A_577 = arith.constant 0 : i32
    %dma_wait3A_578 = arith.constant 0 : i32
    %dma_wait3A_579 = tpu.memref_slice %arg2[%dma_wait3A_577, %dma_wait3A_578] : memref<20000x128xf32, #tpu.memory_space<hbm>> -> memref<20000x128xf32, #tpu.memory_space<hbm>>
    tpu.wait_indirect_dma semaphore(%arg13 : memref<!tpu.dma_semaphore, #tpu.memory_space<semaphore_mem>>) src(%dma_wait3A_579 : memref<20000x128xf32, #tpu.memory_space<hbm>>) dst(%arg10 : memref<128x128xf32, #tpu.memory_space<vmem>>)
    %run_scoped3A_580 = arith.constant 37 : i32
    "tpu.region"() ({
      %run_scoped3A_1215 = tpu.sem_alloc : memref<!tpu.dma_semaphore, #tpu.memory_space<semaphore_mem>>
      %dma_start3A_1216 = arith.constant 0 : i32
      %dma_start3A_1217 = tpu.memref_slice %arg8[%run_scoped3A_580, %dma_start3A_1216] : memref<40x128xi32, #tpu.memory_space<vmem>> -> memref<1x128xi32, #tpu.memory_space<vmem>>
      %dma_start3A_1218 = tpu.memref_squeeze %dma_start3A_1217 : memref<1x128xi32, #tpu.memory_space<vmem>> -> memref<128xi32, #tpu.memory_space<vmem>>
      %dma_start3A_1219 = arith.constant 0 : i32
      %dma_start3A_1220 = arith.constant 0 : i32
      %dma_start3A_1221 = tpu.memref_slice %arg11[%dma_start3A_1219, %dma_start3A_1220] : memref<10112x128xf32, #tpu.memory_space<vmem_shared>> -> memref<10112x128xf32, #tpu.memory_space<vmem_shared>>
      tpu.enqueue_indirect_dma source(%arg10 : memref<128x128xf32, #tpu.memory_space<vmem>>) target(%dma_start3A_1221 : memref<10112x128xf32, #tpu.memory_space<vmem_shared>>) offsets(%dma_start3A_1218 : memref<128xi32, #tpu.memory_space<vmem>>) semaphore(%run_scoped3A_1215 : memref<!tpu.dma_semaphore, #tpu.memory_space<semaphore_mem>>) {add = true}
      %dma_wait3A_1222 = arith.constant 0 : i32
      %dma_wait3A_1223 = tpu.memref_slice %arg8[%run_scoped3A_580, %dma_wait3A_1222] : memref<40x128xi32, #tpu.memory_space<vmem>> -> memref<1x128xi32, #tpu.memory_space<vmem>>
      %dma_wait3A_1224 = tpu.memref_squeeze %dma_wait3A_1223 : memref<1x128xi32, #tpu.memory_space<vmem>> -> memref<128xi32, #tpu.memory_space<vmem>>
      %dma_wait3A_1225 = arith.constant 0 : i32
      %dma_wait3A_1226 = arith.constant 0 : i32
      %dma_wait3A_1227 = tpu.memref_slice %arg11[%dma_wait3A_1225, %dma_wait3A_1226] : memref<10112x128xf32, #tpu.memory_space<vmem_shared>> -> memref<10112x128xf32, #tpu.memory_space<vmem_shared>>
      tpu.wait_indirect_dma semaphore(%run_scoped3A_1215 : memref<!tpu.dma_semaphore, #tpu.memory_space<semaphore_mem>>) src(%arg10 : memref<128x128xf32, #tpu.memory_space<vmem>>) dst(%dma_wait3A_1227 : memref<10112x128xf32, #tpu.memory_space<vmem_shared>>)
      tpu.yield
    }) : () -> ()
    %dma_start3A_581 = arith.constant 39 : i32
    %dma_start3A_582 = arith.constant 0 : i32
    %dma_start3A_583 = tpu.memref_slice %arg7[%dma_start3A_581, %dma_start3A_582] : memref<40x128xi32, #tpu.memory_space<vmem>> -> memref<1x128xi32, #tpu.memory_space<vmem>>
    %dma_start3A_584 = tpu.memref_squeeze %dma_start3A_583 : memref<1x128xi32, #tpu.memory_space<vmem>> -> memref<128xi32, #tpu.memory_space<vmem>>
    %dma_start3A_585 = arith.constant 0 : i32
    %dma_start3A_586 = arith.constant 0 : i32
    %dma_start3A_587 = tpu.memref_slice %arg2[%dma_start3A_585, %dma_start3A_586] : memref<20000x128xf32, #tpu.memory_space<hbm>> -> memref<20000x128xf32, #tpu.memory_space<hbm>>
    tpu.enqueue_indirect_dma source(%dma_start3A_587 : memref<20000x128xf32, #tpu.memory_space<hbm>>) target(%arg10 : memref<128x128xf32, #tpu.memory_space<vmem>>) offsets(%dma_start3A_584 : memref<128xi32, #tpu.memory_space<vmem>>) semaphore(%arg13 : memref<!tpu.dma_semaphore, #tpu.memory_space<semaphore_mem>>)
    %dma_wait3A_588 = arith.constant 38 : i32
    %dma_wait3A_589 = arith.constant 0 : i32
    %dma_wait3A_590 = tpu.memref_slice %arg7[%dma_wait3A_588, %dma_wait3A_589] : memref<40x128xi32, #tpu.memory_space<vmem>> -> memref<1x128xi32, #tpu.memory_space<vmem>>
    %dma_wait3A_591 = tpu.memref_squeeze %dma_wait3A_590 : memref<1x128xi32, #tpu.memory_space<vmem>> -> memref<128xi32, #tpu.memory_space<vmem>>
    %dma_wait3A_592 = arith.constant 0 : i32
    %dma_wait3A_593 = arith.constant 0 : i32
    %dma_wait3A_594 = tpu.memref_slice %arg2[%dma_wait3A_592, %dma_wait3A_593] : memref<20000x128xf32, #tpu.memory_space<hbm>> -> memref<20000x128xf32, #tpu.memory_space<hbm>>
    tpu.wait_indirect_dma semaphore(%arg12 : memref<!tpu.dma_semaphore, #tpu.memory_space<semaphore_mem>>) src(%dma_wait3A_594 : memref<20000x128xf32, #tpu.memory_space<hbm>>) dst(%arg9 : memref<128x128xf32, #tpu.memory_space<vmem>>)
    %run_scoped3A_595 = arith.constant 38 : i32
    "tpu.region"() ({
      %run_scoped3A_1215 = tpu.sem_alloc : memref<!tpu.dma_semaphore, #tpu.memory_space<semaphore_mem>>
      %dma_start3A_1216 = arith.constant 0 : i32
      %dma_start3A_1217 = tpu.memref_slice %arg8[%run_scoped3A_595, %dma_start3A_1216] : memref<40x128xi32, #tpu.memory_space<vmem>> -> memref<1x128xi32, #tpu.memory_space<vmem>>
      %dma_start3A_1218 = tpu.memref_squeeze %dma_start3A_1217 : memref<1x128xi32, #tpu.memory_space<vmem>> -> memref<128xi32, #tpu.memory_space<vmem>>
      %dma_start3A_1219 = arith.constant 0 : i32
      %dma_start3A_1220 = arith.constant 0 : i32
      %dma_start3A_1221 = tpu.memref_slice %arg11[%dma_start3A_1219, %dma_start3A_1220] : memref<10112x128xf32, #tpu.memory_space<vmem_shared>> -> memref<10112x128xf32, #tpu.memory_space<vmem_shared>>
      tpu.enqueue_indirect_dma source(%arg9 : memref<128x128xf32, #tpu.memory_space<vmem>>) target(%dma_start3A_1221 : memref<10112x128xf32, #tpu.memory_space<vmem_shared>>) offsets(%dma_start3A_1218 : memref<128xi32, #tpu.memory_space<vmem>>) semaphore(%run_scoped3A_1215 : memref<!tpu.dma_semaphore, #tpu.memory_space<semaphore_mem>>) {add = true}
      %dma_wait3A_1222 = arith.constant 0 : i32
      %dma_wait3A_1223 = tpu.memref_slice %arg8[%run_scoped3A_595, %dma_wait3A_1222] : memref<40x128xi32, #tpu.memory_space<vmem>> -> memref<1x128xi32, #tpu.memory_space<vmem>>
      %dma_wait3A_1224 = tpu.memref_squeeze %dma_wait3A_1223 : memref<1x128xi32, #tpu.memory_space<vmem>> -> memref<128xi32, #tpu.memory_space<vmem>>
      %dma_wait3A_1225 = arith.constant 0 : i32
      %dma_wait3A_1226 = arith.constant 0 : i32
      %dma_wait3A_1227 = tpu.memref_slice %arg11[%dma_wait3A_1225, %dma_wait3A_1226] : memref<10112x128xf32, #tpu.memory_space<vmem_shared>> -> memref<10112x128xf32, #tpu.memory_space<vmem_shared>>
      tpu.wait_indirect_dma semaphore(%run_scoped3A_1215 : memref<!tpu.dma_semaphore, #tpu.memory_space<semaphore_mem>>) src(%arg9 : memref<128x128xf32, #tpu.memory_space<vmem>>) dst(%dma_wait3A_1227 : memref<10112x128xf32, #tpu.memory_space<vmem_shared>>)
      tpu.yield
    }) : () -> ()
    %dma_wait3A_596 = arith.constant 39 : i32
    %dma_wait3A_597 = arith.constant 0 : i32
    %dma_wait3A_598 = tpu.memref_slice %arg7[%dma_wait3A_596, %dma_wait3A_597] : memref<40x128xi32, #tpu.memory_space<vmem>> -> memref<1x128xi32, #tpu.memory_space<vmem>>
    %dma_wait3A_599 = tpu.memref_squeeze %dma_wait3A_598 : memref<1x128xi32, #tpu.memory_space<vmem>> -> memref<128xi32, #tpu.memory_space<vmem>>
    %dma_wait3A_600 = arith.constant 0 : i32
    %dma_wait3A_601 = arith.constant 0 : i32
    %dma_wait3A_602 = tpu.memref_slice %arg2[%dma_wait3A_600, %dma_wait3A_601] : memref<20000x128xf32, #tpu.memory_space<hbm>> -> memref<20000x128xf32, #tpu.memory_space<hbm>>
    tpu.wait_indirect_dma semaphore(%arg13 : memref<!tpu.dma_semaphore, #tpu.memory_space<semaphore_mem>>) src(%dma_wait3A_602 : memref<20000x128xf32, #tpu.memory_space<hbm>>) dst(%arg10 : memref<128x128xf32, #tpu.memory_space<vmem>>)
    %run_scoped3A_603 = arith.constant 39 : i32
    "tpu.region"() ({
      %run_scoped3A_1215 = tpu.sem_alloc : memref<!tpu.dma_semaphore, #tpu.memory_space<semaphore_mem>>
      %dma_start3A_1216 = arith.constant 0 : i32
      %dma_start3A_1217 = tpu.memref_slice %arg8[%run_scoped3A_603, %dma_start3A_1216] : memref<40x128xi32, #tpu.memory_space<vmem>> -> memref<1x128xi32, #tpu.memory_space<vmem>>
      %dma_start3A_1218 = tpu.memref_squeeze %dma_start3A_1217 : memref<1x128xi32, #tpu.memory_space<vmem>> -> memref<128xi32, #tpu.memory_space<vmem>>
      %dma_start3A_1219 = arith.constant 0 : i32
      %dma_start3A_1220 = arith.constant 0 : i32
      %dma_start3A_1221 = tpu.memref_slice %arg11[%dma_start3A_1219, %dma_start3A_1220] : memref<10112x128xf32, #tpu.memory_space<vmem_shared>> -> memref<10112x128xf32, #tpu.memory_space<vmem_shared>>
      tpu.enqueue_indirect_dma source(%arg10 : memref<128x128xf32, #tpu.memory_space<vmem>>) target(%dma_start3A_1221 : memref<10112x128xf32, #tpu.memory_space<vmem_shared>>) offsets(%dma_start3A_1218 : memref<128xi32, #tpu.memory_space<vmem>>) semaphore(%run_scoped3A_1215 : memref<!tpu.dma_semaphore, #tpu.memory_space<semaphore_mem>>) {add = true}
      %dma_wait3A_1222 = arith.constant 0 : i32
      %dma_wait3A_1223 = tpu.memref_slice %arg8[%run_scoped3A_603, %dma_wait3A_1222] : memref<40x128xi32, #tpu.memory_space<vmem>> -> memref<1x128xi32, #tpu.memory_space<vmem>>
      %dma_wait3A_1224 = tpu.memref_squeeze %dma_wait3A_1223 : memref<1x128xi32, #tpu.memory_space<vmem>> -> memref<128xi32, #tpu.memory_space<vmem>>
      %dma_wait3A_1225 = arith.constant 0 : i32
      %dma_wait3A_1226 = arith.constant 0 : i32
      %dma_wait3A_1227 = tpu.memref_slice %arg11[%dma_wait3A_1225, %dma_wait3A_1226] : memref<10112x128xf32, #tpu.memory_space<vmem_shared>> -> memref<10112x128xf32, #tpu.memory_space<vmem_shared>>
      tpu.wait_indirect_dma semaphore(%run_scoped3A_1215 : memref<!tpu.dma_semaphore, #tpu.memory_space<semaphore_mem>>) src(%arg10 : memref<128x128xf32, #tpu.memory_space<vmem>>) dst(%dma_wait3A_1227 : memref<10112x128xf32, #tpu.memory_space<vmem_shared>>)
      tpu.yield
    }) : () -> ()
    %mul3A_604 = arith.constant 16 : i32
    %mul3A_605 = arith.muli %add3A, %mul3A_604 : i32
    %add3A_606 = arith.addi %mul3A_605, %arg1 : i32
    "tpu.region"() ({
      %run_scoped3A_1215 = tpu.sem_alloc : memref<!tpu.dma_semaphore, #tpu.memory_space<semaphore_mem>>
      %dma_start3A_1216 = arith.constant 40 : i32
      %dma_start3A_1217 = arith.constant 0 : i32
      %dma_start3A_1218 = tpu.memref_slice %arg3[%add3A_606, %dma_start3A_1216, %dma_start3A_1217] : memref<32x80x128xi32, #tpu.memory_space<hbm>> -> memref<1x40x128xi32, #tpu.memory_space<hbm>>
      %dma_start3A_1219 = tpu.memref_squeeze %dma_start3A_1218 : memref<1x40x128xi32, #tpu.memory_space<hbm>> -> memref<40x128xi32, #tpu.memory_space<hbm>>
      %dma_start3A_1220 = arith.constant 40 : i32
      %dma_start3A_1221 = arith.constant 0 : i32
      %dma_start3A_1222 = tpu.memref_slice %arg3[%add3A_606, %dma_start3A_1220, %dma_start3A_1221] : memref<32x80x128xi32, #tpu.memory_space<hbm>> -> memref<1x40x128xi32, #tpu.memory_space<hbm>>
      %dma_start3A_1223 = tpu.memref_squeeze %dma_start3A_1222 : memref<1x40x128xi32, #tpu.memory_space<hbm>> -> memref<40x128xi32, #tpu.memory_space<hbm>>
      tpu.enqueue_dma source(%dma_start3A_1223 : memref<40x128xi32, #tpu.memory_space<hbm>>) target(%arg7 : memref<40x128xi32, #tpu.memory_space<vmem>>) target_semaphore(%run_scoped3A_1215 : memref<!tpu.dma_semaphore, #tpu.memory_space<semaphore_mem>>)
      %dma_wait3A_1224 = arith.constant 40 : i32
      %dma_wait3A_1225 = arith.constant 0 : i32
      %dma_wait3A_1226 = tpu.memref_slice %arg3[%add3A_606, %dma_wait3A_1224, %dma_wait3A_1225] : memref<32x80x128xi32, #tpu.memory_space<hbm>> -> memref<1x40x128xi32, #tpu.memory_space<hbm>>
      %dma_wait3A_1227 = tpu.memref_squeeze %dma_wait3A_1226 : memref<1x40x128xi32, #tpu.memory_space<hbm>> -> memref<40x128xi32, #tpu.memory_space<hbm>>
      %dma_wait3A_1228 = arith.constant 40 : i32
      %dma_wait3A_1229 = arith.constant 0 : i32
      %dma_wait3A_1230 = tpu.memref_slice %arg3[%add3A_606, %dma_wait3A_1228, %dma_wait3A_1229] : memref<32x80x128xi32, #tpu.memory_space<hbm>> -> memref<1x40x128xi32, #tpu.memory_space<hbm>>
      %dma_wait3A_1231 = tpu.memref_squeeze %dma_wait3A_1230 : memref<1x40x128xi32, #tpu.memory_space<hbm>> -> memref<40x128xi32, #tpu.memory_space<hbm>>
      tpu.wait_dma2 semaphore(%run_scoped3A_1215 : memref<!tpu.dma_semaphore, #tpu.memory_space<semaphore_mem>>) src(%dma_wait3A_1231 : memref<40x128xi32, #tpu.memory_space<hbm>>) dst(%arg7 : memref<40x128xi32, #tpu.memory_space<vmem>>)
      tpu.yield
    }) : () -> ()
    "tpu.region"() ({
      %run_scoped3A_1215 = tpu.sem_alloc : memref<!tpu.dma_semaphore, #tpu.memory_space<semaphore_mem>>
      %dma_start3A_1216 = arith.constant 40 : i32
      %dma_start3A_1217 = arith.constant 0 : i32
      %dma_start3A_1218 = tpu.memref_slice %arg4[%arg1, %dma_start3A_1216, %dma_start3A_1217] : memref<16x80x128xi32, #tpu.memory_space<hbm>> -> memref<1x40x128xi32, #tpu.memory_space<hbm>>
      %dma_start3A_1219 = tpu.memref_squeeze %dma_start3A_1218 : memref<1x40x128xi32, #tpu.memory_space<hbm>> -> memref<40x128xi32, #tpu.memory_space<hbm>>
      %dma_start3A_1220 = arith.constant 40 : i32
      %dma_start3A_1221 = arith.constant 0 : i32
      %dma_start3A_1222 = tpu.memref_slice %arg4[%arg1, %dma_start3A_1220, %dma_start3A_1221] : memref<16x80x128xi32, #tpu.memory_space<hbm>> -> memref<1x40x128xi32, #tpu.memory_space<hbm>>
      %dma_start3A_1223 = tpu.memref_squeeze %dma_start3A_1222 : memref<1x40x128xi32, #tpu.memory_space<hbm>> -> memref<40x128xi32, #tpu.memory_space<hbm>>
      tpu.enqueue_dma source(%dma_start3A_1223 : memref<40x128xi32, #tpu.memory_space<hbm>>) target(%arg8 : memref<40x128xi32, #tpu.memory_space<vmem>>) target_semaphore(%run_scoped3A_1215 : memref<!tpu.dma_semaphore, #tpu.memory_space<semaphore_mem>>)
      %dma_wait3A_1224 = arith.constant 40 : i32
      %dma_wait3A_1225 = arith.constant 0 : i32
      %dma_wait3A_1226 = tpu.memref_slice %arg4[%arg1, %dma_wait3A_1224, %dma_wait3A_1225] : memref<16x80x128xi32, #tpu.memory_space<hbm>> -> memref<1x40x128xi32, #tpu.memory_space<hbm>>
      %dma_wait3A_1227 = tpu.memref_squeeze %dma_wait3A_1226 : memref<1x40x128xi32, #tpu.memory_space<hbm>> -> memref<40x128xi32, #tpu.memory_space<hbm>>
      %dma_wait3A_1228 = arith.constant 40 : i32
      %dma_wait3A_1229 = arith.constant 0 : i32
      %dma_wait3A_1230 = tpu.memref_slice %arg4[%arg1, %dma_wait3A_1228, %dma_wait3A_1229] : memref<16x80x128xi32, #tpu.memory_space<hbm>> -> memref<1x40x128xi32, #tpu.memory_space<hbm>>
      %dma_wait3A_1231 = tpu.memref_squeeze %dma_wait3A_1230 : memref<1x40x128xi32, #tpu.memory_space<hbm>> -> memref<40x128xi32, #tpu.memory_space<hbm>>
      tpu.wait_dma2 semaphore(%run_scoped3A_1215 : memref<!tpu.dma_semaphore, #tpu.memory_space<semaphore_mem>>) src(%dma_wait3A_1231 : memref<40x128xi32, #tpu.memory_space<hbm>>) dst(%arg8 : memref<40x128xi32, #tpu.memory_space<vmem>>)
      tpu.yield
    }) : () -> ()
    %dma_start3A_607 = arith.constant 0 : i32
    %dma_start3A_608 = arith.constant 0 : i32
    %dma_start3A_609 = tpu.memref_slice %arg7[%dma_start3A_607, %dma_start3A_608] : memref<40x128xi32, #tpu.memory_space<vmem>> -> memref<1x128xi32, #tpu.memory_space<vmem>>
    %dma_start3A_610 = tpu.memref_squeeze %dma_start3A_609 : memref<1x128xi32, #tpu.memory_space<vmem>> -> memref<128xi32, #tpu.memory_space<vmem>>
    %dma_start3A_611 = arith.constant 0 : i32
    %dma_start3A_612 = arith.constant 0 : i32
    %dma_start3A_613 = tpu.memref_slice %arg2[%dma_start3A_611, %dma_start3A_612] : memref<20000x128xf32, #tpu.memory_space<hbm>> -> memref<20000x128xf32, #tpu.memory_space<hbm>>
    tpu.enqueue_indirect_dma source(%dma_start3A_613 : memref<20000x128xf32, #tpu.memory_space<hbm>>) target(%arg9 : memref<128x128xf32, #tpu.memory_space<vmem>>) offsets(%dma_start3A_610 : memref<128xi32, #tpu.memory_space<vmem>>) semaphore(%arg12 : memref<!tpu.dma_semaphore, #tpu.memory_space<semaphore_mem>>)
    %dma_start3A_614 = arith.constant 1 : i32
    %dma_start3A_615 = arith.constant 0 : i32
    %dma_start3A_616 = tpu.memref_slice %arg7[%dma_start3A_614, %dma_start3A_615] : memref<40x128xi32, #tpu.memory_space<vmem>> -> memref<1x128xi32, #tpu.memory_space<vmem>>
    %dma_start3A_617 = tpu.memref_squeeze %dma_start3A_616 : memref<1x128xi32, #tpu.memory_space<vmem>> -> memref<128xi32, #tpu.memory_space<vmem>>
    %dma_start3A_618 = arith.constant 0 : i32
    %dma_start3A_619 = arith.constant 0 : i32
    %dma_start3A_620 = tpu.memref_slice %arg2[%dma_start3A_618, %dma_start3A_619] : memref<20000x128xf32, #tpu.memory_space<hbm>> -> memref<20000x128xf32, #tpu.memory_space<hbm>>
    tpu.enqueue_indirect_dma source(%dma_start3A_620 : memref<20000x128xf32, #tpu.memory_space<hbm>>) target(%arg10 : memref<128x128xf32, #tpu.memory_space<vmem>>) offsets(%dma_start3A_617 : memref<128xi32, #tpu.memory_space<vmem>>) semaphore(%arg13 : memref<!tpu.dma_semaphore, #tpu.memory_space<semaphore_mem>>)
    %dma_wait3A_621 = arith.constant 0 : i32
    %dma_wait3A_622 = arith.constant 0 : i32
    %dma_wait3A_623 = tpu.memref_slice %arg7[%dma_wait3A_621, %dma_wait3A_622] : memref<40x128xi32, #tpu.memory_space<vmem>> -> memref<1x128xi32, #tpu.memory_space<vmem>>
    %dma_wait3A_624 = tpu.memref_squeeze %dma_wait3A_623 : memref<1x128xi32, #tpu.memory_space<vmem>> -> memref<128xi32, #tpu.memory_space<vmem>>
    %dma_wait3A_625 = arith.constant 0 : i32
    %dma_wait3A_626 = arith.constant 0 : i32
    %dma_wait3A_627 = tpu.memref_slice %arg2[%dma_wait3A_625, %dma_wait3A_626] : memref<20000x128xf32, #tpu.memory_space<hbm>> -> memref<20000x128xf32, #tpu.memory_space<hbm>>
    tpu.wait_indirect_dma semaphore(%arg12 : memref<!tpu.dma_semaphore, #tpu.memory_space<semaphore_mem>>) src(%dma_wait3A_627 : memref<20000x128xf32, #tpu.memory_space<hbm>>) dst(%arg9 : memref<128x128xf32, #tpu.memory_space<vmem>>)
    %run_scoped3A_628 = arith.constant 0 : i32
    "tpu.region"() ({
      %run_scoped3A_1215 = tpu.sem_alloc : memref<!tpu.dma_semaphore, #tpu.memory_space<semaphore_mem>>
      %dma_start3A_1216 = arith.constant 0 : i32
      %dma_start3A_1217 = tpu.memref_slice %arg8[%run_scoped3A_628, %dma_start3A_1216] : memref<40x128xi32, #tpu.memory_space<vmem>> -> memref<1x128xi32, #tpu.memory_space<vmem>>
      %dma_start3A_1218 = tpu.memref_squeeze %dma_start3A_1217 : memref<1x128xi32, #tpu.memory_space<vmem>> -> memref<128xi32, #tpu.memory_space<vmem>>
      %dma_start3A_1219 = arith.constant 0 : i32
      %dma_start3A_1220 = arith.constant 0 : i32
      %dma_start3A_1221 = tpu.memref_slice %arg11[%dma_start3A_1219, %dma_start3A_1220] : memref<10112x128xf32, #tpu.memory_space<vmem_shared>> -> memref<10112x128xf32, #tpu.memory_space<vmem_shared>>
      tpu.enqueue_indirect_dma source(%arg9 : memref<128x128xf32, #tpu.memory_space<vmem>>) target(%dma_start3A_1221 : memref<10112x128xf32, #tpu.memory_space<vmem_shared>>) offsets(%dma_start3A_1218 : memref<128xi32, #tpu.memory_space<vmem>>) semaphore(%run_scoped3A_1215 : memref<!tpu.dma_semaphore, #tpu.memory_space<semaphore_mem>>) {add = true}
      %dma_wait3A_1222 = arith.constant 0 : i32
      %dma_wait3A_1223 = tpu.memref_slice %arg8[%run_scoped3A_628, %dma_wait3A_1222] : memref<40x128xi32, #tpu.memory_space<vmem>> -> memref<1x128xi32, #tpu.memory_space<vmem>>
      %dma_wait3A_1224 = tpu.memref_squeeze %dma_wait3A_1223 : memref<1x128xi32, #tpu.memory_space<vmem>> -> memref<128xi32, #tpu.memory_space<vmem>>
      %dma_wait3A_1225 = arith.constant 0 : i32
      %dma_wait3A_1226 = arith.constant 0 : i32
      %dma_wait3A_1227 = tpu.memref_slice %arg11[%dma_wait3A_1225, %dma_wait3A_1226] : memref<10112x128xf32, #tpu.memory_space<vmem_shared>> -> memref<10112x128xf32, #tpu.memory_space<vmem_shared>>
      tpu.wait_indirect_dma semaphore(%run_scoped3A_1215 : memref<!tpu.dma_semaphore, #tpu.memory_space<semaphore_mem>>) src(%arg9 : memref<128x128xf32, #tpu.memory_space<vmem>>) dst(%dma_wait3A_1227 : memref<10112x128xf32, #tpu.memory_space<vmem_shared>>)
      tpu.yield
    }) : () -> ()
    %dma_start3A_629 = arith.constant 2 : i32
    %dma_start3A_630 = arith.constant 0 : i32
    %dma_start3A_631 = tpu.memref_slice %arg7[%dma_start3A_629, %dma_start3A_630] : memref<40x128xi32, #tpu.memory_space<vmem>> -> memref<1x128xi32, #tpu.memory_space<vmem>>
    %dma_start3A_632 = tpu.memref_squeeze %dma_start3A_631 : memref<1x128xi32, #tpu.memory_space<vmem>> -> memref<128xi32, #tpu.memory_space<vmem>>
    %dma_start3A_633 = arith.constant 0 : i32
    %dma_start3A_634 = arith.constant 0 : i32
    %dma_start3A_635 = tpu.memref_slice %arg2[%dma_start3A_633, %dma_start3A_634] : memref<20000x128xf32, #tpu.memory_space<hbm>> -> memref<20000x128xf32, #tpu.memory_space<hbm>>
    tpu.enqueue_indirect_dma source(%dma_start3A_635 : memref<20000x128xf32, #tpu.memory_space<hbm>>) target(%arg9 : memref<128x128xf32, #tpu.memory_space<vmem>>) offsets(%dma_start3A_632 : memref<128xi32, #tpu.memory_space<vmem>>) semaphore(%arg12 : memref<!tpu.dma_semaphore, #tpu.memory_space<semaphore_mem>>)
    %dma_wait3A_636 = arith.constant 1 : i32
    %dma_wait3A_637 = arith.constant 0 : i32
    %dma_wait3A_638 = tpu.memref_slice %arg7[%dma_wait3A_636, %dma_wait3A_637] : memref<40x128xi32, #tpu.memory_space<vmem>> -> memref<1x128xi32, #tpu.memory_space<vmem>>
    %dma_wait3A_639 = tpu.memref_squeeze %dma_wait3A_638 : memref<1x128xi32, #tpu.memory_space<vmem>> -> memref<128xi32, #tpu.memory_space<vmem>>
    %dma_wait3A_640 = arith.constant 0 : i32
    %dma_wait3A_641 = arith.constant 0 : i32
    %dma_wait3A_642 = tpu.memref_slice %arg2[%dma_wait3A_640, %dma_wait3A_641] : memref<20000x128xf32, #tpu.memory_space<hbm>> -> memref<20000x128xf32, #tpu.memory_space<hbm>>
    tpu.wait_indirect_dma semaphore(%arg13 : memref<!tpu.dma_semaphore, #tpu.memory_space<semaphore_mem>>) src(%dma_wait3A_642 : memref<20000x128xf32, #tpu.memory_space<hbm>>) dst(%arg10 : memref<128x128xf32, #tpu.memory_space<vmem>>)
    %run_scoped3A_643 = arith.constant 1 : i32
    "tpu.region"() ({
      %run_scoped3A_1215 = tpu.sem_alloc : memref<!tpu.dma_semaphore, #tpu.memory_space<semaphore_mem>>
      %dma_start3A_1216 = arith.constant 0 : i32
      %dma_start3A_1217 = tpu.memref_slice %arg8[%run_scoped3A_643, %dma_start3A_1216] : memref<40x128xi32, #tpu.memory_space<vmem>> -> memref<1x128xi32, #tpu.memory_space<vmem>>
      %dma_start3A_1218 = tpu.memref_squeeze %dma_start3A_1217 : memref<1x128xi32, #tpu.memory_space<vmem>> -> memref<128xi32, #tpu.memory_space<vmem>>
      %dma_start3A_1219 = arith.constant 0 : i32
      %dma_start3A_1220 = arith.constant 0 : i32
      %dma_start3A_1221 = tpu.memref_slice %arg11[%dma_start3A_1219, %dma_start3A_1220] : memref<10112x128xf32, #tpu.memory_space<vmem_shared>> -> memref<10112x128xf32, #tpu.memory_space<vmem_shared>>
      tpu.enqueue_indirect_dma source(%arg10 : memref<128x128xf32, #tpu.memory_space<vmem>>) target(%dma_start3A_1221 : memref<10112x128xf32, #tpu.memory_space<vmem_shared>>) offsets(%dma_start3A_1218 : memref<128xi32, #tpu.memory_space<vmem>>) semaphore(%run_scoped3A_1215 : memref<!tpu.dma_semaphore, #tpu.memory_space<semaphore_mem>>) {add = true}
      %dma_wait3A_1222 = arith.constant 0 : i32
      %dma_wait3A_1223 = tpu.memref_slice %arg8[%run_scoped3A_643, %dma_wait3A_1222] : memref<40x128xi32, #tpu.memory_space<vmem>> -> memref<1x128xi32, #tpu.memory_space<vmem>>
      %dma_wait3A_1224 = tpu.memref_squeeze %dma_wait3A_1223 : memref<1x128xi32, #tpu.memory_space<vmem>> -> memref<128xi32, #tpu.memory_space<vmem>>
      %dma_wait3A_1225 = arith.constant 0 : i32
      %dma_wait3A_1226 = arith.constant 0 : i32
      %dma_wait3A_1227 = tpu.memref_slice %arg11[%dma_wait3A_1225, %dma_wait3A_1226] : memref<10112x128xf32, #tpu.memory_space<vmem_shared>> -> memref<10112x128xf32, #tpu.memory_space<vmem_shared>>
      tpu.wait_indirect_dma semaphore(%run_scoped3A_1215 : memref<!tpu.dma_semaphore, #tpu.memory_space<semaphore_mem>>) src(%arg10 : memref<128x128xf32, #tpu.memory_space<vmem>>) dst(%dma_wait3A_1227 : memref<10112x128xf32, #tpu.memory_space<vmem_shared>>)
      tpu.yield
    }) : () -> ()
    %dma_start3A_644 = arith.constant 3 : i32
    %dma_start3A_645 = arith.constant 0 : i32
    %dma_start3A_646 = tpu.memref_slice %arg7[%dma_start3A_644, %dma_start3A_645] : memref<40x128xi32, #tpu.memory_space<vmem>> -> memref<1x128xi32, #tpu.memory_space<vmem>>
    %dma_start3A_647 = tpu.memref_squeeze %dma_start3A_646 : memref<1x128xi32, #tpu.memory_space<vmem>> -> memref<128xi32, #tpu.memory_space<vmem>>
    %dma_start3A_648 = arith.constant 0 : i32
    %dma_start3A_649 = arith.constant 0 : i32
    %dma_start3A_650 = tpu.memref_slice %arg2[%dma_start3A_648, %dma_start3A_649] : memref<20000x128xf32, #tpu.memory_space<hbm>> -> memref<20000x128xf32, #tpu.memory_space<hbm>>
    tpu.enqueue_indirect_dma source(%dma_start3A_650 : memref<20000x128xf32, #tpu.memory_space<hbm>>) target(%arg10 : memref<128x128xf32, #tpu.memory_space<vmem>>) offsets(%dma_start3A_647 : memref<128xi32, #tpu.memory_space<vmem>>) semaphore(%arg13 : memref<!tpu.dma_semaphore, #tpu.memory_space<semaphore_mem>>)
    %dma_wait3A_651 = arith.constant 2 : i32
    %dma_wait3A_652 = arith.constant 0 : i32
    %dma_wait3A_653 = tpu.memref_slice %arg7[%dma_wait3A_651, %dma_wait3A_652] : memref<40x128xi32, #tpu.memory_space<vmem>> -> memref<1x128xi32, #tpu.memory_space<vmem>>
    %dma_wait3A_654 = tpu.memref_squeeze %dma_wait3A_653 : memref<1x128xi32, #tpu.memory_space<vmem>> -> memref<128xi32, #tpu.memory_space<vmem>>
    %dma_wait3A_655 = arith.constant 0 : i32
    %dma_wait3A_656 = arith.constant 0 : i32
    %dma_wait3A_657 = tpu.memref_slice %arg2[%dma_wait3A_655, %dma_wait3A_656] : memref<20000x128xf32, #tpu.memory_space<hbm>> -> memref<20000x128xf32, #tpu.memory_space<hbm>>
    tpu.wait_indirect_dma semaphore(%arg12 : memref<!tpu.dma_semaphore, #tpu.memory_space<semaphore_mem>>) src(%dma_wait3A_657 : memref<20000x128xf32, #tpu.memory_space<hbm>>) dst(%arg9 : memref<128x128xf32, #tpu.memory_space<vmem>>)
    %run_scoped3A_658 = arith.constant 2 : i32
    "tpu.region"() ({
      %run_scoped3A_1215 = tpu.sem_alloc : memref<!tpu.dma_semaphore, #tpu.memory_space<semaphore_mem>>
      %dma_start3A_1216 = arith.constant 0 : i32
      %dma_start3A_1217 = tpu.memref_slice %arg8[%run_scoped3A_658, %dma_start3A_1216] : memref<40x128xi32, #tpu.memory_space<vmem>> -> memref<1x128xi32, #tpu.memory_space<vmem>>
      %dma_start3A_1218 = tpu.memref_squeeze %dma_start3A_1217 : memref<1x128xi32, #tpu.memory_space<vmem>> -> memref<128xi32, #tpu.memory_space<vmem>>
      %dma_start3A_1219 = arith.constant 0 : i32
      %dma_start3A_1220 = arith.constant 0 : i32
      %dma_start3A_1221 = tpu.memref_slice %arg11[%dma_start3A_1219, %dma_start3A_1220] : memref<10112x128xf32, #tpu.memory_space<vmem_shared>> -> memref<10112x128xf32, #tpu.memory_space<vmem_shared>>
      tpu.enqueue_indirect_dma source(%arg9 : memref<128x128xf32, #tpu.memory_space<vmem>>) target(%dma_start3A_1221 : memref<10112x128xf32, #tpu.memory_space<vmem_shared>>) offsets(%dma_start3A_1218 : memref<128xi32, #tpu.memory_space<vmem>>) semaphore(%run_scoped3A_1215 : memref<!tpu.dma_semaphore, #tpu.memory_space<semaphore_mem>>) {add = true}
      %dma_wait3A_1222 = arith.constant 0 : i32
      %dma_wait3A_1223 = tpu.memref_slice %arg8[%run_scoped3A_658, %dma_wait3A_1222] : memref<40x128xi32, #tpu.memory_space<vmem>> -> memref<1x128xi32, #tpu.memory_space<vmem>>
      %dma_wait3A_1224 = tpu.memref_squeeze %dma_wait3A_1223 : memref<1x128xi32, #tpu.memory_space<vmem>> -> memref<128xi32, #tpu.memory_space<vmem>>
      %dma_wait3A_1225 = arith.constant 0 : i32
      %dma_wait3A_1226 = arith.constant 0 : i32
      %dma_wait3A_1227 = tpu.memref_slice %arg11[%dma_wait3A_1225, %dma_wait3A_1226] : memref<10112x128xf32, #tpu.memory_space<vmem_shared>> -> memref<10112x128xf32, #tpu.memory_space<vmem_shared>>
      tpu.wait_indirect_dma semaphore(%run_scoped3A_1215 : memref<!tpu.dma_semaphore, #tpu.memory_space<semaphore_mem>>) src(%arg9 : memref<128x128xf32, #tpu.memory_space<vmem>>) dst(%dma_wait3A_1227 : memref<10112x128xf32, #tpu.memory_space<vmem_shared>>)
      tpu.yield
    }) : () -> ()
    %dma_start3A_659 = arith.constant 4 : i32
    %dma_start3A_660 = arith.constant 0 : i32
    %dma_start3A_661 = tpu.memref_slice %arg7[%dma_start3A_659, %dma_start3A_660] : memref<40x128xi32, #tpu.memory_space<vmem>> -> memref<1x128xi32, #tpu.memory_space<vmem>>
    %dma_start3A_662 = tpu.memref_squeeze %dma_start3A_661 : memref<1x128xi32, #tpu.memory_space<vmem>> -> memref<128xi32, #tpu.memory_space<vmem>>
    %dma_start3A_663 = arith.constant 0 : i32
    %dma_start3A_664 = arith.constant 0 : i32
    %dma_start3A_665 = tpu.memref_slice %arg2[%dma_start3A_663, %dma_start3A_664] : memref<20000x128xf32, #tpu.memory_space<hbm>> -> memref<20000x128xf32, #tpu.memory_space<hbm>>
    tpu.enqueue_indirect_dma source(%dma_start3A_665 : memref<20000x128xf32, #tpu.memory_space<hbm>>) target(%arg9 : memref<128x128xf32, #tpu.memory_space<vmem>>) offsets(%dma_start3A_662 : memref<128xi32, #tpu.memory_space<vmem>>) semaphore(%arg12 : memref<!tpu.dma_semaphore, #tpu.memory_space<semaphore_mem>>)
    %dma_wait3A_666 = arith.constant 3 : i32
    %dma_wait3A_667 = arith.constant 0 : i32
    %dma_wait3A_668 = tpu.memref_slice %arg7[%dma_wait3A_666, %dma_wait3A_667] : memref<40x128xi32, #tpu.memory_space<vmem>> -> memref<1x128xi32, #tpu.memory_space<vmem>>
    %dma_wait3A_669 = tpu.memref_squeeze %dma_wait3A_668 : memref<1x128xi32, #tpu.memory_space<vmem>> -> memref<128xi32, #tpu.memory_space<vmem>>
    %dma_wait3A_670 = arith.constant 0 : i32
    %dma_wait3A_671 = arith.constant 0 : i32
    %dma_wait3A_672 = tpu.memref_slice %arg2[%dma_wait3A_670, %dma_wait3A_671] : memref<20000x128xf32, #tpu.memory_space<hbm>> -> memref<20000x128xf32, #tpu.memory_space<hbm>>
    tpu.wait_indirect_dma semaphore(%arg13 : memref<!tpu.dma_semaphore, #tpu.memory_space<semaphore_mem>>) src(%dma_wait3A_672 : memref<20000x128xf32, #tpu.memory_space<hbm>>) dst(%arg10 : memref<128x128xf32, #tpu.memory_space<vmem>>)
    %run_scoped3A_673 = arith.constant 3 : i32
    "tpu.region"() ({
      %run_scoped3A_1215 = tpu.sem_alloc : memref<!tpu.dma_semaphore, #tpu.memory_space<semaphore_mem>>
      %dma_start3A_1216 = arith.constant 0 : i32
      %dma_start3A_1217 = tpu.memref_slice %arg8[%run_scoped3A_673, %dma_start3A_1216] : memref<40x128xi32, #tpu.memory_space<vmem>> -> memref<1x128xi32, #tpu.memory_space<vmem>>
      %dma_start3A_1218 = tpu.memref_squeeze %dma_start3A_1217 : memref<1x128xi32, #tpu.memory_space<vmem>> -> memref<128xi32, #tpu.memory_space<vmem>>
      %dma_start3A_1219 = arith.constant 0 : i32
      %dma_start3A_1220 = arith.constant 0 : i32
      %dma_start3A_1221 = tpu.memref_slice %arg11[%dma_start3A_1219, %dma_start3A_1220] : memref<10112x128xf32, #tpu.memory_space<vmem_shared>> -> memref<10112x128xf32, #tpu.memory_space<vmem_shared>>
      tpu.enqueue_indirect_dma source(%arg10 : memref<128x128xf32, #tpu.memory_space<vmem>>) target(%dma_start3A_1221 : memref<10112x128xf32, #tpu.memory_space<vmem_shared>>) offsets(%dma_start3A_1218 : memref<128xi32, #tpu.memory_space<vmem>>) semaphore(%run_scoped3A_1215 : memref<!tpu.dma_semaphore, #tpu.memory_space<semaphore_mem>>) {add = true}
      %dma_wait3A_1222 = arith.constant 0 : i32
      %dma_wait3A_1223 = tpu.memref_slice %arg8[%run_scoped3A_673, %dma_wait3A_1222] : memref<40x128xi32, #tpu.memory_space<vmem>> -> memref<1x128xi32, #tpu.memory_space<vmem>>
      %dma_wait3A_1224 = tpu.memref_squeeze %dma_wait3A_1223 : memref<1x128xi32, #tpu.memory_space<vmem>> -> memref<128xi32, #tpu.memory_space<vmem>>
      %dma_wait3A_1225 = arith.constant 0 : i32
      %dma_wait3A_1226 = arith.constant 0 : i32
      %dma_wait3A_1227 = tpu.memref_slice %arg11[%dma_wait3A_1225, %dma_wait3A_1226] : memref<10112x128xf32, #tpu.memory_space<vmem_shared>> -> memref<10112x128xf32, #tpu.memory_space<vmem_shared>>
      tpu.wait_indirect_dma semaphore(%run_scoped3A_1215 : memref<!tpu.dma_semaphore, #tpu.memory_space<semaphore_mem>>) src(%arg10 : memref<128x128xf32, #tpu.memory_space<vmem>>) dst(%dma_wait3A_1227 : memref<10112x128xf32, #tpu.memory_space<vmem_shared>>)
      tpu.yield
    }) : () -> ()
    %dma_start3A_674 = arith.constant 5 : i32
    %dma_start3A_675 = arith.constant 0 : i32
    %dma_start3A_676 = tpu.memref_slice %arg7[%dma_start3A_674, %dma_start3A_675] : memref<40x128xi32, #tpu.memory_space<vmem>> -> memref<1x128xi32, #tpu.memory_space<vmem>>
    %dma_start3A_677 = tpu.memref_squeeze %dma_start3A_676 : memref<1x128xi32, #tpu.memory_space<vmem>> -> memref<128xi32, #tpu.memory_space<vmem>>
    %dma_start3A_678 = arith.constant 0 : i32
    %dma_start3A_679 = arith.constant 0 : i32
    %dma_start3A_680 = tpu.memref_slice %arg2[%dma_start3A_678, %dma_start3A_679] : memref<20000x128xf32, #tpu.memory_space<hbm>> -> memref<20000x128xf32, #tpu.memory_space<hbm>>
    tpu.enqueue_indirect_dma source(%dma_start3A_680 : memref<20000x128xf32, #tpu.memory_space<hbm>>) target(%arg10 : memref<128x128xf32, #tpu.memory_space<vmem>>) offsets(%dma_start3A_677 : memref<128xi32, #tpu.memory_space<vmem>>) semaphore(%arg13 : memref<!tpu.dma_semaphore, #tpu.memory_space<semaphore_mem>>)
    %dma_wait3A_681 = arith.constant 4 : i32
    %dma_wait3A_682 = arith.constant 0 : i32
    %dma_wait3A_683 = tpu.memref_slice %arg7[%dma_wait3A_681, %dma_wait3A_682] : memref<40x128xi32, #tpu.memory_space<vmem>> -> memref<1x128xi32, #tpu.memory_space<vmem>>
    %dma_wait3A_684 = tpu.memref_squeeze %dma_wait3A_683 : memref<1x128xi32, #tpu.memory_space<vmem>> -> memref<128xi32, #tpu.memory_space<vmem>>
    %dma_wait3A_685 = arith.constant 0 : i32
    %dma_wait3A_686 = arith.constant 0 : i32
    %dma_wait3A_687 = tpu.memref_slice %arg2[%dma_wait3A_685, %dma_wait3A_686] : memref<20000x128xf32, #tpu.memory_space<hbm>> -> memref<20000x128xf32, #tpu.memory_space<hbm>>
    tpu.wait_indirect_dma semaphore(%arg12 : memref<!tpu.dma_semaphore, #tpu.memory_space<semaphore_mem>>) src(%dma_wait3A_687 : memref<20000x128xf32, #tpu.memory_space<hbm>>) dst(%arg9 : memref<128x128xf32, #tpu.memory_space<vmem>>)
    %run_scoped3A_688 = arith.constant 4 : i32
    "tpu.region"() ({
      %run_scoped3A_1215 = tpu.sem_alloc : memref<!tpu.dma_semaphore, #tpu.memory_space<semaphore_mem>>
      %dma_start3A_1216 = arith.constant 0 : i32
      %dma_start3A_1217 = tpu.memref_slice %arg8[%run_scoped3A_688, %dma_start3A_1216] : memref<40x128xi32, #tpu.memory_space<vmem>> -> memref<1x128xi32, #tpu.memory_space<vmem>>
      %dma_start3A_1218 = tpu.memref_squeeze %dma_start3A_1217 : memref<1x128xi32, #tpu.memory_space<vmem>> -> memref<128xi32, #tpu.memory_space<vmem>>
      %dma_start3A_1219 = arith.constant 0 : i32
      %dma_start3A_1220 = arith.constant 0 : i32
      %dma_start3A_1221 = tpu.memref_slice %arg11[%dma_start3A_1219, %dma_start3A_1220] : memref<10112x128xf32, #tpu.memory_space<vmem_shared>> -> memref<10112x128xf32, #tpu.memory_space<vmem_shared>>
      tpu.enqueue_indirect_dma source(%arg9 : memref<128x128xf32, #tpu.memory_space<vmem>>) target(%dma_start3A_1221 : memref<10112x128xf32, #tpu.memory_space<vmem_shared>>) offsets(%dma_start3A_1218 : memref<128xi32, #tpu.memory_space<vmem>>) semaphore(%run_scoped3A_1215 : memref<!tpu.dma_semaphore, #tpu.memory_space<semaphore_mem>>) {add = true}
      %dma_wait3A_1222 = arith.constant 0 : i32
      %dma_wait3A_1223 = tpu.memref_slice %arg8[%run_scoped3A_688, %dma_wait3A_1222] : memref<40x128xi32, #tpu.memory_space<vmem>> -> memref<1x128xi32, #tpu.memory_space<vmem>>
      %dma_wait3A_1224 = tpu.memref_squeeze %dma_wait3A_1223 : memref<1x128xi32, #tpu.memory_space<vmem>> -> memref<128xi32, #tpu.memory_space<vmem>>
      %dma_wait3A_1225 = arith.constant 0 : i32
      %dma_wait3A_1226 = arith.constant 0 : i32
      %dma_wait3A_1227 = tpu.memref_slice %arg11[%dma_wait3A_1225, %dma_wait3A_1226] : memref<10112x128xf32, #tpu.memory_space<vmem_shared>> -> memref<10112x128xf32, #tpu.memory_space<vmem_shared>>
      tpu.wait_indirect_dma semaphore(%run_scoped3A_1215 : memref<!tpu.dma_semaphore, #tpu.memory_space<semaphore_mem>>) src(%arg9 : memref<128x128xf32, #tpu.memory_space<vmem>>) dst(%dma_wait3A_1227 : memref<10112x128xf32, #tpu.memory_space<vmem_shared>>)
      tpu.yield
    }) : () -> ()
    %dma_start3A_689 = arith.constant 6 : i32
    %dma_start3A_690 = arith.constant 0 : i32
    %dma_start3A_691 = tpu.memref_slice %arg7[%dma_start3A_689, %dma_start3A_690] : memref<40x128xi32, #tpu.memory_space<vmem>> -> memref<1x128xi32, #tpu.memory_space<vmem>>
    %dma_start3A_692 = tpu.memref_squeeze %dma_start3A_691 : memref<1x128xi32, #tpu.memory_space<vmem>> -> memref<128xi32, #tpu.memory_space<vmem>>
    %dma_start3A_693 = arith.constant 0 : i32
    %dma_start3A_694 = arith.constant 0 : i32
    %dma_start3A_695 = tpu.memref_slice %arg2[%dma_start3A_693, %dma_start3A_694] : memref<20000x128xf32, #tpu.memory_space<hbm>> -> memref<20000x128xf32, #tpu.memory_space<hbm>>
    tpu.enqueue_indirect_dma source(%dma_start3A_695 : memref<20000x128xf32, #tpu.memory_space<hbm>>) target(%arg9 : memref<128x128xf32, #tpu.memory_space<vmem>>) offsets(%dma_start3A_692 : memref<128xi32, #tpu.memory_space<vmem>>) semaphore(%arg12 : memref<!tpu.dma_semaphore, #tpu.memory_space<semaphore_mem>>)
    %dma_wait3A_696 = arith.constant 5 : i32
    %dma_wait3A_697 = arith.constant 0 : i32
    %dma_wait3A_698 = tpu.memref_slice %arg7[%dma_wait3A_696, %dma_wait3A_697] : memref<40x128xi32, #tpu.memory_space<vmem>> -> memref<1x128xi32, #tpu.memory_space<vmem>>
    %dma_wait3A_699 = tpu.memref_squeeze %dma_wait3A_698 : memref<1x128xi32, #tpu.memory_space<vmem>> -> memref<128xi32, #tpu.memory_space<vmem>>
    %dma_wait3A_700 = arith.constant 0 : i32
    %dma_wait3A_701 = arith.constant 0 : i32
    %dma_wait3A_702 = tpu.memref_slice %arg2[%dma_wait3A_700, %dma_wait3A_701] : memref<20000x128xf32, #tpu.memory_space<hbm>> -> memref<20000x128xf32, #tpu.memory_space<hbm>>
    tpu.wait_indirect_dma semaphore(%arg13 : memref<!tpu.dma_semaphore, #tpu.memory_space<semaphore_mem>>) src(%dma_wait3A_702 : memref<20000x128xf32, #tpu.memory_space<hbm>>) dst(%arg10 : memref<128x128xf32, #tpu.memory_space<vmem>>)
    %run_scoped3A_703 = arith.constant 5 : i32
    "tpu.region"() ({
      %run_scoped3A_1215 = tpu.sem_alloc : memref<!tpu.dma_semaphore, #tpu.memory_space<semaphore_mem>>
      %dma_start3A_1216 = arith.constant 0 : i32
      %dma_start3A_1217 = tpu.memref_slice %arg8[%run_scoped3A_703, %dma_start3A_1216] : memref<40x128xi32, #tpu.memory_space<vmem>> -> memref<1x128xi32, #tpu.memory_space<vmem>>
      %dma_start3A_1218 = tpu.memref_squeeze %dma_start3A_1217 : memref<1x128xi32, #tpu.memory_space<vmem>> -> memref<128xi32, #tpu.memory_space<vmem>>
      %dma_start3A_1219 = arith.constant 0 : i32
      %dma_start3A_1220 = arith.constant 0 : i32
      %dma_start3A_1221 = tpu.memref_slice %arg11[%dma_start3A_1219, %dma_start3A_1220] : memref<10112x128xf32, #tpu.memory_space<vmem_shared>> -> memref<10112x128xf32, #tpu.memory_space<vmem_shared>>
      tpu.enqueue_indirect_dma source(%arg10 : memref<128x128xf32, #tpu.memory_space<vmem>>) target(%dma_start3A_1221 : memref<10112x128xf32, #tpu.memory_space<vmem_shared>>) offsets(%dma_start3A_1218 : memref<128xi32, #tpu.memory_space<vmem>>) semaphore(%run_scoped3A_1215 : memref<!tpu.dma_semaphore, #tpu.memory_space<semaphore_mem>>) {add = true}
      %dma_wait3A_1222 = arith.constant 0 : i32
      %dma_wait3A_1223 = tpu.memref_slice %arg8[%run_scoped3A_703, %dma_wait3A_1222] : memref<40x128xi32, #tpu.memory_space<vmem>> -> memref<1x128xi32, #tpu.memory_space<vmem>>
      %dma_wait3A_1224 = tpu.memref_squeeze %dma_wait3A_1223 : memref<1x128xi32, #tpu.memory_space<vmem>> -> memref<128xi32, #tpu.memory_space<vmem>>
      %dma_wait3A_1225 = arith.constant 0 : i32
      %dma_wait3A_1226 = arith.constant 0 : i32
      %dma_wait3A_1227 = tpu.memref_slice %arg11[%dma_wait3A_1225, %dma_wait3A_1226] : memref<10112x128xf32, #tpu.memory_space<vmem_shared>> -> memref<10112x128xf32, #tpu.memory_space<vmem_shared>>
      tpu.wait_indirect_dma semaphore(%run_scoped3A_1215 : memref<!tpu.dma_semaphore, #tpu.memory_space<semaphore_mem>>) src(%arg10 : memref<128x128xf32, #tpu.memory_space<vmem>>) dst(%dma_wait3A_1227 : memref<10112x128xf32, #tpu.memory_space<vmem_shared>>)
      tpu.yield
    }) : () -> ()
    %dma_start3A_704 = arith.constant 7 : i32
    %dma_start3A_705 = arith.constant 0 : i32
    %dma_start3A_706 = tpu.memref_slice %arg7[%dma_start3A_704, %dma_start3A_705] : memref<40x128xi32, #tpu.memory_space<vmem>> -> memref<1x128xi32, #tpu.memory_space<vmem>>
    %dma_start3A_707 = tpu.memref_squeeze %dma_start3A_706 : memref<1x128xi32, #tpu.memory_space<vmem>> -> memref<128xi32, #tpu.memory_space<vmem>>
    %dma_start3A_708 = arith.constant 0 : i32
    %dma_start3A_709 = arith.constant 0 : i32
    %dma_start3A_710 = tpu.memref_slice %arg2[%dma_start3A_708, %dma_start3A_709] : memref<20000x128xf32, #tpu.memory_space<hbm>> -> memref<20000x128xf32, #tpu.memory_space<hbm>>
    tpu.enqueue_indirect_dma source(%dma_start3A_710 : memref<20000x128xf32, #tpu.memory_space<hbm>>) target(%arg10 : memref<128x128xf32, #tpu.memory_space<vmem>>) offsets(%dma_start3A_707 : memref<128xi32, #tpu.memory_space<vmem>>) semaphore(%arg13 : memref<!tpu.dma_semaphore, #tpu.memory_space<semaphore_mem>>)
    %dma_wait3A_711 = arith.constant 6 : i32
    %dma_wait3A_712 = arith.constant 0 : i32
    %dma_wait3A_713 = tpu.memref_slice %arg7[%dma_wait3A_711, %dma_wait3A_712] : memref<40x128xi32, #tpu.memory_space<vmem>> -> memref<1x128xi32, #tpu.memory_space<vmem>>
    %dma_wait3A_714 = tpu.memref_squeeze %dma_wait3A_713 : memref<1x128xi32, #tpu.memory_space<vmem>> -> memref<128xi32, #tpu.memory_space<vmem>>
    %dma_wait3A_715 = arith.constant 0 : i32
    %dma_wait3A_716 = arith.constant 0 : i32
    %dma_wait3A_717 = tpu.memref_slice %arg2[%dma_wait3A_715, %dma_wait3A_716] : memref<20000x128xf32, #tpu.memory_space<hbm>> -> memref<20000x128xf32, #tpu.memory_space<hbm>>
    tpu.wait_indirect_dma semaphore(%arg12 : memref<!tpu.dma_semaphore, #tpu.memory_space<semaphore_mem>>) src(%dma_wait3A_717 : memref<20000x128xf32, #tpu.memory_space<hbm>>) dst(%arg9 : memref<128x128xf32, #tpu.memory_space<vmem>>)
    %run_scoped3A_718 = arith.constant 6 : i32
    "tpu.region"() ({
      %run_scoped3A_1215 = tpu.sem_alloc : memref<!tpu.dma_semaphore, #tpu.memory_space<semaphore_mem>>
      %dma_start3A_1216 = arith.constant 0 : i32
      %dma_start3A_1217 = tpu.memref_slice %arg8[%run_scoped3A_718, %dma_start3A_1216] : memref<40x128xi32, #tpu.memory_space<vmem>> -> memref<1x128xi32, #tpu.memory_space<vmem>>
      %dma_start3A_1218 = tpu.memref_squeeze %dma_start3A_1217 : memref<1x128xi32, #tpu.memory_space<vmem>> -> memref<128xi32, #tpu.memory_space<vmem>>
      %dma_start3A_1219 = arith.constant 0 : i32
      %dma_start3A_1220 = arith.constant 0 : i32
      %dma_start3A_1221 = tpu.memref_slice %arg11[%dma_start3A_1219, %dma_start3A_1220] : memref<10112x128xf32, #tpu.memory_space<vmem_shared>> -> memref<10112x128xf32, #tpu.memory_space<vmem_shared>>
      tpu.enqueue_indirect_dma source(%arg9 : memref<128x128xf32, #tpu.memory_space<vmem>>) target(%dma_start3A_1221 : memref<10112x128xf32, #tpu.memory_space<vmem_shared>>) offsets(%dma_start3A_1218 : memref<128xi32, #tpu.memory_space<vmem>>) semaphore(%run_scoped3A_1215 : memref<!tpu.dma_semaphore, #tpu.memory_space<semaphore_mem>>) {add = true}
      %dma_wait3A_1222 = arith.constant 0 : i32
      %dma_wait3A_1223 = tpu.memref_slice %arg8[%run_scoped3A_718, %dma_wait3A_1222] : memref<40x128xi32, #tpu.memory_space<vmem>> -> memref<1x128xi32, #tpu.memory_space<vmem>>
      %dma_wait3A_1224 = tpu.memref_squeeze %dma_wait3A_1223 : memref<1x128xi32, #tpu.memory_space<vmem>> -> memref<128xi32, #tpu.memory_space<vmem>>
      %dma_wait3A_1225 = arith.constant 0 : i32
      %dma_wait3A_1226 = arith.constant 0 : i32
      %dma_wait3A_1227 = tpu.memref_slice %arg11[%dma_wait3A_1225, %dma_wait3A_1226] : memref<10112x128xf32, #tpu.memory_space<vmem_shared>> -> memref<10112x128xf32, #tpu.memory_space<vmem_shared>>
      tpu.wait_indirect_dma semaphore(%run_scoped3A_1215 : memref<!tpu.dma_semaphore, #tpu.memory_space<semaphore_mem>>) src(%arg9 : memref<128x128xf32, #tpu.memory_space<vmem>>) dst(%dma_wait3A_1227 : memref<10112x128xf32, #tpu.memory_space<vmem_shared>>)
      tpu.yield
    }) : () -> ()
    %dma_start3A_719 = arith.constant 8 : i32
    %dma_start3A_720 = arith.constant 0 : i32
    %dma_start3A_721 = tpu.memref_slice %arg7[%dma_start3A_719, %dma_start3A_720] : memref<40x128xi32, #tpu.memory_space<vmem>> -> memref<1x128xi32, #tpu.memory_space<vmem>>
    %dma_start3A_722 = tpu.memref_squeeze %dma_start3A_721 : memref<1x128xi32, #tpu.memory_space<vmem>> -> memref<128xi32, #tpu.memory_space<vmem>>
    %dma_start3A_723 = arith.constant 0 : i32
    %dma_start3A_724 = arith.constant 0 : i32
    %dma_start3A_725 = tpu.memref_slice %arg2[%dma_start3A_723, %dma_start3A_724] : memref<20000x128xf32, #tpu.memory_space<hbm>> -> memref<20000x128xf32, #tpu.memory_space<hbm>>
    tpu.enqueue_indirect_dma source(%dma_start3A_725 : memref<20000x128xf32, #tpu.memory_space<hbm>>) target(%arg9 : memref<128x128xf32, #tpu.memory_space<vmem>>) offsets(%dma_start3A_722 : memref<128xi32, #tpu.memory_space<vmem>>) semaphore(%arg12 : memref<!tpu.dma_semaphore, #tpu.memory_space<semaphore_mem>>)
    %dma_wait3A_726 = arith.constant 7 : i32
    %dma_wait3A_727 = arith.constant 0 : i32
    %dma_wait3A_728 = tpu.memref_slice %arg7[%dma_wait3A_726, %dma_wait3A_727] : memref<40x128xi32, #tpu.memory_space<vmem>> -> memref<1x128xi32, #tpu.memory_space<vmem>>
    %dma_wait3A_729 = tpu.memref_squeeze %dma_wait3A_728 : memref<1x128xi32, #tpu.memory_space<vmem>> -> memref<128xi32, #tpu.memory_space<vmem>>
    %dma_wait3A_730 = arith.constant 0 : i32
    %dma_wait3A_731 = arith.constant 0 : i32
    %dma_wait3A_732 = tpu.memref_slice %arg2[%dma_wait3A_730, %dma_wait3A_731] : memref<20000x128xf32, #tpu.memory_space<hbm>> -> memref<20000x128xf32, #tpu.memory_space<hbm>>
    tpu.wait_indirect_dma semaphore(%arg13 : memref<!tpu.dma_semaphore, #tpu.memory_space<semaphore_mem>>) src(%dma_wait3A_732 : memref<20000x128xf32, #tpu.memory_space<hbm>>) dst(%arg10 : memref<128x128xf32, #tpu.memory_space<vmem>>)
    %run_scoped3A_733 = arith.constant 7 : i32
    "tpu.region"() ({
      %run_scoped3A_1215 = tpu.sem_alloc : memref<!tpu.dma_semaphore, #tpu.memory_space<semaphore_mem>>
      %dma_start3A_1216 = arith.constant 0 : i32
      %dma_start3A_1217 = tpu.memref_slice %arg8[%run_scoped3A_733, %dma_start3A_1216] : memref<40x128xi32, #tpu.memory_space<vmem>> -> memref<1x128xi32, #tpu.memory_space<vmem>>
      %dma_start3A_1218 = tpu.memref_squeeze %dma_start3A_1217 : memref<1x128xi32, #tpu.memory_space<vmem>> -> memref<128xi32, #tpu.memory_space<vmem>>
      %dma_start3A_1219 = arith.constant 0 : i32
      %dma_start3A_1220 = arith.constant 0 : i32
      %dma_start3A_1221 = tpu.memref_slice %arg11[%dma_start3A_1219, %dma_start3A_1220] : memref<10112x128xf32, #tpu.memory_space<vmem_shared>> -> memref<10112x128xf32, #tpu.memory_space<vmem_shared>>
      tpu.enqueue_indirect_dma source(%arg10 : memref<128x128xf32, #tpu.memory_space<vmem>>) target(%dma_start3A_1221 : memref<10112x128xf32, #tpu.memory_space<vmem_shared>>) offsets(%dma_start3A_1218 : memref<128xi32, #tpu.memory_space<vmem>>) semaphore(%run_scoped3A_1215 : memref<!tpu.dma_semaphore, #tpu.memory_space<semaphore_mem>>) {add = true}
      %dma_wait3A_1222 = arith.constant 0 : i32
      %dma_wait3A_1223 = tpu.memref_slice %arg8[%run_scoped3A_733, %dma_wait3A_1222] : memref<40x128xi32, #tpu.memory_space<vmem>> -> memref<1x128xi32, #tpu.memory_space<vmem>>
      %dma_wait3A_1224 = tpu.memref_squeeze %dma_wait3A_1223 : memref<1x128xi32, #tpu.memory_space<vmem>> -> memref<128xi32, #tpu.memory_space<vmem>>
      %dma_wait3A_1225 = arith.constant 0 : i32
      %dma_wait3A_1226 = arith.constant 0 : i32
      %dma_wait3A_1227 = tpu.memref_slice %arg11[%dma_wait3A_1225, %dma_wait3A_1226] : memref<10112x128xf32, #tpu.memory_space<vmem_shared>> -> memref<10112x128xf32, #tpu.memory_space<vmem_shared>>
      tpu.wait_indirect_dma semaphore(%run_scoped3A_1215 : memref<!tpu.dma_semaphore, #tpu.memory_space<semaphore_mem>>) src(%arg10 : memref<128x128xf32, #tpu.memory_space<vmem>>) dst(%dma_wait3A_1227 : memref<10112x128xf32, #tpu.memory_space<vmem_shared>>)
      tpu.yield
    }) : () -> ()
    %dma_start3A_734 = arith.constant 9 : i32
    %dma_start3A_735 = arith.constant 0 : i32
    %dma_start3A_736 = tpu.memref_slice %arg7[%dma_start3A_734, %dma_start3A_735] : memref<40x128xi32, #tpu.memory_space<vmem>> -> memref<1x128xi32, #tpu.memory_space<vmem>>
    %dma_start3A_737 = tpu.memref_squeeze %dma_start3A_736 : memref<1x128xi32, #tpu.memory_space<vmem>> -> memref<128xi32, #tpu.memory_space<vmem>>
    %dma_start3A_738 = arith.constant 0 : i32
    %dma_start3A_739 = arith.constant 0 : i32
    %dma_start3A_740 = tpu.memref_slice %arg2[%dma_start3A_738, %dma_start3A_739] : memref<20000x128xf32, #tpu.memory_space<hbm>> -> memref<20000x128xf32, #tpu.memory_space<hbm>>
    tpu.enqueue_indirect_dma source(%dma_start3A_740 : memref<20000x128xf32, #tpu.memory_space<hbm>>) target(%arg10 : memref<128x128xf32, #tpu.memory_space<vmem>>) offsets(%dma_start3A_737 : memref<128xi32, #tpu.memory_space<vmem>>) semaphore(%arg13 : memref<!tpu.dma_semaphore, #tpu.memory_space<semaphore_mem>>)
    %dma_wait3A_741 = arith.constant 8 : i32
    %dma_wait3A_742 = arith.constant 0 : i32
    %dma_wait3A_743 = tpu.memref_slice %arg7[%dma_wait3A_741, %dma_wait3A_742] : memref<40x128xi32, #tpu.memory_space<vmem>> -> memref<1x128xi32, #tpu.memory_space<vmem>>
    %dma_wait3A_744 = tpu.memref_squeeze %dma_wait3A_743 : memref<1x128xi32, #tpu.memory_space<vmem>> -> memref<128xi32, #tpu.memory_space<vmem>>
    %dma_wait3A_745 = arith.constant 0 : i32
    %dma_wait3A_746 = arith.constant 0 : i32
    %dma_wait3A_747 = tpu.memref_slice %arg2[%dma_wait3A_745, %dma_wait3A_746] : memref<20000x128xf32, #tpu.memory_space<hbm>> -> memref<20000x128xf32, #tpu.memory_space<hbm>>
    tpu.wait_indirect_dma semaphore(%arg12 : memref<!tpu.dma_semaphore, #tpu.memory_space<semaphore_mem>>) src(%dma_wait3A_747 : memref<20000x128xf32, #tpu.memory_space<hbm>>) dst(%arg9 : memref<128x128xf32, #tpu.memory_space<vmem>>)
    %run_scoped3A_748 = arith.constant 8 : i32
    "tpu.region"() ({
      %run_scoped3A_1215 = tpu.sem_alloc : memref<!tpu.dma_semaphore, #tpu.memory_space<semaphore_mem>>
      %dma_start3A_1216 = arith.constant 0 : i32
      %dma_start3A_1217 = tpu.memref_slice %arg8[%run_scoped3A_748, %dma_start3A_1216] : memref<40x128xi32, #tpu.memory_space<vmem>> -> memref<1x128xi32, #tpu.memory_space<vmem>>
      %dma_start3A_1218 = tpu.memref_squeeze %dma_start3A_1217 : memref<1x128xi32, #tpu.memory_space<vmem>> -> memref<128xi32, #tpu.memory_space<vmem>>
      %dma_start3A_1219 = arith.constant 0 : i32
      %dma_start3A_1220 = arith.constant 0 : i32
      %dma_start3A_1221 = tpu.memref_slice %arg11[%dma_start3A_1219, %dma_start3A_1220] : memref<10112x128xf32, #tpu.memory_space<vmem_shared>> -> memref<10112x128xf32, #tpu.memory_space<vmem_shared>>
      tpu.enqueue_indirect_dma source(%arg9 : memref<128x128xf32, #tpu.memory_space<vmem>>) target(%dma_start3A_1221 : memref<10112x128xf32, #tpu.memory_space<vmem_shared>>) offsets(%dma_start3A_1218 : memref<128xi32, #tpu.memory_space<vmem>>) semaphore(%run_scoped3A_1215 : memref<!tpu.dma_semaphore, #tpu.memory_space<semaphore_mem>>) {add = true}
      %dma_wait3A_1222 = arith.constant 0 : i32
      %dma_wait3A_1223 = tpu.memref_slice %arg8[%run_scoped3A_748, %dma_wait3A_1222] : memref<40x128xi32, #tpu.memory_space<vmem>> -> memref<1x128xi32, #tpu.memory_space<vmem>>
      %dma_wait3A_1224 = tpu.memref_squeeze %dma_wait3A_1223 : memref<1x128xi32, #tpu.memory_space<vmem>> -> memref<128xi32, #tpu.memory_space<vmem>>
      %dma_wait3A_1225 = arith.constant 0 : i32
      %dma_wait3A_1226 = arith.constant 0 : i32
      %dma_wait3A_1227 = tpu.memref_slice %arg11[%dma_wait3A_1225, %dma_wait3A_1226] : memref<10112x128xf32, #tpu.memory_space<vmem_shared>> -> memref<10112x128xf32, #tpu.memory_space<vmem_shared>>
      tpu.wait_indirect_dma semaphore(%run_scoped3A_1215 : memref<!tpu.dma_semaphore, #tpu.memory_space<semaphore_mem>>) src(%arg9 : memref<128x128xf32, #tpu.memory_space<vmem>>) dst(%dma_wait3A_1227 : memref<10112x128xf32, #tpu.memory_space<vmem_shared>>)
      tpu.yield
    }) : () -> ()
    %dma_start3A_749 = arith.constant 10 : i32
    %dma_start3A_750 = arith.constant 0 : i32
    %dma_start3A_751 = tpu.memref_slice %arg7[%dma_start3A_749, %dma_start3A_750] : memref<40x128xi32, #tpu.memory_space<vmem>> -> memref<1x128xi32, #tpu.memory_space<vmem>>
    %dma_start3A_752 = tpu.memref_squeeze %dma_start3A_751 : memref<1x128xi32, #tpu.memory_space<vmem>> -> memref<128xi32, #tpu.memory_space<vmem>>
    %dma_start3A_753 = arith.constant 0 : i32
    %dma_start3A_754 = arith.constant 0 : i32
    %dma_start3A_755 = tpu.memref_slice %arg2[%dma_start3A_753, %dma_start3A_754] : memref<20000x128xf32, #tpu.memory_space<hbm>> -> memref<20000x128xf32, #tpu.memory_space<hbm>>
    tpu.enqueue_indirect_dma source(%dma_start3A_755 : memref<20000x128xf32, #tpu.memory_space<hbm>>) target(%arg9 : memref<128x128xf32, #tpu.memory_space<vmem>>) offsets(%dma_start3A_752 : memref<128xi32, #tpu.memory_space<vmem>>) semaphore(%arg12 : memref<!tpu.dma_semaphore, #tpu.memory_space<semaphore_mem>>)
    %dma_wait3A_756 = arith.constant 9 : i32
    %dma_wait3A_757 = arith.constant 0 : i32
    %dma_wait3A_758 = tpu.memref_slice %arg7[%dma_wait3A_756, %dma_wait3A_757] : memref<40x128xi32, #tpu.memory_space<vmem>> -> memref<1x128xi32, #tpu.memory_space<vmem>>
    %dma_wait3A_759 = tpu.memref_squeeze %dma_wait3A_758 : memref<1x128xi32, #tpu.memory_space<vmem>> -> memref<128xi32, #tpu.memory_space<vmem>>
    %dma_wait3A_760 = arith.constant 0 : i32
    %dma_wait3A_761 = arith.constant 0 : i32
    %dma_wait3A_762 = tpu.memref_slice %arg2[%dma_wait3A_760, %dma_wait3A_761] : memref<20000x128xf32, #tpu.memory_space<hbm>> -> memref<20000x128xf32, #tpu.memory_space<hbm>>
    tpu.wait_indirect_dma semaphore(%arg13 : memref<!tpu.dma_semaphore, #tpu.memory_space<semaphore_mem>>) src(%dma_wait3A_762 : memref<20000x128xf32, #tpu.memory_space<hbm>>) dst(%arg10 : memref<128x128xf32, #tpu.memory_space<vmem>>)
    %run_scoped3A_763 = arith.constant 9 : i32
    "tpu.region"() ({
      %run_scoped3A_1215 = tpu.sem_alloc : memref<!tpu.dma_semaphore, #tpu.memory_space<semaphore_mem>>
      %dma_start3A_1216 = arith.constant 0 : i32
      %dma_start3A_1217 = tpu.memref_slice %arg8[%run_scoped3A_763, %dma_start3A_1216] : memref<40x128xi32, #tpu.memory_space<vmem>> -> memref<1x128xi32, #tpu.memory_space<vmem>>
      %dma_start3A_1218 = tpu.memref_squeeze %dma_start3A_1217 : memref<1x128xi32, #tpu.memory_space<vmem>> -> memref<128xi32, #tpu.memory_space<vmem>>
      %dma_start3A_1219 = arith.constant 0 : i32
      %dma_start3A_1220 = arith.constant 0 : i32
      %dma_start3A_1221 = tpu.memref_slice %arg11[%dma_start3A_1219, %dma_start3A_1220] : memref<10112x128xf32, #tpu.memory_space<vmem_shared>> -> memref<10112x128xf32, #tpu.memory_space<vmem_shared>>
      tpu.enqueue_indirect_dma source(%arg10 : memref<128x128xf32, #tpu.memory_space<vmem>>) target(%dma_start3A_1221 : memref<10112x128xf32, #tpu.memory_space<vmem_shared>>) offsets(%dma_start3A_1218 : memref<128xi32, #tpu.memory_space<vmem>>) semaphore(%run_scoped3A_1215 : memref<!tpu.dma_semaphore, #tpu.memory_space<semaphore_mem>>) {add = true}
      %dma_wait3A_1222 = arith.constant 0 : i32
      %dma_wait3A_1223 = tpu.memref_slice %arg8[%run_scoped3A_763, %dma_wait3A_1222] : memref<40x128xi32, #tpu.memory_space<vmem>> -> memref<1x128xi32, #tpu.memory_space<vmem>>
      %dma_wait3A_1224 = tpu.memref_squeeze %dma_wait3A_1223 : memref<1x128xi32, #tpu.memory_space<vmem>> -> memref<128xi32, #tpu.memory_space<vmem>>
      %dma_wait3A_1225 = arith.constant 0 : i32
      %dma_wait3A_1226 = arith.constant 0 : i32
      %dma_wait3A_1227 = tpu.memref_slice %arg11[%dma_wait3A_1225, %dma_wait3A_1226] : memref<10112x128xf32, #tpu.memory_space<vmem_shared>> -> memref<10112x128xf32, #tpu.memory_space<vmem_shared>>
      tpu.wait_indirect_dma semaphore(%run_scoped3A_1215 : memref<!tpu.dma_semaphore, #tpu.memory_space<semaphore_mem>>) src(%arg10 : memref<128x128xf32, #tpu.memory_space<vmem>>) dst(%dma_wait3A_1227 : memref<10112x128xf32, #tpu.memory_space<vmem_shared>>)
      tpu.yield
    }) : () -> ()
    %dma_start3A_764 = arith.constant 11 : i32
    %dma_start3A_765 = arith.constant 0 : i32
    %dma_start3A_766 = tpu.memref_slice %arg7[%dma_start3A_764, %dma_start3A_765] : memref<40x128xi32, #tpu.memory_space<vmem>> -> memref<1x128xi32, #tpu.memory_space<vmem>>
    %dma_start3A_767 = tpu.memref_squeeze %dma_start3A_766 : memref<1x128xi32, #tpu.memory_space<vmem>> -> memref<128xi32, #tpu.memory_space<vmem>>
    %dma_start3A_768 = arith.constant 0 : i32
    %dma_start3A_769 = arith.constant 0 : i32
    %dma_start3A_770 = tpu.memref_slice %arg2[%dma_start3A_768, %dma_start3A_769] : memref<20000x128xf32, #tpu.memory_space<hbm>> -> memref<20000x128xf32, #tpu.memory_space<hbm>>
    tpu.enqueue_indirect_dma source(%dma_start3A_770 : memref<20000x128xf32, #tpu.memory_space<hbm>>) target(%arg10 : memref<128x128xf32, #tpu.memory_space<vmem>>) offsets(%dma_start3A_767 : memref<128xi32, #tpu.memory_space<vmem>>) semaphore(%arg13 : memref<!tpu.dma_semaphore, #tpu.memory_space<semaphore_mem>>)
    %dma_wait3A_771 = arith.constant 10 : i32
    %dma_wait3A_772 = arith.constant 0 : i32
    %dma_wait3A_773 = tpu.memref_slice %arg7[%dma_wait3A_771, %dma_wait3A_772] : memref<40x128xi32, #tpu.memory_space<vmem>> -> memref<1x128xi32, #tpu.memory_space<vmem>>
    %dma_wait3A_774 = tpu.memref_squeeze %dma_wait3A_773 : memref<1x128xi32, #tpu.memory_space<vmem>> -> memref<128xi32, #tpu.memory_space<vmem>>
    %dma_wait3A_775 = arith.constant 0 : i32
    %dma_wait3A_776 = arith.constant 0 : i32
    %dma_wait3A_777 = tpu.memref_slice %arg2[%dma_wait3A_775, %dma_wait3A_776] : memref<20000x128xf32, #tpu.memory_space<hbm>> -> memref<20000x128xf32, #tpu.memory_space<hbm>>
    tpu.wait_indirect_dma semaphore(%arg12 : memref<!tpu.dma_semaphore, #tpu.memory_space<semaphore_mem>>) src(%dma_wait3A_777 : memref<20000x128xf32, #tpu.memory_space<hbm>>) dst(%arg9 : memref<128x128xf32, #tpu.memory_space<vmem>>)
    %run_scoped3A_778 = arith.constant 10 : i32
    "tpu.region"() ({
      %run_scoped3A_1215 = tpu.sem_alloc : memref<!tpu.dma_semaphore, #tpu.memory_space<semaphore_mem>>
      %dma_start3A_1216 = arith.constant 0 : i32
      %dma_start3A_1217 = tpu.memref_slice %arg8[%run_scoped3A_778, %dma_start3A_1216] : memref<40x128xi32, #tpu.memory_space<vmem>> -> memref<1x128xi32, #tpu.memory_space<vmem>>
      %dma_start3A_1218 = tpu.memref_squeeze %dma_start3A_1217 : memref<1x128xi32, #tpu.memory_space<vmem>> -> memref<128xi32, #tpu.memory_space<vmem>>
      %dma_start3A_1219 = arith.constant 0 : i32
      %dma_start3A_1220 = arith.constant 0 : i32
      %dma_start3A_1221 = tpu.memref_slice %arg11[%dma_start3A_1219, %dma_start3A_1220] : memref<10112x128xf32, #tpu.memory_space<vmem_shared>> -> memref<10112x128xf32, #tpu.memory_space<vmem_shared>>
      tpu.enqueue_indirect_dma source(%arg9 : memref<128x128xf32, #tpu.memory_space<vmem>>) target(%dma_start3A_1221 : memref<10112x128xf32, #tpu.memory_space<vmem_shared>>) offsets(%dma_start3A_1218 : memref<128xi32, #tpu.memory_space<vmem>>) semaphore(%run_scoped3A_1215 : memref<!tpu.dma_semaphore, #tpu.memory_space<semaphore_mem>>) {add = true}
      %dma_wait3A_1222 = arith.constant 0 : i32
      %dma_wait3A_1223 = tpu.memref_slice %arg8[%run_scoped3A_778, %dma_wait3A_1222] : memref<40x128xi32, #tpu.memory_space<vmem>> -> memref<1x128xi32, #tpu.memory_space<vmem>>
      %dma_wait3A_1224 = tpu.memref_squeeze %dma_wait3A_1223 : memref<1x128xi32, #tpu.memory_space<vmem>> -> memref<128xi32, #tpu.memory_space<vmem>>
      %dma_wait3A_1225 = arith.constant 0 : i32
      %dma_wait3A_1226 = arith.constant 0 : i32
      %dma_wait3A_1227 = tpu.memref_slice %arg11[%dma_wait3A_1225, %dma_wait3A_1226] : memref<10112x128xf32, #tpu.memory_space<vmem_shared>> -> memref<10112x128xf32, #tpu.memory_space<vmem_shared>>
      tpu.wait_indirect_dma semaphore(%run_scoped3A_1215 : memref<!tpu.dma_semaphore, #tpu.memory_space<semaphore_mem>>) src(%arg9 : memref<128x128xf32, #tpu.memory_space<vmem>>) dst(%dma_wait3A_1227 : memref<10112x128xf32, #tpu.memory_space<vmem_shared>>)
      tpu.yield
    }) : () -> ()
    %dma_start3A_779 = arith.constant 12 : i32
    %dma_start3A_780 = arith.constant 0 : i32
    %dma_start3A_781 = tpu.memref_slice %arg7[%dma_start3A_779, %dma_start3A_780] : memref<40x128xi32, #tpu.memory_space<vmem>> -> memref<1x128xi32, #tpu.memory_space<vmem>>
    %dma_start3A_782 = tpu.memref_squeeze %dma_start3A_781 : memref<1x128xi32, #tpu.memory_space<vmem>> -> memref<128xi32, #tpu.memory_space<vmem>>
    %dma_start3A_783 = arith.constant 0 : i32
    %dma_start3A_784 = arith.constant 0 : i32
    %dma_start3A_785 = tpu.memref_slice %arg2[%dma_start3A_783, %dma_start3A_784] : memref<20000x128xf32, #tpu.memory_space<hbm>> -> memref<20000x128xf32, #tpu.memory_space<hbm>>
    tpu.enqueue_indirect_dma source(%dma_start3A_785 : memref<20000x128xf32, #tpu.memory_space<hbm>>) target(%arg9 : memref<128x128xf32, #tpu.memory_space<vmem>>) offsets(%dma_start3A_782 : memref<128xi32, #tpu.memory_space<vmem>>) semaphore(%arg12 : memref<!tpu.dma_semaphore, #tpu.memory_space<semaphore_mem>>)
    %dma_wait3A_786 = arith.constant 11 : i32
    %dma_wait3A_787 = arith.constant 0 : i32
    %dma_wait3A_788 = tpu.memref_slice %arg7[%dma_wait3A_786, %dma_wait3A_787] : memref<40x128xi32, #tpu.memory_space<vmem>> -> memref<1x128xi32, #tpu.memory_space<vmem>>
    %dma_wait3A_789 = tpu.memref_squeeze %dma_wait3A_788 : memref<1x128xi32, #tpu.memory_space<vmem>> -> memref<128xi32, #tpu.memory_space<vmem>>
    %dma_wait3A_790 = arith.constant 0 : i32
    %dma_wait3A_791 = arith.constant 0 : i32
    %dma_wait3A_792 = tpu.memref_slice %arg2[%dma_wait3A_790, %dma_wait3A_791] : memref<20000x128xf32, #tpu.memory_space<hbm>> -> memref<20000x128xf32, #tpu.memory_space<hbm>>
    tpu.wait_indirect_dma semaphore(%arg13 : memref<!tpu.dma_semaphore, #tpu.memory_space<semaphore_mem>>) src(%dma_wait3A_792 : memref<20000x128xf32, #tpu.memory_space<hbm>>) dst(%arg10 : memref<128x128xf32, #tpu.memory_space<vmem>>)
    %run_scoped3A_793 = arith.constant 11 : i32
    "tpu.region"() ({
      %run_scoped3A_1215 = tpu.sem_alloc : memref<!tpu.dma_semaphore, #tpu.memory_space<semaphore_mem>>
      %dma_start3A_1216 = arith.constant 0 : i32
      %dma_start3A_1217 = tpu.memref_slice %arg8[%run_scoped3A_793, %dma_start3A_1216] : memref<40x128xi32, #tpu.memory_space<vmem>> -> memref<1x128xi32, #tpu.memory_space<vmem>>
      %dma_start3A_1218 = tpu.memref_squeeze %dma_start3A_1217 : memref<1x128xi32, #tpu.memory_space<vmem>> -> memref<128xi32, #tpu.memory_space<vmem>>
      %dma_start3A_1219 = arith.constant 0 : i32
      %dma_start3A_1220 = arith.constant 0 : i32
      %dma_start3A_1221 = tpu.memref_slice %arg11[%dma_start3A_1219, %dma_start3A_1220] : memref<10112x128xf32, #tpu.memory_space<vmem_shared>> -> memref<10112x128xf32, #tpu.memory_space<vmem_shared>>
      tpu.enqueue_indirect_dma source(%arg10 : memref<128x128xf32, #tpu.memory_space<vmem>>) target(%dma_start3A_1221 : memref<10112x128xf32, #tpu.memory_space<vmem_shared>>) offsets(%dma_start3A_1218 : memref<128xi32, #tpu.memory_space<vmem>>) semaphore(%run_scoped3A_1215 : memref<!tpu.dma_semaphore, #tpu.memory_space<semaphore_mem>>) {add = true}
      %dma_wait3A_1222 = arith.constant 0 : i32
      %dma_wait3A_1223 = tpu.memref_slice %arg8[%run_scoped3A_793, %dma_wait3A_1222] : memref<40x128xi32, #tpu.memory_space<vmem>> -> memref<1x128xi32, #tpu.memory_space<vmem>>
      %dma_wait3A_1224 = tpu.memref_squeeze %dma_wait3A_1223 : memref<1x128xi32, #tpu.memory_space<vmem>> -> memref<128xi32, #tpu.memory_space<vmem>>
      %dma_wait3A_1225 = arith.constant 0 : i32
      %dma_wait3A_1226 = arith.constant 0 : i32
      %dma_wait3A_1227 = tpu.memref_slice %arg11[%dma_wait3A_1225, %dma_wait3A_1226] : memref<10112x128xf32, #tpu.memory_space<vmem_shared>> -> memref<10112x128xf32, #tpu.memory_space<vmem_shared>>
      tpu.wait_indirect_dma semaphore(%run_scoped3A_1215 : memref<!tpu.dma_semaphore, #tpu.memory_space<semaphore_mem>>) src(%arg10 : memref<128x128xf32, #tpu.memory_space<vmem>>) dst(%dma_wait3A_1227 : memref<10112x128xf32, #tpu.memory_space<vmem_shared>>)
      tpu.yield
    }) : () -> ()
    %dma_start3A_794 = arith.constant 13 : i32
    %dma_start3A_795 = arith.constant 0 : i32
    %dma_start3A_796 = tpu.memref_slice %arg7[%dma_start3A_794, %dma_start3A_795] : memref<40x128xi32, #tpu.memory_space<vmem>> -> memref<1x128xi32, #tpu.memory_space<vmem>>
    %dma_start3A_797 = tpu.memref_squeeze %dma_start3A_796 : memref<1x128xi32, #tpu.memory_space<vmem>> -> memref<128xi32, #tpu.memory_space<vmem>>
    %dma_start3A_798 = arith.constant 0 : i32
    %dma_start3A_799 = arith.constant 0 : i32
    %dma_start3A_800 = tpu.memref_slice %arg2[%dma_start3A_798, %dma_start3A_799] : memref<20000x128xf32, #tpu.memory_space<hbm>> -> memref<20000x128xf32, #tpu.memory_space<hbm>>
    tpu.enqueue_indirect_dma source(%dma_start3A_800 : memref<20000x128xf32, #tpu.memory_space<hbm>>) target(%arg10 : memref<128x128xf32, #tpu.memory_space<vmem>>) offsets(%dma_start3A_797 : memref<128xi32, #tpu.memory_space<vmem>>) semaphore(%arg13 : memref<!tpu.dma_semaphore, #tpu.memory_space<semaphore_mem>>)
    %dma_wait3A_801 = arith.constant 12 : i32
    %dma_wait3A_802 = arith.constant 0 : i32
    %dma_wait3A_803 = tpu.memref_slice %arg7[%dma_wait3A_801, %dma_wait3A_802] : memref<40x128xi32, #tpu.memory_space<vmem>> -> memref<1x128xi32, #tpu.memory_space<vmem>>
    %dma_wait3A_804 = tpu.memref_squeeze %dma_wait3A_803 : memref<1x128xi32, #tpu.memory_space<vmem>> -> memref<128xi32, #tpu.memory_space<vmem>>
    %dma_wait3A_805 = arith.constant 0 : i32
    %dma_wait3A_806 = arith.constant 0 : i32
    %dma_wait3A_807 = tpu.memref_slice %arg2[%dma_wait3A_805, %dma_wait3A_806] : memref<20000x128xf32, #tpu.memory_space<hbm>> -> memref<20000x128xf32, #tpu.memory_space<hbm>>
    tpu.wait_indirect_dma semaphore(%arg12 : memref<!tpu.dma_semaphore, #tpu.memory_space<semaphore_mem>>) src(%dma_wait3A_807 : memref<20000x128xf32, #tpu.memory_space<hbm>>) dst(%arg9 : memref<128x128xf32, #tpu.memory_space<vmem>>)
    %run_scoped3A_808 = arith.constant 12 : i32
    "tpu.region"() ({
      %run_scoped3A_1215 = tpu.sem_alloc : memref<!tpu.dma_semaphore, #tpu.memory_space<semaphore_mem>>
      %dma_start3A_1216 = arith.constant 0 : i32
      %dma_start3A_1217 = tpu.memref_slice %arg8[%run_scoped3A_808, %dma_start3A_1216] : memref<40x128xi32, #tpu.memory_space<vmem>> -> memref<1x128xi32, #tpu.memory_space<vmem>>
      %dma_start3A_1218 = tpu.memref_squeeze %dma_start3A_1217 : memref<1x128xi32, #tpu.memory_space<vmem>> -> memref<128xi32, #tpu.memory_space<vmem>>
      %dma_start3A_1219 = arith.constant 0 : i32
      %dma_start3A_1220 = arith.constant 0 : i32
      %dma_start3A_1221 = tpu.memref_slice %arg11[%dma_start3A_1219, %dma_start3A_1220] : memref<10112x128xf32, #tpu.memory_space<vmem_shared>> -> memref<10112x128xf32, #tpu.memory_space<vmem_shared>>
      tpu.enqueue_indirect_dma source(%arg9 : memref<128x128xf32, #tpu.memory_space<vmem>>) target(%dma_start3A_1221 : memref<10112x128xf32, #tpu.memory_space<vmem_shared>>) offsets(%dma_start3A_1218 : memref<128xi32, #tpu.memory_space<vmem>>) semaphore(%run_scoped3A_1215 : memref<!tpu.dma_semaphore, #tpu.memory_space<semaphore_mem>>) {add = true}
      %dma_wait3A_1222 = arith.constant 0 : i32
      %dma_wait3A_1223 = tpu.memref_slice %arg8[%run_scoped3A_808, %dma_wait3A_1222] : memref<40x128xi32, #tpu.memory_space<vmem>> -> memref<1x128xi32, #tpu.memory_space<vmem>>
      %dma_wait3A_1224 = tpu.memref_squeeze %dma_wait3A_1223 : memref<1x128xi32, #tpu.memory_space<vmem>> -> memref<128xi32, #tpu.memory_space<vmem>>
      %dma_wait3A_1225 = arith.constant 0 : i32
      %dma_wait3A_1226 = arith.constant 0 : i32
      %dma_wait3A_1227 = tpu.memref_slice %arg11[%dma_wait3A_1225, %dma_wait3A_1226] : memref<10112x128xf32, #tpu.memory_space<vmem_shared>> -> memref<10112x128xf32, #tpu.memory_space<vmem_shared>>
      tpu.wait_indirect_dma semaphore(%run_scoped3A_1215 : memref<!tpu.dma_semaphore, #tpu.memory_space<semaphore_mem>>) src(%arg9 : memref<128x128xf32, #tpu.memory_space<vmem>>) dst(%dma_wait3A_1227 : memref<10112x128xf32, #tpu.memory_space<vmem_shared>>)
      tpu.yield
    }) : () -> ()
    %dma_start3A_809 = arith.constant 14 : i32
    %dma_start3A_810 = arith.constant 0 : i32
    %dma_start3A_811 = tpu.memref_slice %arg7[%dma_start3A_809, %dma_start3A_810] : memref<40x128xi32, #tpu.memory_space<vmem>> -> memref<1x128xi32, #tpu.memory_space<vmem>>
    %dma_start3A_812 = tpu.memref_squeeze %dma_start3A_811 : memref<1x128xi32, #tpu.memory_space<vmem>> -> memref<128xi32, #tpu.memory_space<vmem>>
    %dma_start3A_813 = arith.constant 0 : i32
    %dma_start3A_814 = arith.constant 0 : i32
    %dma_start3A_815 = tpu.memref_slice %arg2[%dma_start3A_813, %dma_start3A_814] : memref<20000x128xf32, #tpu.memory_space<hbm>> -> memref<20000x128xf32, #tpu.memory_space<hbm>>
    tpu.enqueue_indirect_dma source(%dma_start3A_815 : memref<20000x128xf32, #tpu.memory_space<hbm>>) target(%arg9 : memref<128x128xf32, #tpu.memory_space<vmem>>) offsets(%dma_start3A_812 : memref<128xi32, #tpu.memory_space<vmem>>) semaphore(%arg12 : memref<!tpu.dma_semaphore, #tpu.memory_space<semaphore_mem>>)
    %dma_wait3A_816 = arith.constant 13 : i32
    %dma_wait3A_817 = arith.constant 0 : i32
    %dma_wait3A_818 = tpu.memref_slice %arg7[%dma_wait3A_816, %dma_wait3A_817] : memref<40x128xi32, #tpu.memory_space<vmem>> -> memref<1x128xi32, #tpu.memory_space<vmem>>
    %dma_wait3A_819 = tpu.memref_squeeze %dma_wait3A_818 : memref<1x128xi32, #tpu.memory_space<vmem>> -> memref<128xi32, #tpu.memory_space<vmem>>
    %dma_wait3A_820 = arith.constant 0 : i32
    %dma_wait3A_821 = arith.constant 0 : i32
    %dma_wait3A_822 = tpu.memref_slice %arg2[%dma_wait3A_820, %dma_wait3A_821] : memref<20000x128xf32, #tpu.memory_space<hbm>> -> memref<20000x128xf32, #tpu.memory_space<hbm>>
    tpu.wait_indirect_dma semaphore(%arg13 : memref<!tpu.dma_semaphore, #tpu.memory_space<semaphore_mem>>) src(%dma_wait3A_822 : memref<20000x128xf32, #tpu.memory_space<hbm>>) dst(%arg10 : memref<128x128xf32, #tpu.memory_space<vmem>>)
    %run_scoped3A_823 = arith.constant 13 : i32
    "tpu.region"() ({
      %run_scoped3A_1215 = tpu.sem_alloc : memref<!tpu.dma_semaphore, #tpu.memory_space<semaphore_mem>>
      %dma_start3A_1216 = arith.constant 0 : i32
      %dma_start3A_1217 = tpu.memref_slice %arg8[%run_scoped3A_823, %dma_start3A_1216] : memref<40x128xi32, #tpu.memory_space<vmem>> -> memref<1x128xi32, #tpu.memory_space<vmem>>
      %dma_start3A_1218 = tpu.memref_squeeze %dma_start3A_1217 : memref<1x128xi32, #tpu.memory_space<vmem>> -> memref<128xi32, #tpu.memory_space<vmem>>
      %dma_start3A_1219 = arith.constant 0 : i32
      %dma_start3A_1220 = arith.constant 0 : i32
      %dma_start3A_1221 = tpu.memref_slice %arg11[%dma_start3A_1219, %dma_start3A_1220] : memref<10112x128xf32, #tpu.memory_space<vmem_shared>> -> memref<10112x128xf32, #tpu.memory_space<vmem_shared>>
      tpu.enqueue_indirect_dma source(%arg10 : memref<128x128xf32, #tpu.memory_space<vmem>>) target(%dma_start3A_1221 : memref<10112x128xf32, #tpu.memory_space<vmem_shared>>) offsets(%dma_start3A_1218 : memref<128xi32, #tpu.memory_space<vmem>>) semaphore(%run_scoped3A_1215 : memref<!tpu.dma_semaphore, #tpu.memory_space<semaphore_mem>>) {add = true}
      %dma_wait3A_1222 = arith.constant 0 : i32
      %dma_wait3A_1223 = tpu.memref_slice %arg8[%run_scoped3A_823, %dma_wait3A_1222] : memref<40x128xi32, #tpu.memory_space<vmem>> -> memref<1x128xi32, #tpu.memory_space<vmem>>
      %dma_wait3A_1224 = tpu.memref_squeeze %dma_wait3A_1223 : memref<1x128xi32, #tpu.memory_space<vmem>> -> memref<128xi32, #tpu.memory_space<vmem>>
      %dma_wait3A_1225 = arith.constant 0 : i32
      %dma_wait3A_1226 = arith.constant 0 : i32
      %dma_wait3A_1227 = tpu.memref_slice %arg11[%dma_wait3A_1225, %dma_wait3A_1226] : memref<10112x128xf32, #tpu.memory_space<vmem_shared>> -> memref<10112x128xf32, #tpu.memory_space<vmem_shared>>
      tpu.wait_indirect_dma semaphore(%run_scoped3A_1215 : memref<!tpu.dma_semaphore, #tpu.memory_space<semaphore_mem>>) src(%arg10 : memref<128x128xf32, #tpu.memory_space<vmem>>) dst(%dma_wait3A_1227 : memref<10112x128xf32, #tpu.memory_space<vmem_shared>>)
      tpu.yield
    }) : () -> ()
    %dma_start3A_824 = arith.constant 15 : i32
    %dma_start3A_825 = arith.constant 0 : i32
    %dma_start3A_826 = tpu.memref_slice %arg7[%dma_start3A_824, %dma_start3A_825] : memref<40x128xi32, #tpu.memory_space<vmem>> -> memref<1x128xi32, #tpu.memory_space<vmem>>
    %dma_start3A_827 = tpu.memref_squeeze %dma_start3A_826 : memref<1x128xi32, #tpu.memory_space<vmem>> -> memref<128xi32, #tpu.memory_space<vmem>>
    %dma_start3A_828 = arith.constant 0 : i32
    %dma_start3A_829 = arith.constant 0 : i32
    %dma_start3A_830 = tpu.memref_slice %arg2[%dma_start3A_828, %dma_start3A_829] : memref<20000x128xf32, #tpu.memory_space<hbm>> -> memref<20000x128xf32, #tpu.memory_space<hbm>>
    tpu.enqueue_indirect_dma source(%dma_start3A_830 : memref<20000x128xf32, #tpu.memory_space<hbm>>) target(%arg10 : memref<128x128xf32, #tpu.memory_space<vmem>>) offsets(%dma_start3A_827 : memref<128xi32, #tpu.memory_space<vmem>>) semaphore(%arg13 : memref<!tpu.dma_semaphore, #tpu.memory_space<semaphore_mem>>)
    %dma_wait3A_831 = arith.constant 14 : i32
    %dma_wait3A_832 = arith.constant 0 : i32
    %dma_wait3A_833 = tpu.memref_slice %arg7[%dma_wait3A_831, %dma_wait3A_832] : memref<40x128xi32, #tpu.memory_space<vmem>> -> memref<1x128xi32, #tpu.memory_space<vmem>>
    %dma_wait3A_834 = tpu.memref_squeeze %dma_wait3A_833 : memref<1x128xi32, #tpu.memory_space<vmem>> -> memref<128xi32, #tpu.memory_space<vmem>>
    %dma_wait3A_835 = arith.constant 0 : i32
    %dma_wait3A_836 = arith.constant 0 : i32
    %dma_wait3A_837 = tpu.memref_slice %arg2[%dma_wait3A_835, %dma_wait3A_836] : memref<20000x128xf32, #tpu.memory_space<hbm>> -> memref<20000x128xf32, #tpu.memory_space<hbm>>
    tpu.wait_indirect_dma semaphore(%arg12 : memref<!tpu.dma_semaphore, #tpu.memory_space<semaphore_mem>>) src(%dma_wait3A_837 : memref<20000x128xf32, #tpu.memory_space<hbm>>) dst(%arg9 : memref<128x128xf32, #tpu.memory_space<vmem>>)
    %run_scoped3A_838 = arith.constant 14 : i32
    "tpu.region"() ({
      %run_scoped3A_1215 = tpu.sem_alloc : memref<!tpu.dma_semaphore, #tpu.memory_space<semaphore_mem>>
      %dma_start3A_1216 = arith.constant 0 : i32
      %dma_start3A_1217 = tpu.memref_slice %arg8[%run_scoped3A_838, %dma_start3A_1216] : memref<40x128xi32, #tpu.memory_space<vmem>> -> memref<1x128xi32, #tpu.memory_space<vmem>>
      %dma_start3A_1218 = tpu.memref_squeeze %dma_start3A_1217 : memref<1x128xi32, #tpu.memory_space<vmem>> -> memref<128xi32, #tpu.memory_space<vmem>>
      %dma_start3A_1219 = arith.constant 0 : i32
      %dma_start3A_1220 = arith.constant 0 : i32
      %dma_start3A_1221 = tpu.memref_slice %arg11[%dma_start3A_1219, %dma_start3A_1220] : memref<10112x128xf32, #tpu.memory_space<vmem_shared>> -> memref<10112x128xf32, #tpu.memory_space<vmem_shared>>
      tpu.enqueue_indirect_dma source(%arg9 : memref<128x128xf32, #tpu.memory_space<vmem>>) target(%dma_start3A_1221 : memref<10112x128xf32, #tpu.memory_space<vmem_shared>>) offsets(%dma_start3A_1218 : memref<128xi32, #tpu.memory_space<vmem>>) semaphore(%run_scoped3A_1215 : memref<!tpu.dma_semaphore, #tpu.memory_space<semaphore_mem>>) {add = true}
      %dma_wait3A_1222 = arith.constant 0 : i32
      %dma_wait3A_1223 = tpu.memref_slice %arg8[%run_scoped3A_838, %dma_wait3A_1222] : memref<40x128xi32, #tpu.memory_space<vmem>> -> memref<1x128xi32, #tpu.memory_space<vmem>>
      %dma_wait3A_1224 = tpu.memref_squeeze %dma_wait3A_1223 : memref<1x128xi32, #tpu.memory_space<vmem>> -> memref<128xi32, #tpu.memory_space<vmem>>
      %dma_wait3A_1225 = arith.constant 0 : i32
      %dma_wait3A_1226 = arith.constant 0 : i32
      %dma_wait3A_1227 = tpu.memref_slice %arg11[%dma_wait3A_1225, %dma_wait3A_1226] : memref<10112x128xf32, #tpu.memory_space<vmem_shared>> -> memref<10112x128xf32, #tpu.memory_space<vmem_shared>>
      tpu.wait_indirect_dma semaphore(%run_scoped3A_1215 : memref<!tpu.dma_semaphore, #tpu.memory_space<semaphore_mem>>) src(%arg9 : memref<128x128xf32, #tpu.memory_space<vmem>>) dst(%dma_wait3A_1227 : memref<10112x128xf32, #tpu.memory_space<vmem_shared>>)
      tpu.yield
    }) : () -> ()
    %dma_start3A_839 = arith.constant 16 : i32
    %dma_start3A_840 = arith.constant 0 : i32
    %dma_start3A_841 = tpu.memref_slice %arg7[%dma_start3A_839, %dma_start3A_840] : memref<40x128xi32, #tpu.memory_space<vmem>> -> memref<1x128xi32, #tpu.memory_space<vmem>>
    %dma_start3A_842 = tpu.memref_squeeze %dma_start3A_841 : memref<1x128xi32, #tpu.memory_space<vmem>> -> memref<128xi32, #tpu.memory_space<vmem>>
    %dma_start3A_843 = arith.constant 0 : i32
    %dma_start3A_844 = arith.constant 0 : i32
    %dma_start3A_845 = tpu.memref_slice %arg2[%dma_start3A_843, %dma_start3A_844] : memref<20000x128xf32, #tpu.memory_space<hbm>> -> memref<20000x128xf32, #tpu.memory_space<hbm>>
    tpu.enqueue_indirect_dma source(%dma_start3A_845 : memref<20000x128xf32, #tpu.memory_space<hbm>>) target(%arg9 : memref<128x128xf32, #tpu.memory_space<vmem>>) offsets(%dma_start3A_842 : memref<128xi32, #tpu.memory_space<vmem>>) semaphore(%arg12 : memref<!tpu.dma_semaphore, #tpu.memory_space<semaphore_mem>>)
    %dma_wait3A_846 = arith.constant 15 : i32
    %dma_wait3A_847 = arith.constant 0 : i32
    %dma_wait3A_848 = tpu.memref_slice %arg7[%dma_wait3A_846, %dma_wait3A_847] : memref<40x128xi32, #tpu.memory_space<vmem>> -> memref<1x128xi32, #tpu.memory_space<vmem>>
    %dma_wait3A_849 = tpu.memref_squeeze %dma_wait3A_848 : memref<1x128xi32, #tpu.memory_space<vmem>> -> memref<128xi32, #tpu.memory_space<vmem>>
    %dma_wait3A_850 = arith.constant 0 : i32
    %dma_wait3A_851 = arith.constant 0 : i32
    %dma_wait3A_852 = tpu.memref_slice %arg2[%dma_wait3A_850, %dma_wait3A_851] : memref<20000x128xf32, #tpu.memory_space<hbm>> -> memref<20000x128xf32, #tpu.memory_space<hbm>>
    tpu.wait_indirect_dma semaphore(%arg13 : memref<!tpu.dma_semaphore, #tpu.memory_space<semaphore_mem>>) src(%dma_wait3A_852 : memref<20000x128xf32, #tpu.memory_space<hbm>>) dst(%arg10 : memref<128x128xf32, #tpu.memory_space<vmem>>)
    %run_scoped3A_853 = arith.constant 15 : i32
    "tpu.region"() ({
      %run_scoped3A_1215 = tpu.sem_alloc : memref<!tpu.dma_semaphore, #tpu.memory_space<semaphore_mem>>
      %dma_start3A_1216 = arith.constant 0 : i32
      %dma_start3A_1217 = tpu.memref_slice %arg8[%run_scoped3A_853, %dma_start3A_1216] : memref<40x128xi32, #tpu.memory_space<vmem>> -> memref<1x128xi32, #tpu.memory_space<vmem>>
      %dma_start3A_1218 = tpu.memref_squeeze %dma_start3A_1217 : memref<1x128xi32, #tpu.memory_space<vmem>> -> memref<128xi32, #tpu.memory_space<vmem>>
      %dma_start3A_1219 = arith.constant 0 : i32
      %dma_start3A_1220 = arith.constant 0 : i32
      %dma_start3A_1221 = tpu.memref_slice %arg11[%dma_start3A_1219, %dma_start3A_1220] : memref<10112x128xf32, #tpu.memory_space<vmem_shared>> -> memref<10112x128xf32, #tpu.memory_space<vmem_shared>>
      tpu.enqueue_indirect_dma source(%arg10 : memref<128x128xf32, #tpu.memory_space<vmem>>) target(%dma_start3A_1221 : memref<10112x128xf32, #tpu.memory_space<vmem_shared>>) offsets(%dma_start3A_1218 : memref<128xi32, #tpu.memory_space<vmem>>) semaphore(%run_scoped3A_1215 : memref<!tpu.dma_semaphore, #tpu.memory_space<semaphore_mem>>) {add = true}
      %dma_wait3A_1222 = arith.constant 0 : i32
      %dma_wait3A_1223 = tpu.memref_slice %arg8[%run_scoped3A_853, %dma_wait3A_1222] : memref<40x128xi32, #tpu.memory_space<vmem>> -> memref<1x128xi32, #tpu.memory_space<vmem>>
      %dma_wait3A_1224 = tpu.memref_squeeze %dma_wait3A_1223 : memref<1x128xi32, #tpu.memory_space<vmem>> -> memref<128xi32, #tpu.memory_space<vmem>>
      %dma_wait3A_1225 = arith.constant 0 : i32
      %dma_wait3A_1226 = arith.constant 0 : i32
      %dma_wait3A_1227 = tpu.memref_slice %arg11[%dma_wait3A_1225, %dma_wait3A_1226] : memref<10112x128xf32, #tpu.memory_space<vmem_shared>> -> memref<10112x128xf32, #tpu.memory_space<vmem_shared>>
      tpu.wait_indirect_dma semaphore(%run_scoped3A_1215 : memref<!tpu.dma_semaphore, #tpu.memory_space<semaphore_mem>>) src(%arg10 : memref<128x128xf32, #tpu.memory_space<vmem>>) dst(%dma_wait3A_1227 : memref<10112x128xf32, #tpu.memory_space<vmem_shared>>)
      tpu.yield
    }) : () -> ()
    %dma_start3A_854 = arith.constant 17 : i32
    %dma_start3A_855 = arith.constant 0 : i32
    %dma_start3A_856 = tpu.memref_slice %arg7[%dma_start3A_854, %dma_start3A_855] : memref<40x128xi32, #tpu.memory_space<vmem>> -> memref<1x128xi32, #tpu.memory_space<vmem>>
    %dma_start3A_857 = tpu.memref_squeeze %dma_start3A_856 : memref<1x128xi32, #tpu.memory_space<vmem>> -> memref<128xi32, #tpu.memory_space<vmem>>
    %dma_start3A_858 = arith.constant 0 : i32
    %dma_start3A_859 = arith.constant 0 : i32
    %dma_start3A_860 = tpu.memref_slice %arg2[%dma_start3A_858, %dma_start3A_859] : memref<20000x128xf32, #tpu.memory_space<hbm>> -> memref<20000x128xf32, #tpu.memory_space<hbm>>
    tpu.enqueue_indirect_dma source(%dma_start3A_860 : memref<20000x128xf32, #tpu.memory_space<hbm>>) target(%arg10 : memref<128x128xf32, #tpu.memory_space<vmem>>) offsets(%dma_start3A_857 : memref<128xi32, #tpu.memory_space<vmem>>) semaphore(%arg13 : memref<!tpu.dma_semaphore, #tpu.memory_space<semaphore_mem>>)
    %dma_wait3A_861 = arith.constant 16 : i32
    %dma_wait3A_862 = arith.constant 0 : i32
    %dma_wait3A_863 = tpu.memref_slice %arg7[%dma_wait3A_861, %dma_wait3A_862] : memref<40x128xi32, #tpu.memory_space<vmem>> -> memref<1x128xi32, #tpu.memory_space<vmem>>
    %dma_wait3A_864 = tpu.memref_squeeze %dma_wait3A_863 : memref<1x128xi32, #tpu.memory_space<vmem>> -> memref<128xi32, #tpu.memory_space<vmem>>
    %dma_wait3A_865 = arith.constant 0 : i32
    %dma_wait3A_866 = arith.constant 0 : i32
    %dma_wait3A_867 = tpu.memref_slice %arg2[%dma_wait3A_865, %dma_wait3A_866] : memref<20000x128xf32, #tpu.memory_space<hbm>> -> memref<20000x128xf32, #tpu.memory_space<hbm>>
    tpu.wait_indirect_dma semaphore(%arg12 : memref<!tpu.dma_semaphore, #tpu.memory_space<semaphore_mem>>) src(%dma_wait3A_867 : memref<20000x128xf32, #tpu.memory_space<hbm>>) dst(%arg9 : memref<128x128xf32, #tpu.memory_space<vmem>>)
    %run_scoped3A_868 = arith.constant 16 : i32
    "tpu.region"() ({
      %run_scoped3A_1215 = tpu.sem_alloc : memref<!tpu.dma_semaphore, #tpu.memory_space<semaphore_mem>>
      %dma_start3A_1216 = arith.constant 0 : i32
      %dma_start3A_1217 = tpu.memref_slice %arg8[%run_scoped3A_868, %dma_start3A_1216] : memref<40x128xi32, #tpu.memory_space<vmem>> -> memref<1x128xi32, #tpu.memory_space<vmem>>
      %dma_start3A_1218 = tpu.memref_squeeze %dma_start3A_1217 : memref<1x128xi32, #tpu.memory_space<vmem>> -> memref<128xi32, #tpu.memory_space<vmem>>
      %dma_start3A_1219 = arith.constant 0 : i32
      %dma_start3A_1220 = arith.constant 0 : i32
      %dma_start3A_1221 = tpu.memref_slice %arg11[%dma_start3A_1219, %dma_start3A_1220] : memref<10112x128xf32, #tpu.memory_space<vmem_shared>> -> memref<10112x128xf32, #tpu.memory_space<vmem_shared>>
      tpu.enqueue_indirect_dma source(%arg9 : memref<128x128xf32, #tpu.memory_space<vmem>>) target(%dma_start3A_1221 : memref<10112x128xf32, #tpu.memory_space<vmem_shared>>) offsets(%dma_start3A_1218 : memref<128xi32, #tpu.memory_space<vmem>>) semaphore(%run_scoped3A_1215 : memref<!tpu.dma_semaphore, #tpu.memory_space<semaphore_mem>>) {add = true}
      %dma_wait3A_1222 = arith.constant 0 : i32
      %dma_wait3A_1223 = tpu.memref_slice %arg8[%run_scoped3A_868, %dma_wait3A_1222] : memref<40x128xi32, #tpu.memory_space<vmem>> -> memref<1x128xi32, #tpu.memory_space<vmem>>
      %dma_wait3A_1224 = tpu.memref_squeeze %dma_wait3A_1223 : memref<1x128xi32, #tpu.memory_space<vmem>> -> memref<128xi32, #tpu.memory_space<vmem>>
      %dma_wait3A_1225 = arith.constant 0 : i32
      %dma_wait3A_1226 = arith.constant 0 : i32
      %dma_wait3A_1227 = tpu.memref_slice %arg11[%dma_wait3A_1225, %dma_wait3A_1226] : memref<10112x128xf32, #tpu.memory_space<vmem_shared>> -> memref<10112x128xf32, #tpu.memory_space<vmem_shared>>
      tpu.wait_indirect_dma semaphore(%run_scoped3A_1215 : memref<!tpu.dma_semaphore, #tpu.memory_space<semaphore_mem>>) src(%arg9 : memref<128x128xf32, #tpu.memory_space<vmem>>) dst(%dma_wait3A_1227 : memref<10112x128xf32, #tpu.memory_space<vmem_shared>>)
      tpu.yield
    }) : () -> ()
    %dma_start3A_869 = arith.constant 18 : i32
    %dma_start3A_870 = arith.constant 0 : i32
    %dma_start3A_871 = tpu.memref_slice %arg7[%dma_start3A_869, %dma_start3A_870] : memref<40x128xi32, #tpu.memory_space<vmem>> -> memref<1x128xi32, #tpu.memory_space<vmem>>
    %dma_start3A_872 = tpu.memref_squeeze %dma_start3A_871 : memref<1x128xi32, #tpu.memory_space<vmem>> -> memref<128xi32, #tpu.memory_space<vmem>>
    %dma_start3A_873 = arith.constant 0 : i32
    %dma_start3A_874 = arith.constant 0 : i32
    %dma_start3A_875 = tpu.memref_slice %arg2[%dma_start3A_873, %dma_start3A_874] : memref<20000x128xf32, #tpu.memory_space<hbm>> -> memref<20000x128xf32, #tpu.memory_space<hbm>>
    tpu.enqueue_indirect_dma source(%dma_start3A_875 : memref<20000x128xf32, #tpu.memory_space<hbm>>) target(%arg9 : memref<128x128xf32, #tpu.memory_space<vmem>>) offsets(%dma_start3A_872 : memref<128xi32, #tpu.memory_space<vmem>>) semaphore(%arg12 : memref<!tpu.dma_semaphore, #tpu.memory_space<semaphore_mem>>)
    %dma_wait3A_876 = arith.constant 17 : i32
    %dma_wait3A_877 = arith.constant 0 : i32
    %dma_wait3A_878 = tpu.memref_slice %arg7[%dma_wait3A_876, %dma_wait3A_877] : memref<40x128xi32, #tpu.memory_space<vmem>> -> memref<1x128xi32, #tpu.memory_space<vmem>>
    %dma_wait3A_879 = tpu.memref_squeeze %dma_wait3A_878 : memref<1x128xi32, #tpu.memory_space<vmem>> -> memref<128xi32, #tpu.memory_space<vmem>>
    %dma_wait3A_880 = arith.constant 0 : i32
    %dma_wait3A_881 = arith.constant 0 : i32
    %dma_wait3A_882 = tpu.memref_slice %arg2[%dma_wait3A_880, %dma_wait3A_881] : memref<20000x128xf32, #tpu.memory_space<hbm>> -> memref<20000x128xf32, #tpu.memory_space<hbm>>
    tpu.wait_indirect_dma semaphore(%arg13 : memref<!tpu.dma_semaphore, #tpu.memory_space<semaphore_mem>>) src(%dma_wait3A_882 : memref<20000x128xf32, #tpu.memory_space<hbm>>) dst(%arg10 : memref<128x128xf32, #tpu.memory_space<vmem>>)
    %run_scoped3A_883 = arith.constant 17 : i32
    "tpu.region"() ({
      %run_scoped3A_1215 = tpu.sem_alloc : memref<!tpu.dma_semaphore, #tpu.memory_space<semaphore_mem>>
      %dma_start3A_1216 = arith.constant 0 : i32
      %dma_start3A_1217 = tpu.memref_slice %arg8[%run_scoped3A_883, %dma_start3A_1216] : memref<40x128xi32, #tpu.memory_space<vmem>> -> memref<1x128xi32, #tpu.memory_space<vmem>>
      %dma_start3A_1218 = tpu.memref_squeeze %dma_start3A_1217 : memref<1x128xi32, #tpu.memory_space<vmem>> -> memref<128xi32, #tpu.memory_space<vmem>>
      %dma_start3A_1219 = arith.constant 0 : i32
      %dma_start3A_1220 = arith.constant 0 : i32
      %dma_start3A_1221 = tpu.memref_slice %arg11[%dma_start3A_1219, %dma_start3A_1220] : memref<10112x128xf32, #tpu.memory_space<vmem_shared>> -> memref<10112x128xf32, #tpu.memory_space<vmem_shared>>
      tpu.enqueue_indirect_dma source(%arg10 : memref<128x128xf32, #tpu.memory_space<vmem>>) target(%dma_start3A_1221 : memref<10112x128xf32, #tpu.memory_space<vmem_shared>>) offsets(%dma_start3A_1218 : memref<128xi32, #tpu.memory_space<vmem>>) semaphore(%run_scoped3A_1215 : memref<!tpu.dma_semaphore, #tpu.memory_space<semaphore_mem>>) {add = true}
      %dma_wait3A_1222 = arith.constant 0 : i32
      %dma_wait3A_1223 = tpu.memref_slice %arg8[%run_scoped3A_883, %dma_wait3A_1222] : memref<40x128xi32, #tpu.memory_space<vmem>> -> memref<1x128xi32, #tpu.memory_space<vmem>>
      %dma_wait3A_1224 = tpu.memref_squeeze %dma_wait3A_1223 : memref<1x128xi32, #tpu.memory_space<vmem>> -> memref<128xi32, #tpu.memory_space<vmem>>
      %dma_wait3A_1225 = arith.constant 0 : i32
      %dma_wait3A_1226 = arith.constant 0 : i32
      %dma_wait3A_1227 = tpu.memref_slice %arg11[%dma_wait3A_1225, %dma_wait3A_1226] : memref<10112x128xf32, #tpu.memory_space<vmem_shared>> -> memref<10112x128xf32, #tpu.memory_space<vmem_shared>>
      tpu.wait_indirect_dma semaphore(%run_scoped3A_1215 : memref<!tpu.dma_semaphore, #tpu.memory_space<semaphore_mem>>) src(%arg10 : memref<128x128xf32, #tpu.memory_space<vmem>>) dst(%dma_wait3A_1227 : memref<10112x128xf32, #tpu.memory_space<vmem_shared>>)
      tpu.yield
    }) : () -> ()
    %dma_start3A_884 = arith.constant 19 : i32
    %dma_start3A_885 = arith.constant 0 : i32
    %dma_start3A_886 = tpu.memref_slice %arg7[%dma_start3A_884, %dma_start3A_885] : memref<40x128xi32, #tpu.memory_space<vmem>> -> memref<1x128xi32, #tpu.memory_space<vmem>>
    %dma_start3A_887 = tpu.memref_squeeze %dma_start3A_886 : memref<1x128xi32, #tpu.memory_space<vmem>> -> memref<128xi32, #tpu.memory_space<vmem>>
    %dma_start3A_888 = arith.constant 0 : i32
    %dma_start3A_889 = arith.constant 0 : i32
    %dma_start3A_890 = tpu.memref_slice %arg2[%dma_start3A_888, %dma_start3A_889] : memref<20000x128xf32, #tpu.memory_space<hbm>> -> memref<20000x128xf32, #tpu.memory_space<hbm>>
    tpu.enqueue_indirect_dma source(%dma_start3A_890 : memref<20000x128xf32, #tpu.memory_space<hbm>>) target(%arg10 : memref<128x128xf32, #tpu.memory_space<vmem>>) offsets(%dma_start3A_887 : memref<128xi32, #tpu.memory_space<vmem>>) semaphore(%arg13 : memref<!tpu.dma_semaphore, #tpu.memory_space<semaphore_mem>>)
    %dma_wait3A_891 = arith.constant 18 : i32
    %dma_wait3A_892 = arith.constant 0 : i32
    %dma_wait3A_893 = tpu.memref_slice %arg7[%dma_wait3A_891, %dma_wait3A_892] : memref<40x128xi32, #tpu.memory_space<vmem>> -> memref<1x128xi32, #tpu.memory_space<vmem>>
    %dma_wait3A_894 = tpu.memref_squeeze %dma_wait3A_893 : memref<1x128xi32, #tpu.memory_space<vmem>> -> memref<128xi32, #tpu.memory_space<vmem>>
    %dma_wait3A_895 = arith.constant 0 : i32
    %dma_wait3A_896 = arith.constant 0 : i32
    %dma_wait3A_897 = tpu.memref_slice %arg2[%dma_wait3A_895, %dma_wait3A_896] : memref<20000x128xf32, #tpu.memory_space<hbm>> -> memref<20000x128xf32, #tpu.memory_space<hbm>>
    tpu.wait_indirect_dma semaphore(%arg12 : memref<!tpu.dma_semaphore, #tpu.memory_space<semaphore_mem>>) src(%dma_wait3A_897 : memref<20000x128xf32, #tpu.memory_space<hbm>>) dst(%arg9 : memref<128x128xf32, #tpu.memory_space<vmem>>)
    %run_scoped3A_898 = arith.constant 18 : i32
    "tpu.region"() ({
      %run_scoped3A_1215 = tpu.sem_alloc : memref<!tpu.dma_semaphore, #tpu.memory_space<semaphore_mem>>
      %dma_start3A_1216 = arith.constant 0 : i32
      %dma_start3A_1217 = tpu.memref_slice %arg8[%run_scoped3A_898, %dma_start3A_1216] : memref<40x128xi32, #tpu.memory_space<vmem>> -> memref<1x128xi32, #tpu.memory_space<vmem>>
      %dma_start3A_1218 = tpu.memref_squeeze %dma_start3A_1217 : memref<1x128xi32, #tpu.memory_space<vmem>> -> memref<128xi32, #tpu.memory_space<vmem>>
      %dma_start3A_1219 = arith.constant 0 : i32
      %dma_start3A_1220 = arith.constant 0 : i32
      %dma_start3A_1221 = tpu.memref_slice %arg11[%dma_start3A_1219, %dma_start3A_1220] : memref<10112x128xf32, #tpu.memory_space<vmem_shared>> -> memref<10112x128xf32, #tpu.memory_space<vmem_shared>>
      tpu.enqueue_indirect_dma source(%arg9 : memref<128x128xf32, #tpu.memory_space<vmem>>) target(%dma_start3A_1221 : memref<10112x128xf32, #tpu.memory_space<vmem_shared>>) offsets(%dma_start3A_1218 : memref<128xi32, #tpu.memory_space<vmem>>) semaphore(%run_scoped3A_1215 : memref<!tpu.dma_semaphore, #tpu.memory_space<semaphore_mem>>) {add = true}
      %dma_wait3A_1222 = arith.constant 0 : i32
      %dma_wait3A_1223 = tpu.memref_slice %arg8[%run_scoped3A_898, %dma_wait3A_1222] : memref<40x128xi32, #tpu.memory_space<vmem>> -> memref<1x128xi32, #tpu.memory_space<vmem>>
      %dma_wait3A_1224 = tpu.memref_squeeze %dma_wait3A_1223 : memref<1x128xi32, #tpu.memory_space<vmem>> -> memref<128xi32, #tpu.memory_space<vmem>>
      %dma_wait3A_1225 = arith.constant 0 : i32
      %dma_wait3A_1226 = arith.constant 0 : i32
      %dma_wait3A_1227 = tpu.memref_slice %arg11[%dma_wait3A_1225, %dma_wait3A_1226] : memref<10112x128xf32, #tpu.memory_space<vmem_shared>> -> memref<10112x128xf32, #tpu.memory_space<vmem_shared>>
      tpu.wait_indirect_dma semaphore(%run_scoped3A_1215 : memref<!tpu.dma_semaphore, #tpu.memory_space<semaphore_mem>>) src(%arg9 : memref<128x128xf32, #tpu.memory_space<vmem>>) dst(%dma_wait3A_1227 : memref<10112x128xf32, #tpu.memory_space<vmem_shared>>)
      tpu.yield
    }) : () -> ()
    %dma_start3A_899 = arith.constant 20 : i32
    %dma_start3A_900 = arith.constant 0 : i32
    %dma_start3A_901 = tpu.memref_slice %arg7[%dma_start3A_899, %dma_start3A_900] : memref<40x128xi32, #tpu.memory_space<vmem>> -> memref<1x128xi32, #tpu.memory_space<vmem>>
    %dma_start3A_902 = tpu.memref_squeeze %dma_start3A_901 : memref<1x128xi32, #tpu.memory_space<vmem>> -> memref<128xi32, #tpu.memory_space<vmem>>
    %dma_start3A_903 = arith.constant 0 : i32
    %dma_start3A_904 = arith.constant 0 : i32
    %dma_start3A_905 = tpu.memref_slice %arg2[%dma_start3A_903, %dma_start3A_904] : memref<20000x128xf32, #tpu.memory_space<hbm>> -> memref<20000x128xf32, #tpu.memory_space<hbm>>
    tpu.enqueue_indirect_dma source(%dma_start3A_905 : memref<20000x128xf32, #tpu.memory_space<hbm>>) target(%arg9 : memref<128x128xf32, #tpu.memory_space<vmem>>) offsets(%dma_start3A_902 : memref<128xi32, #tpu.memory_space<vmem>>) semaphore(%arg12 : memref<!tpu.dma_semaphore, #tpu.memory_space<semaphore_mem>>)
    %dma_wait3A_906 = arith.constant 19 : i32
    %dma_wait3A_907 = arith.constant 0 : i32
    %dma_wait3A_908 = tpu.memref_slice %arg7[%dma_wait3A_906, %dma_wait3A_907] : memref<40x128xi32, #tpu.memory_space<vmem>> -> memref<1x128xi32, #tpu.memory_space<vmem>>
    %dma_wait3A_909 = tpu.memref_squeeze %dma_wait3A_908 : memref<1x128xi32, #tpu.memory_space<vmem>> -> memref<128xi32, #tpu.memory_space<vmem>>
    %dma_wait3A_910 = arith.constant 0 : i32
    %dma_wait3A_911 = arith.constant 0 : i32
    %dma_wait3A_912 = tpu.memref_slice %arg2[%dma_wait3A_910, %dma_wait3A_911] : memref<20000x128xf32, #tpu.memory_space<hbm>> -> memref<20000x128xf32, #tpu.memory_space<hbm>>
    tpu.wait_indirect_dma semaphore(%arg13 : memref<!tpu.dma_semaphore, #tpu.memory_space<semaphore_mem>>) src(%dma_wait3A_912 : memref<20000x128xf32, #tpu.memory_space<hbm>>) dst(%arg10 : memref<128x128xf32, #tpu.memory_space<vmem>>)
    %run_scoped3A_913 = arith.constant 19 : i32
    "tpu.region"() ({
      %run_scoped3A_1215 = tpu.sem_alloc : memref<!tpu.dma_semaphore, #tpu.memory_space<semaphore_mem>>
      %dma_start3A_1216 = arith.constant 0 : i32
      %dma_start3A_1217 = tpu.memref_slice %arg8[%run_scoped3A_913, %dma_start3A_1216] : memref<40x128xi32, #tpu.memory_space<vmem>> -> memref<1x128xi32, #tpu.memory_space<vmem>>
      %dma_start3A_1218 = tpu.memref_squeeze %dma_start3A_1217 : memref<1x128xi32, #tpu.memory_space<vmem>> -> memref<128xi32, #tpu.memory_space<vmem>>
      %dma_start3A_1219 = arith.constant 0 : i32
      %dma_start3A_1220 = arith.constant 0 : i32
      %dma_start3A_1221 = tpu.memref_slice %arg11[%dma_start3A_1219, %dma_start3A_1220] : memref<10112x128xf32, #tpu.memory_space<vmem_shared>> -> memref<10112x128xf32, #tpu.memory_space<vmem_shared>>
      tpu.enqueue_indirect_dma source(%arg10 : memref<128x128xf32, #tpu.memory_space<vmem>>) target(%dma_start3A_1221 : memref<10112x128xf32, #tpu.memory_space<vmem_shared>>) offsets(%dma_start3A_1218 : memref<128xi32, #tpu.memory_space<vmem>>) semaphore(%run_scoped3A_1215 : memref<!tpu.dma_semaphore, #tpu.memory_space<semaphore_mem>>) {add = true}
      %dma_wait3A_1222 = arith.constant 0 : i32
      %dma_wait3A_1223 = tpu.memref_slice %arg8[%run_scoped3A_913, %dma_wait3A_1222] : memref<40x128xi32, #tpu.memory_space<vmem>> -> memref<1x128xi32, #tpu.memory_space<vmem>>
      %dma_wait3A_1224 = tpu.memref_squeeze %dma_wait3A_1223 : memref<1x128xi32, #tpu.memory_space<vmem>> -> memref<128xi32, #tpu.memory_space<vmem>>
      %dma_wait3A_1225 = arith.constant 0 : i32
      %dma_wait3A_1226 = arith.constant 0 : i32
      %dma_wait3A_1227 = tpu.memref_slice %arg11[%dma_wait3A_1225, %dma_wait3A_1226] : memref<10112x128xf32, #tpu.memory_space<vmem_shared>> -> memref<10112x128xf32, #tpu.memory_space<vmem_shared>>
      tpu.wait_indirect_dma semaphore(%run_scoped3A_1215 : memref<!tpu.dma_semaphore, #tpu.memory_space<semaphore_mem>>) src(%arg10 : memref<128x128xf32, #tpu.memory_space<vmem>>) dst(%dma_wait3A_1227 : memref<10112x128xf32, #tpu.memory_space<vmem_shared>>)
      tpu.yield
    }) : () -> ()
    %dma_start3A_914 = arith.constant 21 : i32
    %dma_start3A_915 = arith.constant 0 : i32
    %dma_start3A_916 = tpu.memref_slice %arg7[%dma_start3A_914, %dma_start3A_915] : memref<40x128xi32, #tpu.memory_space<vmem>> -> memref<1x128xi32, #tpu.memory_space<vmem>>
    %dma_start3A_917 = tpu.memref_squeeze %dma_start3A_916 : memref<1x128xi32, #tpu.memory_space<vmem>> -> memref<128xi32, #tpu.memory_space<vmem>>
    %dma_start3A_918 = arith.constant 0 : i32
    %dma_start3A_919 = arith.constant 0 : i32
    %dma_start3A_920 = tpu.memref_slice %arg2[%dma_start3A_918, %dma_start3A_919] : memref<20000x128xf32, #tpu.memory_space<hbm>> -> memref<20000x128xf32, #tpu.memory_space<hbm>>
    tpu.enqueue_indirect_dma source(%dma_start3A_920 : memref<20000x128xf32, #tpu.memory_space<hbm>>) target(%arg10 : memref<128x128xf32, #tpu.memory_space<vmem>>) offsets(%dma_start3A_917 : memref<128xi32, #tpu.memory_space<vmem>>) semaphore(%arg13 : memref<!tpu.dma_semaphore, #tpu.memory_space<semaphore_mem>>)
    %dma_wait3A_921 = arith.constant 20 : i32
    %dma_wait3A_922 = arith.constant 0 : i32
    %dma_wait3A_923 = tpu.memref_slice %arg7[%dma_wait3A_921, %dma_wait3A_922] : memref<40x128xi32, #tpu.memory_space<vmem>> -> memref<1x128xi32, #tpu.memory_space<vmem>>
    %dma_wait3A_924 = tpu.memref_squeeze %dma_wait3A_923 : memref<1x128xi32, #tpu.memory_space<vmem>> -> memref<128xi32, #tpu.memory_space<vmem>>
    %dma_wait3A_925 = arith.constant 0 : i32
    %dma_wait3A_926 = arith.constant 0 : i32
    %dma_wait3A_927 = tpu.memref_slice %arg2[%dma_wait3A_925, %dma_wait3A_926] : memref<20000x128xf32, #tpu.memory_space<hbm>> -> memref<20000x128xf32, #tpu.memory_space<hbm>>
    tpu.wait_indirect_dma semaphore(%arg12 : memref<!tpu.dma_semaphore, #tpu.memory_space<semaphore_mem>>) src(%dma_wait3A_927 : memref<20000x128xf32, #tpu.memory_space<hbm>>) dst(%arg9 : memref<128x128xf32, #tpu.memory_space<vmem>>)
    %run_scoped3A_928 = arith.constant 20 : i32
    "tpu.region"() ({
      %run_scoped3A_1215 = tpu.sem_alloc : memref<!tpu.dma_semaphore, #tpu.memory_space<semaphore_mem>>
      %dma_start3A_1216 = arith.constant 0 : i32
      %dma_start3A_1217 = tpu.memref_slice %arg8[%run_scoped3A_928, %dma_start3A_1216] : memref<40x128xi32, #tpu.memory_space<vmem>> -> memref<1x128xi32, #tpu.memory_space<vmem>>
      %dma_start3A_1218 = tpu.memref_squeeze %dma_start3A_1217 : memref<1x128xi32, #tpu.memory_space<vmem>> -> memref<128xi32, #tpu.memory_space<vmem>>
      %dma_start3A_1219 = arith.constant 0 : i32
      %dma_start3A_1220 = arith.constant 0 : i32
      %dma_start3A_1221 = tpu.memref_slice %arg11[%dma_start3A_1219, %dma_start3A_1220] : memref<10112x128xf32, #tpu.memory_space<vmem_shared>> -> memref<10112x128xf32, #tpu.memory_space<vmem_shared>>
      tpu.enqueue_indirect_dma source(%arg9 : memref<128x128xf32, #tpu.memory_space<vmem>>) target(%dma_start3A_1221 : memref<10112x128xf32, #tpu.memory_space<vmem_shared>>) offsets(%dma_start3A_1218 : memref<128xi32, #tpu.memory_space<vmem>>) semaphore(%run_scoped3A_1215 : memref<!tpu.dma_semaphore, #tpu.memory_space<semaphore_mem>>) {add = true}
      %dma_wait3A_1222 = arith.constant 0 : i32
      %dma_wait3A_1223 = tpu.memref_slice %arg8[%run_scoped3A_928, %dma_wait3A_1222] : memref<40x128xi32, #tpu.memory_space<vmem>> -> memref<1x128xi32, #tpu.memory_space<vmem>>
      %dma_wait3A_1224 = tpu.memref_squeeze %dma_wait3A_1223 : memref<1x128xi32, #tpu.memory_space<vmem>> -> memref<128xi32, #tpu.memory_space<vmem>>
      %dma_wait3A_1225 = arith.constant 0 : i32
      %dma_wait3A_1226 = arith.constant 0 : i32
      %dma_wait3A_1227 = tpu.memref_slice %arg11[%dma_wait3A_1225, %dma_wait3A_1226] : memref<10112x128xf32, #tpu.memory_space<vmem_shared>> -> memref<10112x128xf32, #tpu.memory_space<vmem_shared>>
      tpu.wait_indirect_dma semaphore(%run_scoped3A_1215 : memref<!tpu.dma_semaphore, #tpu.memory_space<semaphore_mem>>) src(%arg9 : memref<128x128xf32, #tpu.memory_space<vmem>>) dst(%dma_wait3A_1227 : memref<10112x128xf32, #tpu.memory_space<vmem_shared>>)
      tpu.yield
    }) : () -> ()
    %dma_start3A_929 = arith.constant 22 : i32
    %dma_start3A_930 = arith.constant 0 : i32
    %dma_start3A_931 = tpu.memref_slice %arg7[%dma_start3A_929, %dma_start3A_930] : memref<40x128xi32, #tpu.memory_space<vmem>> -> memref<1x128xi32, #tpu.memory_space<vmem>>
    %dma_start3A_932 = tpu.memref_squeeze %dma_start3A_931 : memref<1x128xi32, #tpu.memory_space<vmem>> -> memref<128xi32, #tpu.memory_space<vmem>>
    %dma_start3A_933 = arith.constant 0 : i32
    %dma_start3A_934 = arith.constant 0 : i32
    %dma_start3A_935 = tpu.memref_slice %arg2[%dma_start3A_933, %dma_start3A_934] : memref<20000x128xf32, #tpu.memory_space<hbm>> -> memref<20000x128xf32, #tpu.memory_space<hbm>>
    tpu.enqueue_indirect_dma source(%dma_start3A_935 : memref<20000x128xf32, #tpu.memory_space<hbm>>) target(%arg9 : memref<128x128xf32, #tpu.memory_space<vmem>>) offsets(%dma_start3A_932 : memref<128xi32, #tpu.memory_space<vmem>>) semaphore(%arg12 : memref<!tpu.dma_semaphore, #tpu.memory_space<semaphore_mem>>)
    %dma_wait3A_936 = arith.constant 21 : i32
    %dma_wait3A_937 = arith.constant 0 : i32
    %dma_wait3A_938 = tpu.memref_slice %arg7[%dma_wait3A_936, %dma_wait3A_937] : memref<40x128xi32, #tpu.memory_space<vmem>> -> memref<1x128xi32, #tpu.memory_space<vmem>>
    %dma_wait3A_939 = tpu.memref_squeeze %dma_wait3A_938 : memref<1x128xi32, #tpu.memory_space<vmem>> -> memref<128xi32, #tpu.memory_space<vmem>>
    %dma_wait3A_940 = arith.constant 0 : i32
    %dma_wait3A_941 = arith.constant 0 : i32
    %dma_wait3A_942 = tpu.memref_slice %arg2[%dma_wait3A_940, %dma_wait3A_941] : memref<20000x128xf32, #tpu.memory_space<hbm>> -> memref<20000x128xf32, #tpu.memory_space<hbm>>
    tpu.wait_indirect_dma semaphore(%arg13 : memref<!tpu.dma_semaphore, #tpu.memory_space<semaphore_mem>>) src(%dma_wait3A_942 : memref<20000x128xf32, #tpu.memory_space<hbm>>) dst(%arg10 : memref<128x128xf32, #tpu.memory_space<vmem>>)
    %run_scoped3A_943 = arith.constant 21 : i32
    "tpu.region"() ({
      %run_scoped3A_1215 = tpu.sem_alloc : memref<!tpu.dma_semaphore, #tpu.memory_space<semaphore_mem>>
      %dma_start3A_1216 = arith.constant 0 : i32
      %dma_start3A_1217 = tpu.memref_slice %arg8[%run_scoped3A_943, %dma_start3A_1216] : memref<40x128xi32, #tpu.memory_space<vmem>> -> memref<1x128xi32, #tpu.memory_space<vmem>>
      %dma_start3A_1218 = tpu.memref_squeeze %dma_start3A_1217 : memref<1x128xi32, #tpu.memory_space<vmem>> -> memref<128xi32, #tpu.memory_space<vmem>>
      %dma_start3A_1219 = arith.constant 0 : i32
      %dma_start3A_1220 = arith.constant 0 : i32
      %dma_start3A_1221 = tpu.memref_slice %arg11[%dma_start3A_1219, %dma_start3A_1220] : memref<10112x128xf32, #tpu.memory_space<vmem_shared>> -> memref<10112x128xf32, #tpu.memory_space<vmem_shared>>
      tpu.enqueue_indirect_dma source(%arg10 : memref<128x128xf32, #tpu.memory_space<vmem>>) target(%dma_start3A_1221 : memref<10112x128xf32, #tpu.memory_space<vmem_shared>>) offsets(%dma_start3A_1218 : memref<128xi32, #tpu.memory_space<vmem>>) semaphore(%run_scoped3A_1215 : memref<!tpu.dma_semaphore, #tpu.memory_space<semaphore_mem>>) {add = true}
      %dma_wait3A_1222 = arith.constant 0 : i32
      %dma_wait3A_1223 = tpu.memref_slice %arg8[%run_scoped3A_943, %dma_wait3A_1222] : memref<40x128xi32, #tpu.memory_space<vmem>> -> memref<1x128xi32, #tpu.memory_space<vmem>>
      %dma_wait3A_1224 = tpu.memref_squeeze %dma_wait3A_1223 : memref<1x128xi32, #tpu.memory_space<vmem>> -> memref<128xi32, #tpu.memory_space<vmem>>
      %dma_wait3A_1225 = arith.constant 0 : i32
      %dma_wait3A_1226 = arith.constant 0 : i32
      %dma_wait3A_1227 = tpu.memref_slice %arg11[%dma_wait3A_1225, %dma_wait3A_1226] : memref<10112x128xf32, #tpu.memory_space<vmem_shared>> -> memref<10112x128xf32, #tpu.memory_space<vmem_shared>>
      tpu.wait_indirect_dma semaphore(%run_scoped3A_1215 : memref<!tpu.dma_semaphore, #tpu.memory_space<semaphore_mem>>) src(%arg10 : memref<128x128xf32, #tpu.memory_space<vmem>>) dst(%dma_wait3A_1227 : memref<10112x128xf32, #tpu.memory_space<vmem_shared>>)
      tpu.yield
    }) : () -> ()
    %dma_start3A_944 = arith.constant 23 : i32
    %dma_start3A_945 = arith.constant 0 : i32
    %dma_start3A_946 = tpu.memref_slice %arg7[%dma_start3A_944, %dma_start3A_945] : memref<40x128xi32, #tpu.memory_space<vmem>> -> memref<1x128xi32, #tpu.memory_space<vmem>>
    %dma_start3A_947 = tpu.memref_squeeze %dma_start3A_946 : memref<1x128xi32, #tpu.memory_space<vmem>> -> memref<128xi32, #tpu.memory_space<vmem>>
    %dma_start3A_948 = arith.constant 0 : i32
    %dma_start3A_949 = arith.constant 0 : i32
    %dma_start3A_950 = tpu.memref_slice %arg2[%dma_start3A_948, %dma_start3A_949] : memref<20000x128xf32, #tpu.memory_space<hbm>> -> memref<20000x128xf32, #tpu.memory_space<hbm>>
    tpu.enqueue_indirect_dma source(%dma_start3A_950 : memref<20000x128xf32, #tpu.memory_space<hbm>>) target(%arg10 : memref<128x128xf32, #tpu.memory_space<vmem>>) offsets(%dma_start3A_947 : memref<128xi32, #tpu.memory_space<vmem>>) semaphore(%arg13 : memref<!tpu.dma_semaphore, #tpu.memory_space<semaphore_mem>>)
    %dma_wait3A_951 = arith.constant 22 : i32
    %dma_wait3A_952 = arith.constant 0 : i32
    %dma_wait3A_953 = tpu.memref_slice %arg7[%dma_wait3A_951, %dma_wait3A_952] : memref<40x128xi32, #tpu.memory_space<vmem>> -> memref<1x128xi32, #tpu.memory_space<vmem>>
    %dma_wait3A_954 = tpu.memref_squeeze %dma_wait3A_953 : memref<1x128xi32, #tpu.memory_space<vmem>> -> memref<128xi32, #tpu.memory_space<vmem>>
    %dma_wait3A_955 = arith.constant 0 : i32
    %dma_wait3A_956 = arith.constant 0 : i32
    %dma_wait3A_957 = tpu.memref_slice %arg2[%dma_wait3A_955, %dma_wait3A_956] : memref<20000x128xf32, #tpu.memory_space<hbm>> -> memref<20000x128xf32, #tpu.memory_space<hbm>>
    tpu.wait_indirect_dma semaphore(%arg12 : memref<!tpu.dma_semaphore, #tpu.memory_space<semaphore_mem>>) src(%dma_wait3A_957 : memref<20000x128xf32, #tpu.memory_space<hbm>>) dst(%arg9 : memref<128x128xf32, #tpu.memory_space<vmem>>)
    %run_scoped3A_958 = arith.constant 22 : i32
    "tpu.region"() ({
      %run_scoped3A_1215 = tpu.sem_alloc : memref<!tpu.dma_semaphore, #tpu.memory_space<semaphore_mem>>
      %dma_start3A_1216 = arith.constant 0 : i32
      %dma_start3A_1217 = tpu.memref_slice %arg8[%run_scoped3A_958, %dma_start3A_1216] : memref<40x128xi32, #tpu.memory_space<vmem>> -> memref<1x128xi32, #tpu.memory_space<vmem>>
      %dma_start3A_1218 = tpu.memref_squeeze %dma_start3A_1217 : memref<1x128xi32, #tpu.memory_space<vmem>> -> memref<128xi32, #tpu.memory_space<vmem>>
      %dma_start3A_1219 = arith.constant 0 : i32
      %dma_start3A_1220 = arith.constant 0 : i32
      %dma_start3A_1221 = tpu.memref_slice %arg11[%dma_start3A_1219, %dma_start3A_1220] : memref<10112x128xf32, #tpu.memory_space<vmem_shared>> -> memref<10112x128xf32, #tpu.memory_space<vmem_shared>>
      tpu.enqueue_indirect_dma source(%arg9 : memref<128x128xf32, #tpu.memory_space<vmem>>) target(%dma_start3A_1221 : memref<10112x128xf32, #tpu.memory_space<vmem_shared>>) offsets(%dma_start3A_1218 : memref<128xi32, #tpu.memory_space<vmem>>) semaphore(%run_scoped3A_1215 : memref<!tpu.dma_semaphore, #tpu.memory_space<semaphore_mem>>) {add = true}
      %dma_wait3A_1222 = arith.constant 0 : i32
      %dma_wait3A_1223 = tpu.memref_slice %arg8[%run_scoped3A_958, %dma_wait3A_1222] : memref<40x128xi32, #tpu.memory_space<vmem>> -> memref<1x128xi32, #tpu.memory_space<vmem>>
      %dma_wait3A_1224 = tpu.memref_squeeze %dma_wait3A_1223 : memref<1x128xi32, #tpu.memory_space<vmem>> -> memref<128xi32, #tpu.memory_space<vmem>>
      %dma_wait3A_1225 = arith.constant 0 : i32
      %dma_wait3A_1226 = arith.constant 0 : i32
      %dma_wait3A_1227 = tpu.memref_slice %arg11[%dma_wait3A_1225, %dma_wait3A_1226] : memref<10112x128xf32, #tpu.memory_space<vmem_shared>> -> memref<10112x128xf32, #tpu.memory_space<vmem_shared>>
      tpu.wait_indirect_dma semaphore(%run_scoped3A_1215 : memref<!tpu.dma_semaphore, #tpu.memory_space<semaphore_mem>>) src(%arg9 : memref<128x128xf32, #tpu.memory_space<vmem>>) dst(%dma_wait3A_1227 : memref<10112x128xf32, #tpu.memory_space<vmem_shared>>)
      tpu.yield
    }) : () -> ()
    %dma_start3A_959 = arith.constant 24 : i32
    %dma_start3A_960 = arith.constant 0 : i32
    %dma_start3A_961 = tpu.memref_slice %arg7[%dma_start3A_959, %dma_start3A_960] : memref<40x128xi32, #tpu.memory_space<vmem>> -> memref<1x128xi32, #tpu.memory_space<vmem>>
    %dma_start3A_962 = tpu.memref_squeeze %dma_start3A_961 : memref<1x128xi32, #tpu.memory_space<vmem>> -> memref<128xi32, #tpu.memory_space<vmem>>
    %dma_start3A_963 = arith.constant 0 : i32
    %dma_start3A_964 = arith.constant 0 : i32
    %dma_start3A_965 = tpu.memref_slice %arg2[%dma_start3A_963, %dma_start3A_964] : memref<20000x128xf32, #tpu.memory_space<hbm>> -> memref<20000x128xf32, #tpu.memory_space<hbm>>
    tpu.enqueue_indirect_dma source(%dma_start3A_965 : memref<20000x128xf32, #tpu.memory_space<hbm>>) target(%arg9 : memref<128x128xf32, #tpu.memory_space<vmem>>) offsets(%dma_start3A_962 : memref<128xi32, #tpu.memory_space<vmem>>) semaphore(%arg12 : memref<!tpu.dma_semaphore, #tpu.memory_space<semaphore_mem>>)
    %dma_wait3A_966 = arith.constant 23 : i32
    %dma_wait3A_967 = arith.constant 0 : i32
    %dma_wait3A_968 = tpu.memref_slice %arg7[%dma_wait3A_966, %dma_wait3A_967] : memref<40x128xi32, #tpu.memory_space<vmem>> -> memref<1x128xi32, #tpu.memory_space<vmem>>
    %dma_wait3A_969 = tpu.memref_squeeze %dma_wait3A_968 : memref<1x128xi32, #tpu.memory_space<vmem>> -> memref<128xi32, #tpu.memory_space<vmem>>
    %dma_wait3A_970 = arith.constant 0 : i32
    %dma_wait3A_971 = arith.constant 0 : i32
    %dma_wait3A_972 = tpu.memref_slice %arg2[%dma_wait3A_970, %dma_wait3A_971] : memref<20000x128xf32, #tpu.memory_space<hbm>> -> memref<20000x128xf32, #tpu.memory_space<hbm>>
    tpu.wait_indirect_dma semaphore(%arg13 : memref<!tpu.dma_semaphore, #tpu.memory_space<semaphore_mem>>) src(%dma_wait3A_972 : memref<20000x128xf32, #tpu.memory_space<hbm>>) dst(%arg10 : memref<128x128xf32, #tpu.memory_space<vmem>>)
    %run_scoped3A_973 = arith.constant 23 : i32
    "tpu.region"() ({
      %run_scoped3A_1215 = tpu.sem_alloc : memref<!tpu.dma_semaphore, #tpu.memory_space<semaphore_mem>>
      %dma_start3A_1216 = arith.constant 0 : i32
      %dma_start3A_1217 = tpu.memref_slice %arg8[%run_scoped3A_973, %dma_start3A_1216] : memref<40x128xi32, #tpu.memory_space<vmem>> -> memref<1x128xi32, #tpu.memory_space<vmem>>
      %dma_start3A_1218 = tpu.memref_squeeze %dma_start3A_1217 : memref<1x128xi32, #tpu.memory_space<vmem>> -> memref<128xi32, #tpu.memory_space<vmem>>
      %dma_start3A_1219 = arith.constant 0 : i32
      %dma_start3A_1220 = arith.constant 0 : i32
      %dma_start3A_1221 = tpu.memref_slice %arg11[%dma_start3A_1219, %dma_start3A_1220] : memref<10112x128xf32, #tpu.memory_space<vmem_shared>> -> memref<10112x128xf32, #tpu.memory_space<vmem_shared>>
      tpu.enqueue_indirect_dma source(%arg10 : memref<128x128xf32, #tpu.memory_space<vmem>>) target(%dma_start3A_1221 : memref<10112x128xf32, #tpu.memory_space<vmem_shared>>) offsets(%dma_start3A_1218 : memref<128xi32, #tpu.memory_space<vmem>>) semaphore(%run_scoped3A_1215 : memref<!tpu.dma_semaphore, #tpu.memory_space<semaphore_mem>>) {add = true}
      %dma_wait3A_1222 = arith.constant 0 : i32
      %dma_wait3A_1223 = tpu.memref_slice %arg8[%run_scoped3A_973, %dma_wait3A_1222] : memref<40x128xi32, #tpu.memory_space<vmem>> -> memref<1x128xi32, #tpu.memory_space<vmem>>
      %dma_wait3A_1224 = tpu.memref_squeeze %dma_wait3A_1223 : memref<1x128xi32, #tpu.memory_space<vmem>> -> memref<128xi32, #tpu.memory_space<vmem>>
      %dma_wait3A_1225 = arith.constant 0 : i32
      %dma_wait3A_1226 = arith.constant 0 : i32
      %dma_wait3A_1227 = tpu.memref_slice %arg11[%dma_wait3A_1225, %dma_wait3A_1226] : memref<10112x128xf32, #tpu.memory_space<vmem_shared>> -> memref<10112x128xf32, #tpu.memory_space<vmem_shared>>
      tpu.wait_indirect_dma semaphore(%run_scoped3A_1215 : memref<!tpu.dma_semaphore, #tpu.memory_space<semaphore_mem>>) src(%arg10 : memref<128x128xf32, #tpu.memory_space<vmem>>) dst(%dma_wait3A_1227 : memref<10112x128xf32, #tpu.memory_space<vmem_shared>>)
      tpu.yield
    }) : () -> ()
    %dma_start3A_974 = arith.constant 25 : i32
    %dma_start3A_975 = arith.constant 0 : i32
    %dma_start3A_976 = tpu.memref_slice %arg7[%dma_start3A_974, %dma_start3A_975] : memref<40x128xi32, #tpu.memory_space<vmem>> -> memref<1x128xi32, #tpu.memory_space<vmem>>
    %dma_start3A_977 = tpu.memref_squeeze %dma_start3A_976 : memref<1x128xi32, #tpu.memory_space<vmem>> -> memref<128xi32, #tpu.memory_space<vmem>>
    %dma_start3A_978 = arith.constant 0 : i32
    %dma_start3A_979 = arith.constant 0 : i32
    %dma_start3A_980 = tpu.memref_slice %arg2[%dma_start3A_978, %dma_start3A_979] : memref<20000x128xf32, #tpu.memory_space<hbm>> -> memref<20000x128xf32, #tpu.memory_space<hbm>>
    tpu.enqueue_indirect_dma source(%dma_start3A_980 : memref<20000x128xf32, #tpu.memory_space<hbm>>) target(%arg10 : memref<128x128xf32, #tpu.memory_space<vmem>>) offsets(%dma_start3A_977 : memref<128xi32, #tpu.memory_space<vmem>>) semaphore(%arg13 : memref<!tpu.dma_semaphore, #tpu.memory_space<semaphore_mem>>)
    %dma_wait3A_981 = arith.constant 24 : i32
    %dma_wait3A_982 = arith.constant 0 : i32
    %dma_wait3A_983 = tpu.memref_slice %arg7[%dma_wait3A_981, %dma_wait3A_982] : memref<40x128xi32, #tpu.memory_space<vmem>> -> memref<1x128xi32, #tpu.memory_space<vmem>>
    %dma_wait3A_984 = tpu.memref_squeeze %dma_wait3A_983 : memref<1x128xi32, #tpu.memory_space<vmem>> -> memref<128xi32, #tpu.memory_space<vmem>>
    %dma_wait3A_985 = arith.constant 0 : i32
    %dma_wait3A_986 = arith.constant 0 : i32
    %dma_wait3A_987 = tpu.memref_slice %arg2[%dma_wait3A_985, %dma_wait3A_986] : memref<20000x128xf32, #tpu.memory_space<hbm>> -> memref<20000x128xf32, #tpu.memory_space<hbm>>
    tpu.wait_indirect_dma semaphore(%arg12 : memref<!tpu.dma_semaphore, #tpu.memory_space<semaphore_mem>>) src(%dma_wait3A_987 : memref<20000x128xf32, #tpu.memory_space<hbm>>) dst(%arg9 : memref<128x128xf32, #tpu.memory_space<vmem>>)
    %run_scoped3A_988 = arith.constant 24 : i32
    "tpu.region"() ({
      %run_scoped3A_1215 = tpu.sem_alloc : memref<!tpu.dma_semaphore, #tpu.memory_space<semaphore_mem>>
      %dma_start3A_1216 = arith.constant 0 : i32
      %dma_start3A_1217 = tpu.memref_slice %arg8[%run_scoped3A_988, %dma_start3A_1216] : memref<40x128xi32, #tpu.memory_space<vmem>> -> memref<1x128xi32, #tpu.memory_space<vmem>>
      %dma_start3A_1218 = tpu.memref_squeeze %dma_start3A_1217 : memref<1x128xi32, #tpu.memory_space<vmem>> -> memref<128xi32, #tpu.memory_space<vmem>>
      %dma_start3A_1219 = arith.constant 0 : i32
      %dma_start3A_1220 = arith.constant 0 : i32
      %dma_start3A_1221 = tpu.memref_slice %arg11[%dma_start3A_1219, %dma_start3A_1220] : memref<10112x128xf32, #tpu.memory_space<vmem_shared>> -> memref<10112x128xf32, #tpu.memory_space<vmem_shared>>
      tpu.enqueue_indirect_dma source(%arg9 : memref<128x128xf32, #tpu.memory_space<vmem>>) target(%dma_start3A_1221 : memref<10112x128xf32, #tpu.memory_space<vmem_shared>>) offsets(%dma_start3A_1218 : memref<128xi32, #tpu.memory_space<vmem>>) semaphore(%run_scoped3A_1215 : memref<!tpu.dma_semaphore, #tpu.memory_space<semaphore_mem>>) {add = true}
      %dma_wait3A_1222 = arith.constant 0 : i32
      %dma_wait3A_1223 = tpu.memref_slice %arg8[%run_scoped3A_988, %dma_wait3A_1222] : memref<40x128xi32, #tpu.memory_space<vmem>> -> memref<1x128xi32, #tpu.memory_space<vmem>>
      %dma_wait3A_1224 = tpu.memref_squeeze %dma_wait3A_1223 : memref<1x128xi32, #tpu.memory_space<vmem>> -> memref<128xi32, #tpu.memory_space<vmem>>
      %dma_wait3A_1225 = arith.constant 0 : i32
      %dma_wait3A_1226 = arith.constant 0 : i32
      %dma_wait3A_1227 = tpu.memref_slice %arg11[%dma_wait3A_1225, %dma_wait3A_1226] : memref<10112x128xf32, #tpu.memory_space<vmem_shared>> -> memref<10112x128xf32, #tpu.memory_space<vmem_shared>>
      tpu.wait_indirect_dma semaphore(%run_scoped3A_1215 : memref<!tpu.dma_semaphore, #tpu.memory_space<semaphore_mem>>) src(%arg9 : memref<128x128xf32, #tpu.memory_space<vmem>>) dst(%dma_wait3A_1227 : memref<10112x128xf32, #tpu.memory_space<vmem_shared>>)
      tpu.yield
    }) : () -> ()
    %dma_start3A_989 = arith.constant 26 : i32
    %dma_start3A_990 = arith.constant 0 : i32
    %dma_start3A_991 = tpu.memref_slice %arg7[%dma_start3A_989, %dma_start3A_990] : memref<40x128xi32, #tpu.memory_space<vmem>> -> memref<1x128xi32, #tpu.memory_space<vmem>>
    %dma_start3A_992 = tpu.memref_squeeze %dma_start3A_991 : memref<1x128xi32, #tpu.memory_space<vmem>> -> memref<128xi32, #tpu.memory_space<vmem>>
    %dma_start3A_993 = arith.constant 0 : i32
    %dma_start3A_994 = arith.constant 0 : i32
    %dma_start3A_995 = tpu.memref_slice %arg2[%dma_start3A_993, %dma_start3A_994] : memref<20000x128xf32, #tpu.memory_space<hbm>> -> memref<20000x128xf32, #tpu.memory_space<hbm>>
    tpu.enqueue_indirect_dma source(%dma_start3A_995 : memref<20000x128xf32, #tpu.memory_space<hbm>>) target(%arg9 : memref<128x128xf32, #tpu.memory_space<vmem>>) offsets(%dma_start3A_992 : memref<128xi32, #tpu.memory_space<vmem>>) semaphore(%arg12 : memref<!tpu.dma_semaphore, #tpu.memory_space<semaphore_mem>>)
    %dma_wait3A_996 = arith.constant 25 : i32
    %dma_wait3A_997 = arith.constant 0 : i32
    %dma_wait3A_998 = tpu.memref_slice %arg7[%dma_wait3A_996, %dma_wait3A_997] : memref<40x128xi32, #tpu.memory_space<vmem>> -> memref<1x128xi32, #tpu.memory_space<vmem>>
    %dma_wait3A_999 = tpu.memref_squeeze %dma_wait3A_998 : memref<1x128xi32, #tpu.memory_space<vmem>> -> memref<128xi32, #tpu.memory_space<vmem>>
    %dma_wait3A_1000 = arith.constant 0 : i32
    %dma_wait3A_1001 = arith.constant 0 : i32
    %dma_wait3A_1002 = tpu.memref_slice %arg2[%dma_wait3A_1000, %dma_wait3A_1001] : memref<20000x128xf32, #tpu.memory_space<hbm>> -> memref<20000x128xf32, #tpu.memory_space<hbm>>
    tpu.wait_indirect_dma semaphore(%arg13 : memref<!tpu.dma_semaphore, #tpu.memory_space<semaphore_mem>>) src(%dma_wait3A_1002 : memref<20000x128xf32, #tpu.memory_space<hbm>>) dst(%arg10 : memref<128x128xf32, #tpu.memory_space<vmem>>)
    %run_scoped3A_1003 = arith.constant 25 : i32
    "tpu.region"() ({
      %run_scoped3A_1215 = tpu.sem_alloc : memref<!tpu.dma_semaphore, #tpu.memory_space<semaphore_mem>>
      %dma_start3A_1216 = arith.constant 0 : i32
      %dma_start3A_1217 = tpu.memref_slice %arg8[%run_scoped3A_1003, %dma_start3A_1216] : memref<40x128xi32, #tpu.memory_space<vmem>> -> memref<1x128xi32, #tpu.memory_space<vmem>>
      %dma_start3A_1218 = tpu.memref_squeeze %dma_start3A_1217 : memref<1x128xi32, #tpu.memory_space<vmem>> -> memref<128xi32, #tpu.memory_space<vmem>>
      %dma_start3A_1219 = arith.constant 0 : i32
      %dma_start3A_1220 = arith.constant 0 : i32
      %dma_start3A_1221 = tpu.memref_slice %arg11[%dma_start3A_1219, %dma_start3A_1220] : memref<10112x128xf32, #tpu.memory_space<vmem_shared>> -> memref<10112x128xf32, #tpu.memory_space<vmem_shared>>
      tpu.enqueue_indirect_dma source(%arg10 : memref<128x128xf32, #tpu.memory_space<vmem>>) target(%dma_start3A_1221 : memref<10112x128xf32, #tpu.memory_space<vmem_shared>>) offsets(%dma_start3A_1218 : memref<128xi32, #tpu.memory_space<vmem>>) semaphore(%run_scoped3A_1215 : memref<!tpu.dma_semaphore, #tpu.memory_space<semaphore_mem>>) {add = true}
      %dma_wait3A_1222 = arith.constant 0 : i32
      %dma_wait3A_1223 = tpu.memref_slice %arg8[%run_scoped3A_1003, %dma_wait3A_1222] : memref<40x128xi32, #tpu.memory_space<vmem>> -> memref<1x128xi32, #tpu.memory_space<vmem>>
      %dma_wait3A_1224 = tpu.memref_squeeze %dma_wait3A_1223 : memref<1x128xi32, #tpu.memory_space<vmem>> -> memref<128xi32, #tpu.memory_space<vmem>>
      %dma_wait3A_1225 = arith.constant 0 : i32
      %dma_wait3A_1226 = arith.constant 0 : i32
      %dma_wait3A_1227 = tpu.memref_slice %arg11[%dma_wait3A_1225, %dma_wait3A_1226] : memref<10112x128xf32, #tpu.memory_space<vmem_shared>> -> memref<10112x128xf32, #tpu.memory_space<vmem_shared>>
      tpu.wait_indirect_dma semaphore(%run_scoped3A_1215 : memref<!tpu.dma_semaphore, #tpu.memory_space<semaphore_mem>>) src(%arg10 : memref<128x128xf32, #tpu.memory_space<vmem>>) dst(%dma_wait3A_1227 : memref<10112x128xf32, #tpu.memory_space<vmem_shared>>)
      tpu.yield
    }) : () -> ()
    %dma_start3A_1004 = arith.constant 27 : i32
    %dma_start3A_1005 = arith.constant 0 : i32
    %dma_start3A_1006 = tpu.memref_slice %arg7[%dma_start3A_1004, %dma_start3A_1005] : memref<40x128xi32, #tpu.memory_space<vmem>> -> memref<1x128xi32, #tpu.memory_space<vmem>>
    %dma_start3A_1007 = tpu.memref_squeeze %dma_start3A_1006 : memref<1x128xi32, #tpu.memory_space<vmem>> -> memref<128xi32, #tpu.memory_space<vmem>>
    %dma_start3A_1008 = arith.constant 0 : i32
    %dma_start3A_1009 = arith.constant 0 : i32
    %dma_start3A_1010 = tpu.memref_slice %arg2[%dma_start3A_1008, %dma_start3A_1009] : memref<20000x128xf32, #tpu.memory_space<hbm>> -> memref<20000x128xf32, #tpu.memory_space<hbm>>
    tpu.enqueue_indirect_dma source(%dma_start3A_1010 : memref<20000x128xf32, #tpu.memory_space<hbm>>) target(%arg10 : memref<128x128xf32, #tpu.memory_space<vmem>>) offsets(%dma_start3A_1007 : memref<128xi32, #tpu.memory_space<vmem>>) semaphore(%arg13 : memref<!tpu.dma_semaphore, #tpu.memory_space<semaphore_mem>>)
    %dma_wait3A_1011 = arith.constant 26 : i32
    %dma_wait3A_1012 = arith.constant 0 : i32
    %dma_wait3A_1013 = tpu.memref_slice %arg7[%dma_wait3A_1011, %dma_wait3A_1012] : memref<40x128xi32, #tpu.memory_space<vmem>> -> memref<1x128xi32, #tpu.memory_space<vmem>>
    %dma_wait3A_1014 = tpu.memref_squeeze %dma_wait3A_1013 : memref<1x128xi32, #tpu.memory_space<vmem>> -> memref<128xi32, #tpu.memory_space<vmem>>
    %dma_wait3A_1015 = arith.constant 0 : i32
    %dma_wait3A_1016 = arith.constant 0 : i32
    %dma_wait3A_1017 = tpu.memref_slice %arg2[%dma_wait3A_1015, %dma_wait3A_1016] : memref<20000x128xf32, #tpu.memory_space<hbm>> -> memref<20000x128xf32, #tpu.memory_space<hbm>>
    tpu.wait_indirect_dma semaphore(%arg12 : memref<!tpu.dma_semaphore, #tpu.memory_space<semaphore_mem>>) src(%dma_wait3A_1017 : memref<20000x128xf32, #tpu.memory_space<hbm>>) dst(%arg9 : memref<128x128xf32, #tpu.memory_space<vmem>>)
    %run_scoped3A_1018 = arith.constant 26 : i32
    "tpu.region"() ({
      %run_scoped3A_1215 = tpu.sem_alloc : memref<!tpu.dma_semaphore, #tpu.memory_space<semaphore_mem>>
      %dma_start3A_1216 = arith.constant 0 : i32
      %dma_start3A_1217 = tpu.memref_slice %arg8[%run_scoped3A_1018, %dma_start3A_1216] : memref<40x128xi32, #tpu.memory_space<vmem>> -> memref<1x128xi32, #tpu.memory_space<vmem>>
      %dma_start3A_1218 = tpu.memref_squeeze %dma_start3A_1217 : memref<1x128xi32, #tpu.memory_space<vmem>> -> memref<128xi32, #tpu.memory_space<vmem>>
      %dma_start3A_1219 = arith.constant 0 : i32
      %dma_start3A_1220 = arith.constant 0 : i32
      %dma_start3A_1221 = tpu.memref_slice %arg11[%dma_start3A_1219, %dma_start3A_1220] : memref<10112x128xf32, #tpu.memory_space<vmem_shared>> -> memref<10112x128xf32, #tpu.memory_space<vmem_shared>>
      tpu.enqueue_indirect_dma source(%arg9 : memref<128x128xf32, #tpu.memory_space<vmem>>) target(%dma_start3A_1221 : memref<10112x128xf32, #tpu.memory_space<vmem_shared>>) offsets(%dma_start3A_1218 : memref<128xi32, #tpu.memory_space<vmem>>) semaphore(%run_scoped3A_1215 : memref<!tpu.dma_semaphore, #tpu.memory_space<semaphore_mem>>) {add = true}
      %dma_wait3A_1222 = arith.constant 0 : i32
      %dma_wait3A_1223 = tpu.memref_slice %arg8[%run_scoped3A_1018, %dma_wait3A_1222] : memref<40x128xi32, #tpu.memory_space<vmem>> -> memref<1x128xi32, #tpu.memory_space<vmem>>
      %dma_wait3A_1224 = tpu.memref_squeeze %dma_wait3A_1223 : memref<1x128xi32, #tpu.memory_space<vmem>> -> memref<128xi32, #tpu.memory_space<vmem>>
      %dma_wait3A_1225 = arith.constant 0 : i32
      %dma_wait3A_1226 = arith.constant 0 : i32
      %dma_wait3A_1227 = tpu.memref_slice %arg11[%dma_wait3A_1225, %dma_wait3A_1226] : memref<10112x128xf32, #tpu.memory_space<vmem_shared>> -> memref<10112x128xf32, #tpu.memory_space<vmem_shared>>
      tpu.wait_indirect_dma semaphore(%run_scoped3A_1215 : memref<!tpu.dma_semaphore, #tpu.memory_space<semaphore_mem>>) src(%arg9 : memref<128x128xf32, #tpu.memory_space<vmem>>) dst(%dma_wait3A_1227 : memref<10112x128xf32, #tpu.memory_space<vmem_shared>>)
      tpu.yield
    }) : () -> ()
    %dma_start3A_1019 = arith.constant 28 : i32
    %dma_start3A_1020 = arith.constant 0 : i32
    %dma_start3A_1021 = tpu.memref_slice %arg7[%dma_start3A_1019, %dma_start3A_1020] : memref<40x128xi32, #tpu.memory_space<vmem>> -> memref<1x128xi32, #tpu.memory_space<vmem>>
    %dma_start3A_1022 = tpu.memref_squeeze %dma_start3A_1021 : memref<1x128xi32, #tpu.memory_space<vmem>> -> memref<128xi32, #tpu.memory_space<vmem>>
    %dma_start3A_1023 = arith.constant 0 : i32
    %dma_start3A_1024 = arith.constant 0 : i32
    %dma_start3A_1025 = tpu.memref_slice %arg2[%dma_start3A_1023, %dma_start3A_1024] : memref<20000x128xf32, #tpu.memory_space<hbm>> -> memref<20000x128xf32, #tpu.memory_space<hbm>>
    tpu.enqueue_indirect_dma source(%dma_start3A_1025 : memref<20000x128xf32, #tpu.memory_space<hbm>>) target(%arg9 : memref<128x128xf32, #tpu.memory_space<vmem>>) offsets(%dma_start3A_1022 : memref<128xi32, #tpu.memory_space<vmem>>) semaphore(%arg12 : memref<!tpu.dma_semaphore, #tpu.memory_space<semaphore_mem>>)
    %dma_wait3A_1026 = arith.constant 27 : i32
    %dma_wait3A_1027 = arith.constant 0 : i32
    %dma_wait3A_1028 = tpu.memref_slice %arg7[%dma_wait3A_1026, %dma_wait3A_1027] : memref<40x128xi32, #tpu.memory_space<vmem>> -> memref<1x128xi32, #tpu.memory_space<vmem>>
    %dma_wait3A_1029 = tpu.memref_squeeze %dma_wait3A_1028 : memref<1x128xi32, #tpu.memory_space<vmem>> -> memref<128xi32, #tpu.memory_space<vmem>>
    %dma_wait3A_1030 = arith.constant 0 : i32
    %dma_wait3A_1031 = arith.constant 0 : i32
    %dma_wait3A_1032 = tpu.memref_slice %arg2[%dma_wait3A_1030, %dma_wait3A_1031] : memref<20000x128xf32, #tpu.memory_space<hbm>> -> memref<20000x128xf32, #tpu.memory_space<hbm>>
    tpu.wait_indirect_dma semaphore(%arg13 : memref<!tpu.dma_semaphore, #tpu.memory_space<semaphore_mem>>) src(%dma_wait3A_1032 : memref<20000x128xf32, #tpu.memory_space<hbm>>) dst(%arg10 : memref<128x128xf32, #tpu.memory_space<vmem>>)
    %run_scoped3A_1033 = arith.constant 27 : i32
    "tpu.region"() ({
      %run_scoped3A_1215 = tpu.sem_alloc : memref<!tpu.dma_semaphore, #tpu.memory_space<semaphore_mem>>
      %dma_start3A_1216 = arith.constant 0 : i32
      %dma_start3A_1217 = tpu.memref_slice %arg8[%run_scoped3A_1033, %dma_start3A_1216] : memref<40x128xi32, #tpu.memory_space<vmem>> -> memref<1x128xi32, #tpu.memory_space<vmem>>
      %dma_start3A_1218 = tpu.memref_squeeze %dma_start3A_1217 : memref<1x128xi32, #tpu.memory_space<vmem>> -> memref<128xi32, #tpu.memory_space<vmem>>
      %dma_start3A_1219 = arith.constant 0 : i32
      %dma_start3A_1220 = arith.constant 0 : i32
      %dma_start3A_1221 = tpu.memref_slice %arg11[%dma_start3A_1219, %dma_start3A_1220] : memref<10112x128xf32, #tpu.memory_space<vmem_shared>> -> memref<10112x128xf32, #tpu.memory_space<vmem_shared>>
      tpu.enqueue_indirect_dma source(%arg10 : memref<128x128xf32, #tpu.memory_space<vmem>>) target(%dma_start3A_1221 : memref<10112x128xf32, #tpu.memory_space<vmem_shared>>) offsets(%dma_start3A_1218 : memref<128xi32, #tpu.memory_space<vmem>>) semaphore(%run_scoped3A_1215 : memref<!tpu.dma_semaphore, #tpu.memory_space<semaphore_mem>>) {add = true}
      %dma_wait3A_1222 = arith.constant 0 : i32
      %dma_wait3A_1223 = tpu.memref_slice %arg8[%run_scoped3A_1033, %dma_wait3A_1222] : memref<40x128xi32, #tpu.memory_space<vmem>> -> memref<1x128xi32, #tpu.memory_space<vmem>>
      %dma_wait3A_1224 = tpu.memref_squeeze %dma_wait3A_1223 : memref<1x128xi32, #tpu.memory_space<vmem>> -> memref<128xi32, #tpu.memory_space<vmem>>
      %dma_wait3A_1225 = arith.constant 0 : i32
      %dma_wait3A_1226 = arith.constant 0 : i32
      %dma_wait3A_1227 = tpu.memref_slice %arg11[%dma_wait3A_1225, %dma_wait3A_1226] : memref<10112x128xf32, #tpu.memory_space<vmem_shared>> -> memref<10112x128xf32, #tpu.memory_space<vmem_shared>>
      tpu.wait_indirect_dma semaphore(%run_scoped3A_1215 : memref<!tpu.dma_semaphore, #tpu.memory_space<semaphore_mem>>) src(%arg10 : memref<128x128xf32, #tpu.memory_space<vmem>>) dst(%dma_wait3A_1227 : memref<10112x128xf32, #tpu.memory_space<vmem_shared>>)
      tpu.yield
    }) : () -> ()
    %dma_start3A_1034 = arith.constant 29 : i32
    %dma_start3A_1035 = arith.constant 0 : i32
    %dma_start3A_1036 = tpu.memref_slice %arg7[%dma_start3A_1034, %dma_start3A_1035] : memref<40x128xi32, #tpu.memory_space<vmem>> -> memref<1x128xi32, #tpu.memory_space<vmem>>
    %dma_start3A_1037 = tpu.memref_squeeze %dma_start3A_1036 : memref<1x128xi32, #tpu.memory_space<vmem>> -> memref<128xi32, #tpu.memory_space<vmem>>
    %dma_start3A_1038 = arith.constant 0 : i32
    %dma_start3A_1039 = arith.constant 0 : i32
    %dma_start3A_1040 = tpu.memref_slice %arg2[%dma_start3A_1038, %dma_start3A_1039] : memref<20000x128xf32, #tpu.memory_space<hbm>> -> memref<20000x128xf32, #tpu.memory_space<hbm>>
    tpu.enqueue_indirect_dma source(%dma_start3A_1040 : memref<20000x128xf32, #tpu.memory_space<hbm>>) target(%arg10 : memref<128x128xf32, #tpu.memory_space<vmem>>) offsets(%dma_start3A_1037 : memref<128xi32, #tpu.memory_space<vmem>>) semaphore(%arg13 : memref<!tpu.dma_semaphore, #tpu.memory_space<semaphore_mem>>)
    %dma_wait3A_1041 = arith.constant 28 : i32
    %dma_wait3A_1042 = arith.constant 0 : i32
    %dma_wait3A_1043 = tpu.memref_slice %arg7[%dma_wait3A_1041, %dma_wait3A_1042] : memref<40x128xi32, #tpu.memory_space<vmem>> -> memref<1x128xi32, #tpu.memory_space<vmem>>
    %dma_wait3A_1044 = tpu.memref_squeeze %dma_wait3A_1043 : memref<1x128xi32, #tpu.memory_space<vmem>> -> memref<128xi32, #tpu.memory_space<vmem>>
    %dma_wait3A_1045 = arith.constant 0 : i32
    %dma_wait3A_1046 = arith.constant 0 : i32
    %dma_wait3A_1047 = tpu.memref_slice %arg2[%dma_wait3A_1045, %dma_wait3A_1046] : memref<20000x128xf32, #tpu.memory_space<hbm>> -> memref<20000x128xf32, #tpu.memory_space<hbm>>
    tpu.wait_indirect_dma semaphore(%arg12 : memref<!tpu.dma_semaphore, #tpu.memory_space<semaphore_mem>>) src(%dma_wait3A_1047 : memref<20000x128xf32, #tpu.memory_space<hbm>>) dst(%arg9 : memref<128x128xf32, #tpu.memory_space<vmem>>)
    %run_scoped3A_1048 = arith.constant 28 : i32
    "tpu.region"() ({
      %run_scoped3A_1215 = tpu.sem_alloc : memref<!tpu.dma_semaphore, #tpu.memory_space<semaphore_mem>>
      %dma_start3A_1216 = arith.constant 0 : i32
      %dma_start3A_1217 = tpu.memref_slice %arg8[%run_scoped3A_1048, %dma_start3A_1216] : memref<40x128xi32, #tpu.memory_space<vmem>> -> memref<1x128xi32, #tpu.memory_space<vmem>>
      %dma_start3A_1218 = tpu.memref_squeeze %dma_start3A_1217 : memref<1x128xi32, #tpu.memory_space<vmem>> -> memref<128xi32, #tpu.memory_space<vmem>>
      %dma_start3A_1219 = arith.constant 0 : i32
      %dma_start3A_1220 = arith.constant 0 : i32
      %dma_start3A_1221 = tpu.memref_slice %arg11[%dma_start3A_1219, %dma_start3A_1220] : memref<10112x128xf32, #tpu.memory_space<vmem_shared>> -> memref<10112x128xf32, #tpu.memory_space<vmem_shared>>
      tpu.enqueue_indirect_dma source(%arg9 : memref<128x128xf32, #tpu.memory_space<vmem>>) target(%dma_start3A_1221 : memref<10112x128xf32, #tpu.memory_space<vmem_shared>>) offsets(%dma_start3A_1218 : memref<128xi32, #tpu.memory_space<vmem>>) semaphore(%run_scoped3A_1215 : memref<!tpu.dma_semaphore, #tpu.memory_space<semaphore_mem>>) {add = true}
      %dma_wait3A_1222 = arith.constant 0 : i32
      %dma_wait3A_1223 = tpu.memref_slice %arg8[%run_scoped3A_1048, %dma_wait3A_1222] : memref<40x128xi32, #tpu.memory_space<vmem>> -> memref<1x128xi32, #tpu.memory_space<vmem>>
      %dma_wait3A_1224 = tpu.memref_squeeze %dma_wait3A_1223 : memref<1x128xi32, #tpu.memory_space<vmem>> -> memref<128xi32, #tpu.memory_space<vmem>>
      %dma_wait3A_1225 = arith.constant 0 : i32
      %dma_wait3A_1226 = arith.constant 0 : i32
      %dma_wait3A_1227 = tpu.memref_slice %arg11[%dma_wait3A_1225, %dma_wait3A_1226] : memref<10112x128xf32, #tpu.memory_space<vmem_shared>> -> memref<10112x128xf32, #tpu.memory_space<vmem_shared>>
      tpu.wait_indirect_dma semaphore(%run_scoped3A_1215 : memref<!tpu.dma_semaphore, #tpu.memory_space<semaphore_mem>>) src(%arg9 : memref<128x128xf32, #tpu.memory_space<vmem>>) dst(%dma_wait3A_1227 : memref<10112x128xf32, #tpu.memory_space<vmem_shared>>)
      tpu.yield
    }) : () -> ()
    %dma_start3A_1049 = arith.constant 30 : i32
    %dma_start3A_1050 = arith.constant 0 : i32
    %dma_start3A_1051 = tpu.memref_slice %arg7[%dma_start3A_1049, %dma_start3A_1050] : memref<40x128xi32, #tpu.memory_space<vmem>> -> memref<1x128xi32, #tpu.memory_space<vmem>>
    %dma_start3A_1052 = tpu.memref_squeeze %dma_start3A_1051 : memref<1x128xi32, #tpu.memory_space<vmem>> -> memref<128xi32, #tpu.memory_space<vmem>>
    %dma_start3A_1053 = arith.constant 0 : i32
    %dma_start3A_1054 = arith.constant 0 : i32
    %dma_start3A_1055 = tpu.memref_slice %arg2[%dma_start3A_1053, %dma_start3A_1054] : memref<20000x128xf32, #tpu.memory_space<hbm>> -> memref<20000x128xf32, #tpu.memory_space<hbm>>
    tpu.enqueue_indirect_dma source(%dma_start3A_1055 : memref<20000x128xf32, #tpu.memory_space<hbm>>) target(%arg9 : memref<128x128xf32, #tpu.memory_space<vmem>>) offsets(%dma_start3A_1052 : memref<128xi32, #tpu.memory_space<vmem>>) semaphore(%arg12 : memref<!tpu.dma_semaphore, #tpu.memory_space<semaphore_mem>>)
    %dma_wait3A_1056 = arith.constant 29 : i32
    %dma_wait3A_1057 = arith.constant 0 : i32
    %dma_wait3A_1058 = tpu.memref_slice %arg7[%dma_wait3A_1056, %dma_wait3A_1057] : memref<40x128xi32, #tpu.memory_space<vmem>> -> memref<1x128xi32, #tpu.memory_space<vmem>>
    %dma_wait3A_1059 = tpu.memref_squeeze %dma_wait3A_1058 : memref<1x128xi32, #tpu.memory_space<vmem>> -> memref<128xi32, #tpu.memory_space<vmem>>
    %dma_wait3A_1060 = arith.constant 0 : i32
    %dma_wait3A_1061 = arith.constant 0 : i32
    %dma_wait3A_1062 = tpu.memref_slice %arg2[%dma_wait3A_1060, %dma_wait3A_1061] : memref<20000x128xf32, #tpu.memory_space<hbm>> -> memref<20000x128xf32, #tpu.memory_space<hbm>>
    tpu.wait_indirect_dma semaphore(%arg13 : memref<!tpu.dma_semaphore, #tpu.memory_space<semaphore_mem>>) src(%dma_wait3A_1062 : memref<20000x128xf32, #tpu.memory_space<hbm>>) dst(%arg10 : memref<128x128xf32, #tpu.memory_space<vmem>>)
    %run_scoped3A_1063 = arith.constant 29 : i32
    "tpu.region"() ({
      %run_scoped3A_1215 = tpu.sem_alloc : memref<!tpu.dma_semaphore, #tpu.memory_space<semaphore_mem>>
      %dma_start3A_1216 = arith.constant 0 : i32
      %dma_start3A_1217 = tpu.memref_slice %arg8[%run_scoped3A_1063, %dma_start3A_1216] : memref<40x128xi32, #tpu.memory_space<vmem>> -> memref<1x128xi32, #tpu.memory_space<vmem>>
      %dma_start3A_1218 = tpu.memref_squeeze %dma_start3A_1217 : memref<1x128xi32, #tpu.memory_space<vmem>> -> memref<128xi32, #tpu.memory_space<vmem>>
      %dma_start3A_1219 = arith.constant 0 : i32
      %dma_start3A_1220 = arith.constant 0 : i32
      %dma_start3A_1221 = tpu.memref_slice %arg11[%dma_start3A_1219, %dma_start3A_1220] : memref<10112x128xf32, #tpu.memory_space<vmem_shared>> -> memref<10112x128xf32, #tpu.memory_space<vmem_shared>>
      tpu.enqueue_indirect_dma source(%arg10 : memref<128x128xf32, #tpu.memory_space<vmem>>) target(%dma_start3A_1221 : memref<10112x128xf32, #tpu.memory_space<vmem_shared>>) offsets(%dma_start3A_1218 : memref<128xi32, #tpu.memory_space<vmem>>) semaphore(%run_scoped3A_1215 : memref<!tpu.dma_semaphore, #tpu.memory_space<semaphore_mem>>) {add = true}
      %dma_wait3A_1222 = arith.constant 0 : i32
      %dma_wait3A_1223 = tpu.memref_slice %arg8[%run_scoped3A_1063, %dma_wait3A_1222] : memref<40x128xi32, #tpu.memory_space<vmem>> -> memref<1x128xi32, #tpu.memory_space<vmem>>
      %dma_wait3A_1224 = tpu.memref_squeeze %dma_wait3A_1223 : memref<1x128xi32, #tpu.memory_space<vmem>> -> memref<128xi32, #tpu.memory_space<vmem>>
      %dma_wait3A_1225 = arith.constant 0 : i32
      %dma_wait3A_1226 = arith.constant 0 : i32
      %dma_wait3A_1227 = tpu.memref_slice %arg11[%dma_wait3A_1225, %dma_wait3A_1226] : memref<10112x128xf32, #tpu.memory_space<vmem_shared>> -> memref<10112x128xf32, #tpu.memory_space<vmem_shared>>
      tpu.wait_indirect_dma semaphore(%run_scoped3A_1215 : memref<!tpu.dma_semaphore, #tpu.memory_space<semaphore_mem>>) src(%arg10 : memref<128x128xf32, #tpu.memory_space<vmem>>) dst(%dma_wait3A_1227 : memref<10112x128xf32, #tpu.memory_space<vmem_shared>>)
      tpu.yield
    }) : () -> ()
    %dma_start3A_1064 = arith.constant 31 : i32
    %dma_start3A_1065 = arith.constant 0 : i32
    %dma_start3A_1066 = tpu.memref_slice %arg7[%dma_start3A_1064, %dma_start3A_1065] : memref<40x128xi32, #tpu.memory_space<vmem>> -> memref<1x128xi32, #tpu.memory_space<vmem>>
    %dma_start3A_1067 = tpu.memref_squeeze %dma_start3A_1066 : memref<1x128xi32, #tpu.memory_space<vmem>> -> memref<128xi32, #tpu.memory_space<vmem>>
    %dma_start3A_1068 = arith.constant 0 : i32
    %dma_start3A_1069 = arith.constant 0 : i32
    %dma_start3A_1070 = tpu.memref_slice %arg2[%dma_start3A_1068, %dma_start3A_1069] : memref<20000x128xf32, #tpu.memory_space<hbm>> -> memref<20000x128xf32, #tpu.memory_space<hbm>>
    tpu.enqueue_indirect_dma source(%dma_start3A_1070 : memref<20000x128xf32, #tpu.memory_space<hbm>>) target(%arg10 : memref<128x128xf32, #tpu.memory_space<vmem>>) offsets(%dma_start3A_1067 : memref<128xi32, #tpu.memory_space<vmem>>) semaphore(%arg13 : memref<!tpu.dma_semaphore, #tpu.memory_space<semaphore_mem>>)
    %dma_wait3A_1071 = arith.constant 30 : i32
    %dma_wait3A_1072 = arith.constant 0 : i32
    %dma_wait3A_1073 = tpu.memref_slice %arg7[%dma_wait3A_1071, %dma_wait3A_1072] : memref<40x128xi32, #tpu.memory_space<vmem>> -> memref<1x128xi32, #tpu.memory_space<vmem>>
    %dma_wait3A_1074 = tpu.memref_squeeze %dma_wait3A_1073 : memref<1x128xi32, #tpu.memory_space<vmem>> -> memref<128xi32, #tpu.memory_space<vmem>>
    %dma_wait3A_1075 = arith.constant 0 : i32
    %dma_wait3A_1076 = arith.constant 0 : i32
    %dma_wait3A_1077 = tpu.memref_slice %arg2[%dma_wait3A_1075, %dma_wait3A_1076] : memref<20000x128xf32, #tpu.memory_space<hbm>> -> memref<20000x128xf32, #tpu.memory_space<hbm>>
    tpu.wait_indirect_dma semaphore(%arg12 : memref<!tpu.dma_semaphore, #tpu.memory_space<semaphore_mem>>) src(%dma_wait3A_1077 : memref<20000x128xf32, #tpu.memory_space<hbm>>) dst(%arg9 : memref<128x128xf32, #tpu.memory_space<vmem>>)
    %run_scoped3A_1078 = arith.constant 30 : i32
    "tpu.region"() ({
      %run_scoped3A_1215 = tpu.sem_alloc : memref<!tpu.dma_semaphore, #tpu.memory_space<semaphore_mem>>
      %dma_start3A_1216 = arith.constant 0 : i32
      %dma_start3A_1217 = tpu.memref_slice %arg8[%run_scoped3A_1078, %dma_start3A_1216] : memref<40x128xi32, #tpu.memory_space<vmem>> -> memref<1x128xi32, #tpu.memory_space<vmem>>
      %dma_start3A_1218 = tpu.memref_squeeze %dma_start3A_1217 : memref<1x128xi32, #tpu.memory_space<vmem>> -> memref<128xi32, #tpu.memory_space<vmem>>
      %dma_start3A_1219 = arith.constant 0 : i32
      %dma_start3A_1220 = arith.constant 0 : i32
      %dma_start3A_1221 = tpu.memref_slice %arg11[%dma_start3A_1219, %dma_start3A_1220] : memref<10112x128xf32, #tpu.memory_space<vmem_shared>> -> memref<10112x128xf32, #tpu.memory_space<vmem_shared>>
      tpu.enqueue_indirect_dma source(%arg9 : memref<128x128xf32, #tpu.memory_space<vmem>>) target(%dma_start3A_1221 : memref<10112x128xf32, #tpu.memory_space<vmem_shared>>) offsets(%dma_start3A_1218 : memref<128xi32, #tpu.memory_space<vmem>>) semaphore(%run_scoped3A_1215 : memref<!tpu.dma_semaphore, #tpu.memory_space<semaphore_mem>>) {add = true}
      %dma_wait3A_1222 = arith.constant 0 : i32
      %dma_wait3A_1223 = tpu.memref_slice %arg8[%run_scoped3A_1078, %dma_wait3A_1222] : memref<40x128xi32, #tpu.memory_space<vmem>> -> memref<1x128xi32, #tpu.memory_space<vmem>>
      %dma_wait3A_1224 = tpu.memref_squeeze %dma_wait3A_1223 : memref<1x128xi32, #tpu.memory_space<vmem>> -> memref<128xi32, #tpu.memory_space<vmem>>
      %dma_wait3A_1225 = arith.constant 0 : i32
      %dma_wait3A_1226 = arith.constant 0 : i32
      %dma_wait3A_1227 = tpu.memref_slice %arg11[%dma_wait3A_1225, %dma_wait3A_1226] : memref<10112x128xf32, #tpu.memory_space<vmem_shared>> -> memref<10112x128xf32, #tpu.memory_space<vmem_shared>>
      tpu.wait_indirect_dma semaphore(%run_scoped3A_1215 : memref<!tpu.dma_semaphore, #tpu.memory_space<semaphore_mem>>) src(%arg9 : memref<128x128xf32, #tpu.memory_space<vmem>>) dst(%dma_wait3A_1227 : memref<10112x128xf32, #tpu.memory_space<vmem_shared>>)
      tpu.yield
    }) : () -> ()
    %dma_start3A_1079 = arith.constant 32 : i32
    %dma_start3A_1080 = arith.constant 0 : i32
    %dma_start3A_1081 = tpu.memref_slice %arg7[%dma_start3A_1079, %dma_start3A_1080] : memref<40x128xi32, #tpu.memory_space<vmem>> -> memref<1x128xi32, #tpu.memory_space<vmem>>
    %dma_start3A_1082 = tpu.memref_squeeze %dma_start3A_1081 : memref<1x128xi32, #tpu.memory_space<vmem>> -> memref<128xi32, #tpu.memory_space<vmem>>
    %dma_start3A_1083 = arith.constant 0 : i32
    %dma_start3A_1084 = arith.constant 0 : i32
    %dma_start3A_1085 = tpu.memref_slice %arg2[%dma_start3A_1083, %dma_start3A_1084] : memref<20000x128xf32, #tpu.memory_space<hbm>> -> memref<20000x128xf32, #tpu.memory_space<hbm>>
    tpu.enqueue_indirect_dma source(%dma_start3A_1085 : memref<20000x128xf32, #tpu.memory_space<hbm>>) target(%arg9 : memref<128x128xf32, #tpu.memory_space<vmem>>) offsets(%dma_start3A_1082 : memref<128xi32, #tpu.memory_space<vmem>>) semaphore(%arg12 : memref<!tpu.dma_semaphore, #tpu.memory_space<semaphore_mem>>)
    %dma_wait3A_1086 = arith.constant 31 : i32
    %dma_wait3A_1087 = arith.constant 0 : i32
    %dma_wait3A_1088 = tpu.memref_slice %arg7[%dma_wait3A_1086, %dma_wait3A_1087] : memref<40x128xi32, #tpu.memory_space<vmem>> -> memref<1x128xi32, #tpu.memory_space<vmem>>
    %dma_wait3A_1089 = tpu.memref_squeeze %dma_wait3A_1088 : memref<1x128xi32, #tpu.memory_space<vmem>> -> memref<128xi32, #tpu.memory_space<vmem>>
    %dma_wait3A_1090 = arith.constant 0 : i32
    %dma_wait3A_1091 = arith.constant 0 : i32
    %dma_wait3A_1092 = tpu.memref_slice %arg2[%dma_wait3A_1090, %dma_wait3A_1091] : memref<20000x128xf32, #tpu.memory_space<hbm>> -> memref<20000x128xf32, #tpu.memory_space<hbm>>
    tpu.wait_indirect_dma semaphore(%arg13 : memref<!tpu.dma_semaphore, #tpu.memory_space<semaphore_mem>>) src(%dma_wait3A_1092 : memref<20000x128xf32, #tpu.memory_space<hbm>>) dst(%arg10 : memref<128x128xf32, #tpu.memory_space<vmem>>)
    %run_scoped3A_1093 = arith.constant 31 : i32
    "tpu.region"() ({
      %run_scoped3A_1215 = tpu.sem_alloc : memref<!tpu.dma_semaphore, #tpu.memory_space<semaphore_mem>>
      %dma_start3A_1216 = arith.constant 0 : i32
      %dma_start3A_1217 = tpu.memref_slice %arg8[%run_scoped3A_1093, %dma_start3A_1216] : memref<40x128xi32, #tpu.memory_space<vmem>> -> memref<1x128xi32, #tpu.memory_space<vmem>>
      %dma_start3A_1218 = tpu.memref_squeeze %dma_start3A_1217 : memref<1x128xi32, #tpu.memory_space<vmem>> -> memref<128xi32, #tpu.memory_space<vmem>>
      %dma_start3A_1219 = arith.constant 0 : i32
      %dma_start3A_1220 = arith.constant 0 : i32
      %dma_start3A_1221 = tpu.memref_slice %arg11[%dma_start3A_1219, %dma_start3A_1220] : memref<10112x128xf32, #tpu.memory_space<vmem_shared>> -> memref<10112x128xf32, #tpu.memory_space<vmem_shared>>
      tpu.enqueue_indirect_dma source(%arg10 : memref<128x128xf32, #tpu.memory_space<vmem>>) target(%dma_start3A_1221 : memref<10112x128xf32, #tpu.memory_space<vmem_shared>>) offsets(%dma_start3A_1218 : memref<128xi32, #tpu.memory_space<vmem>>) semaphore(%run_scoped3A_1215 : memref<!tpu.dma_semaphore, #tpu.memory_space<semaphore_mem>>) {add = true}
      %dma_wait3A_1222 = arith.constant 0 : i32
      %dma_wait3A_1223 = tpu.memref_slice %arg8[%run_scoped3A_1093, %dma_wait3A_1222] : memref<40x128xi32, #tpu.memory_space<vmem>> -> memref<1x128xi32, #tpu.memory_space<vmem>>
      %dma_wait3A_1224 = tpu.memref_squeeze %dma_wait3A_1223 : memref<1x128xi32, #tpu.memory_space<vmem>> -> memref<128xi32, #tpu.memory_space<vmem>>
      %dma_wait3A_1225 = arith.constant 0 : i32
      %dma_wait3A_1226 = arith.constant 0 : i32
      %dma_wait3A_1227 = tpu.memref_slice %arg11[%dma_wait3A_1225, %dma_wait3A_1226] : memref<10112x128xf32, #tpu.memory_space<vmem_shared>> -> memref<10112x128xf32, #tpu.memory_space<vmem_shared>>
      tpu.wait_indirect_dma semaphore(%run_scoped3A_1215 : memref<!tpu.dma_semaphore, #tpu.memory_space<semaphore_mem>>) src(%arg10 : memref<128x128xf32, #tpu.memory_space<vmem>>) dst(%dma_wait3A_1227 : memref<10112x128xf32, #tpu.memory_space<vmem_shared>>)
      tpu.yield
    }) : () -> ()
    %dma_start3A_1094 = arith.constant 33 : i32
    %dma_start3A_1095 = arith.constant 0 : i32
    %dma_start3A_1096 = tpu.memref_slice %arg7[%dma_start3A_1094, %dma_start3A_1095] : memref<40x128xi32, #tpu.memory_space<vmem>> -> memref<1x128xi32, #tpu.memory_space<vmem>>
    %dma_start3A_1097 = tpu.memref_squeeze %dma_start3A_1096 : memref<1x128xi32, #tpu.memory_space<vmem>> -> memref<128xi32, #tpu.memory_space<vmem>>
    %dma_start3A_1098 = arith.constant 0 : i32
    %dma_start3A_1099 = arith.constant 0 : i32
    %dma_start3A_1100 = tpu.memref_slice %arg2[%dma_start3A_1098, %dma_start3A_1099] : memref<20000x128xf32, #tpu.memory_space<hbm>> -> memref<20000x128xf32, #tpu.memory_space<hbm>>
    tpu.enqueue_indirect_dma source(%dma_start3A_1100 : memref<20000x128xf32, #tpu.memory_space<hbm>>) target(%arg10 : memref<128x128xf32, #tpu.memory_space<vmem>>) offsets(%dma_start3A_1097 : memref<128xi32, #tpu.memory_space<vmem>>) semaphore(%arg13 : memref<!tpu.dma_semaphore, #tpu.memory_space<semaphore_mem>>)
    %dma_wait3A_1101 = arith.constant 32 : i32
    %dma_wait3A_1102 = arith.constant 0 : i32
    %dma_wait3A_1103 = tpu.memref_slice %arg7[%dma_wait3A_1101, %dma_wait3A_1102] : memref<40x128xi32, #tpu.memory_space<vmem>> -> memref<1x128xi32, #tpu.memory_space<vmem>>
    %dma_wait3A_1104 = tpu.memref_squeeze %dma_wait3A_1103 : memref<1x128xi32, #tpu.memory_space<vmem>> -> memref<128xi32, #tpu.memory_space<vmem>>
    %dma_wait3A_1105 = arith.constant 0 : i32
    %dma_wait3A_1106 = arith.constant 0 : i32
    %dma_wait3A_1107 = tpu.memref_slice %arg2[%dma_wait3A_1105, %dma_wait3A_1106] : memref<20000x128xf32, #tpu.memory_space<hbm>> -> memref<20000x128xf32, #tpu.memory_space<hbm>>
    tpu.wait_indirect_dma semaphore(%arg12 : memref<!tpu.dma_semaphore, #tpu.memory_space<semaphore_mem>>) src(%dma_wait3A_1107 : memref<20000x128xf32, #tpu.memory_space<hbm>>) dst(%arg9 : memref<128x128xf32, #tpu.memory_space<vmem>>)
    %run_scoped3A_1108 = arith.constant 32 : i32
    "tpu.region"() ({
      %run_scoped3A_1215 = tpu.sem_alloc : memref<!tpu.dma_semaphore, #tpu.memory_space<semaphore_mem>>
      %dma_start3A_1216 = arith.constant 0 : i32
      %dma_start3A_1217 = tpu.memref_slice %arg8[%run_scoped3A_1108, %dma_start3A_1216] : memref<40x128xi32, #tpu.memory_space<vmem>> -> memref<1x128xi32, #tpu.memory_space<vmem>>
      %dma_start3A_1218 = tpu.memref_squeeze %dma_start3A_1217 : memref<1x128xi32, #tpu.memory_space<vmem>> -> memref<128xi32, #tpu.memory_space<vmem>>
      %dma_start3A_1219 = arith.constant 0 : i32
      %dma_start3A_1220 = arith.constant 0 : i32
      %dma_start3A_1221 = tpu.memref_slice %arg11[%dma_start3A_1219, %dma_start3A_1220] : memref<10112x128xf32, #tpu.memory_space<vmem_shared>> -> memref<10112x128xf32, #tpu.memory_space<vmem_shared>>
      tpu.enqueue_indirect_dma source(%arg9 : memref<128x128xf32, #tpu.memory_space<vmem>>) target(%dma_start3A_1221 : memref<10112x128xf32, #tpu.memory_space<vmem_shared>>) offsets(%dma_start3A_1218 : memref<128xi32, #tpu.memory_space<vmem>>) semaphore(%run_scoped3A_1215 : memref<!tpu.dma_semaphore, #tpu.memory_space<semaphore_mem>>) {add = true}
      %dma_wait3A_1222 = arith.constant 0 : i32
      %dma_wait3A_1223 = tpu.memref_slice %arg8[%run_scoped3A_1108, %dma_wait3A_1222] : memref<40x128xi32, #tpu.memory_space<vmem>> -> memref<1x128xi32, #tpu.memory_space<vmem>>
      %dma_wait3A_1224 = tpu.memref_squeeze %dma_wait3A_1223 : memref<1x128xi32, #tpu.memory_space<vmem>> -> memref<128xi32, #tpu.memory_space<vmem>>
      %dma_wait3A_1225 = arith.constant 0 : i32
      %dma_wait3A_1226 = arith.constant 0 : i32
      %dma_wait3A_1227 = tpu.memref_slice %arg11[%dma_wait3A_1225, %dma_wait3A_1226] : memref<10112x128xf32, #tpu.memory_space<vmem_shared>> -> memref<10112x128xf32, #tpu.memory_space<vmem_shared>>
      tpu.wait_indirect_dma semaphore(%run_scoped3A_1215 : memref<!tpu.dma_semaphore, #tpu.memory_space<semaphore_mem>>) src(%arg9 : memref<128x128xf32, #tpu.memory_space<vmem>>) dst(%dma_wait3A_1227 : memref<10112x128xf32, #tpu.memory_space<vmem_shared>>)
      tpu.yield
    }) : () -> ()
    %dma_start3A_1109 = arith.constant 34 : i32
    %dma_start3A_1110 = arith.constant 0 : i32
    %dma_start3A_1111 = tpu.memref_slice %arg7[%dma_start3A_1109, %dma_start3A_1110] : memref<40x128xi32, #tpu.memory_space<vmem>> -> memref<1x128xi32, #tpu.memory_space<vmem>>
    %dma_start3A_1112 = tpu.memref_squeeze %dma_start3A_1111 : memref<1x128xi32, #tpu.memory_space<vmem>> -> memref<128xi32, #tpu.memory_space<vmem>>
    %dma_start3A_1113 = arith.constant 0 : i32
    %dma_start3A_1114 = arith.constant 0 : i32
    %dma_start3A_1115 = tpu.memref_slice %arg2[%dma_start3A_1113, %dma_start3A_1114] : memref<20000x128xf32, #tpu.memory_space<hbm>> -> memref<20000x128xf32, #tpu.memory_space<hbm>>
    tpu.enqueue_indirect_dma source(%dma_start3A_1115 : memref<20000x128xf32, #tpu.memory_space<hbm>>) target(%arg9 : memref<128x128xf32, #tpu.memory_space<vmem>>) offsets(%dma_start3A_1112 : memref<128xi32, #tpu.memory_space<vmem>>) semaphore(%arg12 : memref<!tpu.dma_semaphore, #tpu.memory_space<semaphore_mem>>)
    %dma_wait3A_1116 = arith.constant 33 : i32
    %dma_wait3A_1117 = arith.constant 0 : i32
    %dma_wait3A_1118 = tpu.memref_slice %arg7[%dma_wait3A_1116, %dma_wait3A_1117] : memref<40x128xi32, #tpu.memory_space<vmem>> -> memref<1x128xi32, #tpu.memory_space<vmem>>
    %dma_wait3A_1119 = tpu.memref_squeeze %dma_wait3A_1118 : memref<1x128xi32, #tpu.memory_space<vmem>> -> memref<128xi32, #tpu.memory_space<vmem>>
    %dma_wait3A_1120 = arith.constant 0 : i32
    %dma_wait3A_1121 = arith.constant 0 : i32
    %dma_wait3A_1122 = tpu.memref_slice %arg2[%dma_wait3A_1120, %dma_wait3A_1121] : memref<20000x128xf32, #tpu.memory_space<hbm>> -> memref<20000x128xf32, #tpu.memory_space<hbm>>
    tpu.wait_indirect_dma semaphore(%arg13 : memref<!tpu.dma_semaphore, #tpu.memory_space<semaphore_mem>>) src(%dma_wait3A_1122 : memref<20000x128xf32, #tpu.memory_space<hbm>>) dst(%arg10 : memref<128x128xf32, #tpu.memory_space<vmem>>)
    %run_scoped3A_1123 = arith.constant 33 : i32
    "tpu.region"() ({
      %run_scoped3A_1215 = tpu.sem_alloc : memref<!tpu.dma_semaphore, #tpu.memory_space<semaphore_mem>>
      %dma_start3A_1216 = arith.constant 0 : i32
      %dma_start3A_1217 = tpu.memref_slice %arg8[%run_scoped3A_1123, %dma_start3A_1216] : memref<40x128xi32, #tpu.memory_space<vmem>> -> memref<1x128xi32, #tpu.memory_space<vmem>>
      %dma_start3A_1218 = tpu.memref_squeeze %dma_start3A_1217 : memref<1x128xi32, #tpu.memory_space<vmem>> -> memref<128xi32, #tpu.memory_space<vmem>>
      %dma_start3A_1219 = arith.constant 0 : i32
      %dma_start3A_1220 = arith.constant 0 : i32
      %dma_start3A_1221 = tpu.memref_slice %arg11[%dma_start3A_1219, %dma_start3A_1220] : memref<10112x128xf32, #tpu.memory_space<vmem_shared>> -> memref<10112x128xf32, #tpu.memory_space<vmem_shared>>
      tpu.enqueue_indirect_dma source(%arg10 : memref<128x128xf32, #tpu.memory_space<vmem>>) target(%dma_start3A_1221 : memref<10112x128xf32, #tpu.memory_space<vmem_shared>>) offsets(%dma_start3A_1218 : memref<128xi32, #tpu.memory_space<vmem>>) semaphore(%run_scoped3A_1215 : memref<!tpu.dma_semaphore, #tpu.memory_space<semaphore_mem>>) {add = true}
      %dma_wait3A_1222 = arith.constant 0 : i32
      %dma_wait3A_1223 = tpu.memref_slice %arg8[%run_scoped3A_1123, %dma_wait3A_1222] : memref<40x128xi32, #tpu.memory_space<vmem>> -> memref<1x128xi32, #tpu.memory_space<vmem>>
      %dma_wait3A_1224 = tpu.memref_squeeze %dma_wait3A_1223 : memref<1x128xi32, #tpu.memory_space<vmem>> -> memref<128xi32, #tpu.memory_space<vmem>>
      %dma_wait3A_1225 = arith.constant 0 : i32
      %dma_wait3A_1226 = arith.constant 0 : i32
      %dma_wait3A_1227 = tpu.memref_slice %arg11[%dma_wait3A_1225, %dma_wait3A_1226] : memref<10112x128xf32, #tpu.memory_space<vmem_shared>> -> memref<10112x128xf32, #tpu.memory_space<vmem_shared>>
      tpu.wait_indirect_dma semaphore(%run_scoped3A_1215 : memref<!tpu.dma_semaphore, #tpu.memory_space<semaphore_mem>>) src(%arg10 : memref<128x128xf32, #tpu.memory_space<vmem>>) dst(%dma_wait3A_1227 : memref<10112x128xf32, #tpu.memory_space<vmem_shared>>)
      tpu.yield
    }) : () -> ()
    %dma_start3A_1124 = arith.constant 35 : i32
    %dma_start3A_1125 = arith.constant 0 : i32
    %dma_start3A_1126 = tpu.memref_slice %arg7[%dma_start3A_1124, %dma_start3A_1125] : memref<40x128xi32, #tpu.memory_space<vmem>> -> memref<1x128xi32, #tpu.memory_space<vmem>>
    %dma_start3A_1127 = tpu.memref_squeeze %dma_start3A_1126 : memref<1x128xi32, #tpu.memory_space<vmem>> -> memref<128xi32, #tpu.memory_space<vmem>>
    %dma_start3A_1128 = arith.constant 0 : i32
    %dma_start3A_1129 = arith.constant 0 : i32
    %dma_start3A_1130 = tpu.memref_slice %arg2[%dma_start3A_1128, %dma_start3A_1129] : memref<20000x128xf32, #tpu.memory_space<hbm>> -> memref<20000x128xf32, #tpu.memory_space<hbm>>
    tpu.enqueue_indirect_dma source(%dma_start3A_1130 : memref<20000x128xf32, #tpu.memory_space<hbm>>) target(%arg10 : memref<128x128xf32, #tpu.memory_space<vmem>>) offsets(%dma_start3A_1127 : memref<128xi32, #tpu.memory_space<vmem>>) semaphore(%arg13 : memref<!tpu.dma_semaphore, #tpu.memory_space<semaphore_mem>>)
    %dma_wait3A_1131 = arith.constant 34 : i32
    %dma_wait3A_1132 = arith.constant 0 : i32
    %dma_wait3A_1133 = tpu.memref_slice %arg7[%dma_wait3A_1131, %dma_wait3A_1132] : memref<40x128xi32, #tpu.memory_space<vmem>> -> memref<1x128xi32, #tpu.memory_space<vmem>>
    %dma_wait3A_1134 = tpu.memref_squeeze %dma_wait3A_1133 : memref<1x128xi32, #tpu.memory_space<vmem>> -> memref<128xi32, #tpu.memory_space<vmem>>
    %dma_wait3A_1135 = arith.constant 0 : i32
    %dma_wait3A_1136 = arith.constant 0 : i32
    %dma_wait3A_1137 = tpu.memref_slice %arg2[%dma_wait3A_1135, %dma_wait3A_1136] : memref<20000x128xf32, #tpu.memory_space<hbm>> -> memref<20000x128xf32, #tpu.memory_space<hbm>>
    tpu.wait_indirect_dma semaphore(%arg12 : memref<!tpu.dma_semaphore, #tpu.memory_space<semaphore_mem>>) src(%dma_wait3A_1137 : memref<20000x128xf32, #tpu.memory_space<hbm>>) dst(%arg9 : memref<128x128xf32, #tpu.memory_space<vmem>>)
    %run_scoped3A_1138 = arith.constant 34 : i32
    "tpu.region"() ({
      %run_scoped3A_1215 = tpu.sem_alloc : memref<!tpu.dma_semaphore, #tpu.memory_space<semaphore_mem>>
      %dma_start3A_1216 = arith.constant 0 : i32
      %dma_start3A_1217 = tpu.memref_slice %arg8[%run_scoped3A_1138, %dma_start3A_1216] : memref<40x128xi32, #tpu.memory_space<vmem>> -> memref<1x128xi32, #tpu.memory_space<vmem>>
      %dma_start3A_1218 = tpu.memref_squeeze %dma_start3A_1217 : memref<1x128xi32, #tpu.memory_space<vmem>> -> memref<128xi32, #tpu.memory_space<vmem>>
      %dma_start3A_1219 = arith.constant 0 : i32
      %dma_start3A_1220 = arith.constant 0 : i32
      %dma_start3A_1221 = tpu.memref_slice %arg11[%dma_start3A_1219, %dma_start3A_1220] : memref<10112x128xf32, #tpu.memory_space<vmem_shared>> -> memref<10112x128xf32, #tpu.memory_space<vmem_shared>>
      tpu.enqueue_indirect_dma source(%arg9 : memref<128x128xf32, #tpu.memory_space<vmem>>) target(%dma_start3A_1221 : memref<10112x128xf32, #tpu.memory_space<vmem_shared>>) offsets(%dma_start3A_1218 : memref<128xi32, #tpu.memory_space<vmem>>) semaphore(%run_scoped3A_1215 : memref<!tpu.dma_semaphore, #tpu.memory_space<semaphore_mem>>) {add = true}
      %dma_wait3A_1222 = arith.constant 0 : i32
      %dma_wait3A_1223 = tpu.memref_slice %arg8[%run_scoped3A_1138, %dma_wait3A_1222] : memref<40x128xi32, #tpu.memory_space<vmem>> -> memref<1x128xi32, #tpu.memory_space<vmem>>
      %dma_wait3A_1224 = tpu.memref_squeeze %dma_wait3A_1223 : memref<1x128xi32, #tpu.memory_space<vmem>> -> memref<128xi32, #tpu.memory_space<vmem>>
      %dma_wait3A_1225 = arith.constant 0 : i32
      %dma_wait3A_1226 = arith.constant 0 : i32
      %dma_wait3A_1227 = tpu.memref_slice %arg11[%dma_wait3A_1225, %dma_wait3A_1226] : memref<10112x128xf32, #tpu.memory_space<vmem_shared>> -> memref<10112x128xf32, #tpu.memory_space<vmem_shared>>
      tpu.wait_indirect_dma semaphore(%run_scoped3A_1215 : memref<!tpu.dma_semaphore, #tpu.memory_space<semaphore_mem>>) src(%arg9 : memref<128x128xf32, #tpu.memory_space<vmem>>) dst(%dma_wait3A_1227 : memref<10112x128xf32, #tpu.memory_space<vmem_shared>>)
      tpu.yield
    }) : () -> ()
    %dma_start3A_1139 = arith.constant 36 : i32
    %dma_start3A_1140 = arith.constant 0 : i32
    %dma_start3A_1141 = tpu.memref_slice %arg7[%dma_start3A_1139, %dma_start3A_1140] : memref<40x128xi32, #tpu.memory_space<vmem>> -> memref<1x128xi32, #tpu.memory_space<vmem>>
    %dma_start3A_1142 = tpu.memref_squeeze %dma_start3A_1141 : memref<1x128xi32, #tpu.memory_space<vmem>> -> memref<128xi32, #tpu.memory_space<vmem>>
    %dma_start3A_1143 = arith.constant 0 : i32
    %dma_start3A_1144 = arith.constant 0 : i32
    %dma_start3A_1145 = tpu.memref_slice %arg2[%dma_start3A_1143, %dma_start3A_1144] : memref<20000x128xf32, #tpu.memory_space<hbm>> -> memref<20000x128xf32, #tpu.memory_space<hbm>>
    tpu.enqueue_indirect_dma source(%dma_start3A_1145 : memref<20000x128xf32, #tpu.memory_space<hbm>>) target(%arg9 : memref<128x128xf32, #tpu.memory_space<vmem>>) offsets(%dma_start3A_1142 : memref<128xi32, #tpu.memory_space<vmem>>) semaphore(%arg12 : memref<!tpu.dma_semaphore, #tpu.memory_space<semaphore_mem>>)
    %dma_wait3A_1146 = arith.constant 35 : i32
    %dma_wait3A_1147 = arith.constant 0 : i32
    %dma_wait3A_1148 = tpu.memref_slice %arg7[%dma_wait3A_1146, %dma_wait3A_1147] : memref<40x128xi32, #tpu.memory_space<vmem>> -> memref<1x128xi32, #tpu.memory_space<vmem>>
    %dma_wait3A_1149 = tpu.memref_squeeze %dma_wait3A_1148 : memref<1x128xi32, #tpu.memory_space<vmem>> -> memref<128xi32, #tpu.memory_space<vmem>>
    %dma_wait3A_1150 = arith.constant 0 : i32
    %dma_wait3A_1151 = arith.constant 0 : i32
    %dma_wait3A_1152 = tpu.memref_slice %arg2[%dma_wait3A_1150, %dma_wait3A_1151] : memref<20000x128xf32, #tpu.memory_space<hbm>> -> memref<20000x128xf32, #tpu.memory_space<hbm>>
    tpu.wait_indirect_dma semaphore(%arg13 : memref<!tpu.dma_semaphore, #tpu.memory_space<semaphore_mem>>) src(%dma_wait3A_1152 : memref<20000x128xf32, #tpu.memory_space<hbm>>) dst(%arg10 : memref<128x128xf32, #tpu.memory_space<vmem>>)
    %run_scoped3A_1153 = arith.constant 35 : i32
    "tpu.region"() ({
      %run_scoped3A_1215 = tpu.sem_alloc : memref<!tpu.dma_semaphore, #tpu.memory_space<semaphore_mem>>
      %dma_start3A_1216 = arith.constant 0 : i32
      %dma_start3A_1217 = tpu.memref_slice %arg8[%run_scoped3A_1153, %dma_start3A_1216] : memref<40x128xi32, #tpu.memory_space<vmem>> -> memref<1x128xi32, #tpu.memory_space<vmem>>
      %dma_start3A_1218 = tpu.memref_squeeze %dma_start3A_1217 : memref<1x128xi32, #tpu.memory_space<vmem>> -> memref<128xi32, #tpu.memory_space<vmem>>
      %dma_start3A_1219 = arith.constant 0 : i32
      %dma_start3A_1220 = arith.constant 0 : i32
      %dma_start3A_1221 = tpu.memref_slice %arg11[%dma_start3A_1219, %dma_start3A_1220] : memref<10112x128xf32, #tpu.memory_space<vmem_shared>> -> memref<10112x128xf32, #tpu.memory_space<vmem_shared>>
      tpu.enqueue_indirect_dma source(%arg10 : memref<128x128xf32, #tpu.memory_space<vmem>>) target(%dma_start3A_1221 : memref<10112x128xf32, #tpu.memory_space<vmem_shared>>) offsets(%dma_start3A_1218 : memref<128xi32, #tpu.memory_space<vmem>>) semaphore(%run_scoped3A_1215 : memref<!tpu.dma_semaphore, #tpu.memory_space<semaphore_mem>>) {add = true}
      %dma_wait3A_1222 = arith.constant 0 : i32
      %dma_wait3A_1223 = tpu.memref_slice %arg8[%run_scoped3A_1153, %dma_wait3A_1222] : memref<40x128xi32, #tpu.memory_space<vmem>> -> memref<1x128xi32, #tpu.memory_space<vmem>>
      %dma_wait3A_1224 = tpu.memref_squeeze %dma_wait3A_1223 : memref<1x128xi32, #tpu.memory_space<vmem>> -> memref<128xi32, #tpu.memory_space<vmem>>
      %dma_wait3A_1225 = arith.constant 0 : i32
      %dma_wait3A_1226 = arith.constant 0 : i32
      %dma_wait3A_1227 = tpu.memref_slice %arg11[%dma_wait3A_1225, %dma_wait3A_1226] : memref<10112x128xf32, #tpu.memory_space<vmem_shared>> -> memref<10112x128xf32, #tpu.memory_space<vmem_shared>>
      tpu.wait_indirect_dma semaphore(%run_scoped3A_1215 : memref<!tpu.dma_semaphore, #tpu.memory_space<semaphore_mem>>) src(%arg10 : memref<128x128xf32, #tpu.memory_space<vmem>>) dst(%dma_wait3A_1227 : memref<10112x128xf32, #tpu.memory_space<vmem_shared>>)
      tpu.yield
    }) : () -> ()
    %dma_start3A_1154 = arith.constant 37 : i32
    %dma_start3A_1155 = arith.constant 0 : i32
    %dma_start3A_1156 = tpu.memref_slice %arg7[%dma_start3A_1154, %dma_start3A_1155] : memref<40x128xi32, #tpu.memory_space<vmem>> -> memref<1x128xi32, #tpu.memory_space<vmem>>
    %dma_start3A_1157 = tpu.memref_squeeze %dma_start3A_1156 : memref<1x128xi32, #tpu.memory_space<vmem>> -> memref<128xi32, #tpu.memory_space<vmem>>
    %dma_start3A_1158 = arith.constant 0 : i32
    %dma_start3A_1159 = arith.constant 0 : i32
    %dma_start3A_1160 = tpu.memref_slice %arg2[%dma_start3A_1158, %dma_start3A_1159] : memref<20000x128xf32, #tpu.memory_space<hbm>> -> memref<20000x128xf32, #tpu.memory_space<hbm>>
    tpu.enqueue_indirect_dma source(%dma_start3A_1160 : memref<20000x128xf32, #tpu.memory_space<hbm>>) target(%arg10 : memref<128x128xf32, #tpu.memory_space<vmem>>) offsets(%dma_start3A_1157 : memref<128xi32, #tpu.memory_space<vmem>>) semaphore(%arg13 : memref<!tpu.dma_semaphore, #tpu.memory_space<semaphore_mem>>)
    %dma_wait3A_1161 = arith.constant 36 : i32
    %dma_wait3A_1162 = arith.constant 0 : i32
    %dma_wait3A_1163 = tpu.memref_slice %arg7[%dma_wait3A_1161, %dma_wait3A_1162] : memref<40x128xi32, #tpu.memory_space<vmem>> -> memref<1x128xi32, #tpu.memory_space<vmem>>
    %dma_wait3A_1164 = tpu.memref_squeeze %dma_wait3A_1163 : memref<1x128xi32, #tpu.memory_space<vmem>> -> memref<128xi32, #tpu.memory_space<vmem>>
    %dma_wait3A_1165 = arith.constant 0 : i32
    %dma_wait3A_1166 = arith.constant 0 : i32
    %dma_wait3A_1167 = tpu.memref_slice %arg2[%dma_wait3A_1165, %dma_wait3A_1166] : memref<20000x128xf32, #tpu.memory_space<hbm>> -> memref<20000x128xf32, #tpu.memory_space<hbm>>
    tpu.wait_indirect_dma semaphore(%arg12 : memref<!tpu.dma_semaphore, #tpu.memory_space<semaphore_mem>>) src(%dma_wait3A_1167 : memref<20000x128xf32, #tpu.memory_space<hbm>>) dst(%arg9 : memref<128x128xf32, #tpu.memory_space<vmem>>)
    %run_scoped3A_1168 = arith.constant 36 : i32
    "tpu.region"() ({
      %run_scoped3A_1215 = tpu.sem_alloc : memref<!tpu.dma_semaphore, #tpu.memory_space<semaphore_mem>>
      %dma_start3A_1216 = arith.constant 0 : i32
      %dma_start3A_1217 = tpu.memref_slice %arg8[%run_scoped3A_1168, %dma_start3A_1216] : memref<40x128xi32, #tpu.memory_space<vmem>> -> memref<1x128xi32, #tpu.memory_space<vmem>>
      %dma_start3A_1218 = tpu.memref_squeeze %dma_start3A_1217 : memref<1x128xi32, #tpu.memory_space<vmem>> -> memref<128xi32, #tpu.memory_space<vmem>>
      %dma_start3A_1219 = arith.constant 0 : i32
      %dma_start3A_1220 = arith.constant 0 : i32
      %dma_start3A_1221 = tpu.memref_slice %arg11[%dma_start3A_1219, %dma_start3A_1220] : memref<10112x128xf32, #tpu.memory_space<vmem_shared>> -> memref<10112x128xf32, #tpu.memory_space<vmem_shared>>
      tpu.enqueue_indirect_dma source(%arg9 : memref<128x128xf32, #tpu.memory_space<vmem>>) target(%dma_start3A_1221 : memref<10112x128xf32, #tpu.memory_space<vmem_shared>>) offsets(%dma_start3A_1218 : memref<128xi32, #tpu.memory_space<vmem>>) semaphore(%run_scoped3A_1215 : memref<!tpu.dma_semaphore, #tpu.memory_space<semaphore_mem>>) {add = true}
      %dma_wait3A_1222 = arith.constant 0 : i32
      %dma_wait3A_1223 = tpu.memref_slice %arg8[%run_scoped3A_1168, %dma_wait3A_1222] : memref<40x128xi32, #tpu.memory_space<vmem>> -> memref<1x128xi32, #tpu.memory_space<vmem>>
      %dma_wait3A_1224 = tpu.memref_squeeze %dma_wait3A_1223 : memref<1x128xi32, #tpu.memory_space<vmem>> -> memref<128xi32, #tpu.memory_space<vmem>>
      %dma_wait3A_1225 = arith.constant 0 : i32
      %dma_wait3A_1226 = arith.constant 0 : i32
      %dma_wait3A_1227 = tpu.memref_slice %arg11[%dma_wait3A_1225, %dma_wait3A_1226] : memref<10112x128xf32, #tpu.memory_space<vmem_shared>> -> memref<10112x128xf32, #tpu.memory_space<vmem_shared>>
      tpu.wait_indirect_dma semaphore(%run_scoped3A_1215 : memref<!tpu.dma_semaphore, #tpu.memory_space<semaphore_mem>>) src(%arg9 : memref<128x128xf32, #tpu.memory_space<vmem>>) dst(%dma_wait3A_1227 : memref<10112x128xf32, #tpu.memory_space<vmem_shared>>)
      tpu.yield
    }) : () -> ()
    %dma_start3A_1169 = arith.constant 38 : i32
    %dma_start3A_1170 = arith.constant 0 : i32
    %dma_start3A_1171 = tpu.memref_slice %arg7[%dma_start3A_1169, %dma_start3A_1170] : memref<40x128xi32, #tpu.memory_space<vmem>> -> memref<1x128xi32, #tpu.memory_space<vmem>>
    %dma_start3A_1172 = tpu.memref_squeeze %dma_start3A_1171 : memref<1x128xi32, #tpu.memory_space<vmem>> -> memref<128xi32, #tpu.memory_space<vmem>>
    %dma_start3A_1173 = arith.constant 0 : i32
    %dma_start3A_1174 = arith.constant 0 : i32
    %dma_start3A_1175 = tpu.memref_slice %arg2[%dma_start3A_1173, %dma_start3A_1174] : memref<20000x128xf32, #tpu.memory_space<hbm>> -> memref<20000x128xf32, #tpu.memory_space<hbm>>
    tpu.enqueue_indirect_dma source(%dma_start3A_1175 : memref<20000x128xf32, #tpu.memory_space<hbm>>) target(%arg9 : memref<128x128xf32, #tpu.memory_space<vmem>>) offsets(%dma_start3A_1172 : memref<128xi32, #tpu.memory_space<vmem>>) semaphore(%arg12 : memref<!tpu.dma_semaphore, #tpu.memory_space<semaphore_mem>>)
    %dma_wait3A_1176 = arith.constant 37 : i32
    %dma_wait3A_1177 = arith.constant 0 : i32
    %dma_wait3A_1178 = tpu.memref_slice %arg7[%dma_wait3A_1176, %dma_wait3A_1177] : memref<40x128xi32, #tpu.memory_space<vmem>> -> memref<1x128xi32, #tpu.memory_space<vmem>>
    %dma_wait3A_1179 = tpu.memref_squeeze %dma_wait3A_1178 : memref<1x128xi32, #tpu.memory_space<vmem>> -> memref<128xi32, #tpu.memory_space<vmem>>
    %dma_wait3A_1180 = arith.constant 0 : i32
    %dma_wait3A_1181 = arith.constant 0 : i32
    %dma_wait3A_1182 = tpu.memref_slice %arg2[%dma_wait3A_1180, %dma_wait3A_1181] : memref<20000x128xf32, #tpu.memory_space<hbm>> -> memref<20000x128xf32, #tpu.memory_space<hbm>>
    tpu.wait_indirect_dma semaphore(%arg13 : memref<!tpu.dma_semaphore, #tpu.memory_space<semaphore_mem>>) src(%dma_wait3A_1182 : memref<20000x128xf32, #tpu.memory_space<hbm>>) dst(%arg10 : memref<128x128xf32, #tpu.memory_space<vmem>>)
    %run_scoped3A_1183 = arith.constant 37 : i32
    "tpu.region"() ({
      %run_scoped3A_1215 = tpu.sem_alloc : memref<!tpu.dma_semaphore, #tpu.memory_space<semaphore_mem>>
      %dma_start3A_1216 = arith.constant 0 : i32
      %dma_start3A_1217 = tpu.memref_slice %arg8[%run_scoped3A_1183, %dma_start3A_1216] : memref<40x128xi32, #tpu.memory_space<vmem>> -> memref<1x128xi32, #tpu.memory_space<vmem>>
      %dma_start3A_1218 = tpu.memref_squeeze %dma_start3A_1217 : memref<1x128xi32, #tpu.memory_space<vmem>> -> memref<128xi32, #tpu.memory_space<vmem>>
      %dma_start3A_1219 = arith.constant 0 : i32
      %dma_start3A_1220 = arith.constant 0 : i32
      %dma_start3A_1221 = tpu.memref_slice %arg11[%dma_start3A_1219, %dma_start3A_1220] : memref<10112x128xf32, #tpu.memory_space<vmem_shared>> -> memref<10112x128xf32, #tpu.memory_space<vmem_shared>>
      tpu.enqueue_indirect_dma source(%arg10 : memref<128x128xf32, #tpu.memory_space<vmem>>) target(%dma_start3A_1221 : memref<10112x128xf32, #tpu.memory_space<vmem_shared>>) offsets(%dma_start3A_1218 : memref<128xi32, #tpu.memory_space<vmem>>) semaphore(%run_scoped3A_1215 : memref<!tpu.dma_semaphore, #tpu.memory_space<semaphore_mem>>) {add = true}
      %dma_wait3A_1222 = arith.constant 0 : i32
      %dma_wait3A_1223 = tpu.memref_slice %arg8[%run_scoped3A_1183, %dma_wait3A_1222] : memref<40x128xi32, #tpu.memory_space<vmem>> -> memref<1x128xi32, #tpu.memory_space<vmem>>
      %dma_wait3A_1224 = tpu.memref_squeeze %dma_wait3A_1223 : memref<1x128xi32, #tpu.memory_space<vmem>> -> memref<128xi32, #tpu.memory_space<vmem>>
      %dma_wait3A_1225 = arith.constant 0 : i32
      %dma_wait3A_1226 = arith.constant 0 : i32
      %dma_wait3A_1227 = tpu.memref_slice %arg11[%dma_wait3A_1225, %dma_wait3A_1226] : memref<10112x128xf32, #tpu.memory_space<vmem_shared>> -> memref<10112x128xf32, #tpu.memory_space<vmem_shared>>
      tpu.wait_indirect_dma semaphore(%run_scoped3A_1215 : memref<!tpu.dma_semaphore, #tpu.memory_space<semaphore_mem>>) src(%arg10 : memref<128x128xf32, #tpu.memory_space<vmem>>) dst(%dma_wait3A_1227 : memref<10112x128xf32, #tpu.memory_space<vmem_shared>>)
      tpu.yield
    }) : () -> ()
    %dma_start3A_1184 = arith.constant 39 : i32
    %dma_start3A_1185 = arith.constant 0 : i32
    %dma_start3A_1186 = tpu.memref_slice %arg7[%dma_start3A_1184, %dma_start3A_1185] : memref<40x128xi32, #tpu.memory_space<vmem>> -> memref<1x128xi32, #tpu.memory_space<vmem>>
    %dma_start3A_1187 = tpu.memref_squeeze %dma_start3A_1186 : memref<1x128xi32, #tpu.memory_space<vmem>> -> memref<128xi32, #tpu.memory_space<vmem>>
    %dma_start3A_1188 = arith.constant 0 : i32
    %dma_start3A_1189 = arith.constant 0 : i32
    %dma_start3A_1190 = tpu.memref_slice %arg2[%dma_start3A_1188, %dma_start3A_1189] : memref<20000x128xf32, #tpu.memory_space<hbm>> -> memref<20000x128xf32, #tpu.memory_space<hbm>>
    tpu.enqueue_indirect_dma source(%dma_start3A_1190 : memref<20000x128xf32, #tpu.memory_space<hbm>>) target(%arg10 : memref<128x128xf32, #tpu.memory_space<vmem>>) offsets(%dma_start3A_1187 : memref<128xi32, #tpu.memory_space<vmem>>) semaphore(%arg13 : memref<!tpu.dma_semaphore, #tpu.memory_space<semaphore_mem>>)
    %dma_wait3A_1191 = arith.constant 38 : i32
    %dma_wait3A_1192 = arith.constant 0 : i32
    %dma_wait3A_1193 = tpu.memref_slice %arg7[%dma_wait3A_1191, %dma_wait3A_1192] : memref<40x128xi32, #tpu.memory_space<vmem>> -> memref<1x128xi32, #tpu.memory_space<vmem>>
    %dma_wait3A_1194 = tpu.memref_squeeze %dma_wait3A_1193 : memref<1x128xi32, #tpu.memory_space<vmem>> -> memref<128xi32, #tpu.memory_space<vmem>>
    %dma_wait3A_1195 = arith.constant 0 : i32
    %dma_wait3A_1196 = arith.constant 0 : i32
    %dma_wait3A_1197 = tpu.memref_slice %arg2[%dma_wait3A_1195, %dma_wait3A_1196] : memref<20000x128xf32, #tpu.memory_space<hbm>> -> memref<20000x128xf32, #tpu.memory_space<hbm>>
    tpu.wait_indirect_dma semaphore(%arg12 : memref<!tpu.dma_semaphore, #tpu.memory_space<semaphore_mem>>) src(%dma_wait3A_1197 : memref<20000x128xf32, #tpu.memory_space<hbm>>) dst(%arg9 : memref<128x128xf32, #tpu.memory_space<vmem>>)
    %run_scoped3A_1198 = arith.constant 38 : i32
    "tpu.region"() ({
      %run_scoped3A_1215 = tpu.sem_alloc : memref<!tpu.dma_semaphore, #tpu.memory_space<semaphore_mem>>
      %dma_start3A_1216 = arith.constant 0 : i32
      %dma_start3A_1217 = tpu.memref_slice %arg8[%run_scoped3A_1198, %dma_start3A_1216] : memref<40x128xi32, #tpu.memory_space<vmem>> -> memref<1x128xi32, #tpu.memory_space<vmem>>
      %dma_start3A_1218 = tpu.memref_squeeze %dma_start3A_1217 : memref<1x128xi32, #tpu.memory_space<vmem>> -> memref<128xi32, #tpu.memory_space<vmem>>
      %dma_start3A_1219 = arith.constant 0 : i32
      %dma_start3A_1220 = arith.constant 0 : i32
      %dma_start3A_1221 = tpu.memref_slice %arg11[%dma_start3A_1219, %dma_start3A_1220] : memref<10112x128xf32, #tpu.memory_space<vmem_shared>> -> memref<10112x128xf32, #tpu.memory_space<vmem_shared>>
      tpu.enqueue_indirect_dma source(%arg9 : memref<128x128xf32, #tpu.memory_space<vmem>>) target(%dma_start3A_1221 : memref<10112x128xf32, #tpu.memory_space<vmem_shared>>) offsets(%dma_start3A_1218 : memref<128xi32, #tpu.memory_space<vmem>>) semaphore(%run_scoped3A_1215 : memref<!tpu.dma_semaphore, #tpu.memory_space<semaphore_mem>>) {add = true}
      %dma_wait3A_1222 = arith.constant 0 : i32
      %dma_wait3A_1223 = tpu.memref_slice %arg8[%run_scoped3A_1198, %dma_wait3A_1222] : memref<40x128xi32, #tpu.memory_space<vmem>> -> memref<1x128xi32, #tpu.memory_space<vmem>>
      %dma_wait3A_1224 = tpu.memref_squeeze %dma_wait3A_1223 : memref<1x128xi32, #tpu.memory_space<vmem>> -> memref<128xi32, #tpu.memory_space<vmem>>
      %dma_wait3A_1225 = arith.constant 0 : i32
      %dma_wait3A_1226 = arith.constant 0 : i32
      %dma_wait3A_1227 = tpu.memref_slice %arg11[%dma_wait3A_1225, %dma_wait3A_1226] : memref<10112x128xf32, #tpu.memory_space<vmem_shared>> -> memref<10112x128xf32, #tpu.memory_space<vmem_shared>>
      tpu.wait_indirect_dma semaphore(%run_scoped3A_1215 : memref<!tpu.dma_semaphore, #tpu.memory_space<semaphore_mem>>) src(%arg9 : memref<128x128xf32, #tpu.memory_space<vmem>>) dst(%dma_wait3A_1227 : memref<10112x128xf32, #tpu.memory_space<vmem_shared>>)
      tpu.yield
    }) : () -> ()
    %dma_wait3A_1199 = arith.constant 39 : i32
    %dma_wait3A_1200 = arith.constant 0 : i32
    %dma_wait3A_1201 = tpu.memref_slice %arg7[%dma_wait3A_1199, %dma_wait3A_1200] : memref<40x128xi32, #tpu.memory_space<vmem>> -> memref<1x128xi32, #tpu.memory_space<vmem>>
    %dma_wait3A_1202 = tpu.memref_squeeze %dma_wait3A_1201 : memref<1x128xi32, #tpu.memory_space<vmem>> -> memref<128xi32, #tpu.memory_space<vmem>>
    %dma_wait3A_1203 = arith.constant 0 : i32
    %dma_wait3A_1204 = arith.constant 0 : i32
    %dma_wait3A_1205 = tpu.memref_slice %arg2[%dma_wait3A_1203, %dma_wait3A_1204] : memref<20000x128xf32, #tpu.memory_space<hbm>> -> memref<20000x128xf32, #tpu.memory_space<hbm>>
    tpu.wait_indirect_dma semaphore(%arg13 : memref<!tpu.dma_semaphore, #tpu.memory_space<semaphore_mem>>) src(%dma_wait3A_1205 : memref<20000x128xf32, #tpu.memory_space<hbm>>) dst(%arg10 : memref<128x128xf32, #tpu.memory_space<vmem>>)
    %run_scoped3A_1206 = arith.constant 39 : i32
    "tpu.region"() ({
      %run_scoped3A_1215 = tpu.sem_alloc : memref<!tpu.dma_semaphore, #tpu.memory_space<semaphore_mem>>
      %dma_start3A_1216 = arith.constant 0 : i32
      %dma_start3A_1217 = tpu.memref_slice %arg8[%run_scoped3A_1206, %dma_start3A_1216] : memref<40x128xi32, #tpu.memory_space<vmem>> -> memref<1x128xi32, #tpu.memory_space<vmem>>
      %dma_start3A_1218 = tpu.memref_squeeze %dma_start3A_1217 : memref<1x128xi32, #tpu.memory_space<vmem>> -> memref<128xi32, #tpu.memory_space<vmem>>
      %dma_start3A_1219 = arith.constant 0 : i32
      %dma_start3A_1220 = arith.constant 0 : i32
      %dma_start3A_1221 = tpu.memref_slice %arg11[%dma_start3A_1219, %dma_start3A_1220] : memref<10112x128xf32, #tpu.memory_space<vmem_shared>> -> memref<10112x128xf32, #tpu.memory_space<vmem_shared>>
      tpu.enqueue_indirect_dma source(%arg10 : memref<128x128xf32, #tpu.memory_space<vmem>>) target(%dma_start3A_1221 : memref<10112x128xf32, #tpu.memory_space<vmem_shared>>) offsets(%dma_start3A_1218 : memref<128xi32, #tpu.memory_space<vmem>>) semaphore(%run_scoped3A_1215 : memref<!tpu.dma_semaphore, #tpu.memory_space<semaphore_mem>>) {add = true}
      %dma_wait3A_1222 = arith.constant 0 : i32
      %dma_wait3A_1223 = tpu.memref_slice %arg8[%run_scoped3A_1206, %dma_wait3A_1222] : memref<40x128xi32, #tpu.memory_space<vmem>> -> memref<1x128xi32, #tpu.memory_space<vmem>>
      %dma_wait3A_1224 = tpu.memref_squeeze %dma_wait3A_1223 : memref<1x128xi32, #tpu.memory_space<vmem>> -> memref<128xi32, #tpu.memory_space<vmem>>
      %dma_wait3A_1225 = arith.constant 0 : i32
      %dma_wait3A_1226 = arith.constant 0 : i32
      %dma_wait3A_1227 = tpu.memref_slice %arg11[%dma_wait3A_1225, %dma_wait3A_1226] : memref<10112x128xf32, #tpu.memory_space<vmem_shared>> -> memref<10112x128xf32, #tpu.memory_space<vmem_shared>>
      tpu.wait_indirect_dma semaphore(%run_scoped3A_1215 : memref<!tpu.dma_semaphore, #tpu.memory_space<semaphore_mem>>) src(%arg10 : memref<128x128xf32, #tpu.memory_space<vmem>>) dst(%dma_wait3A_1227 : memref<10112x128xf32, #tpu.memory_space<vmem_shared>>)
      tpu.yield
    }) : () -> ()
    %barrier3A_1207 = arith.constant 0 : index
    tpu.barrier barrier_id(%barrier3A_1207)
    %mul3A_1208 = arith.constant 10112 : i32
    %mul3A_1209 = arith.muli %add3A, %mul3A_1208 : i32
    %mul3A_1210 = arith.constant 632 : i32
    %mul3A_1211 = arith.muli %arg1, %mul3A_1210 : i32
    %add3A_1212 = arith.addi %mul3A_1209, %mul3A_1211 : i32
    %multiple_of3A_1213 = tpu.assume_multiple %add3A_1212, 8 : i32
    "tpu.region"() ({
      %run_scoped3A_1215 = tpu.sem_alloc : memref<!tpu.dma_semaphore, #tpu.memory_space<semaphore_mem>>
      %dma_start3A_1216 = arith.constant 0 : i32
      %dma_start3A_1217 = tpu.memref_slice %arg6[%multiple_of3A_1213, %dma_start3A_1216] : memref<20224x128xf32, #tpu.memory_space<hbm>> -> memref<632x128xf32, #tpu.memory_space<hbm>>
      %dma_start3A_1218 = arith.constant 0 : i32
      %dma_start3A_1219 = tpu.memref_slice %arg11[%multiple_of3A, %dma_start3A_1218] : memref<10112x128xf32, #tpu.memory_space<vmem_shared>> -> memref<632x128xf32, #tpu.memory_space<vmem_shared>>
      tpu.enqueue_dma source(%dma_start3A_1219 : memref<632x128xf32, #tpu.memory_space<vmem_shared>>) target(%dma_start3A_1217 : memref<632x128xf32, #tpu.memory_space<hbm>>) target_semaphore(%run_scoped3A_1215 : memref<!tpu.dma_semaphore, #tpu.memory_space<semaphore_mem>>)
      %dma_wait3A_1220 = arith.constant 0 : i32
      %dma_wait3A_1221 = tpu.memref_slice %arg6[%multiple_of3A_1213, %dma_wait3A_1220] : memref<20224x128xf32, #tpu.memory_space<hbm>> -> memref<632x128xf32, #tpu.memory_space<hbm>>
      %dma_wait3A_1222 = arith.constant 0 : i32
      %dma_wait3A_1223 = tpu.memref_slice %arg11[%multiple_of3A, %dma_wait3A_1222] : memref<10112x128xf32, #tpu.memory_space<vmem_shared>> -> memref<632x128xf32, #tpu.memory_space<vmem_shared>>
      tpu.wait_dma2 semaphore(%run_scoped3A_1215 : memref<!tpu.dma_semaphore, #tpu.memory_space<semaphore_mem>>) src(%dma_wait3A_1223 : memref<632x128xf32, #tpu.memory_space<vmem_shared>>) dst(%dma_wait3A_1221 : memref<632x128xf32, #tpu.memory_space<hbm>>)
      tpu.yield
    }) : () -> ()
    %scan3A_1214 = arith.constant 1 : i32
    return
  }
}

</mosaic_0001>

<sc_bundles>
// kernel: _segsum.3.cloned.1.call-start
scs
__scs_entry_jumppad:
0x0: {  	(pc) =	sbr.rel $0x88, $3  }
0x1: {  	(tag) =	ssettag $0x0;
	lr =	simm.s32 $0x1  }
0x2: {  	[smem:$0x3F9D] =	sst lr;
	_ =	strace $0xD0000000  }
0x3: {  	_ = 	snop  }
0x4: {  	_ = 	snop  }
0x5: {  	_ = 	snop  }
0x6: {  	_ = 	snop  }
0x7: {  	_ = 	snop  }
__scs_overlays_trampoline_lowered:
0x8: {  	[smem:$0x3FAC] =	sst s0  }
0x9: {  	[smem:$0x3FAD] =	sst s1  }
0xa: {  	[smem:$0x3FAE] =	sst s2  }
0xb: {  	[smem:$0x3FAF] =	sst s3  }
0xc: {  	[smem:$0x3FB0] =	sst s4  }
0xd: {  	[smem:$0x3FB1] =	sst s5  }
0xe: {  	[smem:$0x3FB2] =	sst s6  }
0xf: {  	[smem:$0x3FB3] =	sst s7  }
0x10: {  	[smem:$0x3FB4] =	sst s8  }
0x11: {  	[smem:$0x3FB5] =	sst s9;
	s0 =	simm.s32 @!p0 $0x0  }
0x12: {  	s1 =	sld [smem:$0x3F9B];
	s0 =	simm.s32 @p0 $0x1  }
0x13: {  	[smem:$0x3FB6] =	sst s0;
	s0 =	simm.s32 @!p1 $0x0  }
0x14: {  	s2 =	sld [smem:$0x3F9A];
	s0 =	simm.s32 @p1 $0x1  }
0x15: {  	[smem:$0x3FB7] =	sst s0;
	s0 =	simm.s32 @!p2 $0x0  }
0x16: {  	s3 =	sld [smem:$0x3FDB];
	s0 =	simm.s32 @p2 $0x1  }
0x17: {  	s4 =	simm.s32 $0x1BF5;
	[smem:$0x3FB9] =	sst s0  }
0x18: {  	s0 =	sld [smem:$0x3F9C];
	_ =	swait.ge [sflag:s4], $0x0  }
0x19: {  	s7 =	sld [smem:$0x3F9D]  }
0x1a: {  	s8 =	sadd.s32 $0xFFFFE003, lr  }
0x1b: {  	s9 =	sadd.s32 $0xFFFFFEF7, lr;
	s5 =	simm.s32 $0xFFFFFFFF;
	p2 =	slt.u32 s8, $0xFFFFF086  }
0x1c: {  	p1 =	slt.u32 s9, $0xF7A;
	s5 =	simm.s32 @!p2 $0x0  }
0x1d: {  	s5 =	simm.s32 @p1 $0x1;
	p0 =	seq.s32 s7, s2  }
0x1e: {  	s7 =	smul.u32 @!p0 $0xF7A, s2;
	p2 =	seq.s32 @!p0 s5, $0x0  }
0x1f: {  	s9 =	smul.u32 $0xF7A, s1;
	s8 =	simm.s32 @!p0 $0x1BF5;
	p2 =	por !p2, p0  }
0x20: {  	[sflag:s8] =	ssyncset.s32 @!p0 $0xFFFFF086;
	s6 =	sadd.s32 @!p0 s3, s7;
	s7 =	simm.s32 @!p0 $0x108  }
0x21: {  	s3 =	sadd.s32 s3, s9;
	s6 =	sadd.s32 @!p0 $0x88, s6;
	s7 =	simm.s32 @p2 $0x1082  }
0x22: {  	[simem:s7], [sflag:s8] =	dma.local @!p0 [hbm:s6], $0xF7A  }
0x23: {  	s9 =	sor.u32 $0xD0000000, s2;
	s6 =	simm.s32 $0x108;
	_ =	swait.ge @!p0 [sflag:s8], $0x0  }
0x24: {  	s3 =	sadd.s32 $0x88, s3;
	s6 =	simm.s32 @!p1 $0x1082;
	[sflag:s4] =	ssyncset.s32 $0xFFFFF086  }
0x25: {  	[simem:s6], [sflag:s4] =	dma.local [hbm:s3], $0xF7A  }
0x26: {  	[smem:$0x3F9D] =	sst s1;
	(tag) =	ssettag s2;
	_ =	strace s9  }
0x27: {  	s1 =	sld [smem:$0x3FAD]  }
0x28: {  	s2 =	sld [smem:$0x3FAE]  }
0x29: {  	s4 =	sld [smem:$0x3FB0]  }
0x2a: {  	p0 =	seq.s32 s5, $0x0;
	s5 =	sld [smem:$0x3FB1]  }
0x2b: {  	s6 =	sld [smem:$0x3FB2]  }
0x2c: {  	s7 =	sld [smem:$0x3FB3]  }
0x2d: {  	s3 =	simm.s32 $0x108;
	s8 =	sld [smem:$0x3FB4]  }
0x2e: {  	s3 =	simm.s32 @!p0 $0x1082;
	s9 =	sld [smem:$0x3FB5]  }
0x2f: {  	lr =	sadd.s32 s0, s3;
	s0 =	sld [smem:$0x3FAC]  }
0x30: {  	s3 =	sld [smem:$0x3FAF]  }
0x31: {  	[smem:$0x3FB8] =	sst s10  }
0x32: {  	s10 =	sld [smem:$0x3FB6];
	_ =	sdelay $0x3  }
0x33: {  	p0 =	seq.s32 s10, $0x1;
	s10 =	sld [smem:$0x3FB8];
	_ =	sdelay $0x3  }
0x34: {  	[smem:$0x3FB8] =	sst s10  }
0x35: {  	s10 =	sld [smem:$0x3FB7];
	_ =	sdelay $0x3  }
0x36: {  	p1 =	seq.s32 s10, $0x1;
	s10 =	sld [smem:$0x3FB8];
	_ =	sdelay $0x3  }
0x37: {  	[smem:$0x3FB8] =	sst s10  }
0x38: {  	s10 =	sld [smem:$0x3FB9]  }
0x39: {  	_ = 	snop;
	(pc) =	sbr.ind lr, $3  }
0x3a: {  	_ = 	snop  }
0x3b: {  	_ = 	snop  }
0x3c: {  	p2 =	seq.s32 s10, $0x1;
	s10 =	sld [smem:$0x3FB8]  }
0x3d: {  	_ =	shalt  }
0x3e: {  	_ =	shalt  }
0x3f: {  	_ =	shalt  }
0x40: {  	_ =	shalt  }
0x41: {  	_ =	shalt  }
0x42: {  	_ =	shalt  }
0x43: {  	_ =	shalt  }
0x44: {  	_ =	shalt  }
0x45: {  	_ =	shalt  }
0x46: {  	_ =	shalt  }
0x47: {  	_ =	shalt  }
0x48: {  	_ =	shalt  }
0x49: {  	_ =	shalt  }
0x4a: {  	_ =	shalt  }
0x4b: {  	_ =	shalt  }
0x4c: {  	_ =	shalt  }
0x4d: {  	_ =	shalt  }
0x4e: {  	_ =	shalt  }
0x4f: {  	_ =	shalt  }
0x50: {  	_ =	shalt  }
0x51: {  	_ =	shalt  }
0x52: {  	_ =	shalt  }
0x53: {  	_ =	shalt  }
0x54: {  	_ =	shalt  }
0x55: {  	_ =	shalt  }
0x56: {  	_ =	shalt  }
0x57: {  	_ =	shalt  }
0x58: {  	_ =	shalt  }
0x59: {  	_ =	shalt  }
0x5a: {  	_ =	shalt  }
0x5b: {  	_ =	shalt  }
0x5c: {  	_ =	shalt  }
0x5d: {  	_ =	shalt  }
0x5e: {  	_ =	shalt  }
0x5f: {  	_ =	shalt  }
0x60: {  	_ =	shalt  }
0x61: {  	_ =	shalt  }
0x62: {  	_ =	shalt  }
0x63: {  	_ =	shalt  }
0x64: {  	_ =	shalt  }
0x65: {  	_ =	shalt  }
0x66: {  	_ =	shalt  }
0x67: {  	_ =	shalt  }
0x68: {  	_ =	shalt  }
0x69: {  	_ =	shalt  }
0x6a: {  	_ =	shalt  }
0x6b: {  	_ =	shalt  }
0x6c: {  	_ =	shalt  }
0x6d: {  	_ =	shalt  }
0x6e: {  	_ =	shalt  }
0x6f: {  	_ =	shalt  }
0x70: {  	_ =	shalt  }
0x71: {  	_ =	shalt  }
0x72: {  	_ =	shalt  }
0x73: {  	_ =	shalt  }
0x74: {  	_ =	shalt  }
0x75: {  	_ =	shalt  }
0x76: {  	_ =	shalt  }
0x77: {  	_ =	shalt  }
0x78: {  	_ =	shalt  }
0x79: {  	_ =	shalt  }
0x7a: {  	_ =	shalt  }
0x7b: {  	_ =	shalt  }
0x7c: {  	_ =	shalt  }
0x7d: {  	_ =	shalt  }
0x7e: {  	_ =	shalt  }
0x7f: {  	_ =	shalt  }
0x80: {  	_ =	shalt  }
0x81: {  	_ =	shalt  }
0x82: {  	_ =	shalt  }
0x83: {  	_ =	shalt  }
0x84: {  	_ =	shalt  }
0x85: {  	_ =	shalt  }
0x86: {  	_ =	shalt  }
0x87: {  	_ =	shalt  }
.Lfunc_end0:
.L_simem_size_0:
called_computation_lowered:
.L_overlay_start_0:
0x88: {  	s2 =	sld [smem:$0x3FD9]  }
0x89: {  	s3 =	sld [smem:$0x3FFE];
	_ =	sdelay $0x1  }
0x8a: {  	s1 =	srdreg.scid  }
0x8b: {  	s0 =	sand.u32 $0x1, s1  }
0x8c: {  	s18 =	sshll.u32 s0, $0xA;
	s2 =	sadd.s32 s3, s2  }
0x8d: {  	s2 =	sadd.s32 s2, s18  }
0x8e: {  	[smem:$0x3FC4] =	sst s2  }
0x8f: {  	_ = 	snop  }
0x90: {  	s2 =	sld [smem:$0x3FC9]  }
0x91: {  	s19 =	sld [smem:$0x3FC8]  }
0x92: {  	s4 =	sld [smem:$0x3FC7]  }
0x93: {  	s5 =	sld [smem:$0x3FC6]  }
0x94: {  	s6 =	sld [smem:$0x3FD0];
	(tm) =	ssettm $0x1  }
0x95: {  	s7 =	sld [smem:$0x3FFB];
	_ =	sdelay $0x3  }
0x96: {  	_ =	strace s7  }
0x97: {  	s7 =	sld [smem:$0x3FFC];
	_ =	sdelay $0x3  }
0x98: {  	_ =	strace s7  }
0x99: {  	s7 =	sld [smem:$0x3FFD];
	_ =	sdelay $0x3  }
0x9a: {  	_ =	strace s7  }
0x9b: {  	_ =	strace $0x8FFFFFFF  }
0x9c: {  	s20 =	sld [smem:$0x3FDB];
	_ =	sdelay $0x1  }
0x9d: {  	s8 =	simm.s32 $_scs_section_size  }
0x9e: {  	s9 =	simm.s32 $_size__tile_overlayer_lowered;
	s10 =	simm.s32 $_tile_overlayer_lowered  }
0x9f: {  	s23 =	simm.s32 $0x1BFF;
	s22 =	sshll.u32 s10, $0x1;
	s7 =	sadd.s32 s8, s20  }
0xa0: {  	s11 =	simm.s32 $0x0;
	s21 =	sshll.u32 s9, $0x1;
	s9 =	sadd.s32 s22, s7  }
0xa1: {  	[timem:s11], [sflag:s23] =	dma.local [hbm:s9], s21  }
0xa2: {  	_ =	swait.ge [sflag:s23], s21  }
0xa3: {  	s8 =	ssub.s32 $0x0, s21;
	[sflag:s23] =	ssyncset.done $0x0  }
0xa4: {  	[sflag:s23] =	ssyncadd.s32 s8;
	_ =	sdelay $0x1  }
0xa5: {  	s24 =	simm.s32 $0x1B8B  }
0xa6: {  	_ =	swait.ge [sflag:s24], $0x1  }
0xa7: {  	[sflag:s24] =	ssyncset.done $0x0  }
0xa8: {  	s25 =	simm.s32 $0x1B8E;
	[sflag:s24] =	ssyncadd.s32 $0xFFFFFFFF  }
0xa9: {  	s26 =	simm.s32 $execute0_lowered;
	[smem:$0x3FD2] =	sst s25  }
0xaa: {  	s8 =	sshll.u32 s26, $0x1;
	_ =	strace $0x80000046;
	[dreg:$0x1] =	wrdreg $0xFFFFFFFF  }
0xab: {  	s28 =	simm.s32 $_size_execute0_lowered;
	s7 =	sadd.s32 s7, s8;
	[dreg:$0x0] =	wrdreg $0x0  }
0xac: {  	s8 =	sshll.u32 s28, $0x1;
	[dreg:$0x2] =	wrdreg s7  }
0xad: {  	[dreg:$0x3] =	wrdreg s8  }
0xae: {  	[dreg:$0x4] =	wrdreg $0xC0  }
0xaf: {  	_ =	task [dreg:s11], $0x5FFFF  }
0xb0: {  	[dreg:$0x1] =	wrdreg $0xFFFFFFFF  }
0xb1: {  	[dreg:$0x0] =	wrdreg $0x60  }
0xb2: {  	[dreg:$0x2] =	wrdreg s2  }
0xb3: {  	[dreg:$0x3] =	wrdreg s19  }
0xb4: {  	[dreg:$0x4] =	wrdreg s4  }
0xb5: {  	[dreg:$0x5] =	wrdreg s5  }
0xb6: {  	[dreg:$0x6] =	wrdreg s6  }
0xb7: {  	[dreg:$0x7] =	wrdreg $0xA8000  }
0xb8: {  	[dreg:$0x8] =	wrdreg $0x9  }
0xb9: {  	_ =	task.clear_ibuf [dreg:s11], $0x9FFFF;
	_ =	strace $0x90000046  }
0xba: {  	s29 =	simm.s32 $0x9;
	_ =	strace $0x80000048  }
0xbb: {  	_ =	swait.ge [sflag:s29], $0x1  }
0xbc: {  	[sflag:s29] =	ssyncadd.s32 $0xFFFFFFFF  }
0xbd: {  	_ =	strace $0x90000048  }
0xbe: {  	_ =	sfence  }
0xbf: {  	s30 =	sld [smem:$0x0];
	_ =	sdelay $0x2  }
0xc0: {  	s31 =	sshll.u32 s1, $0xD;
	s1 =	sshrl.u32 s1, $0x2  }
0xc1: {  	s3 =	sand.u32 $0x4000, s31;
	s1 =	sadd.s32 s1, s30  }
0xc2: {  	s0 =	sor.u32 s3, s0;
	s1 =	sshll.u32 s1, $0x11  }
0xc3: {  	s0 =	sor.u32 s1, s0  }
0xc4: {  	s0 =	sadd.s32 $0x8F2B, s0  }
0xc5: {  	[sflag:s0] =	ssyncadd.remote.s32 $0x1  }
0xc6: {  	_ =	sfence.sel $0xFFFF  }
0xc7: {  	[dreg:$0x0] =	wrdreg $0xFFFFFFFF;
	(pc) =	sbr.abs _section_cstart, $3  }
0xc8: {  	[dreg:$0x1] =	wrdreg $0xFFFFFFFF  }
0xc9: {  	_ =	task.clear_ibuf [dreg:s11], $0x2FFFF;
	_ =	strace $0x9FFFFFFF  }
0xca: {  	(tm) =	ssettm $0x7FFFFFFF  }
0xcb: {  	_ =	shalt  }
tec
execute0_lowered:
.L_overlay_start_1:
0x0: {  	(tag) =	ssettag $0x1  }
0x1: {  	s0 =	rddreg [dreg:$0x0]  }
0x2: {  	s1 =	rddreg [dreg:$0x1]  }
0x3: {  	s2 =	rddreg [dreg:$0x2]  }
0x4: {  	s3 =	rddreg [dreg:$0x3];
	s4 =	srdreg.scid  }
0x5: {  	s5 =	rddreg [dreg:$0x4];
	s9 =	stileid.u32  }
0x6: {  	[dreg:$0x7] =	wrdreg s3;
	s7 =	smul.u32 $0x2800, s9  }
0x7: {  	s18 =	simm.s32 $0x0;
	s3 =	rddreg [dreg:$0x5];
	s8 =	smul.u32 $0x2780, s9  }
0x8: {  	s10 =	sand.u32 $0x1, s4;
	[smem:$0x7FF] =	sst s18;
	s26 =	smul.u32 $0x4F000, s9  }
0x9: {  	s31 =	sshll.u32 s9, $0x6;
	s4 =	sshll.u32 s10, $0x4;
	[dreg:$0xf] =	wrdreg s10  }
0xa: {  	s30 =	smul.u32 $0x27800, s10;
	s6 =	sor.u32 s9, s4;
	_ =	strace $0x80000047  }
0xb: {  	s25 =	sshrl.u32 s7, $0x3;
	s9 =	sor.u32 $0x1C03, s31;
	s6 =	smul.u32 $0x2800, s6  }
0xc: {  	s12 =	sadd.s32 s2, s25;
	s2 =	sadd.s32 s8, s30;
	s4 =	rddreg [dreg:$0x7]  }
0xd: {  	s29 =	sadd.s32 $0x280, s12;
	s5 =	sadd.s32 s5, s2;
	s6 =	sshrl.u32 s6, $0x3  }
0xe: {  	[dreg:$0x9] =	wrdreg s29;
	s11 =	sadd.s32 s1, s6;
	s6 =	sshrl.u32 s26, $0x2  }
0xf: {  	[dreg:$0xa] =	wrdreg s5;
	s28 =	sadd.s32 $0x280, s11;
	s6 =	sadd.s32 s6, s3  }
0x10: {  	s8 =	simm.s32 $0x3;
	[dreg:$0x8] =	wrdreg s28;
	s31 =	sshrl.u32 s6, $0x3  }
0x11: {  	[spmem:s31], [sflag:s9] =	dma.local [hbm:s4], $0x2780  }
0x12: {  	_ =	swait.ge [sflag:s8], $0x2780  }
0x13: {  	[sflag:s8] =	ssyncset.done $0x0  }
0x14: {  	[sflag:s8] =	ssyncadd.s32 $0xFFFFD880  }
0x15: {  	[bflag:$0x0] =	sbarrier.arrive $0xFFFF  }
0x16: {  	[dreg:$0xb] =	wrdreg s11  }
0x17: {  	[tilespmem:s18], [sflag:$0x3] =	stream.linear.gather [hbm4b:s11+s18], $0x1400, $0x38;
	[tilespmem:$0x1E400] =	vst v63  }
0x18: {  	_ =	swait.ge [sflag:s8], $0x1400  }
0x19: {  	[sflag:s8] =	ssyncset.done $0x0  }
0x1a: {  	s4 =	simm.s32 $0x1400;
	[dreg:$0xc] =	wrdreg s12;
	[sflag:s8] =	ssyncadd.s32 $0xFFFFEC00  }
0x1b: {  	[tilespmem:s4], [sflag:$0x3] =	stream.linear.gather [hbm4b:s12+s18], $0x1400, $0x38;
	[tilespmem:$0x1E400] =	vst v63  }
0x1c: {  	_ =	swait.ge [sflag:s8], $0x1400  }
0x1d: {  	[sflag:s8] =	ssyncset.done $0x0  }
0x1e: {  	s11 =	simm.s32 $0x80;
	s12 =	simm.s32 $0x2800;
	[sflag:s8] =	ssyncadd.s32 $0xFFFFEC00  }
0x1f: {  	[tilespmem:s12], [sflag:$0x1] =	stream.indirect.gather [hbm4b:s0+s11], $0x80, s18, s11, $0xb8;
	[tilespmem:$0x1E400] =	vst v63  }
0x20: {  	s13 =	simm.s32 $0x6800;
	s14 =	simm.s32 $0x1  }
0x21: {  	[tilespmem:s13], [sflag:$0x2] =	stream.indirect.gather [hbm4b:s0+s11], $0x80, s11, s11, $0xb8;
	[tilespmem:$0x1E400] =	vst v63  }
0x22: {  	_ =	swait.ge [sflag:s14], $0x4000  }
0x23: {  	[sflag:s14] =	ssyncset.done $0x0  }
0x24: {  	[sflag:s14] =	ssyncadd.s32 $0xFFFFC000  }
0x25: {  	[spmem:s3] =	stream.indirect.scatter.add.f32 [tilespmem:s12], [sflag:$0x3], $0x80, s4, s11, $0xb8;
	[tilespmem:$0x1E400] =	vst v63  }
0x26: {  	_ =	swait.ge [sflag:s8], $0x4000  }
0x27: {  	[sflag:s8] =	ssyncset.done $0x0  }
0x28: {  	s16 =	simm.s32 $0x2;
	s6 =	simm.s32 $0x100;
	[sflag:s8] =	ssyncadd.s32 $0xFFFFC000  }
0x29: {  	[tilespmem:s12], [sflag:$0x1] =	stream.indirect.gather [hbm4b:s0+s11], $0x80, s6, s11, $0xb8;
	[tilespmem:$0x1E400] =	vst v63  }
0x2a: {  	_ =	swait.ge [sflag:s16], $0x4000  }
0x2b: {  	[sflag:s16] =	ssyncset.done $0x0  }
0x2c: {  	s7 =	simm.s32 $0x1480;
	[sflag:s16] =	ssyncadd.s32 $0xFFFFC000  }
0x2d: {  	[spmem:s3] =	stream.indirect.scatter.add.f32 [tilespmem:s13], [sflag:$0x3], $0x80, s7, s11, $0xb8;
	[tilespmem:$0x1E400] =	vst v63  }
0x2e: {  	_ =	swait.ge [sflag:s8], $0x4000  }
0x2f: {  	[sflag:s8] =	ssyncset.done $0x0  }
0x30: {  	s10 =	simm.s32 $0x180;
	[sflag:s8] =	ssyncadd.s32 $0xFFFFC000  }
0x31: {  	[tilespmem:s13], [sflag:$0x2] =	stream.indirect.gather [hbm4b:s0+s11], $0x80, s10, s11, $0xb8;
	[tilespmem:$0x1E400] =	vst v63  }
0x32: {  	_ =	swait.ge [sflag:s14], $0x4000  }
0x33: {  	[sflag:s14] =	ssyncset.done $0x0  }
0x34: {  	s15 =	simm.s32 $0x1500;
	[sflag:s14] =	ssyncadd.s32 $0xFFFFC000  }
0x35: {  	[spmem:s3] =	stream.indirect.scatter.add.f32 [tilespmem:s12], [sflag:$0x3], $0x80, s15, s11, $0xb8;
	[tilespmem:$0x1E400] =	vst v63  }
0x36: {  	_ =	swait.ge [sflag:s8], $0x4000  }
0x37: {  	[sflag:s8] =	ssyncset.done $0x0  }
0x38: {  	s17 =	simm.s32 $0x200;
	[sflag:s8] =	ssyncadd.s32 $0xFFFFC000  }
0x39: {  	[tilespmem:s12], [sflag:$0x1] =	stream.indirect.gather [hbm4b:s0+s11], $0x80, s17, s11, $0xb8;
	[tilespmem:$0x1E400] =	vst v63  }
0x3a: {  	_ =	swait.ge [sflag:s16], $0x4000  }
0x3b: {  	[sflag:s16] =	ssyncset.done $0x0  }
0x3c: {  	s19 =	simm.s32 $0x1580;
	[sflag:s16] =	ssyncadd.s32 $0xFFFFC000  }
0x3d: {  	[spmem:s3] =	stream.indirect.scatter.add.f32 [tilespmem:s13], [sflag:$0x3], $0x80, s19, s11, $0xb8;
	[tilespmem:$0x1E400] =	vst v63  }
0x3e: {  	_ =	swait.ge [sflag:s8], $0x4000  }
0x3f: {  	[sflag:s8] =	ssyncset.done $0x0  }
0x40: {  	s20 =	simm.s32 $0x280;
	[sflag:s8] =	ssyncadd.s32 $0xFFFFC000  }
0x41: {  	[tilespmem:s13], [sflag:$0x2] =	stream.indirect.gather [hbm4b:s0+s11], $0x80, s20, s11, $0xb8;
	[tilespmem:$0x1E400] =	vst v63  }
0x42: {  	_ =	swait.ge [sflag:s14], $0x4000  }
0x43: {  	[sflag:s14] =	ssyncset.done $0x0  }
0x44: {  	s21 =	simm.s32 $0x1600;
	[sflag:s14] =	ssyncadd.s32 $0xFFFFC000  }
0x45: {  	[spmem:s3] =	stream.indirect.scatter.add.f32 [tilespmem:s12], [sflag:$0x3], $0x80, s21, s11, $0xb8;
	[tilespmem:$0x1E400] =	vst v63  }
0x46: {  	_ =	swait.ge [sflag:s8], $0x4000  }
0x47: {  	[sflag:s8] =	ssyncset.done $0x0  }
0x48: {  	s22 =	simm.s32 $0x300;
	[sflag:s8] =	ssyncadd.s32 $0xFFFFC000  }
0x49: {  	[tilespmem:s12], [sflag:$0x1] =	stream.indirect.gather [hbm4b:s0+s11], $0x80, s22, s11, $0xb8;
	[tilespmem:$0x1E400] =	vst v63  }
0x4a: {  	_ =	swait.ge [sflag:s16], $0x4000  }
0x4b: {  	[sflag:s16] =	ssyncset.done $0x0  }
0x4c: {  	s23 =	simm.s32 $0x1680;
	[sflag:s16] =	ssyncadd.s32 $0xFFFFC000  }
0x4d: {  	[spmem:s3] =	stream.indirect.scatter.add.f32 [tilespmem:s13], [sflag:$0x3], $0x80, s23, s11, $0xb8;
	[tilespmem:$0x1E400] =	vst v63  }
0x4e: {  	_ =	swait.ge [sflag:s8], $0x4000  }
0x4f: {  	[sflag:s8] =	ssyncset.done $0x0  }
0x50: {  	s24 =	simm.s32 $0x380;
	[sflag:s8] =	ssyncadd.s32 $0xFFFFC000  }
0x51: {  	[tilespmem:s13], [sflag:$0x2] =	stream.indirect.gather [hbm4b:s0+s11], $0x80, s24, s11, $0xb8;
	[tilespmem:$0x1E400] =	vst v63  }
0x52: {  	_ =	swait.ge [sflag:s14], $0x4000  }
0x53: {  	[sflag:s14] =	ssyncset.done $0x0  }
0x54: {  	s25 =	simm.s32 $0x1700;
	[sflag:s14] =	ssyncadd.s32 $0xFFFFC000  }
0x55: {  	[spmem:s3] =	stream.indirect.scatter.add.f32 [tilespmem:s12], [sflag:$0x3], $0x80, s25, s11, $0xb8;
	[tilespmem:$0x1E400] =	vst v63  }
0x56: {  	_ =	swait.ge [sflag:s8], $0x4000  }
0x57: {  	[sflag:s8] =	ssyncset.done $0x0  }
0x58: {  	s26 =	simm.s32 $0x400;
	[sflag:s8] =	ssyncadd.s32 $0xFFFFC000  }
0x59: {  	[tilespmem:s12], [sflag:$0x1] =	stream.indirect.gather [hbm4b:s0+s11], $0x80, s26, s11, $0xb8;
	[tilespmem:$0x1E400] =	vst v63  }
0x5a: {  	_ =	swait.ge [sflag:s16], $0x4000  }
0x5b: {  	[sflag:s16] =	ssyncset.done $0x0  }
0x5c: {  	s28 =	simm.s32 $0x1780;
	[sflag:s16] =	ssyncadd.s32 $0xFFFFC000  }
0x5d: {  	[spmem:s3] =	stream.indirect.scatter.add.f32 [tilespmem:s13], [sflag:$0x3], $0x80, s28, s11, $0xb8;
	[tilespmem:$0x1E400] =	vst v63  }
0x5e: {  	_ =	swait.ge [sflag:s8], $0x4000  }
0x5f: {  	[sflag:s8] =	ssyncset.done $0x0  }
0x60: {  	s29 =	simm.s32 $0x480;
	[sflag:s8] =	ssyncadd.s32 $0xFFFFC000  }
0x61: {  	[tilespmem:s13], [sflag:$0x2] =	stream.indirect.gather [hbm4b:s0+s11], $0x80, s29, s11, $0xb8;
	[tilespmem:$0x1E400] =	vst v63  }
0x62: {  	_ =	swait.ge [sflag:s14], $0x4000  }
0x63: {  	[sflag:s14] =	ssyncset.done $0x0  }
0x64: {  	s30 =	simm.s32 $0x1800;
	[sflag:s14] =	ssyncadd.s32 $0xFFFFC000  }
0x65: {  	[spmem:s3] =	stream.indirect.scatter.add.f32 [tilespmem:s12], [sflag:$0x3], $0x80, s30, s11, $0xb8;
	[tilespmem:$0x1E400] =	vst v63  }
0x66: {  	_ =	swait.ge [sflag:s8], $0x4000  }
0x67: {  	[sflag:s8] =	ssyncset.done $0x0  }
0x68: {  	s2 =	simm.s32 $0x500;
	[sflag:s8] =	ssyncadd.s32 $0xFFFFC000  }
0x69: {  	[tilespmem:s12], [sflag:$0x1] =	stream.indirect.gather [hbm4b:s0+s11], $0x80, s2, s11, $0xb8;
	[tilespmem:$0x1E400] =	vst v63  }
0x6a: {  	_ =	swait.ge [sflag:s16], $0x4000  }
0x6b: {  	[sflag:s16] =	ssyncset.done $0x0  }
0x6c: {  	s5 =	simm.s32 $0x1880;
	[sflag:s16] =	ssyncadd.s32 $0xFFFFC000  }
0x6d: {  	[spmem:s3] =	stream.indirect.scatter.add.f32 [tilespmem:s13], [sflag:$0x3], $0x80, s5, s11, $0xb8;
	[tilespmem:$0x1E400] =	vst v63  }
0x6e: {  	_ =	swait.ge [sflag:s8], $0x4000  }
0x6f: {  	[sflag:s8] =	ssyncset.done $0x0  }
0x70: {  	s6 =	simm.s32 $0x580;
	[sflag:s8] =	ssyncadd.s32 $0xFFFFC000  }
0x71: {  	[tilespmem:s13], [sflag:$0x2] =	stream.indirect.gather [hbm4b:s0+s11], $0x80, s6, s11, $0xb8;
	[tilespmem:$0x1E400] =	vst v63  }
0x72: {  	_ =	swait.ge [sflag:s14], $0x4000  }
0x73: {  	[sflag:s14] =	ssyncset.done $0x0  }
0x74: {  	s7 =	simm.s32 $0x1900;
	[sflag:s14] =	ssyncadd.s32 $0xFFFFC000  }
0x75: {  	[spmem:s3] =	stream.indirect.scatter.add.f32 [tilespmem:s12], [sflag:$0x3], $0x80, s7, s11, $0xb8;
	[tilespmem:$0x1E400] =	vst v63  }
0x76: {  	_ =	swait.ge [sflag:s8], $0x4000  }
0x77: {  	[sflag:s8] =	ssyncset.done $0x0  }
0x78: {  	s10 =	simm.s32 $0x600;
	[sflag:s8] =	ssyncadd.s32 $0xFFFFC000  }
0x79: {  	[tilespmem:s12], [sflag:$0x1] =	stream.indirect.gather [hbm4b:s0+s11], $0x80, s10, s11, $0xb8;
	[tilespmem:$0x1E400] =	vst v63  }
0x7a: {  	_ =	swait.ge [sflag:s16], $0x4000  }
0x7b: {  	[sflag:s16] =	ssyncset.done $0x0  }
0x7c: {  	s15 =	simm.s32 $0x1980;
	[sflag:s16] =	ssyncadd.s32 $0xFFFFC000  }
0x7d: {  	[spmem:s3] =	stream.indirect.scatter.add.f32 [tilespmem:s13], [sflag:$0x3], $0x80, s15, s11, $0xb8;
	[tilespmem:$0x1E400] =	vst v63  }
0x7e: {  	_ =	swait.ge [sflag:s8], $0x4000  }
0x7f: {  	[sflag:s8] =	ssyncset.done $0x0  }
0x80: {  	s17 =	simm.s32 $0x680;
	[sflag:s8] =	ssyncadd.s32 $0xFFFFC000  }
0x81: {  	[tilespmem:s13], [sflag:$0x2] =	stream.indirect.gather [hbm4b:s0+s11], $0x80, s17, s11, $0xb8;
	[tilespmem:$0x1E400] =	vst v63  }
0x82: {  	_ =	swait.ge [sflag:s14], $0x4000  }
0x83: {  	[sflag:s14] =	ssyncset.done $0x0  }
0x84: {  	s19 =	simm.s32 $0x1A00;
	[sflag:s14] =	ssyncadd.s32 $0xFFFFC000  }
0x85: {  	[spmem:s3] =	stream.indirect.scatter.add.f32 [tilespmem:s12], [sflag:$0x3], $0x80, s19, s11, $0xb8;
	[tilespmem:$0x1E400] =	vst v63  }
0x86: {  	_ =	swait.ge [sflag:s8], $0x4000  }
0x87: {  	[sflag:s8] =	ssyncset.done $0x0  }
0x88: {  	s20 =	simm.s32 $0x700;
	[sflag:s8] =	ssyncadd.s32 $0xFFFFC000  }
0x89: {  	[tilespmem:s12], [sflag:$0x1] =	stream.indirect.gather [hbm4b:s0+s11], $0x80, s20, s11, $0xb8;
	[tilespmem:$0x1E400] =	vst v63  }
0x8a: {  	_ =	swait.ge [sflag:s16], $0x4000  }
0x8b: {  	[sflag:s16] =	ssyncset.done $0x0  }
0x8c: {  	s21 =	simm.s32 $0x1A80;
	[sflag:s16] =	ssyncadd.s32 $0xFFFFC000  }
0x8d: {  	[spmem:s3] =	stream.indirect.scatter.add.f32 [tilespmem:s13], [sflag:$0x3], $0x80, s21, s11, $0xb8;
	[tilespmem:$0x1E400] =	vst v63  }
0x8e: {  	_ =	swait.ge [sflag:s8], $0x4000  }
0x8f: {  	[sflag:s8] =	ssyncset.done $0x0  }
0x90: {  	s22 =	simm.s32 $0x780;
	[sflag:s8] =	ssyncadd.s32 $0xFFFFC000  }
0x91: {  	[tilespmem:s13], [sflag:$0x2] =	stream.indirect.gather [hbm4b:s0+s11], $0x80, s22, s11, $0xb8;
	[tilespmem:$0x1E400] =	vst v63  }
0x92: {  	_ =	swait.ge [sflag:s14], $0x4000  }
0x93: {  	[sflag:s14] =	ssyncset.done $0x0  }
0x94: {  	s23 =	simm.s32 $0x1B00;
	[sflag:s14] =	ssyncadd.s32 $0xFFFFC000  }
0x95: {  	[spmem:s3] =	stream.indirect.scatter.add.f32 [tilespmem:s12], [sflag:$0x3], $0x80, s23, s11, $0xb8;
	[tilespmem:$0x1E400] =	vst v63  }
0x96: {  	_ =	swait.ge [sflag:s8], $0x4000  }
0x97: {  	[sflag:s8] =	ssyncset.done $0x0  }
0x98: {  	s24 =	simm.s32 $0x800;
	[sflag:s8] =	ssyncadd.s32 $0xFFFFC000  }
0x99: {  	[tilespmem:s12], [sflag:$0x1] =	stream.indirect.gather [hbm4b:s0+s11], $0x80, s24, s11, $0xb8;
	[tilespmem:$0x1E400] =	vst v63  }
0x9a: {  	_ =	swait.ge [sflag:s16], $0x4000  }
0x9b: {  	[sflag:s16] =	ssyncset.done $0x0  }
0x9c: {  	s25 =	simm.s32 $0x1B80;
	[sflag:s16] =	ssyncadd.s32 $0xFFFFC000  }
0x9d: {  	[spmem:s3] =	stream.indirect.scatter.add.f32 [tilespmem:s13], [sflag:$0x3], $0x80, s25, s11, $0xb8;
	[tilespmem:$0x1E400] =	vst v63  }
0x9e: {  	_ =	swait.ge [sflag:s8], $0x4000  }
0x9f: {  	[sflag:s8] =	ssyncset.done $0x0  }
0xa0: {  	s26 =	simm.s32 $0x880;
	[sflag:s8] =	ssyncadd.s32 $0xFFFFC000  }
0xa1: {  	[tilespmem:s13], [sflag:$0x2] =	stream.indirect.gather [hbm4b:s0+s11], $0x80, s26, s11, $0xb8;
	[tilespmem:$0x1E400] =	vst v63  }
0xa2: {  	_ =	swait.ge [sflag:s14], $0x4000  }
0xa3: {  	[sflag:s14] =	ssyncset.done $0x0  }
0xa4: {  	s28 =	simm.s32 $0x1C00;
	[sflag:s14] =	ssyncadd.s32 $0xFFFFC000  }
0xa5: {  	[spmem:s3] =	stream.indirect.scatter.add.f32 [tilespmem:s12], [sflag:$0x3], $0x80, s28, s11, $0xb8;
	[tilespmem:$0x1E400] =	vst v63  }
0xa6: {  	_ =	swait.ge [sflag:s8], $0x4000  }
0xa7: {  	[sflag:s8] =	ssyncset.done $0x0  }
0xa8: {  	s29 =	simm.s32 $0x900;
	[sflag:s8] =	ssyncadd.s32 $0xFFFFC000  }
0xa9: {  	[tilespmem:s12], [sflag:$0x1] =	stream.indirect.gather [hbm4b:s0+s11], $0x80, s29, s11, $0xb8;
	[tilespmem:$0x1E400] =	vst v63  }
0xaa: {  	_ =	swait.ge [sflag:s16], $0x4000  }
0xab: {  	[sflag:s16] =	ssyncset.done $0x0  }
0xac: {  	s30 =	simm.s32 $0x1C80;
	[sflag:s16] =	ssyncadd.s32 $0xFFFFC000  }
0xad: {  	[spmem:s3] =	stream.indirect.scatter.add.f32 [tilespmem:s13], [sflag:$0x3], $0x80, s30, s11, $0xb8;
	[tilespmem:$0x1E400] =	vst v63  }
0xae: {  	_ =	swait.ge [sflag:s8], $0x4000  }
0xaf: {  	[sflag:s8] =	ssyncset.done $0x0  }
0xb0: {  	s2 =	simm.s32 $0x980;
	[sflag:s8] =	ssyncadd.s32 $0xFFFFC000  }
0xb1: {  	[tilespmem:s13], [sflag:$0x2] =	stream.indirect.gather [hbm4b:s0+s11], $0x80, s2, s11, $0xb8;
	[tilespmem:$0x1E400] =	vst v63  }
0xb2: {  	_ =	swait.ge [sflag:s14], $0x4000  }
0xb3: {  	[sflag:s14] =	ssyncset.done $0x0  }
0xb4: {  	s5 =	simm.s32 $0x1D00;
	[sflag:s14] =	ssyncadd.s32 $0xFFFFC000  }
0xb5: {  	[spmem:s3] =	stream.indirect.scatter.add.f32 [tilespmem:s12], [sflag:$0x3], $0x80, s5, s11, $0xb8;
	[tilespmem:$0x1E400] =	vst v63  }
0xb6: {  	_ =	swait.ge [sflag:s8], $0x4000  }
0xb7: {  	[sflag:s8] =	ssyncset.done $0x0  }
0xb8: {  	s6 =	simm.s32 $0xA00;
	[sflag:s8] =	ssyncadd.s32 $0xFFFFC000  }
0xb9: {  	[tilespmem:s12], [sflag:$0x1] =	stream.indirect.gather [hbm4b:s0+s11], $0x80, s6, s11, $0xb8;
	[tilespmem:$0x1E400] =	vst v63  }
0xba: {  	_ =	swait.ge [sflag:s16], $0x4000  }
0xbb: {  	[sflag:s16] =	ssyncset.done $0x0  }
0xbc: {  	s7 =	simm.s32 $0x1D80;
	[sflag:s16] =	ssyncadd.s32 $0xFFFFC000  }
0xbd: {  	[spmem:s3] =	stream.indirect.scatter.add.f32 [tilespmem:s13], [sflag:$0x3], $0x80, s7, s11, $0xb8;
	[tilespmem:$0x1E400] =	vst v63  }
0xbe: {  	_ =	swait.ge [sflag:s8], $0x4000  }
0xbf: {  	[sflag:s8] =	ssyncset.done $0x0  }
0xc0: {  	s10 =	simm.s32 $0xA80;
	[sflag:s8] =	ssyncadd.s32 $0xFFFFC000  }
0xc1: {  	[tilespmem:s13], [sflag:$0x2] =	stream.indirect.gather [hbm4b:s0+s11], $0x80, s10, s11, $0xb8;
	[tilespmem:$0x1E400] =	vst v63  }
0xc2: {  	_ =	swait.ge [sflag:s14], $0x4000  }
0xc3: {  	[sflag:s14] =	ssyncset.done $0x0  }
0xc4: {  	s15 =	simm.s32 $0x1E00;
	[sflag:s14] =	ssyncadd.s32 $0xFFFFC000  }
0xc5: {  	[spmem:s3] =	stream.indirect.scatter.add.f32 [tilespmem:s12], [sflag:$0x3], $0x80, s15, s11, $0xb8;
	[tilespmem:$0x1E400] =	vst v63  }
0xc6: {  	_ =	swait.ge [sflag:s8], $0x4000  }
0xc7: {  	[sflag:s8] =	ssyncset.done $0x0  }
0xc8: {  	s17 =	simm.s32 $0xB00;
	[sflag:s8] =	ssyncadd.s32 $0xFFFFC000  }
0xc9: {  	[tilespmem:s12], [sflag:$0x1] =	stream.indirect.gather [hbm4b:s0+s11], $0x80, s17, s11, $0xb8;
	[tilespmem:$0x1E400] =	vst v63  }
0xca: {  	_ =	swait.ge [sflag:s16], $0x4000  }
0xcb: {  	[sflag:s16] =	ssyncset.done $0x0  }
0xcc: {  	s19 =	simm.s32 $0x1E80;
	[sflag:s16] =	ssyncadd.s32 $0xFFFFC000  }
0xcd: {  	[spmem:s3] =	stream.indirect.scatter.add.f32 [tilespmem:s13], [sflag:$0x3], $0x80, s19, s11, $0xb8;
	[tilespmem:$0x1E400] =	vst v63  }
0xce: {  	_ =	swait.ge [sflag:s8], $0x4000  }
0xcf: {  	[sflag:s8] =	ssyncset.done $0x0  }
0xd0: {  	s20 =	simm.s32 $0xB80;
	[sflag:s8] =	ssyncadd.s32 $0xFFFFC000  }
0xd1: {  	[tilespmem:s13], [sflag:$0x2] =	stream.indirect.gather [hbm4b:s0+s11], $0x80, s20, s11, $0xb8;
	[tilespmem:$0x1E400] =	vst v63  }
0xd2: {  	_ =	swait.ge [sflag:s14], $0x4000  }
0xd3: {  	[sflag:s14] =	ssyncset.done $0x0  }
0xd4: {  	s21 =	simm.s32 $0x1F00;
	[sflag:s14] =	ssyncadd.s32 $0xFFFFC000  }
0xd5: {  	[spmem:s3] =	stream.indirect.scatter.add.f32 [tilespmem:s12], [sflag:$0x3], $0x80, s21, s11, $0xb8;
	[tilespmem:$0x1E400] =	vst v63  }
0xd6: {  	_ =	swait.ge [sflag:s8], $0x4000  }
0xd7: {  	[sflag:s8] =	ssyncset.done $0x0  }
0xd8: {  	s22 =	simm.s32 $0xC00;
	[sflag:s8] =	ssyncadd.s32 $0xFFFFC000  }
0xd9: {  	[tilespmem:s12], [sflag:$0x1] =	stream.indirect.gather [hbm4b:s0+s11], $0x80, s22, s11, $0xb8;
	[tilespmem:$0x1E400] =	vst v63  }
0xda: {  	_ =	swait.ge [sflag:s16], $0x4000  }
0xdb: {  	[sflag:s16] =	ssyncset.done $0x0  }
0xdc: {  	s23 =	simm.s32 $0x1F80;
	[sflag:s16] =	ssyncadd.s32 $0xFFFFC000  }
0xdd: {  	[spmem:s3] =	stream.indirect.scatter.add.f32 [tilespmem:s13], [sflag:$0x3], $0x80, s23, s11, $0xb8;
	[tilespmem:$0x1E400] =	vst v63  }
0xde: {  	_ =	swait.ge [sflag:s8], $0x4000  }
0xdf: {  	[sflag:s8] =	ssyncset.done $0x0  }
0xe0: {  	s24 =	simm.s32 $0xC80;
	[sflag:s8] =	ssyncadd.s32 $0xFFFFC000  }
0xe1: {  	[tilespmem:s13], [sflag:$0x2] =	stream.indirect.gather [hbm4b:s0+s11], $0x80, s24, s11, $0xb8;
	[tilespmem:$0x1E400] =	vst v63  }
0xe2: {  	_ =	swait.ge [sflag:s14], $0x4000  }
0xe3: {  	[sflag:s14] =	ssyncset.done $0x0  }
0xe4: {  	s25 =	simm.s32 $0x2000;
	[sflag:s14] =	ssyncadd.s32 $0xFFFFC000  }
0xe5: {  	[spmem:s3] =	stream.indirect.scatter.add.f32 [tilespmem:s12], [sflag:$0x3], $0x80, s25, s11, $0xb8;
	[tilespmem:$0x1E400] =	vst v63  }
0xe6: {  	_ =	swait.ge [sflag:s8], $0x4000  }
0xe7: {  	[sflag:s8] =	ssyncset.done $0x0  }
0xe8: {  	s26 =	simm.s32 $0xD00;
	[sflag:s8] =	ssyncadd.s32 $0xFFFFC000  }
0xe9: {  	[tilespmem:s12], [sflag:$0x1] =	stream.indirect.gather [hbm4b:s0+s11], $0x80, s26, s11, $0xb8;
	[tilespmem:$0x1E400] =	vst v63  }
0xea: {  	_ =	swait.ge [sflag:s16], $0x4000  }
0xeb: {  	[sflag:s16] =	ssyncset.done $0x0  }
0xec: {  	s28 =	simm.s32 $0x2080;
	[sflag:s16] =	ssyncadd.s32 $0xFFFFC000  }
0xed: {  	[spmem:s3] =	stream.indirect.scatter.add.f32 [tilespmem:s13], [sflag:$0x3], $0x80, s28, s11, $0xb8;
	[tilespmem:$0x1E400] =	vst v63  }
0xee: {  	_ =	swait.ge [sflag:s8], $0x4000  }
0xef: {  	[sflag:s8] =	ssyncset.done $0x0  }
0xf0: {  	s29 =	simm.s32 $0xD80;
	[sflag:s8] =	ssyncadd.s32 $0xFFFFC000  }
0xf1: {  	[tilespmem:s13], [sflag:$0x2] =	stream.indirect.gather [hbm4b:s0+s11], $0x80, s29, s11, $0xb8;
	[tilespmem:$0x1E400] =	vst v63  }
0xf2: {  	_ =	swait.ge [sflag:s14], $0x4000  }
0xf3: {  	[sflag:s14] =	ssyncset.done $0x0  }
0xf4: {  	s30 =	simm.s32 $0x2100;
	[sflag:s14] =	ssyncadd.s32 $0xFFFFC000  }
0xf5: {  	[spmem:s3] =	stream.indirect.scatter.add.f32 [tilespmem:s12], [sflag:$0x3], $0x80, s30, s11, $0xb8;
	[tilespmem:$0x1E400] =	vst v63  }
0xf6: {  	_ =	swait.ge [sflag:s8], $0x4000  }
0xf7: {  	[sflag:s8] =	ssyncset.done $0x0  }
0xf8: {  	s2 =	simm.s32 $0xE00;
	[sflag:s8] =	ssyncadd.s32 $0xFFFFC000  }
0xf9: {  	[tilespmem:s12], [sflag:$0x1] =	stream.indirect.gather [hbm4b:s0+s11], $0x80, s2, s11, $0xb8;
	[tilespmem:$0x1E400] =	vst v63  }
0xfa: {  	_ =	swait.ge [sflag:s16], $0x4000  }
0xfb: {  	[sflag:s16] =	ssyncset.done $0x0  }
0xfc: {  	s5 =	simm.s32 $0x2180;
	[sflag:s16] =	ssyncadd.s32 $0xFFFFC000  }
0xfd: {  	[spmem:s3] =	stream.indirect.scatter.add.f32 [tilespmem:s13], [sflag:$0x3], $0x80, s5, s11, $0xb8;
	[tilespmem:$0x1E400] =	vst v63  }
0xfe: {  	_ =	swait.ge [sflag:s8], $0x4000  }
0xff: {  	[sflag:s8] =	ssyncset.done $0x0  }
0x100: {  	s6 =	simm.s32 $0xE80;
	[sflag:s8] =	ssyncadd.s32 $0xFFFFC000  }
0x101: {  	[tilespmem:s13], [sflag:$0x2] =	stream.indirect.gather [hbm4b:s0+s11], $0x80, s6, s11, $0xb8;
	[tilespmem:$0x1E400] =	vst v63  }
0x102: {  	_ =	swait.ge [sflag:s14], $0x4000  }
0x103: {  	[sflag:s14] =	ssyncset.done $0x0  }
0x104: {  	s7 =	simm.s32 $0x2200;
	[sflag:s14] =	ssyncadd.s32 $0xFFFFC000  }
0x105: {  	[spmem:s3] =	stream.indirect.scatter.add.f32 [tilespmem:s12], [sflag:$0x3], $0x80, s7, s11, $0xb8;
	[tilespmem:$0x1E400] =	vst v63  }
0x106: {  	_ =	swait.ge [sflag:s8], $0x4000  }
0x107: {  	[sflag:s8] =	ssyncset.done $0x0  }
0x108: {  	s10 =	simm.s32 $0xF00;
	[sflag:s8] =	ssyncadd.s32 $0xFFFFC000  }
0x109: {  	[tilespmem:s12], [sflag:$0x1] =	stream.indirect.gather [hbm4b:s0+s11], $0x80, s10, s11, $0xb8;
	[tilespmem:$0x1E400] =	vst v63  }
0x10a: {  	_ =	swait.ge [sflag:s16], $0x4000  }
0x10b: {  	[sflag:s16] =	ssyncset.done $0x0  }
0x10c: {  	s15 =	simm.s32 $0x2280;
	[sflag:s16] =	ssyncadd.s32 $0xFFFFC000  }
0x10d: {  	[spmem:s3] =	stream.indirect.scatter.add.f32 [tilespmem:s13], [sflag:$0x3], $0x80, s15, s11, $0xb8;
	[tilespmem:$0x1E400] =	vst v63  }
0x10e: {  	_ =	swait.ge [sflag:s8], $0x4000  }
0x10f: {  	[sflag:s8] =	ssyncset.done $0x0  }
0x110: {  	s17 =	simm.s32 $0xF80;
	[sflag:s8] =	ssyncadd.s32 $0xFFFFC000  }
0x111: {  	[tilespmem:s13], [sflag:$0x2] =	stream.indirect.gather [hbm4b:s0+s11], $0x80, s17, s11, $0xb8;
	[tilespmem:$0x1E400] =	vst v63  }
0x112: {  	_ =	swait.ge [sflag:s14], $0x4000  }
0x113: {  	[sflag:s14] =	ssyncset.done $0x0  }
0x114: {  	s30 =	simm.s32 $0x2300;
	[sflag:s14] =	ssyncadd.s32 $0xFFFFC000  }
0x115: {  	[spmem:s3] =	stream.indirect.scatter.add.f32 [tilespmem:s12], [sflag:$0x3], $0x80, s30, s11, $0xb8;
	[tilespmem:$0x1E400] =	vst v63  }
0x116: {  	_ =	swait.ge [sflag:s8], $0x4000  }
0x117: {  	[sflag:s8] =	ssyncset.done $0x0  }
0x118: {  	s29 =	simm.s32 $0x1000;
	[sflag:s8] =	ssyncadd.s32 $0xFFFFC000  }
0x119: {  	[tilespmem:s12], [sflag:$0x1] =	stream.indirect.gather [hbm4b:s0+s11], $0x80, s29, s11, $0xb8;
	[tilespmem:$0x1E400] =	vst v63  }
0x11a: {  	_ =	swait.ge [sflag:s16], $0x4000  }
0x11b: {  	[sflag:s16] =	ssyncset.done $0x0  }
0x11c: {  	s28 =	simm.s32 $0x2380;
	[sflag:s16] =	ssyncadd.s32 $0xFFFFC000  }
0x11d: {  	[spmem:s3] =	stream.indirect.scatter.add.f32 [tilespmem:s13], [sflag:$0x3], $0x80, s28, s11, $0xb8;
	[tilespmem:$0x1E400] =	vst v63  }
0x11e: {  	_ =	swait.ge [sflag:s8], $0x4000  }
0x11f: {  	[sflag:s8] =	ssyncset.done $0x0  }
0x120: {  	s26 =	simm.s32 $0x1080;
	[sflag:s8] =	ssyncadd.s32 $0xFFFFC000  }
0x121: {  	[tilespmem:s13], [sflag:$0x2] =	stream.indirect.gather [hbm4b:s0+s11], $0x80, s26, s11, $0xb8;
	[tilespmem:$0x1E400] =	vst v63  }
0x122: {  	_ =	swait.ge [sflag:s14], $0x4000  }
0x123: {  	[sflag:s14] =	ssyncset.done $0x0  }
0x124: {  	s25 =	simm.s32 $0x2400;
	[sflag:s14] =	ssyncadd.s32 $0xFFFFC000  }
0x125: {  	[spmem:s3] =	stream.indirect.scatter.add.f32 [tilespmem:s12], [sflag:$0x3], $0x80, s25, s11, $0xb8;
	[tilespmem:$0x1E400] =	vst v63  }
0x126: {  	_ =	swait.ge [sflag:s8], $0x4000  }
0x127: {  	[sflag:s8] =	ssyncset.done $0x0  }
0x128: {  	s24 =	simm.s32 $0x1100;
	[sflag:s8] =	ssyncadd.s32 $0xFFFFC000  }
0x129: {  	[tilespmem:s12], [sflag:$0x1] =	stream.indirect.gather [hbm4b:s0+s11], $0x80, s24, s11, $0xb8;
	[tilespmem:$0x1E400] =	vst v63  }
0x12a: {  	_ =	swait.ge [sflag:s16], $0x4000  }
0x12b: {  	[sflag:s16] =	ssyncset.done $0x0  }
0x12c: {  	s23 =	simm.s32 $0x2480;
	[sflag:s16] =	ssyncadd.s32 $0xFFFFC000  }
0x12d: {  	[spmem:s3] =	stream.indirect.scatter.add.f32 [tilespmem:s13], [sflag:$0x3], $0x80, s23, s11, $0xb8;
	[tilespmem:$0x1E400] =	vst v63  }
0x12e: {  	_ =	swait.ge [sflag:s8], $0x4000  }
0x12f: {  	[sflag:s8] =	ssyncset.done $0x0  }
0x130: {  	s22 =	simm.s32 $0x1180;
	[sflag:s8] =	ssyncadd.s32 $0xFFFFC000  }
0x131: {  	[tilespmem:s13], [sflag:$0x2] =	stream.indirect.gather [hbm4b:s0+s11], $0x80, s22, s11, $0xb8;
	[tilespmem:$0x1E400] =	vst v63  }
0x132: {  	_ =	swait.ge [sflag:s14], $0x4000  }
0x133: {  	[sflag:s14] =	ssyncset.done $0x0  }
0x134: {  	s21 =	simm.s32 $0x2500;
	[sflag:s14] =	ssyncadd.s32 $0xFFFFC000  }
0x135: {  	[spmem:s3] =	stream.indirect.scatter.add.f32 [tilespmem:s12], [sflag:$0x3], $0x80, s21, s11, $0xb8;
	[tilespmem:$0x1E400] =	vst v63  }
0x136: {  	_ =	swait.ge [sflag:s8], $0x4000  }
0x137: {  	[sflag:s8] =	ssyncset.done $0x0  }
0x138: {  	s20 =	simm.s32 $0x1200;
	[sflag:s8] =	ssyncadd.s32 $0xFFFFC000  }
0x139: {  	[tilespmem:s12], [sflag:$0x1] =	stream.indirect.gather [hbm4b:s0+s11], $0x80, s20, s11, $0xb8;
	[tilespmem:$0x1E400] =	vst v63  }
0x13a: {  	_ =	swait.ge [sflag:s16], $0x4000  }
0x13b: {  	[sflag:s16] =	ssyncset.done $0x0  }
0x13c: {  	s19 =	simm.s32 $0x2580;
	[sflag:s16] =	ssyncadd.s32 $0xFFFFC000  }
0x13d: {  	[spmem:s3] =	stream.indirect.scatter.add.f32 [tilespmem:s13], [sflag:$0x3], $0x80, s19, s11, $0xb8;
	[tilespmem:$0x1E400] =	vst v63  }
0x13e: {  	_ =	swait.ge [sflag:s8], $0x4000  }
0x13f: {  	[sflag:s8] =	ssyncset.done $0x0  }
0x140: {  	s15 =	simm.s32 $0x1280;
	[sflag:s8] =	ssyncadd.s32 $0xFFFFC000  }
0x141: {  	[tilespmem:s13], [sflag:$0x2] =	stream.indirect.gather [hbm4b:s0+s11], $0x80, s15, s11, $0xb8;
	[tilespmem:$0x1E400] =	vst v63  }
0x142: {  	_ =	swait.ge [sflag:s14], $0x4000  }
0x143: {  	[sflag:s14] =	ssyncset.done $0x0  }
0x144: {  	s10 =	simm.s32 $0x2600;
	[sflag:s14] =	ssyncadd.s32 $0xFFFFC000  }
0x145: {  	[spmem:s3] =	stream.indirect.scatter.add.f32 [tilespmem:s12], [sflag:$0x3], $0x80, s10, s11, $0xb8;
	[tilespmem:$0x1E400] =	vst v63  }
0x146: {  	_ =	swait.ge [sflag:s8], $0x4000  }
0x147: {  	[sflag:s8] =	ssyncset.done $0x0  }
0x148: {  	s7 =	simm.s32 $0x1300;
	[sflag:s8] =	ssyncadd.s32 $0xFFFFC000  }
0x149: {  	[tilespmem:s12], [sflag:$0x1] =	stream.indirect.gather [hbm4b:s0+s11], $0x80, s7, s11, $0xb8;
	[tilespmem:$0x1E400] =	vst v63  }
0x14a: {  	_ =	swait.ge [sflag:s16], $0x4000  }
0x14b: {  	[sflag:s16] =	ssyncset.done $0x0  }
0x14c: {  	s6 =	simm.s32 $0x2680;
	[sflag:s16] =	ssyncadd.s32 $0xFFFFC000  }
0x14d: {  	[spmem:s3] =	stream.indirect.scatter.add.f32 [tilespmem:s13], [sflag:$0x3], $0x80, s6, s11, $0xb8;
	[tilespmem:$0x1E400] =	vst v63  }
0x14e: {  	_ =	swait.ge [sflag:s8], $0x4000  }
0x14f: {  	[sflag:s8] =	ssyncset.done $0x0  }
0x150: {  	s5 =	simm.s32 $0x1380;
	[sflag:s8] =	ssyncadd.s32 $0xFFFFC000  }
0x151: {  	[tilespmem:s13], [sflag:$0x2] =	stream.indirect.gather [hbm4b:s0+s11], $0x80, s5, s11, $0xb8;
	[tilespmem:$0x1E400] =	vst v63  }
0x152: {  	_ =	swait.ge [sflag:s14], $0x4000  }
0x153: {  	[sflag:s14] =	ssyncset.done $0x0  }
0x154: {  	s2 =	simm.s32 $0x2700;
	[sflag:s14] =	ssyncadd.s32 $0xFFFFC000  }
0x155: {  	[spmem:s3] =	stream.indirect.scatter.add.f32 [tilespmem:s12], [sflag:$0x3], $0x80, s2, s11, $0xb8;
	[tilespmem:$0x1E400] =	vst v63  }
0x156: {  	_ =	swait.ge [sflag:s8], $0x4000  }
0x157: {  	[sflag:s8] =	ssyncset.done $0x0  }
0x158: {  	[sflag:s8] =	ssyncadd.s32 $0xFFFFC000  }
0x159: {  	_ =	swait.ge [sflag:s16], $0x4000  }
0x15a: {  	[sflag:s16] =	ssyncset.done $0x0  }
0x15b: {  	s1 =	simm.s32 $0x2780;
	[sflag:s16] =	ssyncadd.s32 $0xFFFFC000  }
0x15c: {  	[spmem:s3] =	stream.indirect.scatter.add.f32 [tilespmem:s13], [sflag:$0x3], $0x80, s1, s11, $0xb8;
	[tilespmem:$0x1E400] =	vst v63  }
0x15d: {  	_ =	swait.ge [sflag:s8], $0x4000  }
0x15e: {  	[sflag:s8] =	ssyncset.done $0x0  }
0x15f: {  	s17 =	rddreg [dreg:$0x8];
	[sflag:s8] =	ssyncadd.s32 $0xFFFFC000  }
0x160: {  	[tilespmem:s18], [sflag:$0x3] =	stream.linear.gather [hbm4b:s17+s18], $0x1400, $0x38;
	[tilespmem:$0x1E400] =	vst v63  }
0x161: {  	_ =	swait.ge [sflag:s8], $0x1400  }
0x162: {  	[sflag:s8] =	ssyncset.done $0x0  }
0x163: {  	s17 =	rddreg [dreg:$0x9];
	[sflag:s8] =	ssyncadd.s32 $0xFFFFEC00  }
0x164: {  	[tilespmem:s4], [sflag:$0x3] =	stream.linear.gather [hbm4b:s17+s18], $0x1400, $0x38;
	[tilespmem:$0x1E400] =	vst v63  }
0x165: {  	_ =	swait.ge [sflag:s8], $0x1400  }
0x166: {  	[sflag:s8] =	ssyncset.done $0x0  }
0x167: {  	[sflag:s8] =	ssyncadd.s32 $0xFFFFEC00  }
0x168: {  	[tilespmem:s12], [sflag:$0x1] =	stream.indirect.gather [hbm4b:s0+s11], $0x80, s18, s11, $0xb8;
	[tilespmem:$0x1E400] =	vst v63  }
0x169: {  	_ = 	snop  }
0x16a: {  	[tilespmem:s13], [sflag:$0x2] =	stream.indirect.gather [hbm4b:s0+s11], $0x80, s11, s11, $0xb8;
	[tilespmem:$0x1E400] =	vst v63  }
0x16b: {  	_ =	swait.ge [sflag:s14], $0x4000  }
0x16c: {  	[sflag:s14] =	ssyncset.done $0x0  }
0x16d: {  	[sflag:s14] =	ssyncadd.s32 $0xFFFFC000  }
0x16e: {  	[spmem:s3] =	stream.indirect.scatter.add.f32 [tilespmem:s12], [sflag:$0x3], $0x80, s4, s11, $0xb8;
	[tilespmem:$0x1E400] =	vst v63  }
0x16f: {  	_ =	swait.ge [sflag:s8], $0x4000  }
0x170: {  	[sflag:s8] =	ssyncset.done $0x0  }
0x171: {  	s18 =	simm.s32 $0x100;
	[sflag:s8] =	ssyncadd.s32 $0xFFFFC000  }
0x172: {  	[tilespmem:s12], [sflag:$0x1] =	stream.indirect.gather [hbm4b:s0+s11], $0x80, s18, s11, $0xb8;
	[tilespmem:$0x1E400] =	vst v63  }
0x173: {  	_ =	swait.ge [sflag:s16], $0x4000  }
0x174: {  	[sflag:s16] =	ssyncset.done $0x0  }
0x175: {  	s17 =	simm.s32 $0x1480;
	[sflag:s16] =	ssyncadd.s32 $0xFFFFC000  }
0x176: {  	[spmem:s3] =	stream.indirect.scatter.add.f32 [tilespmem:s13], [sflag:$0x3], $0x80, s17, s11, $0xb8;
	[tilespmem:$0x1E400] =	vst v63  }
0x177: {  	_ =	swait.ge [sflag:s8], $0x4000  }
0x178: {  	[sflag:s8] =	ssyncset.done $0x0  }
0x179: {  	s18 =	simm.s32 $0x180;
	[sflag:s8] =	ssyncadd.s32 $0xFFFFC000  }
0x17a: {  	[tilespmem:s13], [sflag:$0x2] =	stream.indirect.gather [hbm4b:s0+s11], $0x80, s18, s11, $0xb8;
	[tilespmem:$0x1E400] =	vst v63  }
0x17b: {  	_ =	swait.ge [sflag:s14], $0x4000  }
0x17c: {  	[sflag:s14] =	ssyncset.done $0x0  }
0x17d: {  	s17 =	simm.s32 $0x1500;
	[sflag:s14] =	ssyncadd.s32 $0xFFFFC000  }
0x17e: {  	[spmem:s3] =	stream.indirect.scatter.add.f32 [tilespmem:s12], [sflag:$0x3], $0x80, s17, s11, $0xb8;
	[tilespmem:$0x1E400] =	vst v63  }
0x17f: {  	_ =	swait.ge [sflag:s8], $0x4000  }
0x180: {  	[sflag:s8] =	ssyncset.done $0x0  }
0x181: {  	s18 =	simm.s32 $0x200;
	[sflag:s8] =	ssyncadd.s32 $0xFFFFC000  }
0x182: {  	[tilespmem:s12], [sflag:$0x1] =	stream.indirect.gather [hbm4b:s0+s11], $0x80, s18, s11, $0xb8;
	[tilespmem:$0x1E400] =	vst v63  }
0x183: {  	_ =	swait.ge [sflag:s16], $0x4000  }
0x184: {  	[sflag:s16] =	ssyncset.done $0x0  }
0x185: {  	s17 =	simm.s32 $0x1580;
	[sflag:s16] =	ssyncadd.s32 $0xFFFFC000  }
0x186: {  	[spmem:s3] =	stream.indirect.scatter.add.f32 [tilespmem:s13], [sflag:$0x3], $0x80, s17, s11, $0xb8;
	[tilespmem:$0x1E400] =	vst v63  }
0x187: {  	_ =	swait.ge [sflag:s8], $0x4000  }
0x188: {  	[sflag:s8] =	ssyncset.done $0x0  }
0x189: {  	s18 =	simm.s32 $0x280;
	[sflag:s8] =	ssyncadd.s32 $0xFFFFC000  }
0x18a: {  	[tilespmem:s13], [sflag:$0x2] =	stream.indirect.gather [hbm4b:s0+s11], $0x80, s18, s11, $0xb8;
	[tilespmem:$0x1E400] =	vst v63  }
0x18b: {  	_ =	swait.ge [sflag:s14], $0x4000  }
0x18c: {  	[sflag:s14] =	ssyncset.done $0x0  }
0x18d: {  	s17 =	simm.s32 $0x1600;
	[sflag:s14] =	ssyncadd.s32 $0xFFFFC000  }
0x18e: {  	[spmem:s3] =	stream.indirect.scatter.add.f32 [tilespmem:s12], [sflag:$0x3], $0x80, s17, s11, $0xb8;
	[tilespmem:$0x1E400] =	vst v63  }
0x18f: {  	_ =	swait.ge [sflag:s8], $0x4000  }
0x190: {  	[sflag:s8] =	ssyncset.done $0x0  }
0x191: {  	s18 =	simm.s32 $0x300;
	[sflag:s8] =	ssyncadd.s32 $0xFFFFC000  }
0x192: {  	[tilespmem:s12], [sflag:$0x1] =	stream.indirect.gather [hbm4b:s0+s11], $0x80, s18, s11, $0xb8;
	[tilespmem:$0x1E400] =	vst v63  }
0x193: {  	_ =	swait.ge [sflag:s16], $0x4000  }
0x194: {  	[sflag:s16] =	ssyncset.done $0x0  }
0x195: {  	s17 =	simm.s32 $0x1680;
	[sflag:s16] =	ssyncadd.s32 $0xFFFFC000  }
0x196: {  	[spmem:s3] =	stream.indirect.scatter.add.f32 [tilespmem:s13], [sflag:$0x3], $0x80, s17, s11, $0xb8;
	[tilespmem:$0x1E400] =	vst v63  }
0x197: {  	_ =	swait.ge [sflag:s8], $0x4000  }
0x198: {  	[sflag:s8] =	ssyncset.done $0x0  }
0x199: {  	s18 =	simm.s32 $0x380;
	[sflag:s8] =	ssyncadd.s32 $0xFFFFC000  }
0x19a: {  	[tilespmem:s13], [sflag:$0x2] =	stream.indirect.gather [hbm4b:s0+s11], $0x80, s18, s11, $0xb8;
	[tilespmem:$0x1E400] =	vst v63  }
0x19b: {  	_ =	swait.ge [sflag:s14], $0x4000  }
0x19c: {  	[sflag:s14] =	ssyncset.done $0x0  }
0x19d: {  	s17 =	simm.s32 $0x1700;
	[sflag:s14] =	ssyncadd.s32 $0xFFFFC000  }
0x19e: {  	[spmem:s3] =	stream.indirect.scatter.add.f32 [tilespmem:s12], [sflag:$0x3], $0x80, s17, s11, $0xb8;
	[tilespmem:$0x1E400] =	vst v63  }
0x19f: {  	_ =	swait.ge [sflag:s8], $0x4000  }
0x1a0: {  	[sflag:s8] =	ssyncset.done $0x0  }
0x1a1: {  	s18 =	simm.s32 $0x400;
	[sflag:s8] =	ssyncadd.s32 $0xFFFFC000  }
0x1a2: {  	[tilespmem:s12], [sflag:$0x1] =	stream.indirect.gather [hbm4b:s0+s11], $0x80, s18, s11, $0xb8;
	[tilespmem:$0x1E400] =	vst v63  }
0x1a3: {  	_ =	swait.ge [sflag:s16], $0x4000  }
0x1a4: {  	[sflag:s16] =	ssyncset.done $0x0  }
0x1a5: {  	s17 =	simm.s32 $0x1780;
	[sflag:s16] =	ssyncadd.s32 $0xFFFFC000  }
0x1a6: {  	[spmem:s3] =	stream.indirect.scatter.add.f32 [tilespmem:s13], [sflag:$0x3], $0x80, s17, s11, $0xb8;
	[tilespmem:$0x1E400] =	vst v63  }
0x1a7: {  	_ =	swait.ge [sflag:s8], $0x4000  }
0x1a8: {  	[sflag:s8] =	ssyncset.done $0x0  }
0x1a9: {  	s18 =	simm.s32 $0x480;
	[sflag:s8] =	ssyncadd.s32 $0xFFFFC000  }
0x1aa: {  	[tilespmem:s13], [sflag:$0x2] =	stream.indirect.gather [hbm4b:s0+s11], $0x80, s18, s11, $0xb8;
	[tilespmem:$0x1E400] =	vst v63  }
0x1ab: {  	_ =	swait.ge [sflag:s14], $0x4000  }
0x1ac: {  	[sflag:s14] =	ssyncset.done $0x0  }
0x1ad: {  	s17 =	simm.s32 $0x1800;
	[sflag:s14] =	ssyncadd.s32 $0xFFFFC000  }
0x1ae: {  	[spmem:s3] =	stream.indirect.scatter.add.f32 [tilespmem:s12], [sflag:$0x3], $0x80, s17, s11, $0xb8;
	[tilespmem:$0x1E400] =	vst v63  }
0x1af: {  	_ =	swait.ge [sflag:s8], $0x4000  }
0x1b0: {  	[sflag:s8] =	ssyncset.done $0x0  }
0x1b1: {  	s18 =	simm.s32 $0x500;
	[sflag:s8] =	ssyncadd.s32 $0xFFFFC000  }
0x1b2: {  	[tilespmem:s12], [sflag:$0x1] =	stream.indirect.gather [hbm4b:s0+s11], $0x80, s18, s11, $0xb8;
	[tilespmem:$0x1E400] =	vst v63  }
0x1b3: {  	_ =	swait.ge [sflag:s16], $0x4000  }
0x1b4: {  	[sflag:s16] =	ssyncset.done $0x0  }
0x1b5: {  	s17 =	simm.s32 $0x1880;
	[sflag:s16] =	ssyncadd.s32 $0xFFFFC000  }
0x1b6: {  	[spmem:s3] =	stream.indirect.scatter.add.f32 [tilespmem:s13], [sflag:$0x3], $0x80, s17, s11, $0xb8;
	[tilespmem:$0x1E400] =	vst v63  }
0x1b7: {  	_ =	swait.ge [sflag:s8], $0x4000  }
0x1b8: {  	[sflag:s8] =	ssyncset.done $0x0  }
0x1b9: {  	s18 =	simm.s32 $0x580;
	[sflag:s8] =	ssyncadd.s32 $0xFFFFC000  }
0x1ba: {  	[tilespmem:s13], [sflag:$0x2] =	stream.indirect.gather [hbm4b:s0+s11], $0x80, s18, s11, $0xb8;
	[tilespmem:$0x1E400] =	vst v63  }
0x1bb: {  	_ =	swait.ge [sflag:s14], $0x4000  }
0x1bc: {  	[sflag:s14] =	ssyncset.done $0x0  }
0x1bd: {  	s17 =	simm.s32 $0x1900;
	[sflag:s14] =	ssyncadd.s32 $0xFFFFC000  }
0x1be: {  	[spmem:s3] =	stream.indirect.scatter.add.f32 [tilespmem:s12], [sflag:$0x3], $0x80, s17, s11, $0xb8;
	[tilespmem:$0x1E400] =	vst v63  }
0x1bf: {  	_ =	swait.ge [sflag:s8], $0x4000  }
0x1c0: {  	[sflag:s8] =	ssyncset.done $0x0  }
0x1c1: {  	s18 =	simm.s32 $0x600;
	[sflag:s8] =	ssyncadd.s32 $0xFFFFC000  }
0x1c2: {  	[tilespmem:s12], [sflag:$0x1] =	stream.indirect.gather [hbm4b:s0+s11], $0x80, s18, s11, $0xb8;
	[tilespmem:$0x1E400] =	vst v63  }
0x1c3: {  	_ =	swait.ge [sflag:s16], $0x4000  }
0x1c4: {  	[sflag:s16] =	ssyncset.done $0x0  }
0x1c5: {  	s17 =	simm.s32 $0x1980;
	[sflag:s16] =	ssyncadd.s32 $0xFFFFC000  }
0x1c6: {  	[spmem:s3] =	stream.indirect.scatter.add.f32 [tilespmem:s13], [sflag:$0x3], $0x80, s17, s11, $0xb8;
	[tilespmem:$0x1E400] =	vst v63  }
0x1c7: {  	_ =	swait.ge [sflag:s8], $0x4000  }
0x1c8: {  	[sflag:s8] =	ssyncset.done $0x0  }
0x1c9: {  	s18 =	simm.s32 $0x680;
	[sflag:s8] =	ssyncadd.s32 $0xFFFFC000  }
0x1ca: {  	[tilespmem:s13], [sflag:$0x2] =	stream.indirect.gather [hbm4b:s0+s11], $0x80, s18, s11, $0xb8;
	[tilespmem:$0x1E400] =	vst v63  }
0x1cb: {  	_ =	swait.ge [sflag:s14], $0x4000  }
0x1cc: {  	[sflag:s14] =	ssyncset.done $0x0  }
0x1cd: {  	s17 =	simm.s32 $0x1A00;
	[sflag:s14] =	ssyncadd.s32 $0xFFFFC000  }
0x1ce: {  	[spmem:s3] =	stream.indirect.scatter.add.f32 [tilespmem:s12], [sflag:$0x3], $0x80, s17, s11, $0xb8;
	[tilespmem:$0x1E400] =	vst v63  }
0x1cf: {  	_ =	swait.ge [sflag:s8], $0x4000  }
0x1d0: {  	[sflag:s8] =	ssyncset.done $0x0  }
0x1d1: {  	s18 =	simm.s32 $0x700;
	[sflag:s8] =	ssyncadd.s32 $0xFFFFC000  }
0x1d2: {  	[tilespmem:s12], [sflag:$0x1] =	stream.indirect.gather [hbm4b:s0+s11], $0x80, s18, s11, $0xb8;
	[tilespmem:$0x1E400] =	vst v63  }
0x1d3: {  	_ =	swait.ge [sflag:s16], $0x4000  }
0x1d4: {  	[sflag:s16] =	ssyncset.done $0x0  }
0x1d5: {  	s17 =	simm.s32 $0x1A80;
	[sflag:s16] =	ssyncadd.s32 $0xFFFFC000  }
0x1d6: {  	[spmem:s3] =	stream.indirect.scatter.add.f32 [tilespmem:s13], [sflag:$0x3], $0x80, s17, s11, $0xb8;
	[tilespmem:$0x1E400] =	vst v63  }
0x1d7: {  	_ =	swait.ge [sflag:s8], $0x4000  }
0x1d8: {  	[sflag:s8] =	ssyncset.done $0x0  }
0x1d9: {  	s18 =	simm.s32 $0x780;
	[sflag:s8] =	ssyncadd.s32 $0xFFFFC000  }
0x1da: {  	[tilespmem:s13], [sflag:$0x2] =	stream.indirect.gather [hbm4b:s0+s11], $0x80, s18, s11, $0xb8;
	[tilespmem:$0x1E400] =	vst v63  }
0x1db: {  	_ =	swait.ge [sflag:s14], $0x4000  }
0x1dc: {  	[sflag:s14] =	ssyncset.done $0x0  }
0x1dd: {  	s17 =	simm.s32 $0x1B00;
	[sflag:s14] =	ssyncadd.s32 $0xFFFFC000  }
0x1de: {  	[spmem:s3] =	stream.indirect.scatter.add.f32 [tilespmem:s12], [sflag:$0x3], $0x80, s17, s11, $0xb8;
	[tilespmem:$0x1E400] =	vst v63  }
0x1df: {  	_ =	swait.ge [sflag:s8], $0x4000  }
0x1e0: {  	[sflag:s8] =	ssyncset.done $0x0  }
0x1e1: {  	s18 =	simm.s32 $0x800;
	[sflag:s8] =	ssyncadd.s32 $0xFFFFC000  }
0x1e2: {  	[tilespmem:s12], [sflag:$0x1] =	stream.indirect.gather [hbm4b:s0+s11], $0x80, s18, s11, $0xb8;
	[tilespmem:$0x1E400] =	vst v63  }
0x1e3: {  	_ =	swait.ge [sflag:s16], $0x4000  }
0x1e4: {  	[sflag:s16] =	ssyncset.done $0x0  }
0x1e5: {  	s17 =	simm.s32 $0x1B80;
	[sflag:s16] =	ssyncadd.s32 $0xFFFFC000  }
0x1e6: {  	[spmem:s3] =	stream.indirect.scatter.add.f32 [tilespmem:s13], [sflag:$0x3], $0x80, s17, s11, $0xb8;
	[tilespmem:$0x1E400] =	vst v63  }
0x1e7: {  	_ =	swait.ge [sflag:s8], $0x4000  }
0x1e8: {  	[sflag:s8] =	ssyncset.done $0x0  }
0x1e9: {  	s18 =	simm.s32 $0x880;
	[sflag:s8] =	ssyncadd.s32 $0xFFFFC000  }
0x1ea: {  	[tilespmem:s13], [sflag:$0x2] =	stream.indirect.gather [hbm4b:s0+s11], $0x80, s18, s11, $0xb8;
	[tilespmem:$0x1E400] =	vst v63  }
0x1eb: {  	_ =	swait.ge [sflag:s14], $0x4000  }
0x1ec: {  	[sflag:s14] =	ssyncset.done $0x0  }
0x1ed: {  	s17 =	simm.s32 $0x1C00;
	[sflag:s14] =	ssyncadd.s32 $0xFFFFC000  }
0x1ee: {  	[spmem:s3] =	stream.indirect.scatter.add.f32 [tilespmem:s12], [sflag:$0x3], $0x80, s17, s11, $0xb8;
	[tilespmem:$0x1E400] =	vst v63  }
0x1ef: {  	_ =	swait.ge [sflag:s8], $0x4000  }
0x1f0: {  	[sflag:s8] =	ssyncset.done $0x0  }
0x1f1: {  	s18 =	simm.s32 $0x900;
	[sflag:s8] =	ssyncadd.s32 $0xFFFFC000  }
0x1f2: {  	[tilespmem:s12], [sflag:$0x1] =	stream.indirect.gather [hbm4b:s0+s11], $0x80, s18, s11, $0xb8;
	[tilespmem:$0x1E400] =	vst v63  }
0x1f3: {  	_ =	swait.ge [sflag:s16], $0x4000  }
0x1f4: {  	[sflag:s16] =	ssyncset.done $0x0  }
0x1f5: {  	s17 =	simm.s32 $0x1C80;
	[sflag:s16] =	ssyncadd.s32 $0xFFFFC000  }
0x1f6: {  	[spmem:s3] =	stream.indirect.scatter.add.f32 [tilespmem:s13], [sflag:$0x3], $0x80, s17, s11, $0xb8;
	[tilespmem:$0x1E400] =	vst v63  }
0x1f7: {  	_ =	swait.ge [sflag:s8], $0x4000  }
0x1f8: {  	[sflag:s8] =	ssyncset.done $0x0  }
0x1f9: {  	s18 =	simm.s32 $0x980;
	[sflag:s8] =	ssyncadd.s32 $0xFFFFC000  }
0x1fa: {  	[tilespmem:s13], [sflag:$0x2] =	stream.indirect.gather [hbm4b:s0+s11], $0x80, s18, s11, $0xb8;
	[tilespmem:$0x1E400] =	vst v63  }
0x1fb: {  	_ =	swait.ge [sflag:s14], $0x4000  }
0x1fc: {  	[sflag:s14] =	ssyncset.done $0x0  }
0x1fd: {  	s17 =	simm.s32 $0x1D00;
	[sflag:s14] =	ssyncadd.s32 $0xFFFFC000  }
0x1fe: {  	[spmem:s3] =	stream.indirect.scatter.add.f32 [tilespmem:s12], [sflag:$0x3], $0x80, s17, s11, $0xb8;
	[tilespmem:$0x1E400] =	vst v63  }
0x1ff: {  	_ =	swait.ge [sflag:s8], $0x4000  }
0x200: {  	[sflag:s8] =	ssyncset.done $0x0  }
0x201: {  	s18 =	simm.s32 $0xA00;
	[sflag:s8] =	ssyncadd.s32 $0xFFFFC000  }
0x202: {  	[tilespmem:s12], [sflag:$0x1] =	stream.indirect.gather [hbm4b:s0+s11], $0x80, s18, s11, $0xb8;
	[tilespmem:$0x1E400] =	vst v63  }
0x203: {  	_ =	swait.ge [sflag:s16], $0x4000  }
0x204: {  	[sflag:s16] =	ssyncset.done $0x0  }
0x205: {  	s17 =	simm.s32 $0x1D80;
	[sflag:s16] =	ssyncadd.s32 $0xFFFFC000  }
0x206: {  	[spmem:s3] =	stream.indirect.scatter.add.f32 [tilespmem:s13], [sflag:$0x3], $0x80, s17, s11, $0xb8;
	[tilespmem:$0x1E400] =	vst v63  }
0x207: {  	_ =	swait.ge [sflag:s8], $0x4000  }
0x208: {  	[sflag:s8] =	ssyncset.done $0x0  }
0x209: {  	s18 =	simm.s32 $0xA80;
	[sflag:s8] =	ssyncadd.s32 $0xFFFFC000  }
0x20a: {  	[tilespmem:s13], [sflag:$0x2] =	stream.indirect.gather [hbm4b:s0+s11], $0x80, s18, s11, $0xb8;
	[tilespmem:$0x1E400] =	vst v63  }
0x20b: {  	_ =	swait.ge [sflag:s14], $0x4000  }
0x20c: {  	[sflag:s14] =	ssyncset.done $0x0  }
0x20d: {  	s17 =	simm.s32 $0x1E00;
	[sflag:s14] =	ssyncadd.s32 $0xFFFFC000  }
0x20e: {  	[spmem:s3] =	stream.indirect.scatter.add.f32 [tilespmem:s12], [sflag:$0x3], $0x80, s17, s11, $0xb8;
	[tilespmem:$0x1E400] =	vst v63  }
0x20f: {  	_ =	swait.ge [sflag:s8], $0x4000  }
0x210: {  	[sflag:s8] =	ssyncset.done $0x0  }
0x211: {  	s18 =	simm.s32 $0xB00;
	[sflag:s8] =	ssyncadd.s32 $0xFFFFC000  }
0x212: {  	[tilespmem:s12], [sflag:$0x1] =	stream.indirect.gather [hbm4b:s0+s11], $0x80, s18, s11, $0xb8;
	[tilespmem:$0x1E400] =	vst v63  }
0x213: {  	_ =	swait.ge [sflag:s16], $0x4000  }
0x214: {  	[sflag:s16] =	ssyncset.done $0x0  }
0x215: {  	s17 =	simm.s32 $0x1E80;
	[sflag:s16] =	ssyncadd.s32 $0xFFFFC000  }
0x216: {  	[spmem:s3] =	stream.indirect.scatter.add.f32 [tilespmem:s13], [sflag:$0x3], $0x80, s17, s11, $0xb8;
	[tilespmem:$0x1E400] =	vst v63  }
0x217: {  	_ =	swait.ge [sflag:s8], $0x4000  }
0x218: {  	[sflag:s8] =	ssyncset.done $0x0  }
0x219: {  	s18 =	simm.s32 $0xB80;
	[sflag:s8] =	ssyncadd.s32 $0xFFFFC000  }
0x21a: {  	[tilespmem:s13], [sflag:$0x2] =	stream.indirect.gather [hbm4b:s0+s11], $0x80, s18, s11, $0xb8;
	[tilespmem:$0x1E400] =	vst v63  }
0x21b: {  	_ =	swait.ge [sflag:s14], $0x4000  }
0x21c: {  	[sflag:s14] =	ssyncset.done $0x0  }
0x21d: {  	s17 =	simm.s32 $0x1F00;
	[sflag:s14] =	ssyncadd.s32 $0xFFFFC000  }
0x21e: {  	[spmem:s3] =	stream.indirect.scatter.add.f32 [tilespmem:s12], [sflag:$0x3], $0x80, s17, s11, $0xb8;
	[tilespmem:$0x1E400] =	vst v63  }
0x21f: {  	_ =	swait.ge [sflag:s8], $0x4000  }
0x220: {  	[sflag:s8] =	ssyncset.done $0x0  }
0x221: {  	s18 =	simm.s32 $0xC00;
	[sflag:s8] =	ssyncadd.s32 $0xFFFFC000  }
0x222: {  	[tilespmem:s12], [sflag:$0x1] =	stream.indirect.gather [hbm4b:s0+s11], $0x80, s18, s11, $0xb8;
	[tilespmem:$0x1E400] =	vst v63  }
0x223: {  	_ =	swait.ge [sflag:s16], $0x4000  }
0x224: {  	[sflag:s16] =	ssyncset.done $0x0  }
0x225: {  	s17 =	simm.s32 $0x1F80;
	[sflag:s16] =	ssyncadd.s32 $0xFFFFC000  }
0x226: {  	[spmem:s3] =	stream.indirect.scatter.add.f32 [tilespmem:s13], [sflag:$0x3], $0x80, s17, s11, $0xb8;
	[tilespmem:$0x1E400] =	vst v63  }
0x227: {  	_ =	swait.ge [sflag:s8], $0x4000  }
0x228: {  	[sflag:s8] =	ssyncset.done $0x0  }
0x229: {  	s18 =	simm.s32 $0xC80;
	[sflag:s8] =	ssyncadd.s32 $0xFFFFC000  }
0x22a: {  	[tilespmem:s13], [sflag:$0x2] =	stream.indirect.gather [hbm4b:s0+s11], $0x80, s18, s11, $0xb8;
	[tilespmem:$0x1E400] =	vst v63  }
0x22b: {  	_ =	swait.ge [sflag:s14], $0x4000  }
0x22c: {  	[sflag:s14] =	ssyncset.done $0x0  }
0x22d: {  	s17 =	simm.s32 $0x2000;
	[sflag:s14] =	ssyncadd.s32 $0xFFFFC000  }
0x22e: {  	[spmem:s3] =	stream.indirect.scatter.add.f32 [tilespmem:s12], [sflag:$0x3], $0x80, s17, s11, $0xb8;
	[tilespmem:$0x1E400] =	vst v63  }
0x22f: {  	_ =	swait.ge [sflag:s8], $0x4000  }
0x230: {  	[sflag:s8] =	ssyncset.done $0x0  }
0x231: {  	s18 =	simm.s32 $0xD00;
	[sflag:s8] =	ssyncadd.s32 $0xFFFFC000  }
0x232: {  	[tilespmem:s12], [sflag:$0x1] =	stream.indirect.gather [hbm4b:s0+s11], $0x80, s18, s11, $0xb8;
	[tilespmem:$0x1E400] =	vst v63  }
0x233: {  	_ =	swait.ge [sflag:s16], $0x4000  }
0x234: {  	[sflag:s16] =	ssyncset.done $0x0  }
0x235: {  	s17 =	simm.s32 $0x2080;
	[sflag:s16] =	ssyncadd.s32 $0xFFFFC000  }
0x236: {  	[spmem:s3] =	stream.indirect.scatter.add.f32 [tilespmem:s13], [sflag:$0x3], $0x80, s17, s11, $0xb8;
	[tilespmem:$0x1E400] =	vst v63  }
0x237: {  	_ =	swait.ge [sflag:s8], $0x4000  }
0x238: {  	[sflag:s8] =	ssyncset.done $0x0  }
0x239: {  	s18 =	simm.s32 $0xD80;
	[sflag:s8] =	ssyncadd.s32 $0xFFFFC000  }
0x23a: {  	[tilespmem:s13], [sflag:$0x2] =	stream.indirect.gather [hbm4b:s0+s11], $0x80, s18, s11, $0xb8;
	[tilespmem:$0x1E400] =	vst v63  }
0x23b: {  	_ =	swait.ge [sflag:s14], $0x4000  }
0x23c: {  	[sflag:s14] =	ssyncset.done $0x0  }
0x23d: {  	s17 =	simm.s32 $0x2100;
	[sflag:s14] =	ssyncadd.s32 $0xFFFFC000  }
0x23e: {  	[spmem:s3] =	stream.indirect.scatter.add.f32 [tilespmem:s12], [sflag:$0x3], $0x80, s17, s11, $0xb8;
	[tilespmem:$0x1E400] =	vst v63  }
0x23f: {  	_ =	swait.ge [sflag:s8], $0x4000  }
0x240: {  	[sflag:s8] =	ssyncset.done $0x0  }
0x241: {  	s18 =	simm.s32 $0xE00;
	[sflag:s8] =	ssyncadd.s32 $0xFFFFC000  }
0x242: {  	[tilespmem:s12], [sflag:$0x1] =	stream.indirect.gather [hbm4b:s0+s11], $0x80, s18, s11, $0xb8;
	[tilespmem:$0x1E400] =	vst v63  }
0x243: {  	_ =	swait.ge [sflag:s16], $0x4000  }
0x244: {  	[sflag:s16] =	ssyncset.done $0x0  }
0x245: {  	s17 =	simm.s32 $0x2180;
	[sflag:s16] =	ssyncadd.s32 $0xFFFFC000  }
0x246: {  	[spmem:s3] =	stream.indirect.scatter.add.f32 [tilespmem:s13], [sflag:$0x3], $0x80, s17, s11, $0xb8;
	[tilespmem:$0x1E400] =	vst v63  }
0x247: {  	_ =	swait.ge [sflag:s8], $0x4000  }
0x248: {  	[sflag:s8] =	ssyncset.done $0x0  }
0x249: {  	s18 =	simm.s32 $0xE80;
	[sflag:s8] =	ssyncadd.s32 $0xFFFFC000  }
0x24a: {  	[tilespmem:s13], [sflag:$0x2] =	stream.indirect.gather [hbm4b:s0+s11], $0x80, s18, s11, $0xb8;
	[tilespmem:$0x1E400] =	vst v63  }
0x24b: {  	_ =	swait.ge [sflag:s14], $0x4000  }
0x24c: {  	[sflag:s14] =	ssyncset.done $0x0  }
0x24d: {  	s17 =	simm.s32 $0x2200;
	[sflag:s14] =	ssyncadd.s32 $0xFFFFC000  }
0x24e: {  	[spmem:s3] =	stream.indirect.scatter.add.f32 [tilespmem:s12], [sflag:$0x3], $0x80, s17, s11, $0xb8;
	[tilespmem:$0x1E400] =	vst v63  }
0x24f: {  	_ =	swait.ge [sflag:s8], $0x4000  }
0x250: {  	[sflag:s8] =	ssyncset.done $0x0  }
0x251: {  	s18 =	simm.s32 $0xF00;
	[sflag:s8] =	ssyncadd.s32 $0xFFFFC000  }
0x252: {  	[tilespmem:s12], [sflag:$0x1] =	stream.indirect.gather [hbm4b:s0+s11], $0x80, s18, s11, $0xb8;
	[tilespmem:$0x1E400] =	vst v63  }
0x253: {  	_ =	swait.ge [sflag:s16], $0x4000  }
0x254: {  	[sflag:s16] =	ssyncset.done $0x0  }
0x255: {  	s17 =	simm.s32 $0x2280;
	[sflag:s16] =	ssyncadd.s32 $0xFFFFC000  }
0x256: {  	[spmem:s3] =	stream.indirect.scatter.add.f32 [tilespmem:s13], [sflag:$0x3], $0x80, s17, s11, $0xb8;
	[tilespmem:$0x1E400] =	vst v63  }
0x257: {  	_ =	swait.ge [sflag:s8], $0x4000  }
0x258: {  	[sflag:s8] =	ssyncset.done $0x0  }
0x259: {  	s18 =	simm.s32 $0xF80;
	[sflag:s8] =	ssyncadd.s32 $0xFFFFC000  }
0x25a: {  	[tilespmem:s13], [sflag:$0x2] =	stream.indirect.gather [hbm4b:s0+s11], $0x80, s18, s11, $0xb8;
	[tilespmem:$0x1E400] =	vst v63  }
0x25b: {  	_ =	swait.ge [sflag:s14], $0x4000  }
0x25c: {  	[sflag:s14] =	ssyncset.done $0x0  }
0x25d: {  	[sflag:s14] =	ssyncadd.s32 $0xFFFFC000  }
0x25e: {  	[spmem:s3] =	stream.indirect.scatter.add.f32 [tilespmem:s12], [sflag:$0x3], $0x80, s30, s11, $0xb8;
	[tilespmem:$0x1E400] =	vst v63  }
0x25f: {  	_ =	swait.ge [sflag:s8], $0x4000  }
0x260: {  	[sflag:s8] =	ssyncset.done $0x0  }
0x261: {  	[sflag:s8] =	ssyncadd.s32 $0xFFFFC000  }
0x262: {  	[tilespmem:s12], [sflag:$0x1] =	stream.indirect.gather [hbm4b:s0+s11], $0x80, s29, s11, $0xb8;
	[tilespmem:$0x1E400] =	vst v63  }
0x263: {  	_ =	swait.ge [sflag:s16], $0x4000  }
0x264: {  	[sflag:s16] =	ssyncset.done $0x0  }
0x265: {  	[sflag:s16] =	ssyncadd.s32 $0xFFFFC000  }
0x266: {  	[spmem:s3] =	stream.indirect.scatter.add.f32 [tilespmem:s13], [sflag:$0x3], $0x80, s28, s11, $0xb8;
	[tilespmem:$0x1E400] =	vst v63  }
0x267: {  	_ =	swait.ge [sflag:s8], $0x4000  }
0x268: {  	[sflag:s8] =	ssyncset.done $0x0  }
0x269: {  	[sflag:s8] =	ssyncadd.s32 $0xFFFFC000  }
0x26a: {  	[tilespmem:s13], [sflag:$0x2] =	stream.indirect.gather [hbm4b:s0+s11], $0x80, s26, s11, $0xb8;
	[tilespmem:$0x1E400] =	vst v63  }
0x26b: {  	_ =	swait.ge [sflag:s14], $0x4000  }
0x26c: {  	[sflag:s14] =	ssyncset.done $0x0  }
0x26d: {  	[sflag:s14] =	ssyncadd.s32 $0xFFFFC000  }
0x26e: {  	[spmem:s3] =	stream.indirect.scatter.add.f32 [tilespmem:s12], [sflag:$0x3], $0x80, s25, s11, $0xb8;
	[tilespmem:$0x1E400] =	vst v63  }
0x26f: {  	_ =	swait.ge [sflag:s8], $0x4000  }
0x270: {  	[sflag:s8] =	ssyncset.done $0x0  }
0x271: {  	[sflag:s8] =	ssyncadd.s32 $0xFFFFC000  }
0x272: {  	[tilespmem:s12], [sflag:$0x1] =	stream.indirect.gather [hbm4b:s0+s11], $0x80, s24, s11, $0xb8;
	[tilespmem:$0x1E400] =	vst v63  }
0x273: {  	_ =	swait.ge [sflag:s16], $0x4000  }
0x274: {  	[sflag:s16] =	ssyncset.done $0x0  }
0x275: {  	[sflag:s16] =	ssyncadd.s32 $0xFFFFC000  }
0x276: {  	[spmem:s3] =	stream.indirect.scatter.add.f32 [tilespmem:s13], [sflag:$0x3], $0x80, s23, s11, $0xb8;
	[tilespmem:$0x1E400] =	vst v63  }
0x277: {  	_ =	swait.ge [sflag:s8], $0x4000  }
0x278: {  	[sflag:s8] =	ssyncset.done $0x0  }
0x279: {  	[sflag:s8] =	ssyncadd.s32 $0xFFFFC000  }
0x27a: {  	[tilespmem:s13], [sflag:$0x2] =	stream.indirect.gather [hbm4b:s0+s11], $0x80, s22, s11, $0xb8;
	[tilespmem:$0x1E400] =	vst v63  }
0x27b: {  	_ =	swait.ge [sflag:s14], $0x4000  }
0x27c: {  	[sflag:s14] =	ssyncset.done $0x0  }
0x27d: {  	[sflag:s14] =	ssyncadd.s32 $0xFFFFC000  }
0x27e: {  	[spmem:s3] =	stream.indirect.scatter.add.f32 [tilespmem:s12], [sflag:$0x3], $0x80, s21, s11, $0xb8;
	[tilespmem:$0x1E400] =	vst v63  }
0x27f: {  	_ =	swait.ge [sflag:s8], $0x4000  }
0x280: {  	[sflag:s8] =	ssyncset.done $0x0  }
0x281: {  	[sflag:s8] =	ssyncadd.s32 $0xFFFFC000  }
0x282: {  	[tilespmem:s12], [sflag:$0x1] =	stream.indirect.gather [hbm4b:s0+s11], $0x80, s20, s11, $0xb8;
	[tilespmem:$0x1E400] =	vst v63  }
0x283: {  	_ =	swait.ge [sflag:s16], $0x4000  }
0x284: {  	[sflag:s16] =	ssyncset.done $0x0  }
0x285: {  	[sflag:s16] =	ssyncadd.s32 $0xFFFFC000  }
0x286: {  	[spmem:s3] =	stream.indirect.scatter.add.f32 [tilespmem:s13], [sflag:$0x3], $0x80, s19, s11, $0xb8;
	[tilespmem:$0x1E400] =	vst v63  }
0x287: {  	_ =	swait.ge [sflag:s8], $0x4000  }
0x288: {  	[sflag:s8] =	ssyncset.done $0x0  }
0x289: {  	[sflag:s8] =	ssyncadd.s32 $0xFFFFC000  }
0x28a: {  	[tilespmem:s13], [sflag:$0x2] =	stream.indirect.gather [hbm4b:s0+s11], $0x80, s15, s11, $0xb8;
	[tilespmem:$0x1E400] =	vst v63  }
0x28b: {  	_ =	swait.ge [sflag:s14], $0x4000  }
0x28c: {  	[sflag:s14] =	ssyncset.done $0x0  }
0x28d: {  	[sflag:s14] =	ssyncadd.s32 $0xFFFFC000  }
0x28e: {  	[spmem:s3] =	stream.indirect.scatter.add.f32 [tilespmem:s12], [sflag:$0x3], $0x80, s10, s11, $0xb8;
	[tilespmem:$0x1E400] =	vst v63  }
0x28f: {  	_ =	swait.ge [sflag:s8], $0x4000  }
0x290: {  	[sflag:s8] =	ssyncset.done $0x0  }
0x291: {  	[sflag:s8] =	ssyncadd.s32 $0xFFFFC000  }
0x292: {  	[tilespmem:s12], [sflag:$0x1] =	stream.indirect.gather [hbm4b:s0+s11], $0x80, s7, s11, $0xb8;
	[tilespmem:$0x1E400] =	vst v63  }
0x293: {  	_ =	swait.ge [sflag:s16], $0x4000  }
0x294: {  	[sflag:s16] =	ssyncset.done $0x0  }
0x295: {  	[sflag:s16] =	ssyncadd.s32 $0xFFFFC000  }
0x296: {  	[spmem:s3] =	stream.indirect.scatter.add.f32 [tilespmem:s13], [sflag:$0x3], $0x80, s6, s11, $0xb8;
	[tilespmem:$0x1E400] =	vst v63  }
0x297: {  	_ =	swait.ge [sflag:s8], $0x4000  }
0x298: {  	[sflag:s8] =	ssyncset.done $0x0  }
0x299: {  	[sflag:s8] =	ssyncadd.s32 $0xFFFFC000  }
0x29a: {  	[tilespmem:s13], [sflag:$0x2] =	stream.indirect.gather [hbm4b:s0+s11], $0x80, s5, s11, $0xb8;
	[tilespmem:$0x1E400] =	vst v63  }
0x29b: {  	_ =	swait.ge [sflag:s14], $0x4000  }
0x29c: {  	[sflag:s14] =	ssyncset.done $0x0  }
0x29d: {  	[sflag:s14] =	ssyncadd.s32 $0xFFFFC000  }
0x29e: {  	[spmem:s3] =	stream.indirect.scatter.add.f32 [tilespmem:s12], [sflag:$0x3], $0x80, s2, s11, $0xb8;
	[tilespmem:$0x1E400] =	vst v63  }
0x29f: {  	_ =	swait.ge [sflag:s8], $0x4000  }
0x2a0: {  	[sflag:s8] =	ssyncset.done $0x0  }
0x2a1: {  	[sflag:s8] =	ssyncadd.s32 $0xFFFFC000  }
0x2a2: {  	_ =	swait.ge [sflag:s16], $0x4000  }
0x2a3: {  	[sflag:s16] =	ssyncset.done $0x0  }
0x2a4: {  	[sflag:s16] =	ssyncadd.s32 $0xFFFFC000  }
0x2a5: {  	[spmem:s3] =	stream.indirect.scatter.add.f32 [tilespmem:s13], [sflag:$0x3], $0x80, s1, s11, $0xb8;
	[tilespmem:$0x1E400] =	vst v63  }
0x2a6: {  	_ =	swait.ge [sflag:s8], $0x4000  }
0x2a7: {  	[sflag:s8] =	ssyncset.done $0x0  }
0x2a8: {  	[sflag:s8] =	ssyncadd.s32 $0xFFFFC000  }
0x2a9: {  	[bflag:$0x0] =	sbarrier.arrive $0xFFFF  }
0x2aa: {  	s28 =	rddreg [dreg:$0xf]  }
0x2ab: {  	s1 =	ssub.s32 $0x2, s28  }
0x2ac: {  	s30 =	sshrl.u32 s1, $0x1  }
0x2ad: {  	s17 =	ssub.s32 s1, s30  }
0x2ae: {  	s17 =	smax.u32 s17, $0x1  }
0x2af: {  	p0 =	sne.s32 s17, $0x1  }
.Ltmp0:
0x2b0: {  	s29 =	rddreg [dreg:$0xa];
	(pc) =	sbr.rel @!p0 .LBB2_3-.Ltmp0, $4  }
0x2b1: {  	[dreg:$0xd] =	wrdreg s9  }
0x2b2: {  	[dreg:$0xe] =	wrdreg s31  }
0x2b3: {  	[hbm:s29], [sflag:s9] =	dma.local [spmem:s31], $0x2780  }
0x2b4: {  	_ =	swait.ge [sflag:s8], $0x2780;
	s17 =	sadd.s32 $0xFFFFFFFF, s17  }
0x2b5: {  	s4 =	simm.s32 $0x1400;
	s19 =	simm.s32 $0x100  }
0x2b6: {  	s20 =	simm.s32 $0x1480;
	s21 =	simm.s32 $0x180;
	s22 =	simm.s32 $0x1500  }
0x2b7: {  	s23 =	simm.s32 $0x200;
	s24 =	simm.s32 $0x1580;
	s25 =	simm.s32 $0x280  }
0x2b8: {  	s26 =	simm.s32 $0x1600;
	s28 =	simm.s32 $0x300;
	s29 =	simm.s32 $0x1680  }
0x2b9: {  	s30 =	simm.s32 $0x380;
	s31 =	simm.s32 $0x1700;
	s2 =	simm.s32 $0x400  }
0x2ba: {  	s6 =	simm.s32 $0x1800;
	s15 =	simm.s32 $0x500;
	s7 =	simm.s32 $0x1880  }
.LBB2_2:
0x2bb: {  	s18 =	rddreg [dreg:$0x7];
	[sflag:s8] =	ssyncset.done $0x0  }
0x2bc: {  	s9 =	rddreg [dreg:$0xd];
	[sflag:s8] =	ssyncadd.s32 $0xFFFFD880  }
0x2bd: {  	s10 =	rddreg [dreg:$0xe]  }
0x2be: {  	[spmem:s10], [sflag:s9] =	dma.local [hbm:s18], $0x2780  }
0x2bf: {  	_ =	swait.ge [sflag:s8], $0x2780  }
0x2c0: {  	[sflag:s8] =	ssyncset.done $0x0  }
0x2c1: {  	[sflag:s8] =	ssyncadd.s32 $0xFFFFD880  }
0x2c2: {  	[bflag:$0x0] =	sbarrier.arrive $0xFFFF  }
0x2c3: {  	s1 =	simm.s32 $0x0;
	s5 =	rddreg [dreg:$0xb]  }
0x2c4: {  	[tilespmem:s1], [sflag:$0x3] =	stream.linear.gather [hbm4b:s5+s1], $0x1400, $0x38;
	[tilespmem:$0x1E400] =	vst v63  }
0x2c5: {  	_ =	swait.ge [sflag:s8], $0x1400  }
0x2c6: {  	[sflag:s8] =	ssyncset.done $0x0  }
0x2c7: {  	s5 =	rddreg [dreg:$0xc];
	[sflag:s8] =	ssyncadd.s32 $0xFFFFEC00  }
0x2c8: {  	[tilespmem:s4], [sflag:$0x3] =	stream.linear.gather [hbm4b:s5+s1], $0x1400, $0x38;
	[tilespmem:$0x1E400] =	vst v63  }
0x2c9: {  	_ =	swait.ge [sflag:s8], $0x1400  }
0x2ca: {  	[sflag:s8] =	ssyncset.done $0x0  }
0x2cb: {  	[sflag:s8] =	ssyncadd.s32 $0xFFFFEC00  }
0x2cc: {  	[tilespmem:s12], [sflag:$0x1] =	stream.indirect.gather [hbm4b:s0+s11], $0x80, s1, s11, $0xb8;
	[tilespmem:$0x1E400] =	vst v63  }
0x2cd: {  	_ = 	snop  }
0x2ce: {  	[tilespmem:s13], [sflag:$0x2] =	stream.indirect.gather [hbm4b:s0+s11], $0x80, s11, s11, $0xb8;
	[tilespmem:$0x1E400] =	vst v63  }
0x2cf: {  	_ =	swait.ge [sflag:s14], $0x4000  }
0x2d0: {  	[sflag:s14] =	ssyncset.done $0x0  }
0x2d1: {  	[sflag:s14] =	ssyncadd.s32 $0xFFFFC000  }
0x2d2: {  	[spmem:s3] =	stream.indirect.scatter.add.f32 [tilespmem:s12], [sflag:$0x3], $0x80, s4, s11, $0xb8;
	[tilespmem:$0x1E400] =	vst v63  }
0x2d3: {  	_ =	swait.ge [sflag:s8], $0x4000  }
0x2d4: {  	[sflag:s8] =	ssyncset.done $0x0  }
0x2d5: {  	[sflag:s8] =	ssyncadd.s32 $0xFFFFC000  }
0x2d6: {  	[tilespmem:s12], [sflag:$0x1] =	stream.indirect.gather [hbm4b:s0+s11], $0x80, s19, s11, $0xb8;
	[tilespmem:$0x1E400] =	vst v63  }
0x2d7: {  	_ =	swait.ge [sflag:s16], $0x4000  }
0x2d8: {  	[sflag:s16] =	ssyncset.done $0x0  }
0x2d9: {  	[sflag:s16] =	ssyncadd.s32 $0xFFFFC000  }
0x2da: {  	[spmem:s3] =	stream.indirect.scatter.add.f32 [tilespmem:s13], [sflag:$0x3], $0x80, s20, s11, $0xb8;
	[tilespmem:$0x1E400] =	vst v63  }
0x2db: {  	_ =	swait.ge [sflag:s8], $0x4000  }
0x2dc: {  	[sflag:s8] =	ssyncset.done $0x0  }
0x2dd: {  	[sflag:s8] =	ssyncadd.s32 $0xFFFFC000  }
0x2de: {  	[tilespmem:s13], [sflag:$0x2] =	stream.indirect.gather [hbm4b:s0+s11], $0x80, s21, s11, $0xb8;
	[tilespmem:$0x1E400] =	vst v63  }
0x2df: {  	_ =	swait.ge [sflag:s14], $0x4000  }
0x2e0: {  	[sflag:s14] =	ssyncset.done $0x0  }
0x2e1: {  	[sflag:s14] =	ssyncadd.s32 $0xFFFFC000  }
0x2e2: {  	[spmem:s3] =	stream.indirect.scatter.add.f32 [tilespmem:s12], [sflag:$0x3], $0x80, s22, s11, $0xb8;
	[tilespmem:$0x1E400] =	vst v63  }
0x2e3: {  	_ =	swait.ge [sflag:s8], $0x4000  }
0x2e4: {  	[sflag:s8] =	ssyncset.done $0x0  }
0x2e5: {  	[sflag:s8] =	ssyncadd.s32 $0xFFFFC000  }
0x2e6: {  	[tilespmem:s12], [sflag:$0x1] =	stream.indirect.gather [hbm4b:s0+s11], $0x80, s23, s11, $0xb8;
	[tilespmem:$0x1E400] =	vst v63  }
0x2e7: {  	_ =	swait.ge [sflag:s16], $0x4000  }
0x2e8: {  	[sflag:s16] =	ssyncset.done $0x0  }
0x2e9: {  	[sflag:s16] =	ssyncadd.s32 $0xFFFFC000  }
0x2ea: {  	[spmem:s3] =	stream.indirect.scatter.add.f32 [tilespmem:s13], [sflag:$0x3], $0x80, s24, s11, $0xb8;
	[tilespmem:$0x1E400] =	vst v63  }
0x2eb: {  	_ =	swait.ge [sflag:s8], $0x4000  }
0x2ec: {  	[sflag:s8] =	ssyncset.done $0x0  }
0x2ed: {  	[sflag:s8] =	ssyncadd.s32 $0xFFFFC000  }
0x2ee: {  	[tilespmem:s13], [sflag:$0x2] =	stream.indirect.gather [hbm4b:s0+s11], $0x80, s25, s11, $0xb8;
	[tilespmem:$0x1E400] =	vst v63  }
0x2ef: {  	_ =	swait.ge [sflag:s14], $0x4000  }
0x2f0: {  	[sflag:s14] =	ssyncset.done $0x0  }
0x2f1: {  	[sflag:s14] =	ssyncadd.s32 $0xFFFFC000  }
0x2f2: {  	[spmem:s3] =	stream.indirect.scatter.add.f32 [tilespmem:s12], [sflag:$0x3], $0x80, s26, s11, $0xb8;
	[tilespmem:$0x1E400] =	vst v63  }
0x2f3: {  	_ =	swait.ge [sflag:s8], $0x4000  }
0x2f4: {  	[sflag:s8] =	ssyncset.done $0x0  }
0x2f5: {  	[sflag:s8] =	ssyncadd.s32 $0xFFFFC000  }
0x2f6: {  	[tilespmem:s12], [sflag:$0x1] =	stream.indirect.gather [hbm4b:s0+s11], $0x80, s28, s11, $0xb8;
	[tilespmem:$0x1E400] =	vst v63  }
0x2f7: {  	_ =	swait.ge [sflag:s16], $0x4000  }
0x2f8: {  	[sflag:s16] =	ssyncset.done $0x0  }
0x2f9: {  	[sflag:s16] =	ssyncadd.s32 $0xFFFFC000  }
0x2fa: {  	[spmem:s3] =	stream.indirect.scatter.add.f32 [tilespmem:s13], [sflag:$0x3], $0x80, s29, s11, $0xb8;
	[tilespmem:$0x1E400] =	vst v63  }
0x2fb: {  	_ =	swait.ge [sflag:s8], $0x4000  }
0x2fc: {  	[sflag:s8] =	ssyncset.done $0x0  }
0x2fd: {  	[sflag:s8] =	ssyncadd.s32 $0xFFFFC000  }
0x2fe: {  	[tilespmem:s13], [sflag:$0x2] =	stream.indirect.gather [hbm4b:s0+s11], $0x80, s30, s11, $0xb8;
	[tilespmem:$0x1E400] =	vst v63  }
0x2ff: {  	_ =	swait.ge [sflag:s14], $0x4000  }
0x300: {  	[sflag:s14] =	ssyncset.done $0x0  }
0x301: {  	[sflag:s14] =	ssyncadd.s32 $0xFFFFC000  }
0x302: {  	[spmem:s3] =	stream.indirect.scatter.add.f32 [tilespmem:s12], [sflag:$0x3], $0x80, s31, s11, $0xb8;
	[tilespmem:$0x1E400] =	vst v63  }
0x303: {  	_ =	swait.ge [sflag:s8], $0x4000  }
0x304: {  	[sflag:s8] =	ssyncset.done $0x0  }
0x305: {  	[sflag:s8] =	ssyncadd.s32 $0xFFFFC000  }
0x306: {  	[tilespmem:s12], [sflag:$0x1] =	stream.indirect.gather [hbm4b:s0+s11], $0x80, s2, s11, $0xb8;
	[tilespmem:$0x1E400] =	vst v63  }
0x307: {  	_ =	swait.ge [sflag:s16], $0x4000  }
0x308: {  	[sflag:s16] =	ssyncset.done $0x0  }
0x309: {  	s5 =	simm.s32 $0x1780;
	[sflag:s16] =	ssyncadd.s32 $0xFFFFC000  }
0x30a: {  	[spmem:s3] =	stream.indirect.scatter.add.f32 [tilespmem:s13], [sflag:$0x3], $0x80, s5, s11, $0xb8;
	[tilespmem:$0x1E400] =	vst v63  }
0x30b: {  	_ =	swait.ge [sflag:s8], $0x4000  }
0x30c: {  	[sflag:s8] =	ssyncset.done $0x0  }
0x30d: {  	s5 =	simm.s32 $0x480;
	[sflag:s8] =	ssyncadd.s32 $0xFFFFC000  }
0x30e: {  	[tilespmem:s13], [sflag:$0x2] =	stream.indirect.gather [hbm4b:s0+s11], $0x80, s5, s11, $0xb8;
	[tilespmem:$0x1E400] =	vst v63  }
0x30f: {  	_ =	swait.ge [sflag:s14], $0x4000  }
0x310: {  	[sflag:s14] =	ssyncset.done $0x0  }
0x311: {  	[sflag:s14] =	ssyncadd.s32 $0xFFFFC000  }
0x312: {  	[spmem:s3] =	stream.indirect.scatter.add.f32 [tilespmem:s12], [sflag:$0x3], $0x80, s6, s11, $0xb8;
	[tilespmem:$0x1E400] =	vst v63  }
0x313: {  	_ =	swait.ge [sflag:s8], $0x4000  }
0x314: {  	[sflag:s8] =	ssyncset.done $0x0  }
0x315: {  	[sflag:s8] =	ssyncadd.s32 $0xFFFFC000  }
0x316: {  	[tilespmem:s12], [sflag:$0x1] =	stream.indirect.gather [hbm4b:s0+s11], $0x80, s15, s11, $0xb8;
	[tilespmem:$0x1E400] =	vst v63  }
0x317: {  	_ =	swait.ge [sflag:s16], $0x4000  }
0x318: {  	[sflag:s16] =	ssyncset.done $0x0  }
0x319: {  	[sflag:s16] =	ssyncadd.s32 $0xFFFFC000  }
0x31a: {  	[spmem:s3] =	stream.indirect.scatter.add.f32 [tilespmem:s13], [sflag:$0x3], $0x80, s7, s11, $0xb8;
	[tilespmem:$0x1E400] =	vst v63  }
0x31b: {  	_ =	swait.ge [sflag:s8], $0x4000  }
0x31c: {  	[sflag:s8] =	ssyncset.done $0x0  }
0x31d: {  	s18 =	simm.s32 $0x580;
	[sflag:s8] =	ssyncadd.s32 $0xFFFFC000  }
0x31e: {  	[tilespmem:s13], [sflag:$0x2] =	stream.indirect.gather [hbm4b:s0+s11], $0x80, s18, s11, $0xb8;
	[tilespmem:$0x1E400] =	vst v63  }
0x31f: {  	_ =	swait.ge [sflag:s14], $0x4000  }
0x320: {  	[sflag:s14] =	ssyncset.done $0x0  }
0x321: {  	s18 =	simm.s32 $0x1900;
	[sflag:s14] =	ssyncadd.s32 $0xFFFFC000  }
0x322: {  	[spmem:s3] =	stream.indirect.scatter.add.f32 [tilespmem:s12], [sflag:$0x3], $0x80, s18, s11, $0xb8;
	[tilespmem:$0x1E400] =	vst v63  }
0x323: {  	_ =	swait.ge [sflag:s8], $0x4000  }
0x324: {  	[sflag:s8] =	ssyncset.done $0x0  }
0x325: {  	s18 =	simm.s32 $0x600;
	[sflag:s8] =	ssyncadd.s32 $0xFFFFC000  }
0x326: {  	[tilespmem:s12], [sflag:$0x1] =	stream.indirect.gather [hbm4b:s0+s11], $0x80, s18, s11, $0xb8;
	[tilespmem:$0x1E400] =	vst v63  }
0x327: {  	_ =	swait.ge [sflag:s16], $0x4000  }
0x328: {  	[sflag:s16] =	ssyncset.done $0x0  }
0x329: {  	s18 =	simm.s32 $0x1980;
	[sflag:s16] =	ssyncadd.s32 $0xFFFFC000  }
0x32a: {  	[spmem:s3] =	stream.indirect.scatter.add.f32 [tilespmem:s13], [sflag:$0x3], $0x80, s18, s11, $0xb8;
	[tilespmem:$0x1E400] =	vst v63  }
0x32b: {  	_ =	swait.ge [sflag:s8], $0x4000  }
0x32c: {  	[sflag:s8] =	ssyncset.done $0x0  }
0x32d: {  	s18 =	simm.s32 $0x680;
	[sflag:s8] =	ssyncadd.s32 $0xFFFFC000  }
0x32e: {  	[tilespmem:s13], [sflag:$0x2] =	stream.indirect.gather [hbm4b:s0+s11], $0x80, s18, s11, $0xb8;
	[tilespmem:$0x1E400] =	vst v63  }
0x32f: {  	_ =	swait.ge [sflag:s14], $0x4000  }
0x330: {  	[sflag:s14] =	ssyncset.done $0x0  }
0x331: {  	s18 =	simm.s32 $0x1A00;
	[sflag:s14] =	ssyncadd.s32 $0xFFFFC000  }
0x332: {  	[spmem:s3] =	stream.indirect.scatter.add.f32 [tilespmem:s12], [sflag:$0x3], $0x80, s18, s11, $0xb8;
	[tilespmem:$0x1E400] =	vst v63  }
0x333: {  	_ =	swait.ge [sflag:s8], $0x4000  }
0x334: {  	[sflag:s8] =	ssyncset.done $0x0  }
0x335: {  	s18 =	simm.s32 $0x700;
	[sflag:s8] =	ssyncadd.s32 $0xFFFFC000  }
0x336: {  	[tilespmem:s12], [sflag:$0x1] =	stream.indirect.gather [hbm4b:s0+s11], $0x80, s18, s11, $0xb8;
	[tilespmem:$0x1E400] =	vst v63  }
0x337: {  	_ =	swait.ge [sflag:s16], $0x4000  }
0x338: {  	[sflag:s16] =	ssyncset.done $0x0  }
0x339: {  	s18 =	simm.s32 $0x1A80;
	[sflag:s16] =	ssyncadd.s32 $0xFFFFC000  }
0x33a: {  	[spmem:s3] =	stream.indirect.scatter.add.f32 [tilespmem:s13], [sflag:$0x3], $0x80, s18, s11, $0xb8;
	[tilespmem:$0x1E400] =	vst v63  }
0x33b: {  	_ =	swait.ge [sflag:s8], $0x4000  }
0x33c: {  	[sflag:s8] =	ssyncset.done $0x0  }
0x33d: {  	s18 =	simm.s32 $0x780;
	[sflag:s8] =	ssyncadd.s32 $0xFFFFC000  }
0x33e: {  	[tilespmem:s13], [sflag:$0x2] =	stream.indirect.gather [hbm4b:s0+s11], $0x80, s18, s11, $0xb8;
	[tilespmem:$0x1E400] =	vst v63  }
0x33f: {  	_ =	swait.ge [sflag:s14], $0x4000  }
0x340: {  	[sflag:s14] =	ssyncset.done $0x0  }
0x341: {  	s18 =	simm.s32 $0x1B00;
	[sflag:s14] =	ssyncadd.s32 $0xFFFFC000  }
0x342: {  	[spmem:s3] =	stream.indirect.scatter.add.f32 [tilespmem:s12], [sflag:$0x3], $0x80, s18, s11, $0xb8;
	[tilespmem:$0x1E400] =	vst v63  }
0x343: {  	_ =	swait.ge [sflag:s8], $0x4000  }
0x344: {  	[sflag:s8] =	ssyncset.done $0x0  }
0x345: {  	s18 =	simm.s32 $0x800;
	[sflag:s8] =	ssyncadd.s32 $0xFFFFC000  }
0x346: {  	[tilespmem:s12], [sflag:$0x1] =	stream.indirect.gather [hbm4b:s0+s11], $0x80, s18, s11, $0xb8;
	[tilespmem:$0x1E400] =	vst v63  }
0x347: {  	_ =	swait.ge [sflag:s16], $0x4000  }
0x348: {  	[sflag:s16] =	ssyncset.done $0x0  }
0x349: {  	s18 =	simm.s32 $0x1B80;
	[sflag:s16] =	ssyncadd.s32 $0xFFFFC000  }
0x34a: {  	[spmem:s3] =	stream.indirect.scatter.add.f32 [tilespmem:s13], [sflag:$0x3], $0x80, s18, s11, $0xb8;
	[tilespmem:$0x1E400] =	vst v63  }
0x34b: {  	_ =	swait.ge [sflag:s8], $0x4000  }
0x34c: {  	[sflag:s8] =	ssyncset.done $0x0  }
0x34d: {  	s18 =	simm.s32 $0x880;
	[sflag:s8] =	ssyncadd.s32 $0xFFFFC000  }
0x34e: {  	[tilespmem:s13], [sflag:$0x2] =	stream.indirect.gather [hbm4b:s0+s11], $0x80, s18, s11, $0xb8;
	[tilespmem:$0x1E400] =	vst v63  }
0x34f: {  	_ =	swait.ge [sflag:s14], $0x4000  }
0x350: {  	[sflag:s14] =	ssyncset.done $0x0  }
0x351: {  	s18 =	simm.s32 $0x1C00;
	[sflag:s14] =	ssyncadd.s32 $0xFFFFC000  }
0x352: {  	[spmem:s3] =	stream.indirect.scatter.add.f32 [tilespmem:s12], [sflag:$0x3], $0x80, s18, s11, $0xb8;
	[tilespmem:$0x1E400] =	vst v63  }
0x353: {  	_ =	swait.ge [sflag:s8], $0x4000  }
0x354: {  	[sflag:s8] =	ssyncset.done $0x0  }
0x355: {  	s18 =	simm.s32 $0x900;
	[sflag:s8] =	ssyncadd.s32 $0xFFFFC000  }
0x356: {  	[tilespmem:s12], [sflag:$0x1] =	stream.indirect.gather [hbm4b:s0+s11], $0x80, s18, s11, $0xb8;
	[tilespmem:$0x1E400] =	vst v63  }
0x357: {  	_ =	swait.ge [sflag:s16], $0x4000  }
0x358: {  	[sflag:s16] =	ssyncset.done $0x0  }
0x359: {  	s18 =	simm.s32 $0x1C80;
	[sflag:s16] =	ssyncadd.s32 $0xFFFFC000  }
0x35a: {  	[spmem:s3] =	stream.indirect.scatter.add.f32 [tilespmem:s13], [sflag:$0x3], $0x80, s18, s11, $0xb8;
	[tilespmem:$0x1E400] =	vst v63  }
0x35b: {  	_ =	swait.ge [sflag:s8], $0x4000  }
0x35c: {  	[sflag:s8] =	ssyncset.done $0x0  }
0x35d: {  	s18 =	simm.s32 $0x980;
	[sflag:s8] =	ssyncadd.s32 $0xFFFFC000  }
0x35e: {  	[tilespmem:s13], [sflag:$0x2] =	stream.indirect.gather [hbm4b:s0+s11], $0x80, s18, s11, $0xb8;
	[tilespmem:$0x1E400] =	vst v63  }
0x35f: {  	_ =	swait.ge [sflag:s14], $0x4000  }
0x360: {  	[sflag:s14] =	ssyncset.done $0x0  }
0x361: {  	s18 =	simm.s32 $0x1D00;
	[sflag:s14] =	ssyncadd.s32 $0xFFFFC000  }
0x362: {  	[spmem:s3] =	stream.indirect.scatter.add.f32 [tilespmem:s12], [sflag:$0x3], $0x80, s18, s11, $0xb8;
	[tilespmem:$0x1E400] =	vst v63  }
0x363: {  	_ =	swait.ge [sflag:s8], $0x4000  }
0x364: {  	[sflag:s8] =	ssyncset.done $0x0  }
0x365: {  	s18 =	simm.s32 $0xA00;
	[sflag:s8] =	ssyncadd.s32 $0xFFFFC000  }
0x366: {  	[tilespmem:s12], [sflag:$0x1] =	stream.indirect.gather [hbm4b:s0+s11], $0x80, s18, s11, $0xb8;
	[tilespmem:$0x1E400] =	vst v63  }
0x367: {  	_ =	swait.ge [sflag:s16], $0x4000  }
0x368: {  	[sflag:s16] =	ssyncset.done $0x0  }
0x369: {  	s18 =	simm.s32 $0x1D80;
	[sflag:s16] =	ssyncadd.s32 $0xFFFFC000  }
0x36a: {  	[spmem:s3] =	stream.indirect.scatter.add.f32 [tilespmem:s13], [sflag:$0x3], $0x80, s18, s11, $0xb8;
	[tilespmem:$0x1E400] =	vst v63  }
0x36b: {  	_ =	swait.ge [sflag:s8], $0x4000  }
0x36c: {  	[sflag:s8] =	ssyncset.done $0x0  }
0x36d: {  	s18 =	simm.s32 $0xA80;
	[sflag:s8] =	ssyncadd.s32 $0xFFFFC000  }
0x36e: {  	[tilespmem:s13], [sflag:$0x2] =	stream.indirect.gather [hbm4b:s0+s11], $0x80, s18, s11, $0xb8;
	[tilespmem:$0x1E400] =	vst v63  }
0x36f: {  	_ =	swait.ge [sflag:s14], $0x4000  }
0x370: {  	[sflag:s14] =	ssyncset.done $0x0  }
0x371: {  	s18 =	simm.s32 $0x1E00;
	[sflag:s14] =	ssyncadd.s32 $0xFFFFC000  }
0x372: {  	[spmem:s3] =	stream.indirect.scatter.add.f32 [tilespmem:s12], [sflag:$0x3], $0x80, s18, s11, $0xb8;
	[tilespmem:$0x1E400] =	vst v63  }
0x373: {  	_ =	swait.ge [sflag:s8], $0x4000  }
0x374: {  	[sflag:s8] =	ssyncset.done $0x0  }
0x375: {  	s18 =	simm.s32 $0xB00;
	[sflag:s8] =	ssyncadd.s32 $0xFFFFC000  }
0x376: {  	[tilespmem:s12], [sflag:$0x1] =	stream.indirect.gather [hbm4b:s0+s11], $0x80, s18, s11, $0xb8;
	[tilespmem:$0x1E400] =	vst v63  }
0x377: {  	_ =	swait.ge [sflag:s16], $0x4000  }
0x378: {  	[sflag:s16] =	ssyncset.done $0x0  }
0x379: {  	s18 =	simm.s32 $0x1E80;
	[sflag:s16] =	ssyncadd.s32 $0xFFFFC000  }
0x37a: {  	[spmem:s3] =	stream.indirect.scatter.add.f32 [tilespmem:s13], [sflag:$0x3], $0x80, s18, s11, $0xb8;
	[tilespmem:$0x1E400] =	vst v63  }
0x37b: {  	_ =	swait.ge [sflag:s8], $0x4000  }
0x37c: {  	[sflag:s8] =	ssyncset.done $0x0  }
0x37d: {  	s18 =	simm.s32 $0xB80;
	[sflag:s8] =	ssyncadd.s32 $0xFFFFC000  }
0x37e: {  	[tilespmem:s13], [sflag:$0x2] =	stream.indirect.gather [hbm4b:s0+s11], $0x80, s18, s11, $0xb8;
	[tilespmem:$0x1E400] =	vst v63  }
0x37f: {  	_ =	swait.ge [sflag:s14], $0x4000  }
0x380: {  	[sflag:s14] =	ssyncset.done $0x0  }
0x381: {  	s18 =	simm.s32 $0x1F00;
	[sflag:s14] =	ssyncadd.s32 $0xFFFFC000  }
0x382: {  	[spmem:s3] =	stream.indirect.scatter.add.f32 [tilespmem:s12], [sflag:$0x3], $0x80, s18, s11, $0xb8;
	[tilespmem:$0x1E400] =	vst v63  }
0x383: {  	_ =	swait.ge [sflag:s8], $0x4000  }
0x384: {  	[sflag:s8] =	ssyncset.done $0x0  }
0x385: {  	s18 =	simm.s32 $0xC00;
	[sflag:s8] =	ssyncadd.s32 $0xFFFFC000  }
0x386: {  	[tilespmem:s12], [sflag:$0x1] =	stream.indirect.gather [hbm4b:s0+s11], $0x80, s18, s11, $0xb8;
	[tilespmem:$0x1E400] =	vst v63  }
0x387: {  	_ =	swait.ge [sflag:s16], $0x4000  }
0x388: {  	[sflag:s16] =	ssyncset.done $0x0  }
0x389: {  	s18 =	simm.s32 $0x1F80;
	[sflag:s16] =	ssyncadd.s32 $0xFFFFC000  }
0x38a: {  	[spmem:s3] =	stream.indirect.scatter.add.f32 [tilespmem:s13], [sflag:$0x3], $0x80, s18, s11, $0xb8;
	[tilespmem:$0x1E400] =	vst v63  }
0x38b: {  	_ =	swait.ge [sflag:s8], $0x4000  }
0x38c: {  	[sflag:s8] =	ssyncset.done $0x0  }
0x38d: {  	s18 =	simm.s32 $0xC80;
	[sflag:s8] =	ssyncadd.s32 $0xFFFFC000  }
0x38e: {  	[tilespmem:s13], [sflag:$0x2] =	stream.indirect.gather [hbm4b:s0+s11], $0x80, s18, s11, $0xb8;
	[tilespmem:$0x1E400] =	vst v63  }
0x38f: {  	_ =	swait.ge [sflag:s14], $0x4000  }
0x390: {  	[sflag:s14] =	ssyncset.done $0x0  }
0x391: {  	s18 =	simm.s32 $0x2000;
	[sflag:s14] =	ssyncadd.s32 $0xFFFFC000  }
0x392: {  	[spmem:s3] =	stream.indirect.scatter.add.f32 [tilespmem:s12], [sflag:$0x3], $0x80, s18, s11, $0xb8;
	[tilespmem:$0x1E400] =	vst v63  }
0x393: {  	_ =	swait.ge [sflag:s8], $0x4000  }
0x394: {  	[sflag:s8] =	ssyncset.done $0x0  }
0x395: {  	s18 =	simm.s32 $0xD00;
	[sflag:s8] =	ssyncadd.s32 $0xFFFFC000  }
0x396: {  	[tilespmem:s12], [sflag:$0x1] =	stream.indirect.gather [hbm4b:s0+s11], $0x80, s18, s11, $0xb8;
	[tilespmem:$0x1E400] =	vst v63  }
0x397: {  	_ =	swait.ge [sflag:s16], $0x4000  }
0x398: {  	[sflag:s16] =	ssyncset.done $0x0  }
0x399: {  	s18 =	simm.s32 $0x2080;
	[sflag:s16] =	ssyncadd.s32 $0xFFFFC000  }
0x39a: {  	[spmem:s3] =	stream.indirect.scatter.add.f32 [tilespmem:s13], [sflag:$0x3], $0x80, s18, s11, $0xb8;
	[tilespmem:$0x1E400] =	vst v63  }
0x39b: {  	_ =	swait.ge [sflag:s8], $0x4000  }
0x39c: {  	[sflag:s8] =	ssyncset.done $0x0  }
0x39d: {  	s18 =	simm.s32 $0xD80;
	[sflag:s8] =	ssyncadd.s32 $0xFFFFC000  }
0x39e: {  	[tilespmem:s13], [sflag:$0x2] =	stream.indirect.gather [hbm4b:s0+s11], $0x80, s18, s11, $0xb8;
	[tilespmem:$0x1E400] =	vst v63  }
0x39f: {  	_ =	swait.ge [sflag:s14], $0x4000  }
0x3a0: {  	[sflag:s14] =	ssyncset.done $0x0  }
0x3a1: {  	s18 =	simm.s32 $0x2100;
	[sflag:s14] =	ssyncadd.s32 $0xFFFFC000  }
0x3a2: {  	[spmem:s3] =	stream.indirect.scatter.add.f32 [tilespmem:s12], [sflag:$0x3], $0x80, s18, s11, $0xb8;
	[tilespmem:$0x1E400] =	vst v63  }
0x3a3: {  	_ =	swait.ge [sflag:s8], $0x4000  }
0x3a4: {  	[sflag:s8] =	ssyncset.done $0x0  }
0x3a5: {  	s18 =	simm.s32 $0xE00;
	[sflag:s8] =	ssyncadd.s32 $0xFFFFC000  }
0x3a6: {  	[tilespmem:s12], [sflag:$0x1] =	stream.indirect.gather [hbm4b:s0+s11], $0x80, s18, s11, $0xb8;
	[tilespmem:$0x1E400] =	vst v63  }
0x3a7: {  	_ =	swait.ge [sflag:s16], $0x4000  }
0x3a8: {  	[sflag:s16] =	ssyncset.done $0x0  }
0x3a9: {  	s18 =	simm.s32 $0x2180;
	[sflag:s16] =	ssyncadd.s32 $0xFFFFC000  }
0x3aa: {  	[spmem:s3] =	stream.indirect.scatter.add.f32 [tilespmem:s13], [sflag:$0x3], $0x80, s18, s11, $0xb8;
	[tilespmem:$0x1E400] =	vst v63  }
0x3ab: {  	_ =	swait.ge [sflag:s8], $0x4000  }
0x3ac: {  	[sflag:s8] =	ssyncset.done $0x0  }
0x3ad: {  	s18 =	simm.s32 $0xE80;
	[sflag:s8] =	ssyncadd.s32 $0xFFFFC000  }
0x3ae: {  	[tilespmem:s13], [sflag:$0x2] =	stream.indirect.gather [hbm4b:s0+s11], $0x80, s18, s11, $0xb8;
	[tilespmem:$0x1E400] =	vst v63  }
0x3af: {  	_ =	swait.ge [sflag:s14], $0x4000  }
0x3b0: {  	[sflag:s14] =	ssyncset.done $0x0  }
0x3b1: {  	s18 =	simm.s32 $0x2200;
	[sflag:s14] =	ssyncadd.s32 $0xFFFFC000  }
0x3b2: {  	[spmem:s3] =	stream.indirect.scatter.add.f32 [tilespmem:s12], [sflag:$0x3], $0x80, s18, s11, $0xb8;
	[tilespmem:$0x1E400] =	vst v63  }
0x3b3: {  	_ =	swait.ge [sflag:s8], $0x4000  }
0x3b4: {  	[sflag:s8] =	ssyncset.done $0x0  }
0x3b5: {  	s18 =	simm.s32 $0xF00;
	[sflag:s8] =	ssyncadd.s32 $0xFFFFC000  }
0x3b6: {  	[tilespmem:s12], [sflag:$0x1] =	stream.indirect.gather [hbm4b:s0+s11], $0x80, s18, s11, $0xb8;
	[tilespmem:$0x1E400] =	vst v63  }
0x3b7: {  	_ =	swait.ge [sflag:s16], $0x4000  }
0x3b8: {  	[sflag:s16] =	ssyncset.done $0x0  }
0x3b9: {  	s18 =	simm.s32 $0x2280;
	[sflag:s16] =	ssyncadd.s32 $0xFFFFC000  }
0x3ba: {  	[spmem:s3] =	stream.indirect.scatter.add.f32 [tilespmem:s13], [sflag:$0x3], $0x80, s18, s11, $0xb8;
	[tilespmem:$0x1E400] =	vst v63  }
0x3bb: {  	_ =	swait.ge [sflag:s8], $0x4000  }
0x3bc: {  	[sflag:s8] =	ssyncset.done $0x0  }
0x3bd: {  	s18 =	simm.s32 $0xF80;
	[sflag:s8] =	ssyncadd.s32 $0xFFFFC000  }
0x3be: {  	[tilespmem:s13], [sflag:$0x2] =	stream.indirect.gather [hbm4b:s0+s11], $0x80, s18, s11, $0xb8;
	[tilespmem:$0x1E400] =	vst v63  }
0x3bf: {  	_ =	swait.ge [sflag:s14], $0x4000  }
0x3c0: {  	[sflag:s14] =	ssyncset.done $0x0  }
0x3c1: {  	s18 =	simm.s32 $0x2300;
	[sflag:s14] =	ssyncadd.s32 $0xFFFFC000  }
0x3c2: {  	[spmem:s3] =	stream.indirect.scatter.add.f32 [tilespmem:s12], [sflag:$0x3], $0x80, s18, s11, $0xb8;
	[tilespmem:$0x1E400] =	vst v63  }
0x3c3: {  	_ =	swait.ge [sflag:s8], $0x4000  }
0x3c4: {  	[sflag:s8] =	ssyncset.done $0x0  }
0x3c5: {  	s18 =	simm.s32 $0x1000;
	[sflag:s8] =	ssyncadd.s32 $0xFFFFC000  }
0x3c6: {  	[tilespmem:s12], [sflag:$0x1] =	stream.indirect.gather [hbm4b:s0+s11], $0x80, s18, s11, $0xb8;
	[tilespmem:$0x1E400] =	vst v63  }
0x3c7: {  	_ =	swait.ge [sflag:s16], $0x4000  }
0x3c8: {  	[sflag:s16] =	ssyncset.done $0x0  }
0x3c9: {  	s18 =	simm.s32 $0x2380;
	[sflag:s16] =	ssyncadd.s32 $0xFFFFC000  }
0x3ca: {  	[spmem:s3] =	stream.indirect.scatter.add.f32 [tilespmem:s13], [sflag:$0x3], $0x80, s18, s11, $0xb8;
	[tilespmem:$0x1E400] =	vst v63  }
0x3cb: {  	_ =	swait.ge [sflag:s8], $0x4000  }
0x3cc: {  	[sflag:s8] =	ssyncset.done $0x0  }
0x3cd: {  	s18 =	simm.s32 $0x1080;
	[sflag:s8] =	ssyncadd.s32 $0xFFFFC000  }
0x3ce: {  	[tilespmem:s13], [sflag:$0x2] =	stream.indirect.gather [hbm4b:s0+s11], $0x80, s18, s11, $0xb8;
	[tilespmem:$0x1E400] =	vst v63  }
0x3cf: {  	_ =	swait.ge [sflag:s14], $0x4000  }
0x3d0: {  	[sflag:s14] =	ssyncset.done $0x0  }
0x3d1: {  	s18 =	simm.s32 $0x2400;
	[sflag:s14] =	ssyncadd.s32 $0xFFFFC000  }
0x3d2: {  	[spmem:s3] =	stream.indirect.scatter.add.f32 [tilespmem:s12], [sflag:$0x3], $0x80, s18, s11, $0xb8;
	[tilespmem:$0x1E400] =	vst v63  }
0x3d3: {  	_ =	swait.ge [sflag:s8], $0x4000  }
0x3d4: {  	[sflag:s8] =	ssyncset.done $0x0  }
0x3d5: {  	s18 =	simm.s32 $0x1100;
	[sflag:s8] =	ssyncadd.s32 $0xFFFFC000  }
0x3d6: {  	[tilespmem:s12], [sflag:$0x1] =	stream.indirect.gather [hbm4b:s0+s11], $0x80, s18, s11, $0xb8;
	[tilespmem:$0x1E400] =	vst v63  }
0x3d7: {  	_ =	swait.ge [sflag:s16], $0x4000  }
0x3d8: {  	[sflag:s16] =	ssyncset.done $0x0  }
0x3d9: {  	s18 =	simm.s32 $0x2480;
	[sflag:s16] =	ssyncadd.s32 $0xFFFFC000  }
0x3da: {  	[spmem:s3] =	stream.indirect.scatter.add.f32 [tilespmem:s13], [sflag:$0x3], $0x80, s18, s11, $0xb8;
	[tilespmem:$0x1E400] =	vst v63  }
0x3db: {  	_ =	swait.ge [sflag:s8], $0x4000  }
0x3dc: {  	[sflag:s8] =	ssyncset.done $0x0  }
0x3dd: {  	s18 =	simm.s32 $0x1180;
	[sflag:s8] =	ssyncadd.s32 $0xFFFFC000  }
0x3de: {  	[tilespmem:s13], [sflag:$0x2] =	stream.indirect.gather [hbm4b:s0+s11], $0x80, s18, s11, $0xb8;
	[tilespmem:$0x1E400] =	vst v63  }
0x3df: {  	_ =	swait.ge [sflag:s14], $0x4000  }
0x3e0: {  	[sflag:s14] =	ssyncset.done $0x0  }
0x3e1: {  	s18 =	simm.s32 $0x2500;
	[sflag:s14] =	ssyncadd.s32 $0xFFFFC000  }
0x3e2: {  	[spmem:s3] =	stream.indirect.scatter.add.f32 [tilespmem:s12], [sflag:$0x3], $0x80, s18, s11, $0xb8;
	[tilespmem:$0x1E400] =	vst v63  }
0x3e3: {  	_ =	swait.ge [sflag:s8], $0x4000  }
0x3e4: {  	[sflag:s8] =	ssyncset.done $0x0  }
0x3e5: {  	s18 =	simm.s32 $0x1200;
	[sflag:s8] =	ssyncadd.s32 $0xFFFFC000  }
0x3e6: {  	[tilespmem:s12], [sflag:$0x1] =	stream.indirect.gather [hbm4b:s0+s11], $0x80, s18, s11, $0xb8;
	[tilespmem:$0x1E400] =	vst v63  }
0x3e7: {  	_ =	swait.ge [sflag:s16], $0x4000  }
0x3e8: {  	[sflag:s16] =	ssyncset.done $0x0  }
0x3e9: {  	s18 =	simm.s32 $0x2580;
	[sflag:s16] =	ssyncadd.s32 $0xFFFFC000  }
0x3ea: {  	[spmem:s3] =	stream.indirect.scatter.add.f32 [tilespmem:s13], [sflag:$0x3], $0x80, s18, s11, $0xb8;
	[tilespmem:$0x1E400] =	vst v63  }
0x3eb: {  	_ =	swait.ge [sflag:s8], $0x4000  }
0x3ec: {  	[sflag:s8] =	ssyncset.done $0x0  }
0x3ed: {  	s18 =	simm.s32 $0x1280;
	[sflag:s8] =	ssyncadd.s32 $0xFFFFC000  }
0x3ee: {  	[tilespmem:s13], [sflag:$0x2] =	stream.indirect.gather [hbm4b:s0+s11], $0x80, s18, s11, $0xb8;
	[tilespmem:$0x1E400] =	vst v63  }
0x3ef: {  	_ =	swait.ge [sflag:s14], $0x4000  }
0x3f0: {  	[sflag:s14] =	ssyncset.done $0x0  }
0x3f1: {  	s18 =	simm.s32 $0x2600;
	[sflag:s14] =	ssyncadd.s32 $0xFFFFC000  }
0x3f2: {  	[spmem:s3] =	stream.indirect.scatter.add.f32 [tilespmem:s12], [sflag:$0x3], $0x80, s18, s11, $0xb8;
	[tilespmem:$0x1E400] =	vst v63  }
0x3f3: {  	_ =	swait.ge [sflag:s8], $0x4000  }
0x3f4: {  	[sflag:s8] =	ssyncset.done $0x0  }
0x3f5: {  	s18 =	simm.s32 $0x1300;
	[sflag:s8] =	ssyncadd.s32 $0xFFFFC000  }
0x3f6: {  	[tilespmem:s12], [sflag:$0x1] =	stream.indirect.gather [hbm4b:s0+s11], $0x80, s18, s11, $0xb8;
	[tilespmem:$0x1E400] =	vst v63  }
0x3f7: {  	_ =	swait.ge [sflag:s16], $0x4000  }
0x3f8: {  	[sflag:s16] =	ssyncset.done $0x0  }
0x3f9: {  	s18 =	simm.s32 $0x2680;
	[sflag:s16] =	ssyncadd.s32 $0xFFFFC000  }
0x3fa: {  	[spmem:s3] =	stream.indirect.scatter.add.f32 [tilespmem:s13], [sflag:$0x3], $0x80, s18, s11, $0xb8;
	[tilespmem:$0x1E400] =	vst v63  }
0x3fb: {  	_ =	swait.ge [sflag:s8], $0x4000  }
0x3fc: {  	[sflag:s8] =	ssyncset.done $0x0  }
0x3fd: {  	s18 =	simm.s32 $0x1380;
	[sflag:s8] =	ssyncadd.s32 $0xFFFFC000  }
0x3fe: {  	[tilespmem:s13], [sflag:$0x2] =	stream.indirect.gather [hbm4b:s0+s11], $0x80, s18, s11, $0xb8;
	[tilespmem:$0x1E400] =	vst v63  }
0x3ff: {  	_ =	swait.ge [sflag:s14], $0x4000  }
0x400: {  	[sflag:s14] =	ssyncset.done $0x0  }
0x401: {  	s18 =	simm.s32 $0x2700;
	[sflag:s14] =	ssyncadd.s32 $0xFFFFC000  }
0x402: {  	[spmem:s3] =	stream.indirect.scatter.add.f32 [tilespmem:s12], [sflag:$0x3], $0x80, s18, s11, $0xb8;
	[tilespmem:$0x1E400] =	vst v63  }
0x403: {  	_ =	swait.ge [sflag:s8], $0x4000  }
0x404: {  	[sflag:s8] =	ssyncset.done $0x0  }
0x405: {  	[sflag:s8] =	ssyncadd.s32 $0xFFFFC000  }
0x406: {  	_ =	swait.ge [sflag:s16], $0x4000  }
0x407: {  	[sflag:s16] =	ssyncset.done $0x0  }
0x408: {  	s18 =	simm.s32 $0x2780;
	[sflag:s16] =	ssyncadd.s32 $0xFFFFC000  }
0x409: {  	[spmem:s3] =	stream.indirect.scatter.add.f32 [tilespmem:s13], [sflag:$0x3], $0x80, s18, s11, $0xb8;
	[tilespmem:$0x1E400] =	vst v63  }
0x40a: {  	_ =	swait.ge [sflag:s8], $0x4000  }
0x40b: {  	[sflag:s8] =	ssyncset.done $0x0  }
0x40c: {  	s18 =	rddreg [dreg:$0x8];
	[sflag:s8] =	ssyncadd.s32 $0xFFFFC000  }
0x40d: {  	[tilespmem:s1], [sflag:$0x3] =	stream.linear.gather [hbm4b:s18+s1], $0x1400, $0x38;
	[tilespmem:$0x1E400] =	vst v63  }
0x40e: {  	_ =	swait.ge [sflag:s8], $0x1400  }
0x40f: {  	[sflag:s8] =	ssyncset.done $0x0  }
0x410: {  	s18 =	rddreg [dreg:$0x9];
	[sflag:s8] =	ssyncadd.s32 $0xFFFFEC00  }
0x411: {  	[tilespmem:s4], [sflag:$0x3] =	stream.linear.gather [hbm4b:s18+s1], $0x1400, $0x38;
	[tilespmem:$0x1E400] =	vst v63  }
0x412: {  	_ =	swait.ge [sflag:s8], $0x1400  }
0x413: {  	[sflag:s8] =	ssyncset.done $0x0  }
0x414: {  	[sflag:s8] =	ssyncadd.s32 $0xFFFFEC00  }
0x415: {  	[tilespmem:s12], [sflag:$0x1] =	stream.indirect.gather [hbm4b:s0+s11], $0x80, s1, s11, $0xb8;
	[tilespmem:$0x1E400] =	vst v63  }
0x416: {  	_ = 	snop  }
0x417: {  	[tilespmem:s13], [sflag:$0x2] =	stream.indirect.gather [hbm4b:s0+s11], $0x80, s11, s11, $0xb8;
	[tilespmem:$0x1E400] =	vst v63  }
0x418: {  	_ =	swait.ge [sflag:s14], $0x4000  }
0x419: {  	[sflag:s14] =	ssyncset.done $0x0  }
0x41a: {  	[sflag:s14] =	ssyncadd.s32 $0xFFFFC000  }
0x41b: {  	[spmem:s3] =	stream.indirect.scatter.add.f32 [tilespmem:s12], [sflag:$0x3], $0x80, s4, s11, $0xb8;
	[tilespmem:$0x1E400] =	vst v63  }
0x41c: {  	_ =	swait.ge [sflag:s8], $0x4000  }
0x41d: {  	[sflag:s8] =	ssyncset.done $0x0  }
0x41e: {  	[sflag:s8] =	ssyncadd.s32 $0xFFFFC000  }
0x41f: {  	[tilespmem:s12], [sflag:$0x1] =	stream.indirect.gather [hbm4b:s0+s11], $0x80, s19, s11, $0xb8;
	[tilespmem:$0x1E400] =	vst v63  }
0x420: {  	_ =	swait.ge [sflag:s16], $0x4000  }
0x421: {  	[sflag:s16] =	ssyncset.done $0x0  }
0x422: {  	[sflag:s16] =	ssyncadd.s32 $0xFFFFC000  }
0x423: {  	[spmem:s3] =	stream.indirect.scatter.add.f32 [tilespmem:s13], [sflag:$0x3], $0x80, s20, s11, $0xb8;
	[tilespmem:$0x1E400] =	vst v63  }
0x424: {  	_ =	swait.ge [sflag:s8], $0x4000  }
0x425: {  	[sflag:s8] =	ssyncset.done $0x0  }
0x426: {  	[sflag:s8] =	ssyncadd.s32 $0xFFFFC000  }
0x427: {  	[tilespmem:s13], [sflag:$0x2] =	stream.indirect.gather [hbm4b:s0+s11], $0x80, s21, s11, $0xb8;
	[tilespmem:$0x1E400] =	vst v63  }
0x428: {  	_ =	swait.ge [sflag:s14], $0x4000  }
0x429: {  	[sflag:s14] =	ssyncset.done $0x0  }
0x42a: {  	[sflag:s14] =	ssyncadd.s32 $0xFFFFC000  }
0x42b: {  	[spmem:s3] =	stream.indirect.scatter.add.f32 [tilespmem:s12], [sflag:$0x3], $0x80, s22, s11, $0xb8;
	[tilespmem:$0x1E400] =	vst v63  }
0x42c: {  	_ =	swait.ge [sflag:s8], $0x4000  }
0x42d: {  	[sflag:s8] =	ssyncset.done $0x0  }
0x42e: {  	[sflag:s8] =	ssyncadd.s32 $0xFFFFC000  }
0x42f: {  	[tilespmem:s12], [sflag:$0x1] =	stream.indirect.gather [hbm4b:s0+s11], $0x80, s23, s11, $0xb8;
	[tilespmem:$0x1E400] =	vst v63  }
0x430: {  	_ =	swait.ge [sflag:s16], $0x4000  }
0x431: {  	[sflag:s16] =	ssyncset.done $0x0  }
0x432: {  	[sflag:s16] =	ssyncadd.s32 $0xFFFFC000  }
0x433: {  	[spmem:s3] =	stream.indirect.scatter.add.f32 [tilespmem:s13], [sflag:$0x3], $0x80, s24, s11, $0xb8;
	[tilespmem:$0x1E400] =	vst v63  }
0x434: {  	_ =	swait.ge [sflag:s8], $0x4000  }
0x435: {  	[sflag:s8] =	ssyncset.done $0x0  }
0x436: {  	[sflag:s8] =	ssyncadd.s32 $0xFFFFC000  }
0x437: {  	[tilespmem:s13], [sflag:$0x2] =	stream.indirect.gather [hbm4b:s0+s11], $0x80, s25, s11, $0xb8;
	[tilespmem:$0x1E400] =	vst v63  }
0x438: {  	_ =	swait.ge [sflag:s14], $0x4000  }
0x439: {  	[sflag:s14] =	ssyncset.done $0x0  }
0x43a: {  	[sflag:s14] =	ssyncadd.s32 $0xFFFFC000  }
0x43b: {  	[spmem:s3] =	stream.indirect.scatter.add.f32 [tilespmem:s12], [sflag:$0x3], $0x80, s26, s11, $0xb8;
	[tilespmem:$0x1E400] =	vst v63  }
0x43c: {  	_ =	swait.ge [sflag:s8], $0x4000  }
0x43d: {  	[sflag:s8] =	ssyncset.done $0x0  }
0x43e: {  	[sflag:s8] =	ssyncadd.s32 $0xFFFFC000  }
0x43f: {  	[tilespmem:s12], [sflag:$0x1] =	stream.indirect.gather [hbm4b:s0+s11], $0x80, s28, s11, $0xb8;
	[tilespmem:$0x1E400] =	vst v63  }
0x440: {  	_ =	swait.ge [sflag:s16], $0x4000  }
0x441: {  	[sflag:s16] =	ssyncset.done $0x0  }
0x442: {  	[sflag:s16] =	ssyncadd.s32 $0xFFFFC000  }
0x443: {  	[spmem:s3] =	stream.indirect.scatter.add.f32 [tilespmem:s13], [sflag:$0x3], $0x80, s29, s11, $0xb8;
	[tilespmem:$0x1E400] =	vst v63  }
0x444: {  	_ =	swait.ge [sflag:s8], $0x4000  }
0x445: {  	[sflag:s8] =	ssyncset.done $0x0  }
0x446: {  	[sflag:s8] =	ssyncadd.s32 $0xFFFFC000  }
0x447: {  	[tilespmem:s13], [sflag:$0x2] =	stream.indirect.gather [hbm4b:s0+s11], $0x80, s30, s11, $0xb8;
	[tilespmem:$0x1E400] =	vst v63  }
0x448: {  	_ =	swait.ge [sflag:s14], $0x4000  }
0x449: {  	[sflag:s14] =	ssyncset.done $0x0  }
0x44a: {  	[sflag:s14] =	ssyncadd.s32 $0xFFFFC000  }
0x44b: {  	[spmem:s3] =	stream.indirect.scatter.add.f32 [tilespmem:s12], [sflag:$0x3], $0x80, s31, s11, $0xb8;
	[tilespmem:$0x1E400] =	vst v63  }
0x44c: {  	_ =	swait.ge [sflag:s8], $0x4000  }
0x44d: {  	[sflag:s8] =	ssyncset.done $0x0  }
0x44e: {  	[sflag:s8] =	ssyncadd.s32 $0xFFFFC000  }
0x44f: {  	[tilespmem:s12], [sflag:$0x1] =	stream.indirect.gather [hbm4b:s0+s11], $0x80, s2, s11, $0xb8;
	[tilespmem:$0x1E400] =	vst v63  }
0x450: {  	_ =	swait.ge [sflag:s16], $0x4000  }
0x451: {  	[sflag:s16] =	ssyncset.done $0x0  }
0x452: {  	s18 =	simm.s32 $0x1780;
	[sflag:s16] =	ssyncadd.s32 $0xFFFFC000  }
0x453: {  	[spmem:s3] =	stream.indirect.scatter.add.f32 [tilespmem:s13], [sflag:$0x3], $0x80, s18, s11, $0xb8;
	[tilespmem:$0x1E400] =	vst v63  }
0x454: {  	_ =	swait.ge [sflag:s8], $0x4000  }
0x455: {  	[sflag:s8] =	ssyncset.done $0x0  }
0x456: {  	[sflag:s8] =	ssyncadd.s32 $0xFFFFC000  }
0x457: {  	[tilespmem:s13], [sflag:$0x2] =	stream.indirect.gather [hbm4b:s0+s11], $0x80, s5, s11, $0xb8;
	[tilespmem:$0x1E400] =	vst v63  }
0x458: {  	_ =	swait.ge [sflag:s14], $0x4000  }
0x459: {  	[sflag:s14] =	ssyncset.done $0x0  }
0x45a: {  	[sflag:s14] =	ssyncadd.s32 $0xFFFFC000  }
0x45b: {  	[spmem:s3] =	stream.indirect.scatter.add.f32 [tilespmem:s12], [sflag:$0x3], $0x80, s6, s11, $0xb8;
	[tilespmem:$0x1E400] =	vst v63  }
0x45c: {  	_ =	swait.ge [sflag:s8], $0x4000  }
0x45d: {  	[sflag:s8] =	ssyncset.done $0x0  }
0x45e: {  	[sflag:s8] =	ssyncadd.s32 $0xFFFFC000  }
0x45f: {  	[tilespmem:s12], [sflag:$0x1] =	stream.indirect.gather [hbm4b:s0+s11], $0x80, s15, s11, $0xb8;
	[tilespmem:$0x1E400] =	vst v63  }
0x460: {  	_ =	swait.ge [sflag:s16], $0x4000  }
0x461: {  	[sflag:s16] =	ssyncset.done $0x0  }
0x462: {  	[sflag:s16] =	ssyncadd.s32 $0xFFFFC000  }
0x463: {  	[spmem:s3] =	stream.indirect.scatter.add.f32 [tilespmem:s13], [sflag:$0x3], $0x80, s7, s11, $0xb8;
	[tilespmem:$0x1E400] =	vst v63  }
0x464: {  	_ =	swait.ge [sflag:s8], $0x4000  }
0x465: {  	[sflag:s8] =	ssyncset.done $0x0  }
0x466: {  	s18 =	simm.s32 $0x580;
	[sflag:s8] =	ssyncadd.s32 $0xFFFFC000  }
0x467: {  	[tilespmem:s13], [sflag:$0x2] =	stream.indirect.gather [hbm4b:s0+s11], $0x80, s18, s11, $0xb8;
	[tilespmem:$0x1E400] =	vst v63  }
0x468: {  	_ =	swait.ge [sflag:s14], $0x4000  }
0x469: {  	[sflag:s14] =	ssyncset.done $0x0  }
0x46a: {  	s5 =	simm.s32 $0x1900;
	[sflag:s14] =	ssyncadd.s32 $0xFFFFC000  }
0x46b: {  	[spmem:s3] =	stream.indirect.scatter.add.f32 [tilespmem:s12], [sflag:$0x3], $0x80, s5, s11, $0xb8;
	[tilespmem:$0x1E400] =	vst v63  }
0x46c: {  	_ =	swait.ge [sflag:s8], $0x4000  }
0x46d: {  	[sflag:s8] =	ssyncset.done $0x0  }
0x46e: {  	s18 =	simm.s32 $0x600;
	[sflag:s8] =	ssyncadd.s32 $0xFFFFC000  }
0x46f: {  	[tilespmem:s12], [sflag:$0x1] =	stream.indirect.gather [hbm4b:s0+s11], $0x80, s18, s11, $0xb8;
	[tilespmem:$0x1E400] =	vst v63  }
0x470: {  	_ =	swait.ge [sflag:s16], $0x4000  }
0x471: {  	[sflag:s16] =	ssyncset.done $0x0  }
0x472: {  	s5 =	simm.s32 $0x1980;
	[sflag:s16] =	ssyncadd.s32 $0xFFFFC000  }
0x473: {  	[spmem:s3] =	stream.indirect.scatter.add.f32 [tilespmem:s13], [sflag:$0x3], $0x80, s5, s11, $0xb8;
	[tilespmem:$0x1E400] =	vst v63  }
0x474: {  	_ =	swait.ge [sflag:s8], $0x4000  }
0x475: {  	[sflag:s8] =	ssyncset.done $0x0  }
0x476: {  	s18 =	simm.s32 $0x680;
	[sflag:s8] =	ssyncadd.s32 $0xFFFFC000  }
0x477: {  	[tilespmem:s13], [sflag:$0x2] =	stream.indirect.gather [hbm4b:s0+s11], $0x80, s18, s11, $0xb8;
	[tilespmem:$0x1E400] =	vst v63  }
0x478: {  	_ =	swait.ge [sflag:s14], $0x4000  }
0x479: {  	[sflag:s14] =	ssyncset.done $0x0  }
0x47a: {  	s5 =	simm.s32 $0x1A00;
	[sflag:s14] =	ssyncadd.s32 $0xFFFFC000  }
0x47b: {  	[spmem:s3] =	stream.indirect.scatter.add.f32 [tilespmem:s12], [sflag:$0x3], $0x80, s5, s11, $0xb8;
	[tilespmem:$0x1E400] =	vst v63  }
0x47c: {  	_ =	swait.ge [sflag:s8], $0x4000  }
0x47d: {  	[sflag:s8] =	ssyncset.done $0x0  }
0x47e: {  	s18 =	simm.s32 $0x700;
	[sflag:s8] =	ssyncadd.s32 $0xFFFFC000  }
0x47f: {  	[tilespmem:s12], [sflag:$0x1] =	stream.indirect.gather [hbm4b:s0+s11], $0x80, s18, s11, $0xb8;
	[tilespmem:$0x1E400] =	vst v63  }
0x480: {  	_ =	swait.ge [sflag:s16], $0x4000  }
0x481: {  	[sflag:s16] =	ssyncset.done $0x0  }
0x482: {  	s5 =	simm.s32 $0x1A80;
	[sflag:s16] =	ssyncadd.s32 $0xFFFFC000  }
0x483: {  	[spmem:s3] =	stream.indirect.scatter.add.f32 [tilespmem:s13], [sflag:$0x3], $0x80, s5, s11, $0xb8;
	[tilespmem:$0x1E400] =	vst v63  }
0x484: {  	_ =	swait.ge [sflag:s8], $0x4000  }
0x485: {  	[sflag:s8] =	ssyncset.done $0x0  }
0x486: {  	s18 =	simm.s32 $0x780;
	[sflag:s8] =	ssyncadd.s32 $0xFFFFC000  }
0x487: {  	[tilespmem:s13], [sflag:$0x2] =	stream.indirect.gather [hbm4b:s0+s11], $0x80, s18, s11, $0xb8;
	[tilespmem:$0x1E400] =	vst v63  }
0x488: {  	_ =	swait.ge [sflag:s14], $0x4000  }
0x489: {  	[sflag:s14] =	ssyncset.done $0x0  }
0x48a: {  	s5 =	simm.s32 $0x1B00;
	[sflag:s14] =	ssyncadd.s32 $0xFFFFC000  }
0x48b: {  	[spmem:s3] =	stream.indirect.scatter.add.f32 [tilespmem:s12], [sflag:$0x3], $0x80, s5, s11, $0xb8;
	[tilespmem:$0x1E400] =	vst v63  }
0x48c: {  	_ =	swait.ge [sflag:s8], $0x4000  }
0x48d: {  	[sflag:s8] =	ssyncset.done $0x0  }
0x48e: {  	s18 =	simm.s32 $0x800;
	[sflag:s8] =	ssyncadd.s32 $0xFFFFC000  }
0x48f: {  	[tilespmem:s12], [sflag:$0x1] =	stream.indirect.gather [hbm4b:s0+s11], $0x80, s18, s11, $0xb8;
	[tilespmem:$0x1E400] =	vst v63  }
0x490: {  	_ =	swait.ge [sflag:s16], $0x4000  }
0x491: {  	[sflag:s16] =	ssyncset.done $0x0  }
0x492: {  	s5 =	simm.s32 $0x1B80;
	[sflag:s16] =	ssyncadd.s32 $0xFFFFC000  }
0x493: {  	[spmem:s3] =	stream.indirect.scatter.add.f32 [tilespmem:s13], [sflag:$0x3], $0x80, s5, s11, $0xb8;
	[tilespmem:$0x1E400] =	vst v63  }
0x494: {  	_ =	swait.ge [sflag:s8], $0x4000  }
0x495: {  	[sflag:s8] =	ssyncset.done $0x0  }
0x496: {  	s18 =	simm.s32 $0x880;
	[sflag:s8] =	ssyncadd.s32 $0xFFFFC000  }
0x497: {  	[tilespmem:s13], [sflag:$0x2] =	stream.indirect.gather [hbm4b:s0+s11], $0x80, s18, s11, $0xb8;
	[tilespmem:$0x1E400] =	vst v63  }
0x498: {  	_ =	swait.ge [sflag:s14], $0x4000  }
0x499: {  	[sflag:s14] =	ssyncset.done $0x0  }
0x49a: {  	s5 =	simm.s32 $0x1C00;
	[sflag:s14] =	ssyncadd.s32 $0xFFFFC000  }
0x49b: {  	[spmem:s3] =	stream.indirect.scatter.add.f32 [tilespmem:s12], [sflag:$0x3], $0x80, s5, s11, $0xb8;
	[tilespmem:$0x1E400] =	vst v63  }
0x49c: {  	_ =	swait.ge [sflag:s8], $0x4000  }
0x49d: {  	[sflag:s8] =	ssyncset.done $0x0  }
0x49e: {  	s18 =	simm.s32 $0x900;
	[sflag:s8] =	ssyncadd.s32 $0xFFFFC000  }
0x49f: {  	[tilespmem:s12], [sflag:$0x1] =	stream.indirect.gather [hbm4b:s0+s11], $0x80, s18, s11, $0xb8;
	[tilespmem:$0x1E400] =	vst v63  }
0x4a0: {  	_ =	swait.ge [sflag:s16], $0x4000  }
0x4a1: {  	[sflag:s16] =	ssyncset.done $0x0  }
0x4a2: {  	s5 =	simm.s32 $0x1C80;
	[sflag:s16] =	ssyncadd.s32 $0xFFFFC000  }
0x4a3: {  	[spmem:s3] =	stream.indirect.scatter.add.f32 [tilespmem:s13], [sflag:$0x3], $0x80, s5, s11, $0xb8;
	[tilespmem:$0x1E400] =	vst v63  }
0x4a4: {  	_ =	swait.ge [sflag:s8], $0x4000  }
0x4a5: {  	[sflag:s8] =	ssyncset.done $0x0  }
0x4a6: {  	s18 =	simm.s32 $0x980;
	[sflag:s8] =	ssyncadd.s32 $0xFFFFC000  }
0x4a7: {  	[tilespmem:s13], [sflag:$0x2] =	stream.indirect.gather [hbm4b:s0+s11], $0x80, s18, s11, $0xb8;
	[tilespmem:$0x1E400] =	vst v63  }
0x4a8: {  	_ =	swait.ge [sflag:s14], $0x4000  }
0x4a9: {  	[sflag:s14] =	ssyncset.done $0x0  }
0x4aa: {  	s5 =	simm.s32 $0x1D00;
	[sflag:s14] =	ssyncadd.s32 $0xFFFFC000  }
0x4ab: {  	[spmem:s3] =	stream.indirect.scatter.add.f32 [tilespmem:s12], [sflag:$0x3], $0x80, s5, s11, $0xb8;
	[tilespmem:$0x1E400] =	vst v63  }
0x4ac: {  	_ =	swait.ge [sflag:s8], $0x4000  }
0x4ad: {  	[sflag:s8] =	ssyncset.done $0x0  }
0x4ae: {  	s18 =	simm.s32 $0xA00;
	[sflag:s8] =	ssyncadd.s32 $0xFFFFC000  }
0x4af: {  	[tilespmem:s12], [sflag:$0x1] =	stream.indirect.gather [hbm4b:s0+s11], $0x80, s18, s11, $0xb8;
	[tilespmem:$0x1E400] =	vst v63  }
0x4b0: {  	_ =	swait.ge [sflag:s16], $0x4000  }
0x4b1: {  	[sflag:s16] =	ssyncset.done $0x0  }
0x4b2: {  	s5 =	simm.s32 $0x1D80;
	[sflag:s16] =	ssyncadd.s32 $0xFFFFC000  }
0x4b3: {  	[spmem:s3] =	stream.indirect.scatter.add.f32 [tilespmem:s13], [sflag:$0x3], $0x80, s5, s11, $0xb8;
	[tilespmem:$0x1E400] =	vst v63  }
0x4b4: {  	_ =	swait.ge [sflag:s8], $0x4000  }
0x4b5: {  	[sflag:s8] =	ssyncset.done $0x0  }
0x4b6: {  	s18 =	simm.s32 $0xA80;
	[sflag:s8] =	ssyncadd.s32 $0xFFFFC000  }
0x4b7: {  	[tilespmem:s13], [sflag:$0x2] =	stream.indirect.gather [hbm4b:s0+s11], $0x80, s18, s11, $0xb8;
	[tilespmem:$0x1E400] =	vst v63  }
0x4b8: {  	_ =	swait.ge [sflag:s14], $0x4000  }
0x4b9: {  	[sflag:s14] =	ssyncset.done $0x0  }
0x4ba: {  	s5 =	simm.s32 $0x1E00;
	[sflag:s14] =	ssyncadd.s32 $0xFFFFC000  }
0x4bb: {  	[spmem:s3] =	stream.indirect.scatter.add.f32 [tilespmem:s12], [sflag:$0x3], $0x80, s5, s11, $0xb8;
	[tilespmem:$0x1E400] =	vst v63  }
0x4bc: {  	_ =	swait.ge [sflag:s8], $0x4000  }
0x4bd: {  	[sflag:s8] =	ssyncset.done $0x0  }
0x4be: {  	s18 =	simm.s32 $0xB00;
	[sflag:s8] =	ssyncadd.s32 $0xFFFFC000  }
0x4bf: {  	[tilespmem:s12], [sflag:$0x1] =	stream.indirect.gather [hbm4b:s0+s11], $0x80, s18, s11, $0xb8;
	[tilespmem:$0x1E400] =	vst v63  }
0x4c0: {  	_ =	swait.ge [sflag:s16], $0x4000  }
0x4c1: {  	[sflag:s16] =	ssyncset.done $0x0  }
0x4c2: {  	s5 =	simm.s32 $0x1E80;
	[sflag:s16] =	ssyncadd.s32 $0xFFFFC000  }
0x4c3: {  	[spmem:s3] =	stream.indirect.scatter.add.f32 [tilespmem:s13], [sflag:$0x3], $0x80, s5, s11, $0xb8;
	[tilespmem:$0x1E400] =	vst v63  }
0x4c4: {  	_ =	swait.ge [sflag:s8], $0x4000  }
0x4c5: {  	[sflag:s8] =	ssyncset.done $0x0  }
0x4c6: {  	s18 =	simm.s32 $0xB80;
	[sflag:s8] =	ssyncadd.s32 $0xFFFFC000  }
0x4c7: {  	[tilespmem:s13], [sflag:$0x2] =	stream.indirect.gather [hbm4b:s0+s11], $0x80, s18, s11, $0xb8;
	[tilespmem:$0x1E400] =	vst v63  }
0x4c8: {  	_ =	swait.ge [sflag:s14], $0x4000  }
0x4c9: {  	[sflag:s14] =	ssyncset.done $0x0  }
0x4ca: {  	s5 =	simm.s32 $0x1F00;
	[sflag:s14] =	ssyncadd.s32 $0xFFFFC000  }
0x4cb: {  	[spmem:s3] =	stream.indirect.scatter.add.f32 [tilespmem:s12], [sflag:$0x3], $0x80, s5, s11, $0xb8;
	[tilespmem:$0x1E400] =	vst v63  }
0x4cc: {  	_ =	swait.ge [sflag:s8], $0x4000  }
0x4cd: {  	[sflag:s8] =	ssyncset.done $0x0  }
0x4ce: {  	s18 =	simm.s32 $0xC00;
	[sflag:s8] =	ssyncadd.s32 $0xFFFFC000  }
0x4cf: {  	[tilespmem:s12], [sflag:$0x1] =	stream.indirect.gather [hbm4b:s0+s11], $0x80, s18, s11, $0xb8;
	[tilespmem:$0x1E400] =	vst v63  }
0x4d0: {  	_ =	swait.ge [sflag:s16], $0x4000  }
0x4d1: {  	[sflag:s16] =	ssyncset.done $0x0  }
0x4d2: {  	s5 =	simm.s32 $0x1F80;
	[sflag:s16] =	ssyncadd.s32 $0xFFFFC000  }
0x4d3: {  	[spmem:s3] =	stream.indirect.scatter.add.f32 [tilespmem:s13], [sflag:$0x3], $0x80, s5, s11, $0xb8;
	[tilespmem:$0x1E400] =	vst v63  }
0x4d4: {  	_ =	swait.ge [sflag:s8], $0x4000  }
0x4d5: {  	[sflag:s8] =	ssyncset.done $0x0  }
0x4d6: {  	s18 =	simm.s32 $0xC80;
	[sflag:s8] =	ssyncadd.s32 $0xFFFFC000  }
0x4d7: {  	[tilespmem:s13], [sflag:$0x2] =	stream.indirect.gather [hbm4b:s0+s11], $0x80, s18, s11, $0xb8;
	[tilespmem:$0x1E400] =	vst v63  }
0x4d8: {  	_ =	swait.ge [sflag:s14], $0x4000  }
0x4d9: {  	[sflag:s14] =	ssyncset.done $0x0  }
0x4da: {  	s5 =	simm.s32 $0x2000;
	[sflag:s14] =	ssyncadd.s32 $0xFFFFC000  }
0x4db: {  	[spmem:s3] =	stream.indirect.scatter.add.f32 [tilespmem:s12], [sflag:$0x3], $0x80, s5, s11, $0xb8;
	[tilespmem:$0x1E400] =	vst v63  }
0x4dc: {  	_ =	swait.ge [sflag:s8], $0x4000  }
0x4dd: {  	[sflag:s8] =	ssyncset.done $0x0  }
0x4de: {  	s18 =	simm.s32 $0xD00;
	[sflag:s8] =	ssyncadd.s32 $0xFFFFC000  }
0x4df: {  	[tilespmem:s12], [sflag:$0x1] =	stream.indirect.gather [hbm4b:s0+s11], $0x80, s18, s11, $0xb8;
	[tilespmem:$0x1E400] =	vst v63  }
0x4e0: {  	_ =	swait.ge [sflag:s16], $0x4000  }
0x4e1: {  	[sflag:s16] =	ssyncset.done $0x0  }
0x4e2: {  	s5 =	simm.s32 $0x2080;
	[sflag:s16] =	ssyncadd.s32 $0xFFFFC000  }
0x4e3: {  	[spmem:s3] =	stream.indirect.scatter.add.f32 [tilespmem:s13], [sflag:$0x3], $0x80, s5, s11, $0xb8;
	[tilespmem:$0x1E400] =	vst v63  }
0x4e4: {  	_ =	swait.ge [sflag:s8], $0x4000  }
0x4e5: {  	[sflag:s8] =	ssyncset.done $0x0  }
0x4e6: {  	s18 =	simm.s32 $0xD80;
	[sflag:s8] =	ssyncadd.s32 $0xFFFFC000  }
0x4e7: {  	[tilespmem:s13], [sflag:$0x2] =	stream.indirect.gather [hbm4b:s0+s11], $0x80, s18, s11, $0xb8;
	[tilespmem:$0x1E400] =	vst v63  }
0x4e8: {  	_ =	swait.ge [sflag:s14], $0x4000  }
0x4e9: {  	[sflag:s14] =	ssyncset.done $0x0  }
0x4ea: {  	s5 =	simm.s32 $0x2100;
	[sflag:s14] =	ssyncadd.s32 $0xFFFFC000  }
0x4eb: {  	[spmem:s3] =	stream.indirect.scatter.add.f32 [tilespmem:s12], [sflag:$0x3], $0x80, s5, s11, $0xb8;
	[tilespmem:$0x1E400] =	vst v63  }
0x4ec: {  	_ =	swait.ge [sflag:s8], $0x4000  }
0x4ed: {  	[sflag:s8] =	ssyncset.done $0x0  }
0x4ee: {  	s18 =	simm.s32 $0xE00;
	[sflag:s8] =	ssyncadd.s32 $0xFFFFC000  }
0x4ef: {  	[tilespmem:s12], [sflag:$0x1] =	stream.indirect.gather [hbm4b:s0+s11], $0x80, s18, s11, $0xb8;
	[tilespmem:$0x1E400] =	vst v63  }
0x4f0: {  	_ =	swait.ge [sflag:s16], $0x4000  }
0x4f1: {  	[sflag:s16] =	ssyncset.done $0x0  }
0x4f2: {  	s5 =	simm.s32 $0x2180;
	[sflag:s16] =	ssyncadd.s32 $0xFFFFC000  }
0x4f3: {  	[spmem:s3] =	stream.indirect.scatter.add.f32 [tilespmem:s13], [sflag:$0x3], $0x80, s5, s11, $0xb8;
	[tilespmem:$0x1E400] =	vst v63  }
0x4f4: {  	_ =	swait.ge [sflag:s8], $0x4000  }
0x4f5: {  	[sflag:s8] =	ssyncset.done $0x0  }
0x4f6: {  	s18 =	simm.s32 $0xE80;
	[sflag:s8] =	ssyncadd.s32 $0xFFFFC000  }
0x4f7: {  	[tilespmem:s13], [sflag:$0x2] =	stream.indirect.gather [hbm4b:s0+s11], $0x80, s18, s11, $0xb8;
	[tilespmem:$0x1E400] =	vst v63  }
0x4f8: {  	_ =	swait.ge [sflag:s14], $0x4000  }
0x4f9: {  	[sflag:s14] =	ssyncset.done $0x0  }
0x4fa: {  	s5 =	simm.s32 $0x2200;
	[sflag:s14] =	ssyncadd.s32 $0xFFFFC000  }
0x4fb: {  	[spmem:s3] =	stream.indirect.scatter.add.f32 [tilespmem:s12], [sflag:$0x3], $0x80, s5, s11, $0xb8;
	[tilespmem:$0x1E400] =	vst v63  }
0x4fc: {  	_ =	swait.ge [sflag:s8], $0x4000  }
0x4fd: {  	[sflag:s8] =	ssyncset.done $0x0  }
0x4fe: {  	s18 =	simm.s32 $0xF00;
	[sflag:s8] =	ssyncadd.s32 $0xFFFFC000  }
0x4ff: {  	[tilespmem:s12], [sflag:$0x1] =	stream.indirect.gather [hbm4b:s0+s11], $0x80, s18, s11, $0xb8;
	[tilespmem:$0x1E400] =	vst v63  }
0x500: {  	_ =	swait.ge [sflag:s16], $0x4000  }
0x501: {  	[sflag:s16] =	ssyncset.done $0x0  }
0x502: {  	s5 =	simm.s32 $0x2280;
	[sflag:s16] =	ssyncadd.s32 $0xFFFFC000  }
0x503: {  	[spmem:s3] =	stream.indirect.scatter.add.f32 [tilespmem:s13], [sflag:$0x3], $0x80, s5, s11, $0xb8;
	[tilespmem:$0x1E400] =	vst v63  }
0x504: {  	_ =	swait.ge [sflag:s8], $0x4000  }
0x505: {  	[sflag:s8] =	ssyncset.done $0x0  }
0x506: {  	s18 =	simm.s32 $0xF80;
	[sflag:s8] =	ssyncadd.s32 $0xFFFFC000  }
0x507: {  	[tilespmem:s13], [sflag:$0x2] =	stream.indirect.gather [hbm4b:s0+s11], $0x80, s18, s11, $0xb8;
	[tilespmem:$0x1E400] =	vst v63  }
0x508: {  	_ =	swait.ge [sflag:s14], $0x4000  }
0x509: {  	[sflag:s14] =	ssyncset.done $0x0  }
0x50a: {  	s5 =	simm.s32 $0x2300;
	[sflag:s14] =	ssyncadd.s32 $0xFFFFC000  }
0x50b: {  	[spmem:s3] =	stream.indirect.scatter.add.f32 [tilespmem:s12], [sflag:$0x3], $0x80, s5, s11, $0xb8;
	[tilespmem:$0x1E400] =	vst v63  }
0x50c: {  	_ =	swait.ge [sflag:s8], $0x4000  }
0x50d: {  	[sflag:s8] =	ssyncset.done $0x0  }
0x50e: {  	s18 =	simm.s32 $0x1000;
	[sflag:s8] =	ssyncadd.s32 $0xFFFFC000  }
0x50f: {  	[tilespmem:s12], [sflag:$0x1] =	stream.indirect.gather [hbm4b:s0+s11], $0x80, s18, s11, $0xb8;
	[tilespmem:$0x1E400] =	vst v63  }
0x510: {  	_ =	swait.ge [sflag:s16], $0x4000  }
0x511: {  	[sflag:s16] =	ssyncset.done $0x0  }
0x512: {  	s5 =	simm.s32 $0x2380;
	[sflag:s16] =	ssyncadd.s32 $0xFFFFC000  }
0x513: {  	[spmem:s3] =	stream.indirect.scatter.add.f32 [tilespmem:s13], [sflag:$0x3], $0x80, s5, s11, $0xb8;
	[tilespmem:$0x1E400] =	vst v63  }
0x514: {  	_ =	swait.ge [sflag:s8], $0x4000  }
0x515: {  	[sflag:s8] =	ssyncset.done $0x0  }
0x516: {  	s18 =	simm.s32 $0x1080;
	[sflag:s8] =	ssyncadd.s32 $0xFFFFC000  }
0x517: {  	[tilespmem:s13], [sflag:$0x2] =	stream.indirect.gather [hbm4b:s0+s11], $0x80, s18, s11, $0xb8;
	[tilespmem:$0x1E400] =	vst v63  }
0x518: {  	_ =	swait.ge [sflag:s14], $0x4000  }
0x519: {  	[sflag:s14] =	ssyncset.done $0x0  }
0x51a: {  	s5 =	simm.s32 $0x2400;
	[sflag:s14] =	ssyncadd.s32 $0xFFFFC000  }
0x51b: {  	[spmem:s3] =	stream.indirect.scatter.add.f32 [tilespmem:s12], [sflag:$0x3], $0x80, s5, s11, $0xb8;
	[tilespmem:$0x1E400] =	vst v63  }
0x51c: {  	_ =	swait.ge [sflag:s8], $0x4000  }
0x51d: {  	[sflag:s8] =	ssyncset.done $0x0  }
0x51e: {  	s18 =	simm.s32 $0x1100;
	[sflag:s8] =	ssyncadd.s32 $0xFFFFC000  }
0x51f: {  	[tilespmem:s12], [sflag:$0x1] =	stream.indirect.gather [hbm4b:s0+s11], $0x80, s18, s11, $0xb8;
	[tilespmem:$0x1E400] =	vst v63  }
0x520: {  	_ =	swait.ge [sflag:s16], $0x4000  }
0x521: {  	[sflag:s16] =	ssyncset.done $0x0  }
0x522: {  	s5 =	simm.s32 $0x2480;
	[sflag:s16] =	ssyncadd.s32 $0xFFFFC000  }
0x523: {  	[spmem:s3] =	stream.indirect.scatter.add.f32 [tilespmem:s13], [sflag:$0x3], $0x80, s5, s11, $0xb8;
	[tilespmem:$0x1E400] =	vst v63  }
0x524: {  	_ =	swait.ge [sflag:s8], $0x4000  }
0x525: {  	[sflag:s8] =	ssyncset.done $0x0  }
0x526: {  	s18 =	simm.s32 $0x1180;
	[sflag:s8] =	ssyncadd.s32 $0xFFFFC000  }
0x527: {  	[tilespmem:s13], [sflag:$0x2] =	stream.indirect.gather [hbm4b:s0+s11], $0x80, s18, s11, $0xb8;
	[tilespmem:$0x1E400] =	vst v63  }
0x528: {  	_ =	swait.ge [sflag:s14], $0x4000  }
0x529: {  	[sflag:s14] =	ssyncset.done $0x0  }
0x52a: {  	s5 =	simm.s32 $0x2500;
	[sflag:s14] =	ssyncadd.s32 $0xFFFFC000  }
0x52b: {  	[spmem:s3] =	stream.indirect.scatter.add.f32 [tilespmem:s12], [sflag:$0x3], $0x80, s5, s11, $0xb8;
	[tilespmem:$0x1E400] =	vst v63  }
0x52c: {  	_ =	swait.ge [sflag:s8], $0x4000  }
0x52d: {  	[sflag:s8] =	ssyncset.done $0x0  }
0x52e: {  	s18 =	simm.s32 $0x1200;
	[sflag:s8] =	ssyncadd.s32 $0xFFFFC000  }
0x52f: {  	[tilespmem:s12], [sflag:$0x1] =	stream.indirect.gather [hbm4b:s0+s11], $0x80, s18, s11, $0xb8;
	[tilespmem:$0x1E400] =	vst v63  }
0x530: {  	_ =	swait.ge [sflag:s16], $0x4000  }
0x531: {  	[sflag:s16] =	ssyncset.done $0x0  }
0x532: {  	s5 =	simm.s32 $0x2580;
	[sflag:s16] =	ssyncadd.s32 $0xFFFFC000  }
0x533: {  	[spmem:s3] =	stream.indirect.scatter.add.f32 [tilespmem:s13], [sflag:$0x3], $0x80, s5, s11, $0xb8;
	[tilespmem:$0x1E400] =	vst v63  }
0x534: {  	_ =	swait.ge [sflag:s8], $0x4000  }
0x535: {  	[sflag:s8] =	ssyncset.done $0x0  }
0x536: {  	s18 =	simm.s32 $0x1280;
	[sflag:s8] =	ssyncadd.s32 $0xFFFFC000  }
0x537: {  	[tilespmem:s13], [sflag:$0x2] =	stream.indirect.gather [hbm4b:s0+s11], $0x80, s18, s11, $0xb8;
	[tilespmem:$0x1E400] =	vst v63  }
0x538: {  	_ =	swait.ge [sflag:s14], $0x4000  }
0x539: {  	[sflag:s14] =	ssyncset.done $0x0  }
0x53a: {  	s5 =	simm.s32 $0x2600;
	[sflag:s14] =	ssyncadd.s32 $0xFFFFC000  }
0x53b: {  	[spmem:s3] =	stream.indirect.scatter.add.f32 [tilespmem:s12], [sflag:$0x3], $0x80, s5, s11, $0xb8;
	[tilespmem:$0x1E400] =	vst v63  }
0x53c: {  	_ =	swait.ge [sflag:s8], $0x4000  }
0x53d: {  	[sflag:s8] =	ssyncset.done $0x0  }
0x53e: {  	s18 =	simm.s32 $0x1300;
	[sflag:s8] =	ssyncadd.s32 $0xFFFFC000  }
0x53f: {  	[tilespmem:s12], [sflag:$0x1] =	stream.indirect.gather [hbm4b:s0+s11], $0x80, s18, s11, $0xb8;
	[tilespmem:$0x1E400] =	vst v63  }
0x540: {  	_ =	swait.ge [sflag:s16], $0x4000  }
0x541: {  	[sflag:s16] =	ssyncset.done $0x0  }
0x542: {  	s5 =	simm.s32 $0x2680;
	[sflag:s16] =	ssyncadd.s32 $0xFFFFC000  }
0x543: {  	[spmem:s3] =	stream.indirect.scatter.add.f32 [tilespmem:s13], [sflag:$0x3], $0x80, s5, s11, $0xb8;
	[tilespmem:$0x1E400] =	vst v63  }
0x544: {  	_ =	swait.ge [sflag:s8], $0x4000  }
0x545: {  	[sflag:s8] =	ssyncset.done $0x0  }
0x546: {  	s18 =	simm.s32 $0x1380;
	[sflag:s8] =	ssyncadd.s32 $0xFFFFC000  }
0x547: {  	[tilespmem:s13], [sflag:$0x2] =	stream.indirect.gather [hbm4b:s0+s11], $0x80, s18, s11, $0xb8;
	[tilespmem:$0x1E400] =	vst v63  }
0x548: {  	_ =	swait.ge [sflag:s14], $0x4000  }
0x549: {  	[sflag:s14] =	ssyncset.done $0x0  }
0x54a: {  	s5 =	simm.s32 $0x2700;
	[sflag:s14] =	ssyncadd.s32 $0xFFFFC000  }
0x54b: {  	[spmem:s3] =	stream.indirect.scatter.add.f32 [tilespmem:s12], [sflag:$0x3], $0x80, s5, s11, $0xb8;
	[tilespmem:$0x1E400] =	vst v63  }
0x54c: {  	_ =	swait.ge [sflag:s8], $0x4000  }
0x54d: {  	[sflag:s8] =	ssyncset.done $0x0  }
0x54e: {  	[sflag:s8] =	ssyncadd.s32 $0xFFFFC000  }
0x54f: {  	_ =	swait.ge [sflag:s16], $0x4000  }
0x550: {  	[sflag:s16] =	ssyncset.done $0x0  }
0x551: {  	s18 =	simm.s32 $0x2780;
	[sflag:s16] =	ssyncadd.s32 $0xFFFFC000  }
0x552: {  	[spmem:s3] =	stream.indirect.scatter.add.f32 [tilespmem:s13], [sflag:$0x3], $0x80, s18, s11, $0xb8;
	[tilespmem:$0x1E400] =	vst v63  }
0x553: {  	_ =	swait.ge [sflag:s8], $0x4000  }
0x554: {  	p0 =	sne.s32 s17, $0x1;
	[sflag:s8] =	ssyncset.done $0x0  }
.Ltmp1:
0x555: {  	[sflag:s8] =	ssyncadd.s32 $0xFFFFC000;
	(pc) =	sbr.rel @p0 .LBB2_2-.Ltmp1, $4  }
0x556: {  	[bflag:$0x0] =	sbarrier.arrive $0xFFFF  }
0x557: {  	s5 =	rddreg [dreg:$0xa]  }
0x558: {  	[hbm:s5], [sflag:s9] =	dma.local [spmem:s10], $0x2780  }
0x559: {  	s17 =	sadd.s32 $0xFFFFFFFF, s17;
	_ =	swait.ge [sflag:s8], $0x2780  }
.LBB2_3:
0x55a: {  	[sflag:s8] =	ssyncset.done $0x0  }
0x55b: {  	[sflag:s8] =	ssyncadd.s32 $0xFFFFD880  }
0x55c: {  	_ =	sfence.sel $0x180000  }
0x55d: {  	[bflag:$0x0] =	sbarrier.arrive $0xFFFF  }
0x55e: {  	_ =	strace $0x90000047  }
0x55f: {  	s0 =	stileid.u32;
	[bflag:$0x2] =	sbarrier.arrive $0xFFFF  }
0x560: {  	p0 =	sne.s32 s0, $0x0;
	s0 =	rddreg [dreg:$0x6]  }
0x561: {  	s0 =	sadd.s32 @!p0 $0x100000, s0  }
0x562: {  	[sflag:s0] =	ssyncadd.tile.s32 @!p0 $0x1;
	_ =	shalt  }
.Lfunc_end2:
_tile_overlayer_lowered:
.L_overlay_start_2:
0x563: {  	(tag) =	ssettag $0x2  }
0x564: {  	s0 =	rddreg [dreg:$0x0];
	s2 =	stileid.u32  }
0x565: {  	s1 =	rddreg [dreg:$0x1];
	p0 =	sne.s32 s2, $0x0  }
0x566: {  	s3 =	rddreg [dreg:$0x2];
	[bflag:$0x3] =	sbarrier.arrive $0xFFFF;
	s2 =	simm.s32 @!p0 $0x1C03  }
0x567: {  	[timem:s3], [sflag:s2] =	dma.local @!p0 [hbm:s0], s1  }
0x568: {  	s0 =	simm.s32 @!p0 $0x3  }
0x569: {  	_ =	swait.ge @!p0 [sflag:s0], s1  }
0x56a: {  	s1 =	ssub.s32 @!p0 $0x0, s1;
	[sflag:s0] =	ssyncset.done @!p0 $0x0  }
0x56b: {  	[sflag:s0] =	ssyncadd.s32 @!p0 s1  }
0x56c: {  	[bflag:$0x3] =	sbarrier.arrive $0xFFFF  }
0x56d: {  	_ =	shalt  }

</sc_bundles>
